<compile_context>
chip_gen: v7x
topology: tpu7x:2x2x1
jax: 0.10.2.dev20260603
libtpu: 0.0.44.dev20260713+nightly
codegen_flags: <defaults>
</compile_context>

<pallas_src>
import functools

import jax
import jax.numpy as jnp
from jax import lax
from jax.experimental import pallas as pl
from jax.experimental.pallas import tpu as pltpu
from jax.experimental.pallas import tpu_sc as plsc

N = 10000
E = 320000
DF = 128
H = 16
G = 64
NCLS = 2

NC = 2
NS = 16
NW = NC * NS
LW = 128
ROWS = E // LW
RPW = 78
CR = 6
CHUNKS = RPW // CR
TAIL = ROWS - NW * RPW
NPAD = 10112
RPS = NPAD // NS
DPAD = 10240
DPS = DPAD // NS

_sc_mesh = plsc.VectorSubcoreMesh(
    core_axis_name="c", subcore_axis_name="s", num_cores=NC, num_subcores=NS)

_sc_params = pltpu.CompilerParams(use_tc_tiling_on_sc=False)


def _deg_body(ei3, out, didx, ones_v, zbuf, dacc):
    c = lax.axis_index("c")
    s = lax.axis_index("s")
    w = c * NS + s

    def _zero(j, carry):
        zbuf[pl.ds(j * 16, 16)] = jnp.zeros((16,), jnp.float32)
        return carry

    lax.fori_loop(0, DPS // 16, _zero, 0)

    def _one(j, carry):
        ones_v[pl.ds(j * 16, 16)] = jnp.ones((16,), jnp.float32)
        return carry

    lax.fori_loop(0, LW // 16, _one, 0)

    pltpu.sync_copy(zbuf, dacc.at[pl.ds(s * DPS, DPS)])
    plsc.subcore_barrier()

    def _chunk(ci, carry):
        base = w * RPW + ci * CR
        pltpu.sync_copy(ei3.at[1, pl.ds(base, CR)], didx)
        for j in range(CR):
            pltpu.sync_copy(ones_v, dacc.at[didx.at[j]], add=True)
        return carry

    lax.fori_loop(0, CHUNKS, _chunk, 0)

    @pl.when(w >= NW - TAIL)
    def _tail():
        base = NW * RPW + (w - (NW - TAIL))
        pltpu.sync_copy(ei3.at[1, pl.ds(base, 1)], didx.at[pl.ds(0, 1)])
        pltpu.sync_copy(ones_v, dacc.at[didx.at[0]], add=True)

    plsc.subcore_barrier()
    pltpu.sync_copy(dacc.at[pl.ds(s * DPS, DPS)], out.at[c, pl.ds(s * DPS, DPS)])


_deg_kernel = pl.kernel(
    _deg_body,
    out_type=jax.ShapeDtypeStruct((NC, DPAD), jnp.float32),
    mesh=_sc_mesh,
    scratch_types=[
        pltpu.VMEM((CR, LW), jnp.int32),
        pltpu.VMEM((LW,), jnp.float32),
        pltpu.VMEM((DPS,), jnp.float32),
        pltpu.VMEM_SHARED((DPAD,), jnp.float32),
    ],
    compiler_params=_sc_params,
)


def _conv_body(g, ei3, out, sall, dall, rows0, rows1, zbuf, acc, sems,
               ssem0, ssem1):
    c = lax.axis_index("c")
    s = lax.axis_index("s")
    w = c * NS + s

    def _zero(j, carry):
        zbuf[pl.ds(2 * j, 2), :] = jnp.zeros((2, 16), jnp.bfloat16)
        return carry

    lax.fori_loop(0, RPS // 2, _zero, 0)
    pltpu.sync_copy(zbuf, acc.at[pl.ds(s * RPS, RPS)])

    pltpu.sync_copy(ei3.at[0, pl.ds(w * RPW, RPW)], sall.at[pl.ds(0, RPW)])
    pltpu.sync_copy(ei3.at[1, pl.ds(w * RPW, RPW)], dall.at[pl.ds(0, RPW)])

    @pl.when(w >= NW - TAIL)
    def _tail_idx():
        base = NW * RPW + (w - (NW - TAIL))
        pltpu.sync_copy(ei3.at[0, pl.ds(base, 1)], sall.at[pl.ds(RPW, 1)])
        pltpu.sync_copy(ei3.at[1, pl.ds(base, 1)], dall.at[pl.ds(RPW, 1)])

    plsc.subcore_barrier()

    def _drain(rows, ssem):
        for j in range(CR):
            pltpu.make_async_copy(rows.at[pl.ds(j * LW, LW)],
                                  acc.at[dall.at[0]], ssem).wait()

    def _run_chunk(ci, rows, ssem):
        copies = [
            pltpu.async_copy(g.at[sall.at[ci * CR + j]],
                             rows.at[pl.ds(j * LW, LW)], sems.at[j])
            for j in range(CR)
        ]
        for j in range(CR):
            copies[j].wait()
            pltpu.async_copy(rows.at[pl.ds(j * LW, LW)],
                             acc.at[dall.at[ci * CR + j]], ssem, add=True)

    def _pair(i, carry):
        @pl.when(i > 0)
        def _():
            _drain(rows0, ssem0)
        _run_chunk(2 * i, rows0, ssem0)

        @pl.when(i > 0)
        def _():
            _drain(rows1, ssem1)
        _run_chunk(2 * i + 1, rows1, ssem1)
        return carry

    lax.fori_loop(0, CHUNKS // 2, _pair, 0)
    _drain(rows0, ssem0)
    _run_chunk(CHUNKS - 1, rows0, ssem0)
    _drain(rows0, ssem0)
    _drain(rows1, ssem1)

    @pl.when(w >= NW - TAIL)
    def _tail():
        pltpu.async_copy(g.at[sall.at[RPW]], rows0.at[pl.ds(0, LW)],
                         sems.at[0]).wait()
        pltpu.sync_copy(rows0.at[pl.ds(0, LW)], acc.at[dall.at[RPW]],
                        add=True)

    plsc.subcore_barrier()
    pltpu.sync_copy(acc.at[pl.ds(s * RPS, RPS)], out.at[c, pl.ds(s * RPS, RPS)])


_conv_kernel = pl.kernel(
    _conv_body,
    out_type=jax.ShapeDtypeStruct((NC, NPAD, H), jnp.bfloat16),
    mesh=_sc_mesh,
    scratch_types=[
        pltpu.VMEM((RPW + 1, LW), jnp.int32),
        pltpu.VMEM((RPW + 1, LW), jnp.int32),
        pltpu.VMEM((CR * LW, H), jnp.bfloat16),
        pltpu.VMEM((CR * LW, H), jnp.bfloat16),
        pltpu.VMEM((RPS, H), jnp.bfloat16),
        pltpu.VMEM_SHARED((NPAD, H), jnp.bfloat16),
        pltpu.SemaphoreType.DMA((CR,)),
        pltpu.SemaphoreType.DMA,
        pltpu.SemaphoreType.DMA,
    ],
    compiler_params=_sc_params,
)


PR = N // 8
SR = NPAD // 8


def _tcmm_body(x_ref, w1bd_ref, h_ref):
    h_ref[...] = jnp.dot(x_ref[...], w1bd_ref[...],
                         preferred_element_type=jnp.float32)


_tcmm = pl.pallas_call(
    _tcmm_body,
    out_shape=jax.ShapeDtypeStruct((PR, 128), jnp.float32),
)


def _tcdinv_body(degp_ref, dinv_ref):
    deg = degp_ref[0] + degp_ref[1] + 1.0
    dinv_ref[...] = lax.rsqrt(deg)


_tcdinv = pl.pallas_call(
    _tcdinv_body,
    out_shape=jax.ShapeDtypeStruct((DPAD // 128, 128), jnp.float32),
)


def _tcscale_body(h_ref, dinvp_ref, g_ref, gb_ref):
    g = h_ref[...] * dinvp_ref[...]
    g_ref[...] = g
    gb_ref[...] = g.astype(jnp.bfloat16)


_tcscale = pl.pallas_call(
    _tcscale_body,
    out_shape=(
        jax.ShapeDtypeStruct((PR, 128), jnp.float32),
        jax.ShapeDtypeStruct((PR, 128), jnp.bfloat16),
    ),
)


def _tc2_body(s1_ref, g1_ref, dinvp_ref, b1t_ref, w2bd_ref, g2_ref, g2b_ref):
    ssum = (s1_ref[0, :PR, :] + s1_ref[1, :PR, :]).astype(jnp.float32) \
        + g1_ref[...]
    t = jnp.maximum(dinvp_ref[...] * ssum + b1t_ref[...], 0.0)
    g2 = dinvp_ref[...] * jnp.dot(
        t, w2bd_ref[...], preferred_element_type=jnp.float32)
    g2_ref[...] = g2
    g2b_ref[...] = g2.astype(jnp.bfloat16)


_tc2 = pl.pallas_call(
    _tc2_body,
    out_shape=(
        jax.ShapeDtypeStruct((PR, 128), jnp.float32),
        jax.ShapeDtypeStruct((PR, 128), jnp.bfloat16),
    ),
)


def _tc3_body(s2_ref, g2_ref, dinvp_ref, b2t_ref, batch_ref, wfc_ref,
              bfc_ref, out_ref):
    ssum = (s2_ref[0, :PR, :] + s2_ref[1, :PR, :]).astype(jnp.float32) \
        + g2_ref[...]
    op = jnp.maximum(dinvp_ref[...] * ssum + b2t_ref[...], 0.0)
    giota = lax.broadcasted_iota(jnp.int32, (1, G), 1)
    ones = jnp.ones((PR, 1), jnp.float32)
    sums = jnp.zeros((G, H), jnp.float32)
    cnts = jnp.zeros((G, 1), jnp.float32)
    for a in range(8):
        m = (batch_ref[:, a:a + 1] == giota).astype(jnp.float32)
        oa = op[:, a * H:(a + 1) * H]
        sums = sums + lax.dot_general(m, oa, (((0,), (0,)), ((), ())),
                                      preferred_element_type=jnp.float32)
        cnts = cnts + lax.dot_general(m, ones, (((0,), (0,)), ((), ())),
                                      preferred_element_type=jnp.float32)
    pooled = sums / jnp.maximum(cnts, 1.0)
    out_ref[...] = jnp.dot(pooled, wfc_ref[...],
                           preferred_element_type=jnp.float32) + bfc_ref[...]


_tc3 = pl.pallas_call(
    _tc3_body,
    out_shape=jax.ShapeDtypeStruct((G, NCLS), jnp.float32),
)


@jax.jit
def kernel(x, edge_index, batch, W1, b1, W2, b2, Wfc, bfc):
    ei3 = edge_index.reshape(2, ROWS, LW)
    eye8 = jnp.eye(8, dtype=jnp.float32)
    w1bd = jnp.kron(eye8, W1)
    w2bd = jnp.kron(eye8, W2)
    x8 = x.reshape(PR, 8 * DF)
    b1t = jnp.tile(b1.reshape(1, H), (1, 8))
    b2t = jnp.tile(b2.reshape(1, H), (1, 8))

    degp = _deg_kernel(ei3)
    dinv80 = _tcdinv(degp.reshape(2, DPAD // 128, 128))
    dinvp = jnp.repeat(dinv80.reshape(DPAD)[:N].reshape(PR, 8), H, axis=1)

    h1 = _tcmm(x8, w1bd)
    g1, g1b = _tcscale(h1, dinvp)
    S1 = _conv_kernel(g1b.reshape(N, H), ei3)
    g2, g2b = _tc2(S1.reshape(NC, SR, 128), g1, dinvp, b1t, w2bd)
    S2 = _conv_kernel(g2b.reshape(N, H), ei3)
    out = _tc3(S2.reshape(NC, SR, 128), g2, dinvp, b2t, batch.reshape(PR, 8),
               Wfc, bfc.reshape(1, NCLS))
    return out

# --- scband reference (transcript-rebuilt; emitter-appended) ---
"""Pipeline reference for scband-gcnmodel-31602369364021 (READ-ONLY COPY).

The authoritative reference and input builder live on the scoring server;
editing this copy changes nothing except your own understanding.
"""

import jax, jax.numpy as jnp
import numpy as np

N_NODES = 10000
N_EDGES = 320000
D_FEAT = 128
HIDDEN = 16
N_CLASSES = 2
N_GRAPHS = 64


def setup_inputs(seed: int = 0):
    key = jax.random.key(seed)
    ks = jax.random.split(key, 10)
    x = jax.random.normal(ks[0], (N_NODES, D_FEAT), dtype=jnp.float32)
    edge_index = jax.random.randint(ks[1], (2, N_EDGES), 0, N_NODES, dtype=jnp.int32)
    batch = jnp.sort(jax.random.randint(ks[2], (N_NODES,), 0, N_GRAPHS, dtype=jnp.int32))
    W1 = jax.random.normal(ks[3], (D_FEAT, HIDDEN), dtype=jnp.float32) / np.sqrt(D_FEAT)
    b1 = jnp.zeros((HIDDEN,), dtype=jnp.float32)
    W2 = jax.random.normal(ks[4], (HIDDEN, HIDDEN), dtype=jnp.float32) / np.sqrt(HIDDEN)
    b2 = jnp.zeros((HIDDEN,), dtype=jnp.float32)
    Wfc = jax.random.normal(ks[5], (HIDDEN, N_CLASSES), dtype=jnp.float32) / np.sqrt(HIDDEN)
    bfc = jnp.zeros((N_CLASSES,), dtype=jnp.float32)
    return {"x": x, "edge_index": edge_index, "batch": batch, "W1": W1, "b1": b1, "W2": W2, "b2": b2, "Wfc": Wfc, "bfc": bfc}


def _gcn_conv(x, src, dst, W, b):
    # PyG GCNConv: x' = D^{-1/2} (A + I) D^{-1/2} X W + b
    n = x.shape[0]
    loop = jnp.arange(n, dtype=src.dtype)
    s = jnp.concatenate([src, loop])
    d = jnp.concatenate([dst, loop])
    deg = jnp.zeros((n,), dtype=jnp.float32).at[d].add(1.0)
    dinv = jnp.where(deg > 0, jax.lax.rsqrt(jnp.maximum(deg, 1e-12)), 0.0)
    norm = dinv[s] * dinv[d]
    h = x @ W
    msg = h[s] * norm[:, None]
    out = jnp.zeros((n, W.shape[1]), dtype=jnp.float32).at[d].add(msg)
    return out + b


def reference(x, edge_index, batch, W1, b1, W2, b2, Wfc, bfc):
    src, dst = edge_index[0], edge_index[1]
    h = _gcn_conv(x, src, dst, W1, b1)
    h = jax.nn.relu(h)
    # dropout(p=0.5) is identity in eval/reference mode
    h = _gcn_conv(h, src, dst, W2, b2)
    h = jax.nn.relu(h)
    sums = jax.ops.segment_sum(h, batch, num_segments=N_GRAPHS)
    cnts = jax.ops.segment_sum(jnp.ones((h.shape[0],), dtype=jnp.float32), batch, num_segments=N_GRAPHS)
    pooled = sums / jnp.maximum(cnts, 1.0)[:, None]
    return pooled @ Wfc + bfc

if __name__ == "__main__":
    import jax
    _d = setup_inputs()
    print(jax.jit(kernel)(*tuple(_d.values())))

</pallas_src>

<mosaic_0001>
#map = affine_map<(d0, d1) -> (0, 0, 0)>
#map1 = affine_map<(d0, d1) -> (0, 0)>
module attributes {stable_mosaic.version = 14 : i64} {
  func.func @_deg_body(%arg0: i32, %arg1: i32, %arg2: memref<2x2500x128xi32, #tpu.memory_space<hbm>>, %arg3: memref<2x10240xf32, #tpu.memory_space<hbm>>, %arg4: memref<6x128xi32, #tpu.memory_space<vmem>>, %arg5: memref<128xf32, #tpu.memory_space<vmem>>, %arg6: memref<640xf32, #tpu.memory_space<vmem>>, %arg7: memref<10240xf32, #tpu.memory_space<vmem_shared>>) attributes {dimension_semantics = [#tpu.dimension_semantics<core_parallel>, #tpu.dimension_semantics<subcore_parallel>], iteration_bounds = array<i64: 2, 16>, scalar_prefetch = 0 : i64, scratch_operands = 4 : i64, tpu.core_type = #tpu.core_type<sc_vector_subcore>, window_params = [{transform_indices = #map}, {transform_indices = #map1}]} {
    %mul3A = arith.constant 16 : i32
    %mul3A_0 = arith.muli %arg0, %mul3A : i32
    %add3A = arith.addi %mul3A_0, %arg1 : i32
    %scan3A = arith.constant 0 : i32
    %scan3A_1 = arith.constant 0 : i32
    %scan3A_2 = arith.constant 40 : i32
    %scan3A_3 = arith.addi %scan3A_1, %scan3A_2 : i32
    %scan3A_4 = arith.constant 1 : i32
    scf.for %scan3A_27 = %scan3A_1 to %scan3A_3 step %scan3A_4  : i32 {
      %broadcast_in_dim3A = arith.constant 0.000000e+00 : f32
      %broadcast_in_dim3A_28 = vector.broadcast %broadcast_in_dim3A : f32 to vector<16xf32>
      %mul3A_29 = arith.constant 16 : i32
      %mul3A_30 = arith.muli %scan3A_27, %mul3A_29 : i32
      %swap3A = arith.index_cast %mul3A_30 : i32 to index
      %swap3A_31 = tpu.vector_load %arg6[%swap3A] {strides = array<i32>} : memref<640xf32, #tpu.memory_space<vmem>>, vector<16xf32>,
      %swap3A_32 = vector.shape_cast %swap3A_31 : vector<16xf32> to vector<16xf32>
      %swap3A_33 = vector.shape_cast %broadcast_in_dim3A_28 : vector<16xf32> to vector<16xf32>
      tpu.vector_store %arg6[%swap3A], %swap3A_33 {strides = array<i32>} : memref<640xf32, #tpu.memory_space<vmem>>, vector<16xf32>,
    }
    %scan3A_5 = arith.constant 40 : i32
    %scan3A_6 = arith.constant 0 : i32
    %scan3A_7 = arith.constant 0 : i32
    %scan3A_8 = arith.constant 8 : i32
    %scan3A_9 = arith.addi %scan3A_7, %scan3A_8 : i32
    %scan3A_10 = arith.constant 1 : i32
    scf.for %scan3A_27 = %scan3A_7 to %scan3A_9 step %scan3A_10  : i32 {
      %broadcast_in_dim3A = arith.constant 1.000000e+00 : f32
      %broadcast_in_dim3A_28 = vector.broadcast %broadcast_in_dim3A : f32 to vector<16xf32>
      %mul3A_29 = arith.constant 16 : i32
      %mul3A_30 = arith.muli %scan3A_27, %mul3A_29 : i32
      %swap3A = arith.index_cast %mul3A_30 : i32 to index
      %swap3A_31 = tpu.vector_load %arg5[%swap3A] {strides = array<i32>} : memref<128xf32, #tpu.memory_space<vmem>>, vector<16xf32>,
      %swap3A_32 = vector.shape_cast %swap3A_31 : vector<16xf32> to vector<16xf32>
      %swap3A_33 = vector.shape_cast %broadcast_in_dim3A_28 : vector<16xf32> to vector<16xf32>
      tpu.vector_store %arg5[%swap3A], %swap3A_33 {strides = array<i32>} : memref<128xf32, #tpu.memory_space<vmem>>, vector<16xf32>,
    }
    %scan3A_11 = arith.constant 8 : i32
    %mul3A_12 = arith.constant 640 : i32
    %mul3A_13 = arith.muli %arg1, %mul3A_12 : i32
    "tpu.region"() ({
      %run_scoped3A = tpu.sem_alloc : memref<!tpu.dma_semaphore, #tpu.memory_space<semaphore_mem>>
      %dma_start3A = tpu.memref_slice %arg7[%mul3A_13] : memref<10240xf32, #tpu.memory_space<vmem_shared>> -> memref<640xf32, #tpu.memory_space<vmem_shared>>
      %dma_start3A_27 = tpu.memref_slice %arg7[%mul3A_13] : memref<10240xf32, #tpu.memory_space<vmem_shared>> -> memref<640xf32, #tpu.memory_space<vmem_shared>>
      tpu.enqueue_dma source(%arg6 : memref<640xf32, #tpu.memory_space<vmem>>) target(%dma_start3A_27 : memref<640xf32, #tpu.memory_space<vmem_shared>>) target_semaphore(%run_scoped3A : memref<!tpu.dma_semaphore, #tpu.memory_space<semaphore_mem>>)
      %dma_wait3A = tpu.memref_slice %arg7[%mul3A_13] : memref<10240xf32, #tpu.memory_space<vmem_shared>> -> memref<640xf32, #tpu.memory_space<vmem_shared>>
      %dma_wait3A_28 = tpu.memref_slice %arg7[%mul3A_13] : memref<10240xf32, #tpu.memory_space<vmem_shared>> -> memref<640xf32, #tpu.memory_space<vmem_shared>>
      tpu.wait_dma2 semaphore(%run_scoped3A : memref<!tpu.dma_semaphore, #tpu.memory_space<semaphore_mem>>) src(%arg6 : memref<640xf32, #tpu.memory_space<vmem>>) dst(%dma_wait3A_28 : memref<640xf32, #tpu.memory_space<vmem_shared>>)
      tpu.yield
    }) : () -> ()
    %barrier3A = arith.constant 0 : index
    tpu.barrier barrier_id(%barrier3A)
    %scan3A_14 = arith.constant 0 : i32
    %scan3A_15 = arith.constant 0 : i32
    %scan3A_16 = arith.constant 13 : i32
    %scan3A_17 = arith.addi %scan3A_15, %scan3A_16 : i32
    %scan3A_18 = arith.constant 1 : i32
    scf.for %scan3A_27 = %scan3A_15 to %scan3A_17 step %scan3A_18  : i32 {
      %mul3A_28 = arith.constant 78 : i32
      %mul3A_29 = arith.muli %add3A, %mul3A_28 : i32
      %mul3A_30 = arith.constant 6 : i32
      %mul3A_31 = arith.muli %scan3A_27, %mul3A_30 : i32
      %add3A_32 = arith.addi %mul3A_29, %mul3A_31 : i32
      %run_scoped3A = arith.constant 1 : i32
      "tpu.region"() ({
        %run_scoped3A_39 = tpu.sem_alloc : memref<!tpu.dma_semaphore, #tpu.memory_space<semaphore_mem>>
        %dma_start3A = arith.constant 0 : i32
        %dma_start3A_40 = tpu.memref_slice %arg2[%run_scoped3A, %add3A_32, %dma_start3A] : memref<2x2500x128xi32, #tpu.memory_space<hbm>> -> memref<1x6x128xi32, #tpu.memory_space<hbm>>
        %dma_start3A_41 = tpu.memref_squeeze %dma_start3A_40 : memref<1x6x128xi32, #tpu.memory_space<hbm>> -> memref<6x128xi32, #tpu.memory_space<hbm>>
        %dma_start3A_42 = arith.constant 0 : i32
        %dma_start3A_43 = tpu.memref_slice %arg2[%run_scoped3A, %add3A_32, %dma_start3A_42] : memref<2x2500x128xi32, #tpu.memory_space<hbm>> -> memref<1x6x128xi32, #tpu.memory_space<hbm>>
        %dma_start3A_44 = tpu.memref_squeeze %dma_start3A_43 : memref<1x6x128xi32, #tpu.memory_space<hbm>> -> memref<6x128xi32, #tpu.memory_space<hbm>>
        tpu.enqueue_dma source(%dma_start3A_44 : memref<6x128xi32, #tpu.memory_space<hbm>>) target(%arg4 : memref<6x128xi32, #tpu.memory_space<vmem>>) target_semaphore(%run_scoped3A_39 : memref<!tpu.dma_semaphore, #tpu.memory_space<semaphore_mem>>)
        %dma_wait3A = arith.constant 0 : i32
        %dma_wait3A_45 = tpu.memref_slice %arg2[%run_scoped3A, %add3A_32, %dma_wait3A] : memref<2x2500x128xi32, #tpu.memory_space<hbm>> -> memref<1x6x128xi32, #tpu.memory_space<hbm>>
        %dma_wait3A_46 = tpu.memref_squeeze %dma_wait3A_45 : memref<1x6x128xi32, #tpu.memory_space<hbm>> -> memref<6x128xi32, #tpu.memory_space<hbm>>
        %dma_wait3A_47 = arith.constant 0 : i32
        %dma_wait3A_48 = tpu.memref_slice %arg2[%run_scoped3A, %add3A_32, %dma_wait3A_47] : memref<2x2500x128xi32, #tpu.memory_space<hbm>> -> memref<1x6x128xi32, #tpu.memory_space<hbm>>
        %dma_wait3A_49 = tpu.memref_squeeze %dma_wait3A_48 : memref<1x6x128xi32, #tpu.memory_space<hbm>> -> memref<6x128xi32, #tpu.memory_space<hbm>>
        tpu.wait_dma2 semaphore(%run_scoped3A_39 : memref<!tpu.dma_semaphore, #tpu.memory_space<semaphore_mem>>) src(%dma_wait3A_49 : memref<6x128xi32, #tpu.memory_space<hbm>>) dst(%arg4 : memref<6x128xi32, #tpu.memory_space<vmem>>)
        tpu.yield
      }) : () -> ()
      %run_scoped3A_33 = arith.constant 0 : i32
      "tpu.region"() ({
        %run_scoped3A_39 = tpu.sem_alloc : memref<!tpu.dma_semaphore, #tpu.memory_space<semaphore_mem>>
        %dma_start3A = arith.constant 0 : i32
        %dma_start3A_40 = tpu.memref_slice %arg4[%run_scoped3A_33, %dma_start3A] : memref<6x128xi32, #tpu.memory_space<vmem>> -> memref<1x128xi32, #tpu.memory_space<vmem>>
        %dma_start3A_41 = tpu.memref_squeeze %dma_start3A_40 : memref<1x128xi32, #tpu.memory_space<vmem>> -> memref<128xi32, #tpu.memory_space<vmem>>
        %dma_start3A_42 = arith.constant 0 : i32
        %dma_start3A_43 = tpu.memref_slice %arg7[%dma_start3A_42] : memref<10240xf32, #tpu.memory_space<vmem_shared>> -> memref<10240xf32, #tpu.memory_space<vmem_shared>>
        tpu.enqueue_indirect_dma source(%arg5 : memref<128xf32, #tpu.memory_space<vmem>>) target(%dma_start3A_43 : memref<10240xf32, #tpu.memory_space<vmem_shared>>) offsets(%dma_start3A_41 : memref<128xi32, #tpu.memory_space<vmem>>) semaphore(%run_scoped3A_39 : memref<!tpu.dma_semaphore, #tpu.memory_space<semaphore_mem>>) {add = true}
        %dma_wait3A = arith.constant 0 : i32
        %dma_wait3A_44 = tpu.memref_slice %arg4[%run_scoped3A_33, %dma_wait3A] : memref<6x128xi32, #tpu.memory_space<vmem>> -> memref<1x128xi32, #tpu.memory_space<vmem>>
        %dma_wait3A_45 = tpu.memref_squeeze %dma_wait3A_44 : memref<1x128xi32, #tpu.memory_space<vmem>> -> memref<128xi32, #tpu.memory_space<vmem>>
        %dma_wait3A_46 = arith.constant 0 : i32
        %dma_wait3A_47 = tpu.memref_slice %arg7[%dma_wait3A_46] : memref<10240xf32, #tpu.memory_space<vmem_shared>> -> memref<10240xf32, #tpu.memory_space<vmem_shared>>
        tpu.wait_indirect_dma semaphore(%run_scoped3A_39 : memref<!tpu.dma_semaphore, #tpu.memory_space<semaphore_mem>>) src(%arg5 : memref<128xf32, #tpu.memory_space<vmem>>) dst(%dma_wait3A_47 : memref<10240xf32, #tpu.memory_space<vmem_shared>>)
        tpu.yield
      }) : () -> ()
      %run_scoped3A_34 = arith.constant 1 : i32
      "tpu.region"() ({
        %run_scoped3A_39 = tpu.sem_alloc : memref<!tpu.dma_semaphore, #tpu.memory_space<semaphore_mem>>
        %dma_start3A = arith.constant 0 : i32
        %dma_start3A_40 = tpu.memref_slice %arg4[%run_scoped3A_34, %dma_start3A] : memref<6x128xi32, #tpu.memory_space<vmem>> -> memref<1x128xi32, #tpu.memory_space<vmem>>
        %dma_start3A_41 = tpu.memref_squeeze %dma_start3A_40 : memref<1x128xi32, #tpu.memory_space<vmem>> -> memref<128xi32, #tpu.memory_space<vmem>>
        %dma_start3A_42 = arith.constant 0 : i32
        %dma_start3A_43 = tpu.memref_slice %arg7[%dma_start3A_42] : memref<10240xf32, #tpu.memory_space<vmem_shared>> -> memref<10240xf32, #tpu.memory_space<vmem_shared>>
        tpu.enqueue_indirect_dma source(%arg5 : memref<128xf32, #tpu.memory_space<vmem>>) target(%dma_start3A_43 : memref<10240xf32, #tpu.memory_space<vmem_shared>>) offsets(%dma_start3A_41 : memref<128xi32, #tpu.memory_space<vmem>>) semaphore(%run_scoped3A_39 : memref<!tpu.dma_semaphore, #tpu.memory_space<semaphore_mem>>) {add = true}
        %dma_wait3A = arith.constant 0 : i32
        %dma_wait3A_44 = tpu.memref_slice %arg4[%run_scoped3A_34, %dma_wait3A] : memref<6x128xi32, #tpu.memory_space<vmem>> -> memref<1x128xi32, #tpu.memory_space<vmem>>
        %dma_wait3A_45 = tpu.memref_squeeze %dma_wait3A_44 : memref<1x128xi32, #tpu.memory_space<vmem>> -> memref<128xi32, #tpu.memory_space<vmem>>
        %dma_wait3A_46 = arith.constant 0 : i32
        %dma_wait3A_47 = tpu.memref_slice %arg7[%dma_wait3A_46] : memref<10240xf32, #tpu.memory_space<vmem_shared>> -> memref<10240xf32, #tpu.memory_space<vmem_shared>>
        tpu.wait_indirect_dma semaphore(%run_scoped3A_39 : memref<!tpu.dma_semaphore, #tpu.memory_space<semaphore_mem>>) src(%arg5 : memref<128xf32, #tpu.memory_space<vmem>>) dst(%dma_wait3A_47 : memref<10240xf32, #tpu.memory_space<vmem_shared>>)
        tpu.yield
      }) : () -> ()
      %run_scoped3A_35 = arith.constant 2 : i32
      "tpu.region"() ({
        %run_scoped3A_39 = tpu.sem_alloc : memref<!tpu.dma_semaphore, #tpu.memory_space<semaphore_mem>>
        %dma_start3A = arith.constant 0 : i32
        %dma_start3A_40 = tpu.memref_slice %arg4[%run_scoped3A_35, %dma_start3A] : memref<6x128xi32, #tpu.memory_space<vmem>> -> memref<1x128xi32, #tpu.memory_space<vmem>>
        %dma_start3A_41 = tpu.memref_squeeze %dma_start3A_40 : memref<1x128xi32, #tpu.memory_space<vmem>> -> memref<128xi32, #tpu.memory_space<vmem>>
        %dma_start3A_42 = arith.constant 0 : i32
        %dma_start3A_43 = tpu.memref_slice %arg7[%dma_start3A_42] : memref<10240xf32, #tpu.memory_space<vmem_shared>> -> memref<10240xf32, #tpu.memory_space<vmem_shared>>
        tpu.enqueue_indirect_dma source(%arg5 : memref<128xf32, #tpu.memory_space<vmem>>) target(%dma_start3A_43 : memref<10240xf32, #tpu.memory_space<vmem_shared>>) offsets(%dma_start3A_41 : memref<128xi32, #tpu.memory_space<vmem>>) semaphore(%run_scoped3A_39 : memref<!tpu.dma_semaphore, #tpu.memory_space<semaphore_mem>>) {add = true}
        %dma_wait3A = arith.constant 0 : i32
        %dma_wait3A_44 = tpu.memref_slice %arg4[%run_scoped3A_35, %dma_wait3A] : memref<6x128xi32, #tpu.memory_space<vmem>> -> memref<1x128xi32, #tpu.memory_space<vmem>>
        %dma_wait3A_45 = tpu.memref_squeeze %dma_wait3A_44 : memref<1x128xi32, #tpu.memory_space<vmem>> -> memref<128xi32, #tpu.memory_space<vmem>>
        %dma_wait3A_46 = arith.constant 0 : i32
        %dma_wait3A_47 = tpu.memref_slice %arg7[%dma_wait3A_46] : memref<10240xf32, #tpu.memory_space<vmem_shared>> -> memref<10240xf32, #tpu.memory_space<vmem_shared>>
        tpu.wait_indirect_dma semaphore(%run_scoped3A_39 : memref<!tpu.dma_semaphore, #tpu.memory_space<semaphore_mem>>) src(%arg5 : memref<128xf32, #tpu.memory_space<vmem>>) dst(%dma_wait3A_47 : memref<10240xf32, #tpu.memory_space<vmem_shared>>)
        tpu.yield
      }) : () -> ()
      %run_scoped3A_36 = arith.constant 3 : i32
      "tpu.region"() ({
        %run_scoped3A_39 = tpu.sem_alloc : memref<!tpu.dma_semaphore, #tpu.memory_space<semaphore_mem>>
        %dma_start3A = arith.constant 0 : i32
        %dma_start3A_40 = tpu.memref_slice %arg4[%run_scoped3A_36, %dma_start3A] : memref<6x128xi32, #tpu.memory_space<vmem>> -> memref<1x128xi32, #tpu.memory_space<vmem>>
        %dma_start3A_41 = tpu.memref_squeeze %dma_start3A_40 : memref<1x128xi32, #tpu.memory_space<vmem>> -> memref<128xi32, #tpu.memory_space<vmem>>
        %dma_start3A_42 = arith.constant 0 : i32
        %dma_start3A_43 = tpu.memref_slice %arg7[%dma_start3A_42] : memref<10240xf32, #tpu.memory_space<vmem_shared>> -> memref<10240xf32, #tpu.memory_space<vmem_shared>>
        tpu.enqueue_indirect_dma source(%arg5 : memref<128xf32, #tpu.memory_space<vmem>>) target(%dma_start3A_43 : memref<10240xf32, #tpu.memory_space<vmem_shared>>) offsets(%dma_start3A_41 : memref<128xi32, #tpu.memory_space<vmem>>) semaphore(%run_scoped3A_39 : memref<!tpu.dma_semaphore, #tpu.memory_space<semaphore_mem>>) {add = true}
        %dma_wait3A = arith.constant 0 : i32
        %dma_wait3A_44 = tpu.memref_slice %arg4[%run_scoped3A_36, %dma_wait3A] : memref<6x128xi32, #tpu.memory_space<vmem>> -> memref<1x128xi32, #tpu.memory_space<vmem>>
        %dma_wait3A_45 = tpu.memref_squeeze %dma_wait3A_44 : memref<1x128xi32, #tpu.memory_space<vmem>> -> memref<128xi32, #tpu.memory_space<vmem>>
        %dma_wait3A_46 = arith.constant 0 : i32
        %dma_wait3A_47 = tpu.memref_slice %arg7[%dma_wait3A_46] : memref<10240xf32, #tpu.memory_space<vmem_shared>> -> memref<10240xf32, #tpu.memory_space<vmem_shared>>
        tpu.wait_indirect_dma semaphore(%run_scoped3A_39 : memref<!tpu.dma_semaphore, #tpu.memory_space<semaphore_mem>>) src(%arg5 : memref<128xf32, #tpu.memory_space<vmem>>) dst(%dma_wait3A_47 : memref<10240xf32, #tpu.memory_space<vmem_shared>>)
        tpu.yield
      }) : () -> ()
      %run_scoped3A_37 = arith.constant 4 : i32
      "tpu.region"() ({
        %run_scoped3A_39 = tpu.sem_alloc : memref<!tpu.dma_semaphore, #tpu.memory_space<semaphore_mem>>
        %dma_start3A = arith.constant 0 : i32
        %dma_start3A_40 = tpu.memref_slice %arg4[%run_scoped3A_37, %dma_start3A] : memref<6x128xi32, #tpu.memory_space<vmem>> -> memref<1x128xi32, #tpu.memory_space<vmem>>
        %dma_start3A_41 = tpu.memref_squeeze %dma_start3A_40 : memref<1x128xi32, #tpu.memory_space<vmem>> -> memref<128xi32, #tpu.memory_space<vmem>>
        %dma_start3A_42 = arith.constant 0 : i32
        %dma_start3A_43 = tpu.memref_slice %arg7[%dma_start3A_42] : memref<10240xf32, #tpu.memory_space<vmem_shared>> -> memref<10240xf32, #tpu.memory_space<vmem_shared>>
        tpu.enqueue_indirect_dma source(%arg5 : memref<128xf32, #tpu.memory_space<vmem>>) target(%dma_start3A_43 : memref<10240xf32, #tpu.memory_space<vmem_shared>>) offsets(%dma_start3A_41 : memref<128xi32, #tpu.memory_space<vmem>>) semaphore(%run_scoped3A_39 : memref<!tpu.dma_semaphore, #tpu.memory_space<semaphore_mem>>) {add = true}
        %dma_wait3A = arith.constant 0 : i32
        %dma_wait3A_44 = tpu.memref_slice %arg4[%run_scoped3A_37, %dma_wait3A] : memref<6x128xi32, #tpu.memory_space<vmem>> -> memref<1x128xi32, #tpu.memory_space<vmem>>
        %dma_wait3A_45 = tpu.memref_squeeze %dma_wait3A_44 : memref<1x128xi32, #tpu.memory_space<vmem>> -> memref<128xi32, #tpu.memory_space<vmem>>
        %dma_wait3A_46 = arith.constant 0 : i32
        %dma_wait3A_47 = tpu.memref_slice %arg7[%dma_wait3A_46] : memref<10240xf32, #tpu.memory_space<vmem_shared>> -> memref<10240xf32, #tpu.memory_space<vmem_shared>>
        tpu.wait_indirect_dma semaphore(%run_scoped3A_39 : memref<!tpu.dma_semaphore, #tpu.memory_space<semaphore_mem>>) src(%arg5 : memref<128xf32, #tpu.memory_space<vmem>>) dst(%dma_wait3A_47 : memref<10240xf32, #tpu.memory_space<vmem_shared>>)
        tpu.yield
      }) : () -> ()
      %run_scoped3A_38 = arith.constant 5 : i32
      "tpu.region"() ({
        %run_scoped3A_39 = tpu.sem_alloc : memref<!tpu.dma_semaphore, #tpu.memory_space<semaphore_mem>>
        %dma_start3A = arith.constant 0 : i32
        %dma_start3A_40 = tpu.memref_slice %arg4[%run_scoped3A_38, %dma_start3A] : memref<6x128xi32, #tpu.memory_space<vmem>> -> memref<1x128xi32, #tpu.memory_space<vmem>>
        %dma_start3A_41 = tpu.memref_squeeze %dma_start3A_40 : memref<1x128xi32, #tpu.memory_space<vmem>> -> memref<128xi32, #tpu.memory_space<vmem>>
        %dma_start3A_42 = arith.constant 0 : i32
        %dma_start3A_43 = tpu.memref_slice %arg7[%dma_start3A_42] : memref<10240xf32, #tpu.memory_space<vmem_shared>> -> memref<10240xf32, #tpu.memory_space<vmem_shared>>
        tpu.enqueue_indirect_dma source(%arg5 : memref<128xf32, #tpu.memory_space<vmem>>) target(%dma_start3A_43 : memref<10240xf32, #tpu.memory_space<vmem_shared>>) offsets(%dma_start3A_41 : memref<128xi32, #tpu.memory_space<vmem>>) semaphore(%run_scoped3A_39 : memref<!tpu.dma_semaphore, #tpu.memory_space<semaphore_mem>>) {add = true}
        %dma_wait3A = arith.constant 0 : i32
        %dma_wait3A_44 = tpu.memref_slice %arg4[%run_scoped3A_38, %dma_wait3A] : memref<6x128xi32, #tpu.memory_space<vmem>> -> memref<1x128xi32, #tpu.memory_space<vmem>>
        %dma_wait3A_45 = tpu.memref_squeeze %dma_wait3A_44 : memref<1x128xi32, #tpu.memory_space<vmem>> -> memref<128xi32, #tpu.memory_space<vmem>>
        %dma_wait3A_46 = arith.constant 0 : i32
        %dma_wait3A_47 = tpu.memref_slice %arg7[%dma_wait3A_46] : memref<10240xf32, #tpu.memory_space<vmem_shared>> -> memref<10240xf32, #tpu.memory_space<vmem_shared>>
        tpu.wait_indirect_dma semaphore(%run_scoped3A_39 : memref<!tpu.dma_semaphore, #tpu.memory_space<semaphore_mem>>) src(%arg5 : memref<128xf32, #tpu.memory_space<vmem>>) dst(%dma_wait3A_47 : memref<10240xf32, #tpu.memory_space<vmem_shared>>)
        tpu.yield
      }) : () -> ()
    }
    %scan3A_19 = arith.constant 13 : i32
    %ge3A = arith.constant 28 : i32
    %ge3A_20 = arith.cmpi sge, %add3A, %ge3A : i32
    %convert_element_type3A = arith.extui %ge3A_20 : i1 to i32
    %cond3A = arith.constant 0 : i32
    %cond3A_21 = arith.cmpi ne, %convert_element_type3A, %cond3A : i32
    scf.if %cond3A_21 {
      %sub3A = arith.constant 28 : i32
      %sub3A_27 = arith.subi %add3A, %sub3A : i32
      %add3A_28 = arith.constant 2496 : i32
      %add3A_29 = arith.addi %add3A_28, %sub3A_27 : i32
      %run_scoped3A = arith.constant 1 : i32
      "tpu.region"() ({
        %run_scoped3A_31 = tpu.sem_alloc : memref<!tpu.dma_semaphore, #tpu.memory_space<semaphore_mem>>
        %dma_start3A = arith.constant 0 : i32
        %dma_start3A_32 = arith.constant 0 : i32
        %dma_start3A_33 = tpu.memref_slice %arg4[%dma_start3A, %dma_start3A_32] : memref<6x128xi32, #tpu.memory_space<vmem>> -> memref<1x128xi32, #tpu.memory_space<vmem>>
        %dma_start3A_34 = arith.constant 0 : i32
        %dma_start3A_35 = tpu.memref_slice %arg2[%run_scoped3A, %add3A_29, %dma_start3A_34] : memref<2x2500x128xi32, #tpu.memory_space<hbm>> -> memref<1x1x128xi32, #tpu.memory_space<hbm>>
        %dma_start3A_36 = tpu.memref_squeeze %dma_start3A_35 : memref<1x1x128xi32, #tpu.memory_space<hbm>> -> memref<1x128xi32, #tpu.memory_space<hbm>>
        %dma_start3A_37 = arith.constant 0 : i32
        %dma_start3A_38 = arith.constant 0 : i32
        %dma_start3A_39 = tpu.memref_slice %arg4[%dma_start3A_37, %dma_start3A_38] : memref<6x128xi32, #tpu.memory_space<vmem>> -> memref<1x128xi32, #tpu.memory_space<vmem>>
        %dma_start3A_40 = arith.constant 0 : i32
        %dma_start3A_41 = tpu.memref_slice %arg2[%run_scoped3A, %add3A_29, %dma_start3A_40] : memref<2x2500x128xi32, #tpu.memory_space<hbm>> -> memref<1x1x128xi32, #tpu.memory_space<hbm>>
        %dma_start3A_42 = tpu.memref_squeeze %dma_start3A_41 : memref<1x1x128xi32, #tpu.memory_space<hbm>> -> memref<1x128xi32, #tpu.memory_space<hbm>>
        tpu.enqueue_dma source(%dma_start3A_42 : memref<1x128xi32, #tpu.memory_space<hbm>>) target(%dma_start3A_39 : memref<1x128xi32, #tpu.memory_space<vmem>>) target_semaphore(%run_scoped3A_31 : memref<!tpu.dma_semaphore, #tpu.memory_space<semaphore_mem>>)
        %dma_wait3A = arith.constant 0 : i32
        %dma_wait3A_43 = arith.constant 0 : i32
        %dma_wait3A_44 = tpu.memref_slice %arg4[%dma_wait3A, %dma_wait3A_43] : memref<6x128xi32, #tpu.memory_space<vmem>> -> memref<1x128xi32, #tpu.memory_space<vmem>>
        %dma_wait3A_45 = arith.constant 0 : i32
        %dma_wait3A_46 = tpu.memref_slice %arg2[%run_scoped3A, %add3A_29, %dma_wait3A_45] : memref<2x2500x128xi32, #tpu.memory_space<hbm>> -> memref<1x1x128xi32, #tpu.memory_space<hbm>>
        %dma_wait3A_47 = tpu.memref_squeeze %dma_wait3A_46 : memref<1x1x128xi32, #tpu.memory_space<hbm>> -> memref<1x128xi32, #tpu.memory_space<hbm>>
        %dma_wait3A_48 = arith.constant 0 : i32
        %dma_wait3A_49 = arith.constant 0 : i32
        %dma_wait3A_50 = tpu.memref_slice %arg4[%dma_wait3A_48, %dma_wait3A_49] : memref<6x128xi32, #tpu.memory_space<vmem>> -> memref<1x128xi32, #tpu.memory_space<vmem>>
        %dma_wait3A_51 = arith.constant 0 : i32
        %dma_wait3A_52 = tpu.memref_slice %arg2[%run_scoped3A, %add3A_29, %dma_wait3A_51] : memref<2x2500x128xi32, #tpu.memory_space<hbm>> -> memref<1x1x128xi32, #tpu.memory_space<hbm>>
        %dma_wait3A_53 = tpu.memref_squeeze %dma_wait3A_52 : memref<1x1x128xi32, #tpu.memory_space<hbm>> -> memref<1x128xi32, #tpu.memory_space<hbm>>
        tpu.wait_dma2 semaphore(%run_scoped3A_31 : memref<!tpu.dma_semaphore, #tpu.memory_space<semaphore_mem>>) src(%dma_wait3A_53 : memref<1x128xi32, #tpu.memory_space<hbm>>) dst(%dma_wait3A_50 : memref<1x128xi32, #tpu.memory_space<vmem>>)
        tpu.yield
      }) : () -> ()
      %run_scoped3A_30 = arith.constant 0 : i32
      "tpu.region"() ({
        %run_scoped3A_31 = tpu.sem_alloc : memref<!tpu.dma_semaphore, #tpu.memory_space<semaphore_mem>>
        %dma_start3A = arith.constant 0 : i32
        %dma_start3A_32 = tpu.memref_slice %arg4[%run_scoped3A_30, %dma_start3A] : memref<6x128xi32, #tpu.memory_space<vmem>> -> memref<1x128xi32, #tpu.memory_space<vmem>>
        %dma_start3A_33 = tpu.memref_squeeze %dma_start3A_32 : memref<1x128xi32, #tpu.memory_space<vmem>> -> memref<128xi32, #tpu.memory_space<vmem>>
        %dma_start3A_34 = arith.constant 0 : i32
        %dma_start3A_35 = tpu.memref_slice %arg7[%dma_start3A_34] : memref<10240xf32, #tpu.memory_space<vmem_shared>> -> memref<10240xf32, #tpu.memory_space<vmem_shared>>
        tpu.enqueue_indirect_dma source(%arg5 : memref<128xf32, #tpu.memory_space<vmem>>) target(%dma_start3A_35 : memref<10240xf32, #tpu.memory_space<vmem_shared>>) offsets(%dma_start3A_33 : memref<128xi32, #tpu.memory_space<vmem>>) semaphore(%run_scoped3A_31 : memref<!tpu.dma_semaphore, #tpu.memory_space<semaphore_mem>>) {add = true}
        %dma_wait3A = arith.constant 0 : i32
        %dma_wait3A_36 = tpu.memref_slice %arg4[%run_scoped3A_30, %dma_wait3A] : memref<6x128xi32, #tpu.memory_space<vmem>> -> memref<1x128xi32, #tpu.memory_space<vmem>>
        %dma_wait3A_37 = tpu.memref_squeeze %dma_wait3A_36 : memref<1x128xi32, #tpu.memory_space<vmem>> -> memref<128xi32, #tpu.memory_space<vmem>>
        %dma_wait3A_38 = arith.constant 0 : i32
        %dma_wait3A_39 = tpu.memref_slice %arg7[%dma_wait3A_38] : memref<10240xf32, #tpu.memory_space<vmem_shared>> -> memref<10240xf32, #tpu.memory_space<vmem_shared>>
        tpu.wait_indirect_dma semaphore(%run_scoped3A_31 : memref<!tpu.dma_semaphore, #tpu.memory_space<semaphore_mem>>) src(%arg5 : memref<128xf32, #tpu.memory_space<vmem>>) dst(%dma_wait3A_39 : memref<10240xf32, #tpu.memory_space<vmem_shared>>)
        tpu.yield
      }) : () -> ()
    } else {
    }
    %barrier3A_22 = arith.constant 0 : index
    tpu.barrier barrier_id(%barrier3A_22)
    %mul3A_23 = arith.constant 640 : i32
    %mul3A_24 = arith.muli %arg1, %mul3A_23 : i32
    %mul3A_25 = arith.constant 640 : i32
    %mul3A_26 = arith.muli %arg1, %mul3A_25 : i32
    "tpu.region"() ({
      %run_scoped3A = tpu.sem_alloc : memref<!tpu.dma_semaphore, #tpu.memory_space<semaphore_mem>>
      %dma_start3A = tpu.memref_slice %arg3[%arg0, %mul3A_26] : memref<2x10240xf32, #tpu.memory_space<hbm>> -> memref<1x640xf32, #tpu.memory_space<hbm>>
      %dma_start3A_27 = tpu.memref_squeeze %dma_start3A : memref<1x640xf32, #tpu.memory_space<hbm>> -> memref<640xf32, #tpu.memory_space<hbm>>
      %dma_start3A_28 = tpu.memref_slice %arg7[%mul3A_24] : memref<10240xf32, #tpu.memory_space<vmem_shared>> -> memref<640xf32, #tpu.memory_space<vmem_shared>>
      tpu.enqueue_dma source(%dma_start3A_28 : memref<640xf32, #tpu.memory_space<vmem_shared>>) target(%dma_start3A_27 : memref<640xf32, #tpu.memory_space<hbm>>) target_semaphore(%run_scoped3A : memref<!tpu.dma_semaphore, #tpu.memory_space<semaphore_mem>>)
      %dma_wait3A = tpu.memref_slice %arg3[%arg0, %mul3A_26] : memref<2x10240xf32, #tpu.memory_space<hbm>> -> memref<1x640xf32, #tpu.memory_space<hbm>>
      %dma_wait3A_29 = tpu.memref_squeeze %dma_wait3A : memref<1x640xf32, #tpu.memory_space<hbm>> -> memref<640xf32, #tpu.memory_space<hbm>>
      %dma_wait3A_30 = tpu.memref_slice %arg7[%mul3A_24] : memref<10240xf32, #tpu.memory_space<vmem_shared>> -> memref<640xf32, #tpu.memory_space<vmem_shared>>
      tpu.wait_dma2 semaphore(%run_scoped3A : memref<!tpu.dma_semaphore, #tpu.memory_space<semaphore_mem>>) src(%dma_wait3A_30 : memref<640xf32, #tpu.memory_space<vmem_shared>>) dst(%dma_wait3A_29 : memref<640xf32, #tpu.memory_space<hbm>>)
      tpu.yield
    }) : () -> ()
    return
  }
}

#map = affine_map<(d0, d1) -> (0, 0)>
#map1 = affine_map<(d0, d1) -> (0, 0, 0)>
module attributes {stable_mosaic.version = 14 : i64} {
  func.func @_conv_body(%arg0: i32, %arg1: i32, %arg2: memref<10000x16xbf16, #tpu.memory_space<hbm>>, %arg3: memref<2x2500x128xi32, #tpu.memory_space<hbm>>, %arg4: memref<2x10112x16xbf16, #tpu.memory_space<hbm>>, %arg5: memref<79x128xi32, #tpu.memory_space<vmem>>, %arg6: memref<79x128xi32, #tpu.memory_space<vmem>>, %arg7: memref<768x16xbf16, #tpu.memory_space<vmem>>, %arg8: memref<768x16xbf16, #tpu.memory_space<vmem>>, %arg9: memref<632x16xbf16, #tpu.memory_space<vmem>>, %arg10: memref<10112x16xbf16, #tpu.memory_space<vmem_shared>>, %arg11: memref<6x!tpu.dma_semaphore, #tpu.memory_space<semaphore_mem>>, %arg12: memref<!tpu.dma_semaphore, #tpu.memory_space<semaphore_mem>>, %arg13: memref<!tpu.dma_semaphore, #tpu.memory_space<semaphore_mem>>) attributes {dimension_semantics = [#tpu.dimension_semantics<core_parallel>, #tpu.dimension_semantics<subcore_parallel>], iteration_bounds = array<i64: 2, 16>, scalar_prefetch = 0 : i64, scratch_operands = 9 : i64, tpu.core_type = #tpu.core_type<sc_vector_subcore>, window_params = [{transform_indices = #map}, {transform_indices = #map1}, {transform_indices = #map1}]} {
    %mul3A = arith.constant 16 : i32
    %mul3A_0 = arith.muli %arg0, %mul3A : i32
    %add3A = arith.addi %mul3A_0, %arg1 : i32
    %scan3A = arith.constant 0 : i32
    %scan3A_1 = arith.constant 0 : i32
    %scan3A_2 = arith.constant 316 : i32
    %scan3A_3 = arith.addi %scan3A_1, %scan3A_2 : i32
    %scan3A_4 = arith.constant 1 : i32
    scf.for %scan3A_425 = %scan3A_1 to %scan3A_3 step %scan3A_4  : i32 {
      %broadcast_in_dim3A = arith.constant 0.000000e+00 : bf16
      %broadcast_in_dim3A_426 = vector.broadcast %broadcast_in_dim3A : bf16 to vector<2x16xbf16>
      %mul3A_427 = arith.constant 2 : i32
      %mul3A_428 = arith.muli %mul3A_427, %scan3A_425 : i32
      %swap3A = arith.index_cast %mul3A_428 : i32 to index
      %swap3A_429 = arith.constant 0 : index
      %swap3A_430 = tpu.vector_load %arg9[%swap3A, %swap3A_429] {strides = array<i32>} : memref<632x16xbf16, #tpu.memory_space<vmem>>, vector<2x16xbf16>,
      %swap3A_431 = vector.shape_cast %swap3A_430 : vector<2x16xbf16> to vector<2x16xbf16>
      %swap3A_432 = vector.shape_cast %broadcast_in_dim3A_426 : vector<2x16xbf16> to vector<2x16xbf16>
      tpu.vector_store %arg9[%swap3A, %swap3A_429], %swap3A_432 {strides = array<i32>} : memref<632x16xbf16, #tpu.memory_space<vmem>>, vector<2x16xbf16>,
    }
    %scan3A_5 = arith.constant 316 : i32
    %mul3A_6 = arith.constant 632 : i32
    %mul3A_7 = arith.muli %arg1, %mul3A_6 : i32
    "tpu.region"() ({
      %run_scoped3A_425 = tpu.sem_alloc : memref<!tpu.dma_semaphore, #tpu.memory_space<semaphore_mem>>
      %dma_start3A_426 = arith.constant 0 : i32
      %dma_start3A_427 = tpu.memref_slice %arg10[%mul3A_7, %dma_start3A_426] : memref<10112x16xbf16, #tpu.memory_space<vmem_shared>> -> memref<632x16xbf16, #tpu.memory_space<vmem_shared>>
      %dma_start3A_428 = arith.constant 0 : i32
      %dma_start3A_429 = tpu.memref_slice %arg10[%mul3A_7, %dma_start3A_428] : memref<10112x16xbf16, #tpu.memory_space<vmem_shared>> -> memref<632x16xbf16, #tpu.memory_space<vmem_shared>>
      tpu.enqueue_dma source(%arg9 : memref<632x16xbf16, #tpu.memory_space<vmem>>) target(%dma_start3A_429 : memref<632x16xbf16, #tpu.memory_space<vmem_shared>>) target_semaphore(%run_scoped3A_425 : memref<!tpu.dma_semaphore, #tpu.memory_space<semaphore_mem>>)
      %dma_wait3A_430 = arith.constant 0 : i32
      %dma_wait3A_431 = tpu.memref_slice %arg10[%mul3A_7, %dma_wait3A_430] : memref<10112x16xbf16, #tpu.memory_space<vmem_shared>> -> memref<632x16xbf16, #tpu.memory_space<vmem_shared>>
      %dma_wait3A_432 = arith.constant 0 : i32
      %dma_wait3A_433 = tpu.memref_slice %arg10[%mul3A_7, %dma_wait3A_432] : memref<10112x16xbf16, #tpu.memory_space<vmem_shared>> -> memref<632x16xbf16, #tpu.memory_space<vmem_shared>>
      tpu.wait_dma2 semaphore(%run_scoped3A_425 : memref<!tpu.dma_semaphore, #tpu.memory_space<semaphore_mem>>) src(%arg9 : memref<632x16xbf16, #tpu.memory_space<vmem>>) dst(%dma_wait3A_433 : memref<632x16xbf16, #tpu.memory_space<vmem_shared>>)
      tpu.yield
    }) : () -> ()
    %mul3A_8 = arith.constant 78 : i32
    %mul3A_9 = arith.muli %add3A, %mul3A_8 : i32
    %run_scoped3A = arith.constant 0 : i32
    "tpu.region"() ({
      %run_scoped3A_425 = tpu.sem_alloc : memref<!tpu.dma_semaphore, #tpu.memory_space<semaphore_mem>>
      %dma_start3A_426 = arith.constant 0 : i32
      %dma_start3A_427 = arith.constant 0 : i32
      %dma_start3A_428 = tpu.memref_slice %arg5[%dma_start3A_426, %dma_start3A_427] : memref<79x128xi32, #tpu.memory_space<vmem>> -> memref<78x128xi32, #tpu.memory_space<vmem>>
      %dma_start3A_429 = arith.constant 0 : i32
      %dma_start3A_430 = tpu.memref_slice %arg3[%run_scoped3A, %mul3A_9, %dma_start3A_429] : memref<2x2500x128xi32, #tpu.memory_space<hbm>> -> memref<1x78x128xi32, #tpu.memory_space<hbm>>
      %dma_start3A_431 = tpu.memref_squeeze %dma_start3A_430 : memref<1x78x128xi32, #tpu.memory_space<hbm>> -> memref<78x128xi32, #tpu.memory_space<hbm>>
      %dma_start3A_432 = arith.constant 0 : i32
      %dma_start3A_433 = arith.constant 0 : i32
      %dma_start3A_434 = tpu.memref_slice %arg5[%dma_start3A_432, %dma_start3A_433] : memref<79x128xi32, #tpu.memory_space<vmem>> -> memref<78x128xi32, #tpu.memory_space<vmem>>
      %dma_start3A_435 = arith.constant 0 : i32
      %dma_start3A_436 = tpu.memref_slice %arg3[%run_scoped3A, %mul3A_9, %dma_start3A_435] : memref<2x2500x128xi32, #tpu.memory_space<hbm>> -> memref<1x78x128xi32, #tpu.memory_space<hbm>>
      %dma_start3A_437 = tpu.memref_squeeze %dma_start3A_436 : memref<1x78x128xi32, #tpu.memory_space<hbm>> -> memref<78x128xi32, #tpu.memory_space<hbm>>
      tpu.enqueue_dma source(%dma_start3A_437 : memref<78x128xi32, #tpu.memory_space<hbm>>) target(%dma_start3A_434 : memref<78x128xi32, #tpu.memory_space<vmem>>) target_semaphore(%run_scoped3A_425 : memref<!tpu.dma_semaphore, #tpu.memory_space<semaphore_mem>>)
      %dma_wait3A_438 = arith.constant 0 : i32
      %dma_wait3A_439 = arith.constant 0 : i32
      %dma_wait3A_440 = tpu.memref_slice %arg5[%dma_wait3A_438, %dma_wait3A_439] : memref<79x128xi32, #tpu.memory_space<vmem>> -> memref<78x128xi32, #tpu.memory_space<vmem>>
      %dma_wait3A_441 = arith.constant 0 : i32
      %dma_wait3A_442 = tpu.memref_slice %arg3[%run_scoped3A, %mul3A_9, %dma_wait3A_441] : memref<2x2500x128xi32, #tpu.memory_space<hbm>> -> memref<1x78x128xi32, #tpu.memory_space<hbm>>
      %dma_wait3A_443 = tpu.memref_squeeze %dma_wait3A_442 : memref<1x78x128xi32, #tpu.memory_space<hbm>> -> memref<78x128xi32, #tpu.memory_space<hbm>>
      %dma_wait3A_444 = arith.constant 0 : i32
      %dma_wait3A_445 = arith.constant 0 : i32
      %dma_wait3A_446 = tpu.memref_slice %arg5[%dma_wait3A_444, %dma_wait3A_445] : memref<79x128xi32, #tpu.memory_space<vmem>> -> memref<78x128xi32, #tpu.memory_space<vmem>>
      %dma_wait3A_447 = arith.constant 0 : i32
      %dma_wait3A_448 = tpu.memref_slice %arg3[%run_scoped3A, %mul3A_9, %dma_wait3A_447] : memref<2x2500x128xi32, #tpu.memory_space<hbm>> -> memref<1x78x128xi32, #tpu.memory_space<hbm>>
      %dma_wait3A_449 = tpu.memref_squeeze %dma_wait3A_448 : memref<1x78x128xi32, #tpu.memory_space<hbm>> -> memref<78x128xi32, #tpu.memory_space<hbm>>
      tpu.wait_dma2 semaphore(%run_scoped3A_425 : memref<!tpu.dma_semaphore, #tpu.memory_space<semaphore_mem>>) src(%dma_wait3A_449 : memref<78x128xi32, #tpu.memory_space<hbm>>) dst(%dma_wait3A_446 : memref<78x128xi32, #tpu.memory_space<vmem>>)
      tpu.yield
    }) : () -> ()
    %mul3A_10 = arith.constant 78 : i32
    %mul3A_11 = arith.muli %add3A, %mul3A_10 : i32
    %run_scoped3A_12 = arith.constant 1 : i32
    "tpu.region"() ({
      %run_scoped3A_425 = tpu.sem_alloc : memref<!tpu.dma_semaphore, #tpu.memory_space<semaphore_mem>>
      %dma_start3A_426 = arith.constant 0 : i32
      %dma_start3A_427 = arith.constant 0 : i32
      %dma_start3A_428 = tpu.memref_slice %arg6[%dma_start3A_426, %dma_start3A_427] : memref<79x128xi32, #tpu.memory_space<vmem>> -> memref<78x128xi32, #tpu.memory_space<vmem>>
      %dma_start3A_429 = arith.constant 0 : i32
      %dma_start3A_430 = tpu.memref_slice %arg3[%run_scoped3A_12, %mul3A_11, %dma_start3A_429] : memref<2x2500x128xi32, #tpu.memory_space<hbm>> -> memref<1x78x128xi32, #tpu.memory_space<hbm>>
      %dma_start3A_431 = tpu.memref_squeeze %dma_start3A_430 : memref<1x78x128xi32, #tpu.memory_space<hbm>> -> memref<78x128xi32, #tpu.memory_space<hbm>>
      %dma_start3A_432 = arith.constant 0 : i32
      %dma_start3A_433 = arith.constant 0 : i32
      %dma_start3A_434 = tpu.memref_slice %arg6[%dma_start3A_432, %dma_start3A_433] : memref<79x128xi32, #tpu.memory_space<vmem>> -> memref<78x128xi32, #tpu.memory_space<vmem>>
      %dma_start3A_435 = arith.constant 0 : i32
      %dma_start3A_436 = tpu.memref_slice %arg3[%run_scoped3A_12, %mul3A_11, %dma_start3A_435] : memref<2x2500x128xi32, #tpu.memory_space<hbm>> -> memref<1x78x128xi32, #tpu.memory_space<hbm>>
      %dma_start3A_437 = tpu.memref_squeeze %dma_start3A_436 : memref<1x78x128xi32, #tpu.memory_space<hbm>> -> memref<78x128xi32, #tpu.memory_space<hbm>>
      tpu.enqueue_dma source(%dma_start3A_437 : memref<78x128xi32, #tpu.memory_space<hbm>>) target(%dma_start3A_434 : memref<78x128xi32, #tpu.memory_space<vmem>>) target_semaphore(%run_scoped3A_425 : memref<!tpu.dma_semaphore, #tpu.memory_space<semaphore_mem>>)
      %dma_wait3A_438 = arith.constant 0 : i32
      %dma_wait3A_439 = arith.constant 0 : i32
      %dma_wait3A_440 = tpu.memref_slice %arg6[%dma_wait3A_438, %dma_wait3A_439] : memref<79x128xi32, #tpu.memory_space<vmem>> -> memref<78x128xi32, #tpu.memory_space<vmem>>
      %dma_wait3A_441 = arith.constant 0 : i32
      %dma_wait3A_442 = tpu.memref_slice %arg3[%run_scoped3A_12, %mul3A_11, %dma_wait3A_441] : memref<2x2500x128xi32, #tpu.memory_space<hbm>> -> memref<1x78x128xi32, #tpu.memory_space<hbm>>
      %dma_wait3A_443 = tpu.memref_squeeze %dma_wait3A_442 : memref<1x78x128xi32, #tpu.memory_space<hbm>> -> memref<78x128xi32, #tpu.memory_space<hbm>>
      %dma_wait3A_444 = arith.constant 0 : i32
      %dma_wait3A_445 = arith.constant 0 : i32
      %dma_wait3A_446 = tpu.memref_slice %arg6[%dma_wait3A_444, %dma_wait3A_445] : memref<79x128xi32, #tpu.memory_space<vmem>> -> memref<78x128xi32, #tpu.memory_space<vmem>>
      %dma_wait3A_447 = arith.constant 0 : i32
      %dma_wait3A_448 = tpu.memref_slice %arg3[%run_scoped3A_12, %mul3A_11, %dma_wait3A_447] : memref<2x2500x128xi32, #tpu.memory_space<hbm>> -> memref<1x78x128xi32, #tpu.memory_space<hbm>>
      %dma_wait3A_449 = tpu.memref_squeeze %dma_wait3A_448 : memref<1x78x128xi32, #tpu.memory_space<hbm>> -> memref<78x128xi32, #tpu.memory_space<hbm>>
      tpu.wait_dma2 semaphore(%run_scoped3A_425 : memref<!tpu.dma_semaphore, #tpu.memory_space<semaphore_mem>>) src(%dma_wait3A_449 : memref<78x128xi32, #tpu.memory_space<hbm>>) dst(%dma_wait3A_446 : memref<78x128xi32, #tpu.memory_space<vmem>>)
      tpu.yield
    }) : () -> ()
    %ge3A = arith.constant 28 : i32
    %ge3A_13 = arith.cmpi sge, %add3A, %ge3A : i32
    %convert_element_type3A = arith.extui %ge3A_13 : i1 to i32
    %cond3A = arith.constant 0 : i32
    %cond3A_14 = arith.cmpi ne, %convert_element_type3A, %cond3A : i32
    scf.if %cond3A_14 {
      %sub3A = arith.constant 28 : i32
      %sub3A_425 = arith.subi %add3A, %sub3A : i32
      %add3A_426 = arith.constant 2496 : i32
      %add3A_427 = arith.addi %add3A_426, %sub3A_425 : i32
      %run_scoped3A_428 = arith.constant 0 : i32
      "tpu.region"() ({
        %run_scoped3A_430 = tpu.sem_alloc : memref<!tpu.dma_semaphore, #tpu.memory_space<semaphore_mem>>
        %dma_start3A_431 = arith.constant 78 : i32
        %dma_start3A_432 = arith.constant 0 : i32
        %dma_start3A_433 = tpu.memref_slice %arg5[%dma_start3A_431, %dma_start3A_432] : memref<79x128xi32, #tpu.memory_space<vmem>> -> memref<1x128xi32, #tpu.memory_space<vmem>>
        %dma_start3A_434 = arith.constant 0 : i32
        %dma_start3A_435 = tpu.memref_slice %arg3[%run_scoped3A_428, %add3A_427, %dma_start3A_434] : memref<2x2500x128xi32, #tpu.memory_space<hbm>> -> memref<1x1x128xi32, #tpu.memory_space<hbm>>
        %dma_start3A_436 = tpu.memref_squeeze %dma_start3A_435 : memref<1x1x128xi32, #tpu.memory_space<hbm>> -> memref<1x128xi32, #tpu.memory_space<hbm>>
        %dma_start3A_437 = arith.constant 78 : i32
        %dma_start3A_438 = arith.constant 0 : i32
        %dma_start3A_439 = tpu.memref_slice %arg5[%dma_start3A_437, %dma_start3A_438] : memref<79x128xi32, #tpu.memory_space<vmem>> -> memref<1x128xi32, #tpu.memory_space<vmem>>
        %dma_start3A_440 = arith.constant 0 : i32
        %dma_start3A_441 = tpu.memref_slice %arg3[%run_scoped3A_428, %add3A_427, %dma_start3A_440] : memref<2x2500x128xi32, #tpu.memory_space<hbm>> -> memref<1x1x128xi32, #tpu.memory_space<hbm>>
        %dma_start3A_442 = tpu.memref_squeeze %dma_start3A_441 : memref<1x1x128xi32, #tpu.memory_space<hbm>> -> memref<1x128xi32, #tpu.memory_space<hbm>>
        tpu.enqueue_dma source(%dma_start3A_442 : memref<1x128xi32, #tpu.memory_space<hbm>>) target(%dma_start3A_439 : memref<1x128xi32, #tpu.memory_space<vmem>>) target_semaphore(%run_scoped3A_430 : memref<!tpu.dma_semaphore, #tpu.memory_space<semaphore_mem>>)
        %dma_wait3A_443 = arith.constant 78 : i32
        %dma_wait3A_444 = arith.constant 0 : i32
        %dma_wait3A_445 = tpu.memref_slice %arg5[%dma_wait3A_443, %dma_wait3A_444] : memref<79x128xi32, #tpu.memory_space<vmem>> -> memref<1x128xi32, #tpu.memory_space<vmem>>
        %dma_wait3A_446 = arith.constant 0 : i32
        %dma_wait3A_447 = tpu.memref_slice %arg3[%run_scoped3A_428, %add3A_427, %dma_wait3A_446] : memref<2x2500x128xi32, #tpu.memory_space<hbm>> -> memref<1x1x128xi32, #tpu.memory_space<hbm>>
        %dma_wait3A_448 = tpu.memref_squeeze %dma_wait3A_447 : memref<1x1x128xi32, #tpu.memory_space<hbm>> -> memref<1x128xi32, #tpu.memory_space<hbm>>
        %dma_wait3A_449 = arith.constant 78 : i32
        %dma_wait3A_450 = arith.constant 0 : i32
        %dma_wait3A_451 = tpu.memref_slice %arg5[%dma_wait3A_449, %dma_wait3A_450] : memref<79x128xi32, #tpu.memory_space<vmem>> -> memref<1x128xi32, #tpu.memory_space<vmem>>
        %dma_wait3A_452 = arith.constant 0 : i32
        %dma_wait3A_453 = tpu.memref_slice %arg3[%run_scoped3A_428, %add3A_427, %dma_wait3A_452] : memref<2x2500x128xi32, #tpu.memory_space<hbm>> -> memref<1x1x128xi32, #tpu.memory_space<hbm>>
        %dma_wait3A_454 = tpu.memref_squeeze %dma_wait3A_453 : memref<1x1x128xi32, #tpu.memory_space<hbm>> -> memref<1x128xi32, #tpu.memory_space<hbm>>
        tpu.wait_dma2 semaphore(%run_scoped3A_430 : memref<!tpu.dma_semaphore, #tpu.memory_space<semaphore_mem>>) src(%dma_wait3A_454 : memref<1x128xi32, #tpu.memory_space<hbm>>) dst(%dma_wait3A_451 : memref<1x128xi32, #tpu.memory_space<vmem>>)
        tpu.yield
      }) : () -> ()
      %run_scoped3A_429 = arith.constant 1 : i32
      "tpu.region"() ({
        %run_scoped3A_430 = tpu.sem_alloc : memref<!tpu.dma_semaphore, #tpu.memory_space<semaphore_mem>>
        %dma_start3A_431 = arith.constant 78 : i32
        %dma_start3A_432 = arith.constant 0 : i32
        %dma_start3A_433 = tpu.memref_slice %arg6[%dma_start3A_431, %dma_start3A_432] : memref<79x128xi32, #tpu.memory_space<vmem>> -> memref<1x128xi32, #tpu.memory_space<vmem>>
        %dma_start3A_434 = arith.constant 0 : i32
        %dma_start3A_435 = tpu.memref_slice %arg3[%run_scoped3A_429, %add3A_427, %dma_start3A_434] : memref<2x2500x128xi32, #tpu.memory_space<hbm>> -> memref<1x1x128xi32, #tpu.memory_space<hbm>>
        %dma_start3A_436 = tpu.memref_squeeze %dma_start3A_435 : memref<1x1x128xi32, #tpu.memory_space<hbm>> -> memref<1x128xi32, #tpu.memory_space<hbm>>
        %dma_start3A_437 = arith.constant 78 : i32
        %dma_start3A_438 = arith.constant 0 : i32
        %dma_start3A_439 = tpu.memref_slice %arg6[%dma_start3A_437, %dma_start3A_438] : memref<79x128xi32, #tpu.memory_space<vmem>> -> memref<1x128xi32, #tpu.memory_space<vmem>>
        %dma_start3A_440 = arith.constant 0 : i32
        %dma_start3A_441 = tpu.memref_slice %arg3[%run_scoped3A_429, %add3A_427, %dma_start3A_440] : memref<2x2500x128xi32, #tpu.memory_space<hbm>> -> memref<1x1x128xi32, #tpu.memory_space<hbm>>
        %dma_start3A_442 = tpu.memref_squeeze %dma_start3A_441 : memref<1x1x128xi32, #tpu.memory_space<hbm>> -> memref<1x128xi32, #tpu.memory_space<hbm>>
        tpu.enqueue_dma source(%dma_start3A_442 : memref<1x128xi32, #tpu.memory_space<hbm>>) target(%dma_start3A_439 : memref<1x128xi32, #tpu.memory_space<vmem>>) target_semaphore(%run_scoped3A_430 : memref<!tpu.dma_semaphore, #tpu.memory_space<semaphore_mem>>)
        %dma_wait3A_443 = arith.constant 78 : i32
        %dma_wait3A_444 = arith.constant 0 : i32
        %dma_wait3A_445 = tpu.memref_slice %arg6[%dma_wait3A_443, %dma_wait3A_444] : memref<79x128xi32, #tpu.memory_space<vmem>> -> memref<1x128xi32, #tpu.memory_space<vmem>>
        %dma_wait3A_446 = arith.constant 0 : i32
        %dma_wait3A_447 = tpu.memref_slice %arg3[%run_scoped3A_429, %add3A_427, %dma_wait3A_446] : memref<2x2500x128xi32, #tpu.memory_space<hbm>> -> memref<1x1x128xi32, #tpu.memory_space<hbm>>
        %dma_wait3A_448 = tpu.memref_squeeze %dma_wait3A_447 : memref<1x1x128xi32, #tpu.memory_space<hbm>> -> memref<1x128xi32, #tpu.memory_space<hbm>>
        %dma_wait3A_449 = arith.constant 78 : i32
        %dma_wait3A_450 = arith.constant 0 : i32
        %dma_wait3A_451 = tpu.memref_slice %arg6[%dma_wait3A_449, %dma_wait3A_450] : memref<79x128xi32, #tpu.memory_space<vmem>> -> memref<1x128xi32, #tpu.memory_space<vmem>>
        %dma_wait3A_452 = arith.constant 0 : i32
        %dma_wait3A_453 = tpu.memref_slice %arg3[%run_scoped3A_429, %add3A_427, %dma_wait3A_452] : memref<2x2500x128xi32, #tpu.memory_space<hbm>> -> memref<1x1x128xi32, #tpu.memory_space<hbm>>
        %dma_wait3A_454 = tpu.memref_squeeze %dma_wait3A_453 : memref<1x1x128xi32, #tpu.memory_space<hbm>> -> memref<1x128xi32, #tpu.memory_space<hbm>>
        tpu.wait_dma2 semaphore(%run_scoped3A_430 : memref<!tpu.dma_semaphore, #tpu.memory_space<semaphore_mem>>) src(%dma_wait3A_454 : memref<1x128xi32, #tpu.memory_space<hbm>>) dst(%dma_wait3A_451 : memref<1x128xi32, #tpu.memory_space<vmem>>)
        tpu.yield
      }) : () -> ()
    } else {
    }
    %barrier3A = arith.constant 0 : index
    tpu.barrier barrier_id(%barrier3A)
    %scan3A_15 = arith.constant 0 : i32
    %scan3A_16 = arith.constant 0 : i32
    %scan3A_17 = arith.constant 6 : i32
    %scan3A_18 = arith.addi %scan3A_16, %scan3A_17 : i32
    %scan3A_19 = arith.constant 1 : i32
    scf.for %scan3A_425 = %scan3A_16 to %scan3A_18 step %scan3A_19  : i32 {
      %gt3A = arith.constant 0 : i32
      %gt3A_426 = arith.cmpi sgt, %scan3A_425, %gt3A : i32
      %convert_element_type3A_427 = arith.extui %gt3A_426 : i1 to i32
      %cond3A_428 = arith.constant 0 : i32
      %cond3A_429 = arith.cmpi ne, %convert_element_type3A_427, %cond3A_428 : i32
      scf.if %cond3A_429 {
        %dma_wait3A_933 = arith.constant 0 : i32
        %dma_wait3A_934 = arith.constant 0 : i32
        %dma_wait3A_935 = arith.constant 0 : i32
        %dma_wait3A_936 = tpu.memref_slice %arg7[%dma_wait3A_934, %dma_wait3A_935] : memref<768x16xbf16, #tpu.memory_space<vmem>> -> memref<128x16xbf16, #tpu.memory_space<vmem>>
        %dma_wait3A_937 = arith.constant 0 : i32
        %dma_wait3A_938 = tpu.memref_slice %arg6[%dma_wait3A_933, %dma_wait3A_937] : memref<79x128xi32, #tpu.memory_space<vmem>> -> memref<1x128xi32, #tpu.memory_space<vmem>>
        %dma_wait3A_939 = tpu.memref_squeeze %dma_wait3A_938 : memref<1x128xi32, #tpu.memory_space<vmem>> -> memref<128xi32, #tpu.memory_space<vmem>>
        %dma_wait3A_940 = arith.constant 0 : i32
        %dma_wait3A_941 = arith.constant 0 : i32
        %dma_wait3A_942 = tpu.memref_slice %arg10[%dma_wait3A_940, %dma_wait3A_941] : memref<10112x16xbf16, #tpu.memory_space<vmem_shared>> -> memref<10112x16xbf16, #tpu.memory_space<vmem_shared>>
        tpu.wait_indirect_dma semaphore(%arg12 : memref<!tpu.dma_semaphore, #tpu.memory_space<semaphore_mem>>) src(%dma_wait3A_936 : memref<128x16xbf16, #tpu.memory_space<vmem>>) dst(%dma_wait3A_942 : memref<10112x16xbf16, #tpu.memory_space<vmem_shared>>)
        %dma_wait3A_943 = arith.constant 0 : i32
        %dma_wait3A_944 = arith.constant 128 : i32
        %dma_wait3A_945 = arith.constant 0 : i32
        %dma_wait3A_946 = tpu.memref_slice %arg7[%dma_wait3A_944, %dma_wait3A_945] : memref<768x16xbf16, #tpu.memory_space<vmem>> -> memref<128x16xbf16, #tpu.memory_space<vmem>>
        %dma_wait3A_947 = arith.constant 0 : i32
        %dma_wait3A_948 = tpu.memref_slice %arg6[%dma_wait3A_943, %dma_wait3A_947] : memref<79x128xi32, #tpu.memory_space<vmem>> -> memref<1x128xi32, #tpu.memory_space<vmem>>
        %dma_wait3A_949 = tpu.memref_squeeze %dma_wait3A_948 : memref<1x128xi32, #tpu.memory_space<vmem>> -> memref<128xi32, #tpu.memory_space<vmem>>
        %dma_wait3A_950 = arith.constant 0 : i32
        %dma_wait3A_951 = arith.constant 0 : i32
        %dma_wait3A_952 = tpu.memref_slice %arg10[%dma_wait3A_950, %dma_wait3A_951] : memref<10112x16xbf16, #tpu.memory_space<vmem_shared>> -> memref<10112x16xbf16, #tpu.memory_space<vmem_shared>>
        tpu.wait_indirect_dma semaphore(%arg12 : memref<!tpu.dma_semaphore, #tpu.memory_space<semaphore_mem>>) src(%dma_wait3A_946 : memref<128x16xbf16, #tpu.memory_space<vmem>>) dst(%dma_wait3A_952 : memref<10112x16xbf16, #tpu.memory_space<vmem_shared>>)
        %dma_wait3A_953 = arith.constant 0 : i32
        %dma_wait3A_954 = arith.constant 256 : i32
        %dma_wait3A_955 = arith.constant 0 : i32
        %dma_wait3A_956 = tpu.memref_slice %arg7[%dma_wait3A_954, %dma_wait3A_955] : memref<768x16xbf16, #tpu.memory_space<vmem>> -> memref<128x16xbf16, #tpu.memory_space<vmem>>
        %dma_wait3A_957 = arith.constant 0 : i32
        %dma_wait3A_958 = tpu.memref_slice %arg6[%dma_wait3A_953, %dma_wait3A_957] : memref<79x128xi32, #tpu.memory_space<vmem>> -> memref<1x128xi32, #tpu.memory_space<vmem>>
        %dma_wait3A_959 = tpu.memref_squeeze %dma_wait3A_958 : memref<1x128xi32, #tpu.memory_space<vmem>> -> memref<128xi32, #tpu.memory_space<vmem>>
        %dma_wait3A_960 = arith.constant 0 : i32
        %dma_wait3A_961 = arith.constant 0 : i32
        %dma_wait3A_962 = tpu.memref_slice %arg10[%dma_wait3A_960, %dma_wait3A_961] : memref<10112x16xbf16, #tpu.memory_space<vmem_shared>> -> memref<10112x16xbf16, #tpu.memory_space<vmem_shared>>
        tpu.wait_indirect_dma semaphore(%arg12 : memref<!tpu.dma_semaphore, #tpu.memory_space<semaphore_mem>>) src(%dma_wait3A_956 : memref<128x16xbf16, #tpu.memory_space<vmem>>) dst(%dma_wait3A_962 : memref<10112x16xbf16, #tpu.memory_space<vmem_shared>>)
        %dma_wait3A_963 = arith.constant 0 : i32
        %dma_wait3A_964 = arith.constant 384 : i32
        %dma_wait3A_965 = arith.constant 0 : i32
        %dma_wait3A_966 = tpu.memref_slice %arg7[%dma_wait3A_964, %dma_wait3A_965] : memref<768x16xbf16, #tpu.memory_space<vmem>> -> memref<128x16xbf16, #tpu.memory_space<vmem>>
        %dma_wait3A_967 = arith.constant 0 : i32
        %dma_wait3A_968 = tpu.memref_slice %arg6[%dma_wait3A_963, %dma_wait3A_967] : memref<79x128xi32, #tpu.memory_space<vmem>> -> memref<1x128xi32, #tpu.memory_space<vmem>>
        %dma_wait3A_969 = tpu.memref_squeeze %dma_wait3A_968 : memref<1x128xi32, #tpu.memory_space<vmem>> -> memref<128xi32, #tpu.memory_space<vmem>>
        %dma_wait3A_970 = arith.constant 0 : i32
        %dma_wait3A_971 = arith.constant 0 : i32
        %dma_wait3A_972 = tpu.memref_slice %arg10[%dma_wait3A_970, %dma_wait3A_971] : memref<10112x16xbf16, #tpu.memory_space<vmem_shared>> -> memref<10112x16xbf16, #tpu.memory_space<vmem_shared>>
        tpu.wait_indirect_dma semaphore(%arg12 : memref<!tpu.dma_semaphore, #tpu.memory_space<semaphore_mem>>) src(%dma_wait3A_966 : memref<128x16xbf16, #tpu.memory_space<vmem>>) dst(%dma_wait3A_972 : memref<10112x16xbf16, #tpu.memory_space<vmem_shared>>)
        %dma_wait3A_973 = arith.constant 0 : i32
        %dma_wait3A_974 = arith.constant 512 : i32
        %dma_wait3A_975 = arith.constant 0 : i32
        %dma_wait3A_976 = tpu.memref_slice %arg7[%dma_wait3A_974, %dma_wait3A_975] : memref<768x16xbf16, #tpu.memory_space<vmem>> -> memref<128x16xbf16, #tpu.memory_space<vmem>>
        %dma_wait3A_977 = arith.constant 0 : i32
        %dma_wait3A_978 = tpu.memref_slice %arg6[%dma_wait3A_973, %dma_wait3A_977] : memref<79x128xi32, #tpu.memory_space<vmem>> -> memref<1x128xi32, #tpu.memory_space<vmem>>
        %dma_wait3A_979 = tpu.memref_squeeze %dma_wait3A_978 : memref<1x128xi32, #tpu.memory_space<vmem>> -> memref<128xi32, #tpu.memory_space<vmem>>
        %dma_wait3A_980 = arith.constant 0 : i32
        %dma_wait3A_981 = arith.constant 0 : i32
        %dma_wait3A_982 = tpu.memref_slice %arg10[%dma_wait3A_980, %dma_wait3A_981] : memref<10112x16xbf16, #tpu.memory_space<vmem_shared>> -> memref<10112x16xbf16, #tpu.memory_space<vmem_shared>>
        tpu.wait_indirect_dma semaphore(%arg12 : memref<!tpu.dma_semaphore, #tpu.memory_space<semaphore_mem>>) src(%dma_wait3A_976 : memref<128x16xbf16, #tpu.memory_space<vmem>>) dst(%dma_wait3A_982 : memref<10112x16xbf16, #tpu.memory_space<vmem_shared>>)
        %dma_wait3A_983 = arith.constant 0 : i32
        %dma_wait3A_984 = arith.constant 640 : i32
        %dma_wait3A_985 = arith.constant 0 : i32
        %dma_wait3A_986 = tpu.memref_slice %arg7[%dma_wait3A_984, %dma_wait3A_985] : memref<768x16xbf16, #tpu.memory_space<vmem>> -> memref<128x16xbf16, #tpu.memory_space<vmem>>
        %dma_wait3A_987 = arith.constant 0 : i32
        %dma_wait3A_988 = tpu.memref_slice %arg6[%dma_wait3A_983, %dma_wait3A_987] : memref<79x128xi32, #tpu.memory_space<vmem>> -> memref<1x128xi32, #tpu.memory_space<vmem>>
        %dma_wait3A_989 = tpu.memref_squeeze %dma_wait3A_988 : memref<1x128xi32, #tpu.memory_space<vmem>> -> memref<128xi32, #tpu.memory_space<vmem>>
        %dma_wait3A_990 = arith.constant 0 : i32
        %dma_wait3A_991 = arith.constant 0 : i32
        %dma_wait3A_992 = tpu.memref_slice %arg10[%dma_wait3A_990, %dma_wait3A_991] : memref<10112x16xbf16, #tpu.memory_space<vmem_shared>> -> memref<10112x16xbf16, #tpu.memory_space<vmem_shared>>
        tpu.wait_indirect_dma semaphore(%arg12 : memref<!tpu.dma_semaphore, #tpu.memory_space<semaphore_mem>>) src(%dma_wait3A_986 : memref<128x16xbf16, #tpu.memory_space<vmem>>) dst(%dma_wait3A_992 : memref<10112x16xbf16, #tpu.memory_space<vmem_shared>>)
      } else {
      }
      %mul3A_430 = arith.constant 2 : i32
      %mul3A_431 = arith.muli %mul3A_430, %scan3A_425 : i32
      %mul3A_432 = arith.constant 6 : i32
      %mul3A_433 = arith.muli %mul3A_431, %mul3A_432 : i32
      %add3A_434 = arith.constant 0 : i32
      %add3A_435 = arith.addi %mul3A_433, %add3A_434 : i32
      %dma_start3A_436 = arith.constant 0 : i32
      %dma_start3A_437 = arith.constant 0 : i32
      %dma_start3A_438 = arith.constant 0 : i32
      %dma_start3A_439 = tpu.memref_slice %arg7[%dma_start3A_437, %dma_start3A_438] : memref<768x16xbf16, #tpu.memory_space<vmem>> -> memref<128x16xbf16, #tpu.memory_space<vmem>>
      %dma_start3A_440 = arith.constant 0 : i32
      %dma_start3A_441 = tpu.memref_slice %arg5[%add3A_435, %dma_start3A_440] : memref<79x128xi32, #tpu.memory_space<vmem>> -> memref<1x128xi32, #tpu.memory_space<vmem>>
      %dma_start3A_442 = tpu.memref_squeeze %dma_start3A_441 : memref<1x128xi32, #tpu.memory_space<vmem>> -> memref<128xi32, #tpu.memory_space<vmem>>
      %dma_start3A_443 = arith.constant 0 : i32
      %dma_start3A_444 = arith.constant 0 : i32
      %dma_start3A_445 = tpu.memref_slice %arg2[%dma_start3A_443, %dma_start3A_444] : memref<10000x16xbf16, #tpu.memory_space<hbm>> -> memref<10000x16xbf16, #tpu.memory_space<hbm>>
      %dma_start3A_446 = tpu.memref_slice %arg11[%dma_start3A_436] : memref<6x!tpu.dma_semaphore, #tpu.memory_space<semaphore_mem>> -> memref<1x!tpu.dma_semaphore, #tpu.memory_space<semaphore_mem>>
      %dma_start3A_447 = tpu.memref_squeeze %dma_start3A_446 : memref<1x!tpu.dma_semaphore, #tpu.memory_space<semaphore_mem>> -> memref<!tpu.dma_semaphore, #tpu.memory_space<semaphore_mem>>
      tpu.enqueue_indirect_dma source(%dma_start3A_445 : memref<10000x16xbf16, #tpu.memory_space<hbm>>) target(%dma_start3A_439 : memref<128x16xbf16, #tpu.memory_space<vmem>>) offsets(%dma_start3A_442 : memref<128xi32, #tpu.memory_space<vmem>>) semaphore(%dma_start3A_447 : memref<!tpu.dma_semaphore, #tpu.memory_space<semaphore_mem>>)
      %mul3A_448 = arith.constant 6 : i32
      %mul3A_449 = arith.muli %mul3A_431, %mul3A_448 : i32
      %add3A_450 = arith.constant 1 : i32
      %add3A_451 = arith.addi %mul3A_449, %add3A_450 : i32
      %dma_start3A_452 = arith.constant 1 : i32
      %dma_start3A_453 = arith.constant 128 : i32
      %dma_start3A_454 = arith.constant 0 : i32
      %dma_start3A_455 = tpu.memref_slice %arg7[%dma_start3A_453, %dma_start3A_454] : memref<768x16xbf16, #tpu.memory_space<vmem>> -> memref<128x16xbf16, #tpu.memory_space<vmem>>
      %dma_start3A_456 = arith.constant 0 : i32
      %dma_start3A_457 = tpu.memref_slice %arg5[%add3A_451, %dma_start3A_456] : memref<79x128xi32, #tpu.memory_space<vmem>> -> memref<1x128xi32, #tpu.memory_space<vmem>>
      %dma_start3A_458 = tpu.memref_squeeze %dma_start3A_457 : memref<1x128xi32, #tpu.memory_space<vmem>> -> memref<128xi32, #tpu.memory_space<vmem>>
      %dma_start3A_459 = arith.constant 0 : i32
      %dma_start3A_460 = arith.constant 0 : i32
      %dma_start3A_461 = tpu.memref_slice %arg2[%dma_start3A_459, %dma_start3A_460] : memref<10000x16xbf16, #tpu.memory_space<hbm>> -> memref<10000x16xbf16, #tpu.memory_space<hbm>>
      %dma_start3A_462 = tpu.memref_slice %arg11[%dma_start3A_452] : memref<6x!tpu.dma_semaphore, #tpu.memory_space<semaphore_mem>> -> memref<1x!tpu.dma_semaphore, #tpu.memory_space<semaphore_mem>>
      %dma_start3A_463 = tpu.memref_squeeze %dma_start3A_462 : memref<1x!tpu.dma_semaphore, #tpu.memory_space<semaphore_mem>> -> memref<!tpu.dma_semaphore, #tpu.memory_space<semaphore_mem>>
      tpu.enqueue_indirect_dma source(%dma_start3A_461 : memref<10000x16xbf16, #tpu.memory_space<hbm>>) target(%dma_start3A_455 : memref<128x16xbf16, #tpu.memory_space<vmem>>) offsets(%dma_start3A_458 : memref<128xi32, #tpu.memory_space<vmem>>) semaphore(%dma_start3A_463 : memref<!tpu.dma_semaphore, #tpu.memory_space<semaphore_mem>>)
      %mul3A_464 = arith.constant 6 : i32
      %mul3A_465 = arith.muli %mul3A_431, %mul3A_464 : i32
      %add3A_466 = arith.constant 2 : i32
      %add3A_467 = arith.addi %mul3A_465, %add3A_466 : i32
      %dma_start3A_468 = arith.constant 2 : i32
      %dma_start3A_469 = arith.constant 256 : i32
      %dma_start3A_470 = arith.constant 0 : i32
      %dma_start3A_471 = tpu.memref_slice %arg7[%dma_start3A_469, %dma_start3A_470] : memref<768x16xbf16, #tpu.memory_space<vmem>> -> memref<128x16xbf16, #tpu.memory_space<vmem>>
      %dma_start3A_472 = arith.constant 0 : i32
      %dma_start3A_473 = tpu.memref_slice %arg5[%add3A_467, %dma_start3A_472] : memref<79x128xi32, #tpu.memory_space<vmem>> -> memref<1x128xi32, #tpu.memory_space<vmem>>
      %dma_start3A_474 = tpu.memref_squeeze %dma_start3A_473 : memref<1x128xi32, #tpu.memory_space<vmem>> -> memref<128xi32, #tpu.memory_space<vmem>>
      %dma_start3A_475 = arith.constant 0 : i32
      %dma_start3A_476 = arith.constant 0 : i32
      %dma_start3A_477 = tpu.memref_slice %arg2[%dma_start3A_475, %dma_start3A_476] : memref<10000x16xbf16, #tpu.memory_space<hbm>> -> memref<10000x16xbf16, #tpu.memory_space<hbm>>
      %dma_start3A_478 = tpu.memref_slice %arg11[%dma_start3A_468] : memref<6x!tpu.dma_semaphore, #tpu.memory_space<semaphore_mem>> -> memref<1x!tpu.dma_semaphore, #tpu.memory_space<semaphore_mem>>
      %dma_start3A_479 = tpu.memref_squeeze %dma_start3A_478 : memref<1x!tpu.dma_semaphore, #tpu.memory_space<semaphore_mem>> -> memref<!tpu.dma_semaphore, #tpu.memory_space<semaphore_mem>>
      tpu.enqueue_indirect_dma source(%dma_start3A_477 : memref<10000x16xbf16, #tpu.memory_space<hbm>>) target(%dma_start3A_471 : memref<128x16xbf16, #tpu.memory_space<vmem>>) offsets(%dma_start3A_474 : memref<128xi32, #tpu.memory_space<vmem>>) semaphore(%dma_start3A_479 : memref<!tpu.dma_semaphore, #tpu.memory_space<semaphore_mem>>)
      %mul3A_480 = arith.constant 6 : i32
      %mul3A_481 = arith.muli %mul3A_431, %mul3A_480 : i32
      %add3A_482 = arith.constant 3 : i32
      %add3A_483 = arith.addi %mul3A_481, %add3A_482 : i32
      %dma_start3A_484 = arith.constant 3 : i32
      %dma_start3A_485 = arith.constant 384 : i32
      %dma_start3A_486 = arith.constant 0 : i32
      %dma_start3A_487 = tpu.memref_slice %arg7[%dma_start3A_485, %dma_start3A_486] : memref<768x16xbf16, #tpu.memory_space<vmem>> -> memref<128x16xbf16, #tpu.memory_space<vmem>>
      %dma_start3A_488 = arith.constant 0 : i32
      %dma_start3A_489 = tpu.memref_slice %arg5[%add3A_483, %dma_start3A_488] : memref<79x128xi32, #tpu.memory_space<vmem>> -> memref<1x128xi32, #tpu.memory_space<vmem>>
      %dma_start3A_490 = tpu.memref_squeeze %dma_start3A_489 : memref<1x128xi32, #tpu.memory_space<vmem>> -> memref<128xi32, #tpu.memory_space<vmem>>
      %dma_start3A_491 = arith.constant 0 : i32
      %dma_start3A_492 = arith.constant 0 : i32
      %dma_start3A_493 = tpu.memref_slice %arg2[%dma_start3A_491, %dma_start3A_492] : memref<10000x16xbf16, #tpu.memory_space<hbm>> -> memref<10000x16xbf16, #tpu.memory_space<hbm>>
      %dma_start3A_494 = tpu.memref_slice %arg11[%dma_start3A_484] : memref<6x!tpu.dma_semaphore, #tpu.memory_space<semaphore_mem>> -> memref<1x!tpu.dma_semaphore, #tpu.memory_space<semaphore_mem>>
      %dma_start3A_495 = tpu.memref_squeeze %dma_start3A_494 : memref<1x!tpu.dma_semaphore, #tpu.memory_space<semaphore_mem>> -> memref<!tpu.dma_semaphore, #tpu.memory_space<semaphore_mem>>
      tpu.enqueue_indirect_dma source(%dma_start3A_493 : memref<10000x16xbf16, #tpu.memory_space<hbm>>) target(%dma_start3A_487 : memref<128x16xbf16, #tpu.memory_space<vmem>>) offsets(%dma_start3A_490 : memref<128xi32, #tpu.memory_space<vmem>>) semaphore(%dma_start3A_495 : memref<!tpu.dma_semaphore, #tpu.memory_space<semaphore_mem>>)
      %mul3A_496 = arith.constant 6 : i32
      %mul3A_497 = arith.muli %mul3A_431, %mul3A_496 : i32
      %add3A_498 = arith.constant 4 : i32
      %add3A_499 = arith.addi %mul3A_497, %add3A_498 : i32
      %dma_start3A_500 = arith.constant 4 : i32
      %dma_start3A_501 = arith.constant 512 : i32
      %dma_start3A_502 = arith.constant 0 : i32
      %dma_start3A_503 = tpu.memref_slice %arg7[%dma_start3A_501, %dma_start3A_502] : memref<768x16xbf16, #tpu.memory_space<vmem>> -> memref<128x16xbf16, #tpu.memory_space<vmem>>
      %dma_start3A_504 = arith.constant 0 : i32
      %dma_start3A_505 = tpu.memref_slice %arg5[%add3A_499, %dma_start3A_504] : memref<79x128xi32, #tpu.memory_space<vmem>> -> memref<1x128xi32, #tpu.memory_space<vmem>>
      %dma_start3A_506 = tpu.memref_squeeze %dma_start3A_505 : memref<1x128xi32, #tpu.memory_space<vmem>> -> memref<128xi32, #tpu.memory_space<vmem>>
      %dma_start3A_507 = arith.constant 0 : i32
      %dma_start3A_508 = arith.constant 0 : i32
      %dma_start3A_509 = tpu.memref_slice %arg2[%dma_start3A_507, %dma_start3A_508] : memref<10000x16xbf16, #tpu.memory_space<hbm>> -> memref<10000x16xbf16, #tpu.memory_space<hbm>>
      %dma_start3A_510 = tpu.memref_slice %arg11[%dma_start3A_500] : memref<6x!tpu.dma_semaphore, #tpu.memory_space<semaphore_mem>> -> memref<1x!tpu.dma_semaphore, #tpu.memory_space<semaphore_mem>>
      %dma_start3A_511 = tpu.memref_squeeze %dma_start3A_510 : memref<1x!tpu.dma_semaphore, #tpu.memory_space<semaphore_mem>> -> memref<!tpu.dma_semaphore, #tpu.memory_space<semaphore_mem>>
      tpu.enqueue_indirect_dma source(%dma_start3A_509 : memref<10000x16xbf16, #tpu.memory_space<hbm>>) target(%dma_start3A_503 : memref<128x16xbf16, #tpu.memory_space<vmem>>) offsets(%dma_start3A_506 : memref<128xi32, #tpu.memory_space<vmem>>) semaphore(%dma_start3A_511 : memref<!tpu.dma_semaphore, #tpu.memory_space<semaphore_mem>>)
      %mul3A_512 = arith.constant 6 : i32
      %mul3A_513 = arith.muli %mul3A_431, %mul3A_512 : i32
      %add3A_514 = arith.constant 5 : i32
      %add3A_515 = arith.addi %mul3A_513, %add3A_514 : i32
      %dma_start3A_516 = arith.constant 5 : i32
      %dma_start3A_517 = arith.constant 640 : i32
      %dma_start3A_518 = arith.constant 0 : i32
      %dma_start3A_519 = tpu.memref_slice %arg7[%dma_start3A_517, %dma_start3A_518] : memref<768x16xbf16, #tpu.memory_space<vmem>> -> memref<128x16xbf16, #tpu.memory_space<vmem>>
      %dma_start3A_520 = arith.constant 0 : i32
      %dma_start3A_521 = tpu.memref_slice %arg5[%add3A_515, %dma_start3A_520] : memref<79x128xi32, #tpu.memory_space<vmem>> -> memref<1x128xi32, #tpu.memory_space<vmem>>
      %dma_start3A_522 = tpu.memref_squeeze %dma_start3A_521 : memref<1x128xi32, #tpu.memory_space<vmem>> -> memref<128xi32, #tpu.memory_space<vmem>>
      %dma_start3A_523 = arith.constant 0 : i32
      %dma_start3A_524 = arith.constant 0 : i32
      %dma_start3A_525 = tpu.memref_slice %arg2[%dma_start3A_523, %dma_start3A_524] : memref<10000x16xbf16, #tpu.memory_space<hbm>> -> memref<10000x16xbf16, #tpu.memory_space<hbm>>
      %dma_start3A_526 = tpu.memref_slice %arg11[%dma_start3A_516] : memref<6x!tpu.dma_semaphore, #tpu.memory_space<semaphore_mem>> -> memref<1x!tpu.dma_semaphore, #tpu.memory_space<semaphore_mem>>
      %dma_start3A_527 = tpu.memref_squeeze %dma_start3A_526 : memref<1x!tpu.dma_semaphore, #tpu.memory_space<semaphore_mem>> -> memref<!tpu.dma_semaphore, #tpu.memory_space<semaphore_mem>>
      tpu.enqueue_indirect_dma source(%dma_start3A_525 : memref<10000x16xbf16, #tpu.memory_space<hbm>>) target(%dma_start3A_519 : memref<128x16xbf16, #tpu.memory_space<vmem>>) offsets(%dma_start3A_522 : memref<128xi32, #tpu.memory_space<vmem>>) semaphore(%dma_start3A_527 : memref<!tpu.dma_semaphore, #tpu.memory_space<semaphore_mem>>)
      %dma_wait3A_528 = arith.constant 0 : i32
      %dma_wait3A_529 = arith.constant 0 : i32
      %dma_wait3A_530 = arith.constant 0 : i32
      %dma_wait3A_531 = tpu.memref_slice %arg7[%dma_wait3A_529, %dma_wait3A_530] : memref<768x16xbf16, #tpu.memory_space<vmem>> -> memref<128x16xbf16, #tpu.memory_space<vmem>>
      %dma_wait3A_532 = arith.constant 0 : i32
      %dma_wait3A_533 = tpu.memref_slice %arg5[%add3A_435, %dma_wait3A_532] : memref<79x128xi32, #tpu.memory_space<vmem>> -> memref<1x128xi32, #tpu.memory_space<vmem>>
      %dma_wait3A_534 = tpu.memref_squeeze %dma_wait3A_533 : memref<1x128xi32, #tpu.memory_space<vmem>> -> memref<128xi32, #tpu.memory_space<vmem>>
      %dma_wait3A_535 = arith.constant 0 : i32
      %dma_wait3A_536 = arith.constant 0 : i32
      %dma_wait3A_537 = tpu.memref_slice %arg2[%dma_wait3A_535, %dma_wait3A_536] : memref<10000x16xbf16, #tpu.memory_space<hbm>> -> memref<10000x16xbf16, #tpu.memory_space<hbm>>
      %dma_wait3A_538 = tpu.memref_slice %arg11[%dma_wait3A_528] : memref<6x!tpu.dma_semaphore, #tpu.memory_space<semaphore_mem>> -> memref<1x!tpu.dma_semaphore, #tpu.memory_space<semaphore_mem>>
      %dma_wait3A_539 = tpu.memref_squeeze %dma_wait3A_538 : memref<1x!tpu.dma_semaphore, #tpu.memory_space<semaphore_mem>> -> memref<!tpu.dma_semaphore, #tpu.memory_space<semaphore_mem>>
      tpu.wait_indirect_dma semaphore(%dma_wait3A_539 : memref<!tpu.dma_semaphore, #tpu.memory_space<semaphore_mem>>) src(%dma_wait3A_537 : memref<10000x16xbf16, #tpu.memory_space<hbm>>) dst(%dma_wait3A_531 : memref<128x16xbf16, #tpu.memory_space<vmem>>)
      %mul3A_540 = arith.constant 6 : i32
      %mul3A_541 = arith.muli %mul3A_431, %mul3A_540 : i32
      %add3A_542 = arith.constant 0 : i32
      %add3A_543 = arith.addi %mul3A_541, %add3A_542 : i32
      %dma_start3A_544 = arith.constant 0 : i32
      %dma_start3A_545 = arith.constant 0 : i32
      %dma_start3A_546 = tpu.memref_slice %arg7[%dma_start3A_544, %dma_start3A_545] : memref<768x16xbf16, #tpu.memory_space<vmem>> -> memref<128x16xbf16, #tpu.memory_space<vmem>>
      %dma_start3A_547 = arith.constant 0 : i32
      %dma_start3A_548 = tpu.memref_slice %arg6[%add3A_543, %dma_start3A_547] : memref<79x128xi32, #tpu.memory_space<vmem>> -> memref<1x128xi32, #tpu.memory_space<vmem>>
      %dma_start3A_549 = tpu.memref_squeeze %dma_start3A_548 : memref<1x128xi32, #tpu.memory_space<vmem>> -> memref<128xi32, #tpu.memory_space<vmem>>
      %dma_start3A_550 = arith.constant 0 : i32
      %dma_start3A_551 = arith.constant 0 : i32
      %dma_start3A_552 = tpu.memref_slice %arg10[%dma_start3A_550, %dma_start3A_551] : memref<10112x16xbf16, #tpu.memory_space<vmem_shared>> -> memref<10112x16xbf16, #tpu.memory_space<vmem_shared>>
      tpu.enqueue_indirect_dma source(%dma_start3A_546 : memref<128x16xbf16, #tpu.memory_space<vmem>>) target(%dma_start3A_552 : memref<10112x16xbf16, #tpu.memory_space<vmem_shared>>) offsets(%dma_start3A_549 : memref<128xi32, #tpu.memory_space<vmem>>) semaphore(%arg12 : memref<!tpu.dma_semaphore, #tpu.memory_space<semaphore_mem>>) {add = true}
      %dma_wait3A_553 = arith.constant 1 : i32
      %dma_wait3A_554 = arith.constant 128 : i32
      %dma_wait3A_555 = arith.constant 0 : i32
      %dma_wait3A_556 = tpu.memref_slice %arg7[%dma_wait3A_554, %dma_wait3A_555] : memref<768x16xbf16, #tpu.memory_space<vmem>> -> memref<128x16xbf16, #tpu.memory_space<vmem>>
      %dma_wait3A_557 = arith.constant 0 : i32
      %dma_wait3A_558 = tpu.memref_slice %arg5[%add3A_451, %dma_wait3A_557] : memref<79x128xi32, #tpu.memory_space<vmem>> -> memref<1x128xi32, #tpu.memory_space<vmem>>
      %dma_wait3A_559 = tpu.memref_squeeze %dma_wait3A_558 : memref<1x128xi32, #tpu.memory_space<vmem>> -> memref<128xi32, #tpu.memory_space<vmem>>
      %dma_wait3A_560 = arith.constant 0 : i32
      %dma_wait3A_561 = arith.constant 0 : i32
      %dma_wait3A_562 = tpu.memref_slice %arg2[%dma_wait3A_560, %dma_wait3A_561] : memref<10000x16xbf16, #tpu.memory_space<hbm>> -> memref<10000x16xbf16, #tpu.memory_space<hbm>>
      %dma_wait3A_563 = tpu.memref_slice %arg11[%dma_wait3A_553] : memref<6x!tpu.dma_semaphore, #tpu.memory_space<semaphore_mem>> -> memref<1x!tpu.dma_semaphore, #tpu.memory_space<semaphore_mem>>
      %dma_wait3A_564 = tpu.memref_squeeze %dma_wait3A_563 : memref<1x!tpu.dma_semaphore, #tpu.memory_space<semaphore_mem>> -> memref<!tpu.dma_semaphore, #tpu.memory_space<semaphore_mem>>
      tpu.wait_indirect_dma semaphore(%dma_wait3A_564 : memref<!tpu.dma_semaphore, #tpu.memory_space<semaphore_mem>>) src(%dma_wait3A_562 : memref<10000x16xbf16, #tpu.memory_space<hbm>>) dst(%dma_wait3A_556 : memref<128x16xbf16, #tpu.memory_space<vmem>>)
      %mul3A_565 = arith.constant 6 : i32
      %mul3A_566 = arith.muli %mul3A_431, %mul3A_565 : i32
      %add3A_567 = arith.constant 1 : i32
      %add3A_568 = arith.addi %mul3A_566, %add3A_567 : i32
      %dma_start3A_569 = arith.constant 128 : i32
      %dma_start3A_570 = arith.constant 0 : i32
      %dma_start3A_571 = tpu.memref_slice %arg7[%dma_start3A_569, %dma_start3A_570] : memref<768x16xbf16, #tpu.memory_space<vmem>> -> memref<128x16xbf16, #tpu.memory_space<vmem>>
      %dma_start3A_572 = arith.constant 0 : i32
      %dma_start3A_573 = tpu.memref_slice %arg6[%add3A_568, %dma_start3A_572] : memref<79x128xi32, #tpu.memory_space<vmem>> -> memref<1x128xi32, #tpu.memory_space<vmem>>
      %dma_start3A_574 = tpu.memref_squeeze %dma_start3A_573 : memref<1x128xi32, #tpu.memory_space<vmem>> -> memref<128xi32, #tpu.memory_space<vmem>>
      %dma_start3A_575 = arith.constant 0 : i32
      %dma_start3A_576 = arith.constant 0 : i32
      %dma_start3A_577 = tpu.memref_slice %arg10[%dma_start3A_575, %dma_start3A_576] : memref<10112x16xbf16, #tpu.memory_space<vmem_shared>> -> memref<10112x16xbf16, #tpu.memory_space<vmem_shared>>
      tpu.enqueue_indirect_dma source(%dma_start3A_571 : memref<128x16xbf16, #tpu.memory_space<vmem>>) target(%dma_start3A_577 : memref<10112x16xbf16, #tpu.memory_space<vmem_shared>>) offsets(%dma_start3A_574 : memref<128xi32, #tpu.memory_space<vmem>>) semaphore(%arg12 : memref<!tpu.dma_semaphore, #tpu.memory_space<semaphore_mem>>) {add = true}
      %dma_wait3A_578 = arith.constant 2 : i32
      %dma_wait3A_579 = arith.constant 256 : i32
      %dma_wait3A_580 = arith.constant 0 : i32
      %dma_wait3A_581 = tpu.memref_slice %arg7[%dma_wait3A_579, %dma_wait3A_580] : memref<768x16xbf16, #tpu.memory_space<vmem>> -> memref<128x16xbf16, #tpu.memory_space<vmem>>
      %dma_wait3A_582 = arith.constant 0 : i32
      %dma_wait3A_583 = tpu.memref_slice %arg5[%add3A_467, %dma_wait3A_582] : memref<79x128xi32, #tpu.memory_space<vmem>> -> memref<1x128xi32, #tpu.memory_space<vmem>>
      %dma_wait3A_584 = tpu.memref_squeeze %dma_wait3A_583 : memref<1x128xi32, #tpu.memory_space<vmem>> -> memref<128xi32, #tpu.memory_space<vmem>>
      %dma_wait3A_585 = arith.constant 0 : i32
      %dma_wait3A_586 = arith.constant 0 : i32
      %dma_wait3A_587 = tpu.memref_slice %arg2[%dma_wait3A_585, %dma_wait3A_586] : memref<10000x16xbf16, #tpu.memory_space<hbm>> -> memref<10000x16xbf16, #tpu.memory_space<hbm>>
      %dma_wait3A_588 = tpu.memref_slice %arg11[%dma_wait3A_578] : memref<6x!tpu.dma_semaphore, #tpu.memory_space<semaphore_mem>> -> memref<1x!tpu.dma_semaphore, #tpu.memory_space<semaphore_mem>>
      %dma_wait3A_589 = tpu.memref_squeeze %dma_wait3A_588 : memref<1x!tpu.dma_semaphore, #tpu.memory_space<semaphore_mem>> -> memref<!tpu.dma_semaphore, #tpu.memory_space<semaphore_mem>>
      tpu.wait_indirect_dma semaphore(%dma_wait3A_589 : memref<!tpu.dma_semaphore, #tpu.memory_space<semaphore_mem>>) src(%dma_wait3A_587 : memref<10000x16xbf16, #tpu.memory_space<hbm>>) dst(%dma_wait3A_581 : memref<128x16xbf16, #tpu.memory_space<vmem>>)
      %mul3A_590 = arith.constant 6 : i32
      %mul3A_591 = arith.muli %mul3A_431, %mul3A_590 : i32
      %add3A_592 = arith.constant 2 : i32
      %add3A_593 = arith.addi %mul3A_591, %add3A_592 : i32
      %dma_start3A_594 = arith.constant 256 : i32
      %dma_start3A_595 = arith.constant 0 : i32
      %dma_start3A_596 = tpu.memref_slice %arg7[%dma_start3A_594, %dma_start3A_595] : memref<768x16xbf16, #tpu.memory_space<vmem>> -> memref<128x16xbf16, #tpu.memory_space<vmem>>
      %dma_start3A_597 = arith.constant 0 : i32
      %dma_start3A_598 = tpu.memref_slice %arg6[%add3A_593, %dma_start3A_597] : memref<79x128xi32, #tpu.memory_space<vmem>> -> memref<1x128xi32, #tpu.memory_space<vmem>>
      %dma_start3A_599 = tpu.memref_squeeze %dma_start3A_598 : memref<1x128xi32, #tpu.memory_space<vmem>> -> memref<128xi32, #tpu.memory_space<vmem>>
      %dma_start3A_600 = arith.constant 0 : i32
      %dma_start3A_601 = arith.constant 0 : i32
      %dma_start3A_602 = tpu.memref_slice %arg10[%dma_start3A_600, %dma_start3A_601] : memref<10112x16xbf16, #tpu.memory_space<vmem_shared>> -> memref<10112x16xbf16, #tpu.memory_space<vmem_shared>>
      tpu.enqueue_indirect_dma source(%dma_start3A_596 : memref<128x16xbf16, #tpu.memory_space<vmem>>) target(%dma_start3A_602 : memref<10112x16xbf16, #tpu.memory_space<vmem_shared>>) offsets(%dma_start3A_599 : memref<128xi32, #tpu.memory_space<vmem>>) semaphore(%arg12 : memref<!tpu.dma_semaphore, #tpu.memory_space<semaphore_mem>>) {add = true}
      %dma_wait3A_603 = arith.constant 3 : i32
      %dma_wait3A_604 = arith.constant 384 : i32
      %dma_wait3A_605 = arith.constant 0 : i32
      %dma_wait3A_606 = tpu.memref_slice %arg7[%dma_wait3A_604, %dma_wait3A_605] : memref<768x16xbf16, #tpu.memory_space<vmem>> -> memref<128x16xbf16, #tpu.memory_space<vmem>>
      %dma_wait3A_607 = arith.constant 0 : i32
      %dma_wait3A_608 = tpu.memref_slice %arg5[%add3A_483, %dma_wait3A_607] : memref<79x128xi32, #tpu.memory_space<vmem>> -> memref<1x128xi32, #tpu.memory_space<vmem>>
      %dma_wait3A_609 = tpu.memref_squeeze %dma_wait3A_608 : memref<1x128xi32, #tpu.memory_space<vmem>> -> memref<128xi32, #tpu.memory_space<vmem>>
      %dma_wait3A_610 = arith.constant 0 : i32
      %dma_wait3A_611 = arith.constant 0 : i32
      %dma_wait3A_612 = tpu.memref_slice %arg2[%dma_wait3A_610, %dma_wait3A_611] : memref<10000x16xbf16, #tpu.memory_space<hbm>> -> memref<10000x16xbf16, #tpu.memory_space<hbm>>
      %dma_wait3A_613 = tpu.memref_slice %arg11[%dma_wait3A_603] : memref<6x!tpu.dma_semaphore, #tpu.memory_space<semaphore_mem>> -> memref<1x!tpu.dma_semaphore, #tpu.memory_space<semaphore_mem>>
      %dma_wait3A_614 = tpu.memref_squeeze %dma_wait3A_613 : memref<1x!tpu.dma_semaphore, #tpu.memory_space<semaphore_mem>> -> memref<!tpu.dma_semaphore, #tpu.memory_space<semaphore_mem>>
      tpu.wait_indirect_dma semaphore(%dma_wait3A_614 : memref<!tpu.dma_semaphore, #tpu.memory_space<semaphore_mem>>) src(%dma_wait3A_612 : memref<10000x16xbf16, #tpu.memory_space<hbm>>) dst(%dma_wait3A_606 : memref<128x16xbf16, #tpu.memory_space<vmem>>)
      %mul3A_615 = arith.constant 6 : i32
      %mul3A_616 = arith.muli %mul3A_431, %mul3A_615 : i32
      %add3A_617 = arith.constant 3 : i32
      %add3A_618 = arith.addi %mul3A_616, %add3A_617 : i32
      %dma_start3A_619 = arith.constant 384 : i32
      %dma_start3A_620 = arith.constant 0 : i32
      %dma_start3A_621 = tpu.memref_slice %arg7[%dma_start3A_619, %dma_start3A_620] : memref<768x16xbf16, #tpu.memory_space<vmem>> -> memref<128x16xbf16, #tpu.memory_space<vmem>>
      %dma_start3A_622 = arith.constant 0 : i32
      %dma_start3A_623 = tpu.memref_slice %arg6[%add3A_618, %dma_start3A_622] : memref<79x128xi32, #tpu.memory_space<vmem>> -> memref<1x128xi32, #tpu.memory_space<vmem>>
      %dma_start3A_624 = tpu.memref_squeeze %dma_start3A_623 : memref<1x128xi32, #tpu.memory_space<vmem>> -> memref<128xi32, #tpu.memory_space<vmem>>
      %dma_start3A_625 = arith.constant 0 : i32
      %dma_start3A_626 = arith.constant 0 : i32
      %dma_start3A_627 = tpu.memref_slice %arg10[%dma_start3A_625, %dma_start3A_626] : memref<10112x16xbf16, #tpu.memory_space<vmem_shared>> -> memref<10112x16xbf16, #tpu.memory_space<vmem_shared>>
      tpu.enqueue_indirect_dma source(%dma_start3A_621 : memref<128x16xbf16, #tpu.memory_space<vmem>>) target(%dma_start3A_627 : memref<10112x16xbf16, #tpu.memory_space<vmem_shared>>) offsets(%dma_start3A_624 : memref<128xi32, #tpu.memory_space<vmem>>) semaphore(%arg12 : memref<!tpu.dma_semaphore, #tpu.memory_space<semaphore_mem>>) {add = true}
      %dma_wait3A_628 = arith.constant 4 : i32
      %dma_wait3A_629 = arith.constant 512 : i32
      %dma_wait3A_630 = arith.constant 0 : i32
      %dma_wait3A_631 = tpu.memref_slice %arg7[%dma_wait3A_629, %dma_wait3A_630] : memref<768x16xbf16, #tpu.memory_space<vmem>> -> memref<128x16xbf16, #tpu.memory_space<vmem>>
      %dma_wait3A_632 = arith.constant 0 : i32
      %dma_wait3A_633 = tpu.memref_slice %arg5[%add3A_499, %dma_wait3A_632] : memref<79x128xi32, #tpu.memory_space<vmem>> -> memref<1x128xi32, #tpu.memory_space<vmem>>
      %dma_wait3A_634 = tpu.memref_squeeze %dma_wait3A_633 : memref<1x128xi32, #tpu.memory_space<vmem>> -> memref<128xi32, #tpu.memory_space<vmem>>
      %dma_wait3A_635 = arith.constant 0 : i32
      %dma_wait3A_636 = arith.constant 0 : i32
      %dma_wait3A_637 = tpu.memref_slice %arg2[%dma_wait3A_635, %dma_wait3A_636] : memref<10000x16xbf16, #tpu.memory_space<hbm>> -> memref<10000x16xbf16, #tpu.memory_space<hbm>>
      %dma_wait3A_638 = tpu.memref_slice %arg11[%dma_wait3A_628] : memref<6x!tpu.dma_semaphore, #tpu.memory_space<semaphore_mem>> -> memref<1x!tpu.dma_semaphore, #tpu.memory_space<semaphore_mem>>
      %dma_wait3A_639 = tpu.memref_squeeze %dma_wait3A_638 : memref<1x!tpu.dma_semaphore, #tpu.memory_space<semaphore_mem>> -> memref<!tpu.dma_semaphore, #tpu.memory_space<semaphore_mem>>
      tpu.wait_indirect_dma semaphore(%dma_wait3A_639 : memref<!tpu.dma_semaphore, #tpu.memory_space<semaphore_mem>>) src(%dma_wait3A_637 : memref<10000x16xbf16, #tpu.memory_space<hbm>>) dst(%dma_wait3A_631 : memref<128x16xbf16, #tpu.memory_space<vmem>>)
      %mul3A_640 = arith.constant 6 : i32
      %mul3A_641 = arith.muli %mul3A_431, %mul3A_640 : i32
      %add3A_642 = arith.constant 4 : i32
      %add3A_643 = arith.addi %mul3A_641, %add3A_642 : i32
      %dma_start3A_644 = arith.constant 512 : i32
      %dma_start3A_645 = arith.constant 0 : i32
      %dma_start3A_646 = tpu.memref_slice %arg7[%dma_start3A_644, %dma_start3A_645] : memref<768x16xbf16, #tpu.memory_space<vmem>> -> memref<128x16xbf16, #tpu.memory_space<vmem>>
      %dma_start3A_647 = arith.constant 0 : i32
      %dma_start3A_648 = tpu.memref_slice %arg6[%add3A_643, %dma_start3A_647] : memref<79x128xi32, #tpu.memory_space<vmem>> -> memref<1x128xi32, #tpu.memory_space<vmem>>
      %dma_start3A_649 = tpu.memref_squeeze %dma_start3A_648 : memref<1x128xi32, #tpu.memory_space<vmem>> -> memref<128xi32, #tpu.memory_space<vmem>>
      %dma_start3A_650 = arith.constant 0 : i32
      %dma_start3A_651 = arith.constant 0 : i32
      %dma_start3A_652 = tpu.memref_slice %arg10[%dma_start3A_650, %dma_start3A_651] : memref<10112x16xbf16, #tpu.memory_space<vmem_shared>> -> memref<10112x16xbf16, #tpu.memory_space<vmem_shared>>
      tpu.enqueue_indirect_dma source(%dma_start3A_646 : memref<128x16xbf16, #tpu.memory_space<vmem>>) target(%dma_start3A_652 : memref<10112x16xbf16, #tpu.memory_space<vmem_shared>>) offsets(%dma_start3A_649 : memref<128xi32, #tpu.memory_space<vmem>>) semaphore(%arg12 : memref<!tpu.dma_semaphore, #tpu.memory_space<semaphore_mem>>) {add = true}
      %dma_wait3A_653 = arith.constant 5 : i32
      %dma_wait3A_654 = arith.constant 640 : i32
      %dma_wait3A_655 = arith.constant 0 : i32
      %dma_wait3A_656 = tpu.memref_slice %arg7[%dma_wait3A_654, %dma_wait3A_655] : memref<768x16xbf16, #tpu.memory_space<vmem>> -> memref<128x16xbf16, #tpu.memory_space<vmem>>
      %dma_wait3A_657 = arith.constant 0 : i32
      %dma_wait3A_658 = tpu.memref_slice %arg5[%add3A_515, %dma_wait3A_657] : memref<79x128xi32, #tpu.memory_space<vmem>> -> memref<1x128xi32, #tpu.memory_space<vmem>>
      %dma_wait3A_659 = tpu.memref_squeeze %dma_wait3A_658 : memref<1x128xi32, #tpu.memory_space<vmem>> -> memref<128xi32, #tpu.memory_space<vmem>>
      %dma_wait3A_660 = arith.constant 0 : i32
      %dma_wait3A_661 = arith.constant 0 : i32
      %dma_wait3A_662 = tpu.memref_slice %arg2[%dma_wait3A_660, %dma_wait3A_661] : memref<10000x16xbf16, #tpu.memory_space<hbm>> -> memref<10000x16xbf16, #tpu.memory_space<hbm>>
      %dma_wait3A_663 = tpu.memref_slice %arg11[%dma_wait3A_653] : memref<6x!tpu.dma_semaphore, #tpu.memory_space<semaphore_mem>> -> memref<1x!tpu.dma_semaphore, #tpu.memory_space<semaphore_mem>>
      %dma_wait3A_664 = tpu.memref_squeeze %dma_wait3A_663 : memref<1x!tpu.dma_semaphore, #tpu.memory_space<semaphore_mem>> -> memref<!tpu.dma_semaphore, #tpu.memory_space<semaphore_mem>>
      tpu.wait_indirect_dma semaphore(%dma_wait3A_664 : memref<!tpu.dma_semaphore, #tpu.memory_space<semaphore_mem>>) src(%dma_wait3A_662 : memref<10000x16xbf16, #tpu.memory_space<hbm>>) dst(%dma_wait3A_656 : memref<128x16xbf16, #tpu.memory_space<vmem>>)
      %mul3A_665 = arith.constant 6 : i32
      %mul3A_666 = arith.muli %mul3A_431, %mul3A_665 : i32
      %add3A_667 = arith.constant 5 : i32
      %add3A_668 = arith.addi %mul3A_666, %add3A_667 : i32
      %dma_start3A_669 = arith.constant 640 : i32
      %dma_start3A_670 = arith.constant 0 : i32
      %dma_start3A_671 = tpu.memref_slice %arg7[%dma_start3A_669, %dma_start3A_670] : memref<768x16xbf16, #tpu.memory_space<vmem>> -> memref<128x16xbf16, #tpu.memory_space<vmem>>
      %dma_start3A_672 = arith.constant 0 : i32
      %dma_start3A_673 = tpu.memref_slice %arg6[%add3A_668, %dma_start3A_672] : memref<79x128xi32, #tpu.memory_space<vmem>> -> memref<1x128xi32, #tpu.memory_space<vmem>>
      %dma_start3A_674 = tpu.memref_squeeze %dma_start3A_673 : memref<1x128xi32, #tpu.memory_space<vmem>> -> memref<128xi32, #tpu.memory_space<vmem>>
      %dma_start3A_675 = arith.constant 0 : i32
      %dma_start3A_676 = arith.constant 0 : i32
      %dma_start3A_677 = tpu.memref_slice %arg10[%dma_start3A_675, %dma_start3A_676] : memref<10112x16xbf16, #tpu.memory_space<vmem_shared>> -> memref<10112x16xbf16, #tpu.memory_space<vmem_shared>>
      tpu.enqueue_indirect_dma source(%dma_start3A_671 : memref<128x16xbf16, #tpu.memory_space<vmem>>) target(%dma_start3A_677 : memref<10112x16xbf16, #tpu.memory_space<vmem_shared>>) offsets(%dma_start3A_674 : memref<128xi32, #tpu.memory_space<vmem>>) semaphore(%arg12 : memref<!tpu.dma_semaphore, #tpu.memory_space<semaphore_mem>>) {add = true}
      %gt3A_678 = arith.constant 0 : i32
      %gt3A_679 = arith.cmpi sgt, %scan3A_425, %gt3A_678 : i32
      %convert_element_type3A_680 = arith.extui %gt3A_679 : i1 to i32
      %cond3A_681 = arith.constant 0 : i32
      %cond3A_682 = arith.cmpi ne, %convert_element_type3A_680, %cond3A_681 : i32
      scf.if %cond3A_682 {
        %dma_wait3A_933 = arith.constant 0 : i32
        %dma_wait3A_934 = arith.constant 0 : i32
        %dma_wait3A_935 = arith.constant 0 : i32
        %dma_wait3A_936 = tpu.memref_slice %arg8[%dma_wait3A_934, %dma_wait3A_935] : memref<768x16xbf16, #tpu.memory_space<vmem>> -> memref<128x16xbf16, #tpu.memory_space<vmem>>
        %dma_wait3A_937 = arith.constant 0 : i32
        %dma_wait3A_938 = tpu.memref_slice %arg6[%dma_wait3A_933, %dma_wait3A_937] : memref<79x128xi32, #tpu.memory_space<vmem>> -> memref<1x128xi32, #tpu.memory_space<vmem>>
        %dma_wait3A_939 = tpu.memref_squeeze %dma_wait3A_938 : memref<1x128xi32, #tpu.memory_space<vmem>> -> memref<128xi32, #tpu.memory_space<vmem>>
        %dma_wait3A_940 = arith.constant 0 : i32
        %dma_wait3A_941 = arith.constant 0 : i32
        %dma_wait3A_942 = tpu.memref_slice %arg10[%dma_wait3A_940, %dma_wait3A_941] : memref<10112x16xbf16, #tpu.memory_space<vmem_shared>> -> memref<10112x16xbf16, #tpu.memory_space<vmem_shared>>
        tpu.wait_indirect_dma semaphore(%arg13 : memref<!tpu.dma_semaphore, #tpu.memory_space<semaphore_mem>>) src(%dma_wait3A_936 : memref<128x16xbf16, #tpu.memory_space<vmem>>) dst(%dma_wait3A_942 : memref<10112x16xbf16, #tpu.memory_space<vmem_shared>>)
        %dma_wait3A_943 = arith.constant 0 : i32
        %dma_wait3A_944 = arith.constant 128 : i32
        %dma_wait3A_945 = arith.constant 0 : i32
        %dma_wait3A_946 = tpu.memref_slice %arg8[%dma_wait3A_944, %dma_wait3A_945] : memref<768x16xbf16, #tpu.memory_space<vmem>> -> memref<128x16xbf16, #tpu.memory_space<vmem>>
        %dma_wait3A_947 = arith.constant 0 : i32
        %dma_wait3A_948 = tpu.memref_slice %arg6[%dma_wait3A_943, %dma_wait3A_947] : memref<79x128xi32, #tpu.memory_space<vmem>> -> memref<1x128xi32, #tpu.memory_space<vmem>>
        %dma_wait3A_949 = tpu.memref_squeeze %dma_wait3A_948 : memref<1x128xi32, #tpu.memory_space<vmem>> -> memref<128xi32, #tpu.memory_space<vmem>>
        %dma_wait3A_950 = arith.constant 0 : i32
        %dma_wait3A_951 = arith.constant 0 : i32
        %dma_wait3A_952 = tpu.memref_slice %arg10[%dma_wait3A_950, %dma_wait3A_951] : memref<10112x16xbf16, #tpu.memory_space<vmem_shared>> -> memref<10112x16xbf16, #tpu.memory_space<vmem_shared>>
        tpu.wait_indirect_dma semaphore(%arg13 : memref<!tpu.dma_semaphore, #tpu.memory_space<semaphore_mem>>) src(%dma_wait3A_946 : memref<128x16xbf16, #tpu.memory_space<vmem>>) dst(%dma_wait3A_952 : memref<10112x16xbf16, #tpu.memory_space<vmem_shared>>)
        %dma_wait3A_953 = arith.constant 0 : i32
        %dma_wait3A_954 = arith.constant 256 : i32
        %dma_wait3A_955 = arith.constant 0 : i32
        %dma_wait3A_956 = tpu.memref_slice %arg8[%dma_wait3A_954, %dma_wait3A_955] : memref<768x16xbf16, #tpu.memory_space<vmem>> -> memref<128x16xbf16, #tpu.memory_space<vmem>>
        %dma_wait3A_957 = arith.constant 0 : i32
        %dma_wait3A_958 = tpu.memref_slice %arg6[%dma_wait3A_953, %dma_wait3A_957] : memref<79x128xi32, #tpu.memory_space<vmem>> -> memref<1x128xi32, #tpu.memory_space<vmem>>
        %dma_wait3A_959 = tpu.memref_squeeze %dma_wait3A_958 : memref<1x128xi32, #tpu.memory_space<vmem>> -> memref<128xi32, #tpu.memory_space<vmem>>
        %dma_wait3A_960 = arith.constant 0 : i32
        %dma_wait3A_961 = arith.constant 0 : i32
        %dma_wait3A_962 = tpu.memref_slice %arg10[%dma_wait3A_960, %dma_wait3A_961] : memref<10112x16xbf16, #tpu.memory_space<vmem_shared>> -> memref<10112x16xbf16, #tpu.memory_space<vmem_shared>>
        tpu.wait_indirect_dma semaphore(%arg13 : memref<!tpu.dma_semaphore, #tpu.memory_space<semaphore_mem>>) src(%dma_wait3A_956 : memref<128x16xbf16, #tpu.memory_space<vmem>>) dst(%dma_wait3A_962 : memref<10112x16xbf16, #tpu.memory_space<vmem_shared>>)
        %dma_wait3A_963 = arith.constant 0 : i32
        %dma_wait3A_964 = arith.constant 384 : i32
        %dma_wait3A_965 = arith.constant 0 : i32
        %dma_wait3A_966 = tpu.memref_slice %arg8[%dma_wait3A_964, %dma_wait3A_965] : memref<768x16xbf16, #tpu.memory_space<vmem>> -> memref<128x16xbf16, #tpu.memory_space<vmem>>
        %dma_wait3A_967 = arith.constant 0 : i32
        %dma_wait3A_968 = tpu.memref_slice %arg6[%dma_wait3A_963, %dma_wait3A_967] : memref<79x128xi32, #tpu.memory_space<vmem>> -> memref<1x128xi32, #tpu.memory_space<vmem>>
        %dma_wait3A_969 = tpu.memref_squeeze %dma_wait3A_968 : memref<1x128xi32, #tpu.memory_space<vmem>> -> memref<128xi32, #tpu.memory_space<vmem>>
        %dma_wait3A_970 = arith.constant 0 : i32
        %dma_wait3A_971 = arith.constant 0 : i32
        %dma_wait3A_972 = tpu.memref_slice %arg10[%dma_wait3A_970, %dma_wait3A_971] : memref<10112x16xbf16, #tpu.memory_space<vmem_shared>> -> memref<10112x16xbf16, #tpu.memory_space<vmem_shared>>
        tpu.wait_indirect_dma semaphore(%arg13 : memref<!tpu.dma_semaphore, #tpu.memory_space<semaphore_mem>>) src(%dma_wait3A_966 : memref<128x16xbf16, #tpu.memory_space<vmem>>) dst(%dma_wait3A_972 : memref<10112x16xbf16, #tpu.memory_space<vmem_shared>>)
        %dma_wait3A_973 = arith.constant 0 : i32
        %dma_wait3A_974 = arith.constant 512 : i32
        %dma_wait3A_975 = arith.constant 0 : i32
        %dma_wait3A_976 = tpu.memref_slice %arg8[%dma_wait3A_974, %dma_wait3A_975] : memref<768x16xbf16, #tpu.memory_space<vmem>> -> memref<128x16xbf16, #tpu.memory_space<vmem>>
        %dma_wait3A_977 = arith.constant 0 : i32
        %dma_wait3A_978 = tpu.memref_slice %arg6[%dma_wait3A_973, %dma_wait3A_977] : memref<79x128xi32, #tpu.memory_space<vmem>> -> memref<1x128xi32, #tpu.memory_space<vmem>>
        %dma_wait3A_979 = tpu.memref_squeeze %dma_wait3A_978 : memref<1x128xi32, #tpu.memory_space<vmem>> -> memref<128xi32, #tpu.memory_space<vmem>>
        %dma_wait3A_980 = arith.constant 0 : i32
        %dma_wait3A_981 = arith.constant 0 : i32
        %dma_wait3A_982 = tpu.memref_slice %arg10[%dma_wait3A_980, %dma_wait3A_981] : memref<10112x16xbf16, #tpu.memory_space<vmem_shared>> -> memref<10112x16xbf16, #tpu.memory_space<vmem_shared>>
        tpu.wait_indirect_dma semaphore(%arg13 : memref<!tpu.dma_semaphore, #tpu.memory_space<semaphore_mem>>) src(%dma_wait3A_976 : memref<128x16xbf16, #tpu.memory_space<vmem>>) dst(%dma_wait3A_982 : memref<10112x16xbf16, #tpu.memory_space<vmem_shared>>)
        %dma_wait3A_983 = arith.constant 0 : i32
        %dma_wait3A_984 = arith.constant 640 : i32
        %dma_wait3A_985 = arith.constant 0 : i32
        %dma_wait3A_986 = tpu.memref_slice %arg8[%dma_wait3A_984, %dma_wait3A_985] : memref<768x16xbf16, #tpu.memory_space<vmem>> -> memref<128x16xbf16, #tpu.memory_space<vmem>>
        %dma_wait3A_987 = arith.constant 0 : i32
        %dma_wait3A_988 = tpu.memref_slice %arg6[%dma_wait3A_983, %dma_wait3A_987] : memref<79x128xi32, #tpu.memory_space<vmem>> -> memref<1x128xi32, #tpu.memory_space<vmem>>
        %dma_wait3A_989 = tpu.memref_squeeze %dma_wait3A_988 : memref<1x128xi32, #tpu.memory_space<vmem>> -> memref<128xi32, #tpu.memory_space<vmem>>
        %dma_wait3A_990 = arith.constant 0 : i32
        %dma_wait3A_991 = arith.constant 0 : i32
        %dma_wait3A_992 = tpu.memref_slice %arg10[%dma_wait3A_990, %dma_wait3A_991] : memref<10112x16xbf16, #tpu.memory_space<vmem_shared>> -> memref<10112x16xbf16, #tpu.memory_space<vmem_shared>>
        tpu.wait_indirect_dma semaphore(%arg13 : memref<!tpu.dma_semaphore, #tpu.memory_space<semaphore_mem>>) src(%dma_wait3A_986 : memref<128x16xbf16, #tpu.memory_space<vmem>>) dst(%dma_wait3A_992 : memref<10112x16xbf16, #tpu.memory_space<vmem_shared>>)
      } else {
      }
      %mul3A_683 = arith.constant 2 : i32
      %mul3A_684 = arith.muli %mul3A_683, %scan3A_425 : i32
      %add3A_685 = arith.constant 1 : i32
      %add3A_686 = arith.addi %mul3A_684, %add3A_685 : i32
      %mul3A_687 = arith.constant 6 : i32
      %mul3A_688 = arith.muli %add3A_686, %mul3A_687 : i32
      %add3A_689 = arith.constant 0 : i32
      %add3A_690 = arith.addi %mul3A_688, %add3A_689 : i32
      %dma_start3A_691 = arith.constant 0 : i32
      %dma_start3A_692 = arith.constant 0 : i32
      %dma_start3A_693 = arith.constant 0 : i32
      %dma_start3A_694 = tpu.memref_slice %arg8[%dma_start3A_692, %dma_start3A_693] : memref<768x16xbf16, #tpu.memory_space<vmem>> -> memref<128x16xbf16, #tpu.memory_space<vmem>>
      %dma_start3A_695 = arith.constant 0 : i32
      %dma_start3A_696 = tpu.memref_slice %arg5[%add3A_690, %dma_start3A_695] : memref<79x128xi32, #tpu.memory_space<vmem>> -> memref<1x128xi32, #tpu.memory_space<vmem>>
      %dma_start3A_697 = tpu.memref_squeeze %dma_start3A_696 : memref<1x128xi32, #tpu.memory_space<vmem>> -> memref<128xi32, #tpu.memory_space<vmem>>
      %dma_start3A_698 = arith.constant 0 : i32
      %dma_start3A_699 = arith.constant 0 : i32
      %dma_start3A_700 = tpu.memref_slice %arg2[%dma_start3A_698, %dma_start3A_699] : memref<10000x16xbf16, #tpu.memory_space<hbm>> -> memref<10000x16xbf16, #tpu.memory_space<hbm>>
      %dma_start3A_701 = tpu.memref_slice %arg11[%dma_start3A_691] : memref<6x!tpu.dma_semaphore, #tpu.memory_space<semaphore_mem>> -> memref<1x!tpu.dma_semaphore, #tpu.memory_space<semaphore_mem>>
      %dma_start3A_702 = tpu.memref_squeeze %dma_start3A_701 : memref<1x!tpu.dma_semaphore, #tpu.memory_space<semaphore_mem>> -> memref<!tpu.dma_semaphore, #tpu.memory_space<semaphore_mem>>
      tpu.enqueue_indirect_dma source(%dma_start3A_700 : memref<10000x16xbf16, #tpu.memory_space<hbm>>) target(%dma_start3A_694 : memref<128x16xbf16, #tpu.memory_space<vmem>>) offsets(%dma_start3A_697 : memref<128xi32, #tpu.memory_space<vmem>>) semaphore(%dma_start3A_702 : memref<!tpu.dma_semaphore, #tpu.memory_space<semaphore_mem>>)
      %mul3A_703 = arith.constant 6 : i32
      %mul3A_704 = arith.muli %add3A_686, %mul3A_703 : i32
      %add3A_705 = arith.constant 1 : i32
      %add3A_706 = arith.addi %mul3A_704, %add3A_705 : i32
      %dma_start3A_707 = arith.constant 1 : i32
      %dma_start3A_708 = arith.constant 128 : i32
      %dma_start3A_709 = arith.constant 0 : i32
      %dma_start3A_710 = tpu.memref_slice %arg8[%dma_start3A_708, %dma_start3A_709] : memref<768x16xbf16, #tpu.memory_space<vmem>> -> memref<128x16xbf16, #tpu.memory_space<vmem>>
      %dma_start3A_711 = arith.constant 0 : i32
      %dma_start3A_712 = tpu.memref_slice %arg5[%add3A_706, %dma_start3A_711] : memref<79x128xi32, #tpu.memory_space<vmem>> -> memref<1x128xi32, #tpu.memory_space<vmem>>
      %dma_start3A_713 = tpu.memref_squeeze %dma_start3A_712 : memref<1x128xi32, #tpu.memory_space<vmem>> -> memref<128xi32, #tpu.memory_space<vmem>>
      %dma_start3A_714 = arith.constant 0 : i32
      %dma_start3A_715 = arith.constant 0 : i32
      %dma_start3A_716 = tpu.memref_slice %arg2[%dma_start3A_714, %dma_start3A_715] : memref<10000x16xbf16, #tpu.memory_space<hbm>> -> memref<10000x16xbf16, #tpu.memory_space<hbm>>
      %dma_start3A_717 = tpu.memref_slice %arg11[%dma_start3A_707] : memref<6x!tpu.dma_semaphore, #tpu.memory_space<semaphore_mem>> -> memref<1x!tpu.dma_semaphore, #tpu.memory_space<semaphore_mem>>
      %dma_start3A_718 = tpu.memref_squeeze %dma_start3A_717 : memref<1x!tpu.dma_semaphore, #tpu.memory_space<semaphore_mem>> -> memref<!tpu.dma_semaphore, #tpu.memory_space<semaphore_mem>>
      tpu.enqueue_indirect_dma source(%dma_start3A_716 : memref<10000x16xbf16, #tpu.memory_space<hbm>>) target(%dma_start3A_710 : memref<128x16xbf16, #tpu.memory_space<vmem>>) offsets(%dma_start3A_713 : memref<128xi32, #tpu.memory_space<vmem>>) semaphore(%dma_start3A_718 : memref<!tpu.dma_semaphore, #tpu.memory_space<semaphore_mem>>)
      %mul3A_719 = arith.constant 6 : i32
      %mul3A_720 = arith.muli %add3A_686, %mul3A_719 : i32
      %add3A_721 = arith.constant 2 : i32
      %add3A_722 = arith.addi %mul3A_720, %add3A_721 : i32
      %dma_start3A_723 = arith.constant 2 : i32
      %dma_start3A_724 = arith.constant 256 : i32
      %dma_start3A_725 = arith.constant 0 : i32
      %dma_start3A_726 = tpu.memref_slice %arg8[%dma_start3A_724, %dma_start3A_725] : memref<768x16xbf16, #tpu.memory_space<vmem>> -> memref<128x16xbf16, #tpu.memory_space<vmem>>
      %dma_start3A_727 = arith.constant 0 : i32
      %dma_start3A_728 = tpu.memref_slice %arg5[%add3A_722, %dma_start3A_727] : memref<79x128xi32, #tpu.memory_space<vmem>> -> memref<1x128xi32, #tpu.memory_space<vmem>>
      %dma_start3A_729 = tpu.memref_squeeze %dma_start3A_728 : memref<1x128xi32, #tpu.memory_space<vmem>> -> memref<128xi32, #tpu.memory_space<vmem>>
      %dma_start3A_730 = arith.constant 0 : i32
      %dma_start3A_731 = arith.constant 0 : i32
      %dma_start3A_732 = tpu.memref_slice %arg2[%dma_start3A_730, %dma_start3A_731] : memref<10000x16xbf16, #tpu.memory_space<hbm>> -> memref<10000x16xbf16, #tpu.memory_space<hbm>>
      %dma_start3A_733 = tpu.memref_slice %arg11[%dma_start3A_723] : memref<6x!tpu.dma_semaphore, #tpu.memory_space<semaphore_mem>> -> memref<1x!tpu.dma_semaphore, #tpu.memory_space<semaphore_mem>>
      %dma_start3A_734 = tpu.memref_squeeze %dma_start3A_733 : memref<1x!tpu.dma_semaphore, #tpu.memory_space<semaphore_mem>> -> memref<!tpu.dma_semaphore, #tpu.memory_space<semaphore_mem>>
      tpu.enqueue_indirect_dma source(%dma_start3A_732 : memref<10000x16xbf16, #tpu.memory_space<hbm>>) target(%dma_start3A_726 : memref<128x16xbf16, #tpu.memory_space<vmem>>) offsets(%dma_start3A_729 : memref<128xi32, #tpu.memory_space<vmem>>) semaphore(%dma_start3A_734 : memref<!tpu.dma_semaphore, #tpu.memory_space<semaphore_mem>>)
      %mul3A_735 = arith.constant 6 : i32
      %mul3A_736 = arith.muli %add3A_686, %mul3A_735 : i32
      %add3A_737 = arith.constant 3 : i32
      %add3A_738 = arith.addi %mul3A_736, %add3A_737 : i32
      %dma_start3A_739 = arith.constant 3 : i32
      %dma_start3A_740 = arith.constant 384 : i32
      %dma_start3A_741 = arith.constant 0 : i32
      %dma_start3A_742 = tpu.memref_slice %arg8[%dma_start3A_740, %dma_start3A_741] : memref<768x16xbf16, #tpu.memory_space<vmem>> -> memref<128x16xbf16, #tpu.memory_space<vmem>>
      %dma_start3A_743 = arith.constant 0 : i32
      %dma_start3A_744 = tpu.memref_slice %arg5[%add3A_738, %dma_start3A_743] : memref<79x128xi32, #tpu.memory_space<vmem>> -> memref<1x128xi32, #tpu.memory_space<vmem>>
      %dma_start3A_745 = tpu.memref_squeeze %dma_start3A_744 : memref<1x128xi32, #tpu.memory_space<vmem>> -> memref<128xi32, #tpu.memory_space<vmem>>
      %dma_start3A_746 = arith.constant 0 : i32
      %dma_start3A_747 = arith.constant 0 : i32
      %dma_start3A_748 = tpu.memref_slice %arg2[%dma_start3A_746, %dma_start3A_747] : memref<10000x16xbf16, #tpu.memory_space<hbm>> -> memref<10000x16xbf16, #tpu.memory_space<hbm>>
      %dma_start3A_749 = tpu.memref_slice %arg11[%dma_start3A_739] : memref<6x!tpu.dma_semaphore, #tpu.memory_space<semaphore_mem>> -> memref<1x!tpu.dma_semaphore, #tpu.memory_space<semaphore_mem>>
      %dma_start3A_750 = tpu.memref_squeeze %dma_start3A_749 : memref<1x!tpu.dma_semaphore, #tpu.memory_space<semaphore_mem>> -> memref<!tpu.dma_semaphore, #tpu.memory_space<semaphore_mem>>
      tpu.enqueue_indirect_dma source(%dma_start3A_748 : memref<10000x16xbf16, #tpu.memory_space<hbm>>) target(%dma_start3A_742 : memref<128x16xbf16, #tpu.memory_space<vmem>>) offsets(%dma_start3A_745 : memref<128xi32, #tpu.memory_space<vmem>>) semaphore(%dma_start3A_750 : memref<!tpu.dma_semaphore, #tpu.memory_space<semaphore_mem>>)
      %mul3A_751 = arith.constant 6 : i32
      %mul3A_752 = arith.muli %add3A_686, %mul3A_751 : i32
      %add3A_753 = arith.constant 4 : i32
      %add3A_754 = arith.addi %mul3A_752, %add3A_753 : i32
      %dma_start3A_755 = arith.constant 4 : i32
      %dma_start3A_756 = arith.constant 512 : i32
      %dma_start3A_757 = arith.constant 0 : i32
      %dma_start3A_758 = tpu.memref_slice %arg8[%dma_start3A_756, %dma_start3A_757] : memref<768x16xbf16, #tpu.memory_space<vmem>> -> memref<128x16xbf16, #tpu.memory_space<vmem>>
      %dma_start3A_759 = arith.constant 0 : i32
      %dma_start3A_760 = tpu.memref_slice %arg5[%add3A_754, %dma_start3A_759] : memref<79x128xi32, #tpu.memory_space<vmem>> -> memref<1x128xi32, #tpu.memory_space<vmem>>
      %dma_start3A_761 = tpu.memref_squeeze %dma_start3A_760 : memref<1x128xi32, #tpu.memory_space<vmem>> -> memref<128xi32, #tpu.memory_space<vmem>>
      %dma_start3A_762 = arith.constant 0 : i32
      %dma_start3A_763 = arith.constant 0 : i32
      %dma_start3A_764 = tpu.memref_slice %arg2[%dma_start3A_762, %dma_start3A_763] : memref<10000x16xbf16, #tpu.memory_space<hbm>> -> memref<10000x16xbf16, #tpu.memory_space<hbm>>
      %dma_start3A_765 = tpu.memref_slice %arg11[%dma_start3A_755] : memref<6x!tpu.dma_semaphore, #tpu.memory_space<semaphore_mem>> -> memref<1x!tpu.dma_semaphore, #tpu.memory_space<semaphore_mem>>
      %dma_start3A_766 = tpu.memref_squeeze %dma_start3A_765 : memref<1x!tpu.dma_semaphore, #tpu.memory_space<semaphore_mem>> -> memref<!tpu.dma_semaphore, #tpu.memory_space<semaphore_mem>>
      tpu.enqueue_indirect_dma source(%dma_start3A_764 : memref<10000x16xbf16, #tpu.memory_space<hbm>>) target(%dma_start3A_758 : memref<128x16xbf16, #tpu.memory_space<vmem>>) offsets(%dma_start3A_761 : memref<128xi32, #tpu.memory_space<vmem>>) semaphore(%dma_start3A_766 : memref<!tpu.dma_semaphore, #tpu.memory_space<semaphore_mem>>)
      %mul3A_767 = arith.constant 6 : i32
      %mul3A_768 = arith.muli %add3A_686, %mul3A_767 : i32
      %add3A_769 = arith.constant 5 : i32
      %add3A_770 = arith.addi %mul3A_768, %add3A_769 : i32
      %dma_start3A_771 = arith.constant 5 : i32
      %dma_start3A_772 = arith.constant 640 : i32
      %dma_start3A_773 = arith.constant 0 : i32
      %dma_start3A_774 = tpu.memref_slice %arg8[%dma_start3A_772, %dma_start3A_773] : memref<768x16xbf16, #tpu.memory_space<vmem>> -> memref<128x16xbf16, #tpu.memory_space<vmem>>
      %dma_start3A_775 = arith.constant 0 : i32
      %dma_start3A_776 = tpu.memref_slice %arg5[%add3A_770, %dma_start3A_775] : memref<79x128xi32, #tpu.memory_space<vmem>> -> memref<1x128xi32, #tpu.memory_space<vmem>>
      %dma_start3A_777 = tpu.memref_squeeze %dma_start3A_776 : memref<1x128xi32, #tpu.memory_space<vmem>> -> memref<128xi32, #tpu.memory_space<vmem>>
      %dma_start3A_778 = arith.constant 0 : i32
      %dma_start3A_779 = arith.constant 0 : i32
      %dma_start3A_780 = tpu.memref_slice %arg2[%dma_start3A_778, %dma_start3A_779] : memref<10000x16xbf16, #tpu.memory_space<hbm>> -> memref<10000x16xbf16, #tpu.memory_space<hbm>>
      %dma_start3A_781 = tpu.memref_slice %arg11[%dma_start3A_771] : memref<6x!tpu.dma_semaphore, #tpu.memory_space<semaphore_mem>> -> memref<1x!tpu.dma_semaphore, #tpu.memory_space<semaphore_mem>>
      %dma_start3A_782 = tpu.memref_squeeze %dma_start3A_781 : memref<1x!tpu.dma_semaphore, #tpu.memory_space<semaphore_mem>> -> memref<!tpu.dma_semaphore, #tpu.memory_space<semaphore_mem>>
      tpu.enqueue_indirect_dma source(%dma_start3A_780 : memref<10000x16xbf16, #tpu.memory_space<hbm>>) target(%dma_start3A_774 : memref<128x16xbf16, #tpu.memory_space<vmem>>) offsets(%dma_start3A_777 : memref<128xi32, #tpu.memory_space<vmem>>) semaphore(%dma_start3A_782 : memref<!tpu.dma_semaphore, #tpu.memory_space<semaphore_mem>>)
      %dma_wait3A_783 = arith.constant 0 : i32
      %dma_wait3A_784 = arith.constant 0 : i32
      %dma_wait3A_785 = arith.constant 0 : i32
      %dma_wait3A_786 = tpu.memref_slice %arg8[%dma_wait3A_784, %dma_wait3A_785] : memref<768x16xbf16, #tpu.memory_space<vmem>> -> memref<128x16xbf16, #tpu.memory_space<vmem>>
      %dma_wait3A_787 = arith.constant 0 : i32
      %dma_wait3A_788 = tpu.memref_slice %arg5[%add3A_690, %dma_wait3A_787] : memref<79x128xi32, #tpu.memory_space<vmem>> -> memref<1x128xi32, #tpu.memory_space<vmem>>
      %dma_wait3A_789 = tpu.memref_squeeze %dma_wait3A_788 : memref<1x128xi32, #tpu.memory_space<vmem>> -> memref<128xi32, #tpu.memory_space<vmem>>
      %dma_wait3A_790 = arith.constant 0 : i32
      %dma_wait3A_791 = arith.constant 0 : i32
      %dma_wait3A_792 = tpu.memref_slice %arg2[%dma_wait3A_790, %dma_wait3A_791] : memref<10000x16xbf16, #tpu.memory_space<hbm>> -> memref<10000x16xbf16, #tpu.memory_space<hbm>>
      %dma_wait3A_793 = tpu.memref_slice %arg11[%dma_wait3A_783] : memref<6x!tpu.dma_semaphore, #tpu.memory_space<semaphore_mem>> -> memref<1x!tpu.dma_semaphore, #tpu.memory_space<semaphore_mem>>
      %dma_wait3A_794 = tpu.memref_squeeze %dma_wait3A_793 : memref<1x!tpu.dma_semaphore, #tpu.memory_space<semaphore_mem>> -> memref<!tpu.dma_semaphore, #tpu.memory_space<semaphore_mem>>
      tpu.wait_indirect_dma semaphore(%dma_wait3A_794 : memref<!tpu.dma_semaphore, #tpu.memory_space<semaphore_mem>>) src(%dma_wait3A_792 : memref<10000x16xbf16, #tpu.memory_space<hbm>>) dst(%dma_wait3A_786 : memref<128x16xbf16, #tpu.memory_space<vmem>>)
      %mul3A_795 = arith.constant 6 : i32
      %mul3A_796 = arith.muli %add3A_686, %mul3A_795 : i32
      %add3A_797 = arith.constant 0 : i32
      %add3A_798 = arith.addi %mul3A_796, %add3A_797 : i32
      %dma_start3A_799 = arith.constant 0 : i32
      %dma_start3A_800 = arith.constant 0 : i32
      %dma_start3A_801 = tpu.memref_slice %arg8[%dma_start3A_799, %dma_start3A_800] : memref<768x16xbf16, #tpu.memory_space<vmem>> -> memref<128x16xbf16, #tpu.memory_space<vmem>>
      %dma_start3A_802 = arith.constant 0 : i32
      %dma_start3A_803 = tpu.memref_slice %arg6[%add3A_798, %dma_start3A_802] : memref<79x128xi32, #tpu.memory_space<vmem>> -> memref<1x128xi32, #tpu.memory_space<vmem>>
      %dma_start3A_804 = tpu.memref_squeeze %dma_start3A_803 : memref<1x128xi32, #tpu.memory_space<vmem>> -> memref<128xi32, #tpu.memory_space<vmem>>
      %dma_start3A_805 = arith.constant 0 : i32
      %dma_start3A_806 = arith.constant 0 : i32
      %dma_start3A_807 = tpu.memref_slice %arg10[%dma_start3A_805, %dma_start3A_806] : memref<10112x16xbf16, #tpu.memory_space<vmem_shared>> -> memref<10112x16xbf16, #tpu.memory_space<vmem_shared>>
      tpu.enqueue_indirect_dma source(%dma_start3A_801 : memref<128x16xbf16, #tpu.memory_space<vmem>>) target(%dma_start3A_807 : memref<10112x16xbf16, #tpu.memory_space<vmem_shared>>) offsets(%dma_start3A_804 : memref<128xi32, #tpu.memory_space<vmem>>) semaphore(%arg13 : memref<!tpu.dma_semaphore, #tpu.memory_space<semaphore_mem>>) {add = true}
      %dma_wait3A_808 = arith.constant 1 : i32
      %dma_wait3A_809 = arith.constant 128 : i32
      %dma_wait3A_810 = arith.constant 0 : i32
      %dma_wait3A_811 = tpu.memref_slice %arg8[%dma_wait3A_809, %dma_wait3A_810] : memref<768x16xbf16, #tpu.memory_space<vmem>> -> memref<128x16xbf16, #tpu.memory_space<vmem>>
      %dma_wait3A_812 = arith.constant 0 : i32
      %dma_wait3A_813 = tpu.memref_slice %arg5[%add3A_706, %dma_wait3A_812] : memref<79x128xi32, #tpu.memory_space<vmem>> -> memref<1x128xi32, #tpu.memory_space<vmem>>
      %dma_wait3A_814 = tpu.memref_squeeze %dma_wait3A_813 : memref<1x128xi32, #tpu.memory_space<vmem>> -> memref<128xi32, #tpu.memory_space<vmem>>
      %dma_wait3A_815 = arith.constant 0 : i32
      %dma_wait3A_816 = arith.constant 0 : i32
      %dma_wait3A_817 = tpu.memref_slice %arg2[%dma_wait3A_815, %dma_wait3A_816] : memref<10000x16xbf16, #tpu.memory_space<hbm>> -> memref<10000x16xbf16, #tpu.memory_space<hbm>>
      %dma_wait3A_818 = tpu.memref_slice %arg11[%dma_wait3A_808] : memref<6x!tpu.dma_semaphore, #tpu.memory_space<semaphore_mem>> -> memref<1x!tpu.dma_semaphore, #tpu.memory_space<semaphore_mem>>
      %dma_wait3A_819 = tpu.memref_squeeze %dma_wait3A_818 : memref<1x!tpu.dma_semaphore, #tpu.memory_space<semaphore_mem>> -> memref<!tpu.dma_semaphore, #tpu.memory_space<semaphore_mem>>
      tpu.wait_indirect_dma semaphore(%dma_wait3A_819 : memref<!tpu.dma_semaphore, #tpu.memory_space<semaphore_mem>>) src(%dma_wait3A_817 : memref<10000x16xbf16, #tpu.memory_space<hbm>>) dst(%dma_wait3A_811 : memref<128x16xbf16, #tpu.memory_space<vmem>>)
      %mul3A_820 = arith.constant 6 : i32
      %mul3A_821 = arith.muli %add3A_686, %mul3A_820 : i32
      %add3A_822 = arith.constant 1 : i32
      %add3A_823 = arith.addi %mul3A_821, %add3A_822 : i32
      %dma_start3A_824 = arith.constant 128 : i32
      %dma_start3A_825 = arith.constant 0 : i32
      %dma_start3A_826 = tpu.memref_slice %arg8[%dma_start3A_824, %dma_start3A_825] : memref<768x16xbf16, #tpu.memory_space<vmem>> -> memref<128x16xbf16, #tpu.memory_space<vmem>>
      %dma_start3A_827 = arith.constant 0 : i32
      %dma_start3A_828 = tpu.memref_slice %arg6[%add3A_823, %dma_start3A_827] : memref<79x128xi32, #tpu.memory_space<vmem>> -> memref<1x128xi32, #tpu.memory_space<vmem>>
      %dma_start3A_829 = tpu.memref_squeeze %dma_start3A_828 : memref<1x128xi32, #tpu.memory_space<vmem>> -> memref<128xi32, #tpu.memory_space<vmem>>
      %dma_start3A_830 = arith.constant 0 : i32
      %dma_start3A_831 = arith.constant 0 : i32
      %dma_start3A_832 = tpu.memref_slice %arg10[%dma_start3A_830, %dma_start3A_831] : memref<10112x16xbf16, #tpu.memory_space<vmem_shared>> -> memref<10112x16xbf16, #tpu.memory_space<vmem_shared>>
      tpu.enqueue_indirect_dma source(%dma_start3A_826 : memref<128x16xbf16, #tpu.memory_space<vmem>>) target(%dma_start3A_832 : memref<10112x16xbf16, #tpu.memory_space<vmem_shared>>) offsets(%dma_start3A_829 : memref<128xi32, #tpu.memory_space<vmem>>) semaphore(%arg13 : memref<!tpu.dma_semaphore, #tpu.memory_space<semaphore_mem>>) {add = true}
      %dma_wait3A_833 = arith.constant 2 : i32
      %dma_wait3A_834 = arith.constant 256 : i32
      %dma_wait3A_835 = arith.constant 0 : i32
      %dma_wait3A_836 = tpu.memref_slice %arg8[%dma_wait3A_834, %dma_wait3A_835] : memref<768x16xbf16, #tpu.memory_space<vmem>> -> memref<128x16xbf16, #tpu.memory_space<vmem>>
      %dma_wait3A_837 = arith.constant 0 : i32
      %dma_wait3A_838 = tpu.memref_slice %arg5[%add3A_722, %dma_wait3A_837] : memref<79x128xi32, #tpu.memory_space<vmem>> -> memref<1x128xi32, #tpu.memory_space<vmem>>
      %dma_wait3A_839 = tpu.memref_squeeze %dma_wait3A_838 : memref<1x128xi32, #tpu.memory_space<vmem>> -> memref<128xi32, #tpu.memory_space<vmem>>
      %dma_wait3A_840 = arith.constant 0 : i32
      %dma_wait3A_841 = arith.constant 0 : i32
      %dma_wait3A_842 = tpu.memref_slice %arg2[%dma_wait3A_840, %dma_wait3A_841] : memref<10000x16xbf16, #tpu.memory_space<hbm>> -> memref<10000x16xbf16, #tpu.memory_space<hbm>>
      %dma_wait3A_843 = tpu.memref_slice %arg11[%dma_wait3A_833] : memref<6x!tpu.dma_semaphore, #tpu.memory_space<semaphore_mem>> -> memref<1x!tpu.dma_semaphore, #tpu.memory_space<semaphore_mem>>
      %dma_wait3A_844 = tpu.memref_squeeze %dma_wait3A_843 : memref<1x!tpu.dma_semaphore, #tpu.memory_space<semaphore_mem>> -> memref<!tpu.dma_semaphore, #tpu.memory_space<semaphore_mem>>
      tpu.wait_indirect_dma semaphore(%dma_wait3A_844 : memref<!tpu.dma_semaphore, #tpu.memory_space<semaphore_mem>>) src(%dma_wait3A_842 : memref<10000x16xbf16, #tpu.memory_space<hbm>>) dst(%dma_wait3A_836 : memref<128x16xbf16, #tpu.memory_space<vmem>>)
      %mul3A_845 = arith.constant 6 : i32
      %mul3A_846 = arith.muli %add3A_686, %mul3A_845 : i32
      %add3A_847 = arith.constant 2 : i32
      %add3A_848 = arith.addi %mul3A_846, %add3A_847 : i32
      %dma_start3A_849 = arith.constant 256 : i32
      %dma_start3A_850 = arith.constant 0 : i32
      %dma_start3A_851 = tpu.memref_slice %arg8[%dma_start3A_849, %dma_start3A_850] : memref<768x16xbf16, #tpu.memory_space<vmem>> -> memref<128x16xbf16, #tpu.memory_space<vmem>>
      %dma_start3A_852 = arith.constant 0 : i32
      %dma_start3A_853 = tpu.memref_slice %arg6[%add3A_848, %dma_start3A_852] : memref<79x128xi32, #tpu.memory_space<vmem>> -> memref<1x128xi32, #tpu.memory_space<vmem>>
      %dma_start3A_854 = tpu.memref_squeeze %dma_start3A_853 : memref<1x128xi32, #tpu.memory_space<vmem>> -> memref<128xi32, #tpu.memory_space<vmem>>
      %dma_start3A_855 = arith.constant 0 : i32
      %dma_start3A_856 = arith.constant 0 : i32
      %dma_start3A_857 = tpu.memref_slice %arg10[%dma_start3A_855, %dma_start3A_856] : memref<10112x16xbf16, #tpu.memory_space<vmem_shared>> -> memref<10112x16xbf16, #tpu.memory_space<vmem_shared>>
      tpu.enqueue_indirect_dma source(%dma_start3A_851 : memref<128x16xbf16, #tpu.memory_space<vmem>>) target(%dma_start3A_857 : memref<10112x16xbf16, #tpu.memory_space<vmem_shared>>) offsets(%dma_start3A_854 : memref<128xi32, #tpu.memory_space<vmem>>) semaphore(%arg13 : memref<!tpu.dma_semaphore, #tpu.memory_space<semaphore_mem>>) {add = true}
      %dma_wait3A_858 = arith.constant 3 : i32
      %dma_wait3A_859 = arith.constant 384 : i32
      %dma_wait3A_860 = arith.constant 0 : i32
      %dma_wait3A_861 = tpu.memref_slice %arg8[%dma_wait3A_859, %dma_wait3A_860] : memref<768x16xbf16, #tpu.memory_space<vmem>> -> memref<128x16xbf16, #tpu.memory_space<vmem>>
      %dma_wait3A_862 = arith.constant 0 : i32
      %dma_wait3A_863 = tpu.memref_slice %arg5[%add3A_738, %dma_wait3A_862] : memref<79x128xi32, #tpu.memory_space<vmem>> -> memref<1x128xi32, #tpu.memory_space<vmem>>
      %dma_wait3A_864 = tpu.memref_squeeze %dma_wait3A_863 : memref<1x128xi32, #tpu.memory_space<vmem>> -> memref<128xi32, #tpu.memory_space<vmem>>
      %dma_wait3A_865 = arith.constant 0 : i32
      %dma_wait3A_866 = arith.constant 0 : i32
      %dma_wait3A_867 = tpu.memref_slice %arg2[%dma_wait3A_865, %dma_wait3A_866] : memref<10000x16xbf16, #tpu.memory_space<hbm>> -> memref<10000x16xbf16, #tpu.memory_space<hbm>>
      %dma_wait3A_868 = tpu.memref_slice %arg11[%dma_wait3A_858] : memref<6x!tpu.dma_semaphore, #tpu.memory_space<semaphore_mem>> -> memref<1x!tpu.dma_semaphore, #tpu.memory_space<semaphore_mem>>
      %dma_wait3A_869 = tpu.memref_squeeze %dma_wait3A_868 : memref<1x!tpu.dma_semaphore, #tpu.memory_space<semaphore_mem>> -> memref<!tpu.dma_semaphore, #tpu.memory_space<semaphore_mem>>
      tpu.wait_indirect_dma semaphore(%dma_wait3A_869 : memref<!tpu.dma_semaphore, #tpu.memory_space<semaphore_mem>>) src(%dma_wait3A_867 : memref<10000x16xbf16, #tpu.memory_space<hbm>>) dst(%dma_wait3A_861 : memref<128x16xbf16, #tpu.memory_space<vmem>>)
      %mul3A_870 = arith.constant 6 : i32
      %mul3A_871 = arith.muli %add3A_686, %mul3A_870 : i32
      %add3A_872 = arith.constant 3 : i32
      %add3A_873 = arith.addi %mul3A_871, %add3A_872 : i32
      %dma_start3A_874 = arith.constant 384 : i32
      %dma_start3A_875 = arith.constant 0 : i32
      %dma_start3A_876 = tpu.memref_slice %arg8[%dma_start3A_874, %dma_start3A_875] : memref<768x16xbf16, #tpu.memory_space<vmem>> -> memref<128x16xbf16, #tpu.memory_space<vmem>>
      %dma_start3A_877 = arith.constant 0 : i32
      %dma_start3A_878 = tpu.memref_slice %arg6[%add3A_873, %dma_start3A_877] : memref<79x128xi32, #tpu.memory_space<vmem>> -> memref<1x128xi32, #tpu.memory_space<vmem>>
      %dma_start3A_879 = tpu.memref_squeeze %dma_start3A_878 : memref<1x128xi32, #tpu.memory_space<vmem>> -> memref<128xi32, #tpu.memory_space<vmem>>
      %dma_start3A_880 = arith.constant 0 : i32
      %dma_start3A_881 = arith.constant 0 : i32
      %dma_start3A_882 = tpu.memref_slice %arg10[%dma_start3A_880, %dma_start3A_881] : memref<10112x16xbf16, #tpu.memory_space<vmem_shared>> -> memref<10112x16xbf16, #tpu.memory_space<vmem_shared>>
      tpu.enqueue_indirect_dma source(%dma_start3A_876 : memref<128x16xbf16, #tpu.memory_space<vmem>>) target(%dma_start3A_882 : memref<10112x16xbf16, #tpu.memory_space<vmem_shared>>) offsets(%dma_start3A_879 : memref<128xi32, #tpu.memory_space<vmem>>) semaphore(%arg13 : memref<!tpu.dma_semaphore, #tpu.memory_space<semaphore_mem>>) {add = true}
      %dma_wait3A_883 = arith.constant 4 : i32
      %dma_wait3A_884 = arith.constant 512 : i32
      %dma_wait3A_885 = arith.constant 0 : i32
      %dma_wait3A_886 = tpu.memref_slice %arg8[%dma_wait3A_884, %dma_wait3A_885] : memref<768x16xbf16, #tpu.memory_space<vmem>> -> memref<128x16xbf16, #tpu.memory_space<vmem>>
      %dma_wait3A_887 = arith.constant 0 : i32
      %dma_wait3A_888 = tpu.memref_slice %arg5[%add3A_754, %dma_wait3A_887] : memref<79x128xi32, #tpu.memory_space<vmem>> -> memref<1x128xi32, #tpu.memory_space<vmem>>
      %dma_wait3A_889 = tpu.memref_squeeze %dma_wait3A_888 : memref<1x128xi32, #tpu.memory_space<vmem>> -> memref<128xi32, #tpu.memory_space<vmem>>
      %dma_wait3A_890 = arith.constant 0 : i32
      %dma_wait3A_891 = arith.constant 0 : i32
      %dma_wait3A_892 = tpu.memref_slice %arg2[%dma_wait3A_890, %dma_wait3A_891] : memref<10000x16xbf16, #tpu.memory_space<hbm>> -> memref<10000x16xbf16, #tpu.memory_space<hbm>>
      %dma_wait3A_893 = tpu.memref_slice %arg11[%dma_wait3A_883] : memref<6x!tpu.dma_semaphore, #tpu.memory_space<semaphore_mem>> -> memref<1x!tpu.dma_semaphore, #tpu.memory_space<semaphore_mem>>
      %dma_wait3A_894 = tpu.memref_squeeze %dma_wait3A_893 : memref<1x!tpu.dma_semaphore, #tpu.memory_space<semaphore_mem>> -> memref<!tpu.dma_semaphore, #tpu.memory_space<semaphore_mem>>
      tpu.wait_indirect_dma semaphore(%dma_wait3A_894 : memref<!tpu.dma_semaphore, #tpu.memory_space<semaphore_mem>>) src(%dma_wait3A_892 : memref<10000x16xbf16, #tpu.memory_space<hbm>>) dst(%dma_wait3A_886 : memref<128x16xbf16, #tpu.memory_space<vmem>>)
      %mul3A_895 = arith.constant 6 : i32
      %mul3A_896 = arith.muli %add3A_686, %mul3A_895 : i32
      %add3A_897 = arith.constant 4 : i32
      %add3A_898 = arith.addi %mul3A_896, %add3A_897 : i32
      %dma_start3A_899 = arith.constant 512 : i32
      %dma_start3A_900 = arith.constant 0 : i32
      %dma_start3A_901 = tpu.memref_slice %arg8[%dma_start3A_899, %dma_start3A_900] : memref<768x16xbf16, #tpu.memory_space<vmem>> -> memref<128x16xbf16, #tpu.memory_space<vmem>>
      %dma_start3A_902 = arith.constant 0 : i32
      %dma_start3A_903 = tpu.memref_slice %arg6[%add3A_898, %dma_start3A_902] : memref<79x128xi32, #tpu.memory_space<vmem>> -> memref<1x128xi32, #tpu.memory_space<vmem>>
      %dma_start3A_904 = tpu.memref_squeeze %dma_start3A_903 : memref<1x128xi32, #tpu.memory_space<vmem>> -> memref<128xi32, #tpu.memory_space<vmem>>
      %dma_start3A_905 = arith.constant 0 : i32
      %dma_start3A_906 = arith.constant 0 : i32
      %dma_start3A_907 = tpu.memref_slice %arg10[%dma_start3A_905, %dma_start3A_906] : memref<10112x16xbf16, #tpu.memory_space<vmem_shared>> -> memref<10112x16xbf16, #tpu.memory_space<vmem_shared>>
      tpu.enqueue_indirect_dma source(%dma_start3A_901 : memref<128x16xbf16, #tpu.memory_space<vmem>>) target(%dma_start3A_907 : memref<10112x16xbf16, #tpu.memory_space<vmem_shared>>) offsets(%dma_start3A_904 : memref<128xi32, #tpu.memory_space<vmem>>) semaphore(%arg13 : memref<!tpu.dma_semaphore, #tpu.memory_space<semaphore_mem>>) {add = true}
      %dma_wait3A_908 = arith.constant 5 : i32
      %dma_wait3A_909 = arith.constant 640 : i32
      %dma_wait3A_910 = arith.constant 0 : i32
      %dma_wait3A_911 = tpu.memref_slice %arg8[%dma_wait3A_909, %dma_wait3A_910] : memref<768x16xbf16, #tpu.memory_space<vmem>> -> memref<128x16xbf16, #tpu.memory_space<vmem>>
      %dma_wait3A_912 = arith.constant 0 : i32
      %dma_wait3A_913 = tpu.memref_slice %arg5[%add3A_770, %dma_wait3A_912] : memref<79x128xi32, #tpu.memory_space<vmem>> -> memref<1x128xi32, #tpu.memory_space<vmem>>
      %dma_wait3A_914 = tpu.memref_squeeze %dma_wait3A_913 : memref<1x128xi32, #tpu.memory_space<vmem>> -> memref<128xi32, #tpu.memory_space<vmem>>
      %dma_wait3A_915 = arith.constant 0 : i32
      %dma_wait3A_916 = arith.constant 0 : i32
      %dma_wait3A_917 = tpu.memref_slice %arg2[%dma_wait3A_915, %dma_wait3A_916] : memref<10000x16xbf16, #tpu.memory_space<hbm>> -> memref<10000x16xbf16, #tpu.memory_space<hbm>>
      %dma_wait3A_918 = tpu.memref_slice %arg11[%dma_wait3A_908] : memref<6x!tpu.dma_semaphore, #tpu.memory_space<semaphore_mem>> -> memref<1x!tpu.dma_semaphore, #tpu.memory_space<semaphore_mem>>
      %dma_wait3A_919 = tpu.memref_squeeze %dma_wait3A_918 : memref<1x!tpu.dma_semaphore, #tpu.memory_space<semaphore_mem>> -> memref<!tpu.dma_semaphore, #tpu.memory_space<semaphore_mem>>
      tpu.wait_indirect_dma semaphore(%dma_wait3A_919 : memref<!tpu.dma_semaphore, #tpu.memory_space<semaphore_mem>>) src(%dma_wait3A_917 : memref<10000x16xbf16, #tpu.memory_space<hbm>>) dst(%dma_wait3A_911 : memref<128x16xbf16, #tpu.memory_space<vmem>>)
      %mul3A_920 = arith.constant 6 : i32
      %mul3A_921 = arith.muli %add3A_686, %mul3A_920 : i32
      %add3A_922 = arith.constant 5 : i32
      %add3A_923 = arith.addi %mul3A_921, %add3A_922 : i32
      %dma_start3A_924 = arith.constant 640 : i32
      %dma_start3A_925 = arith.constant 0 : i32
      %dma_start3A_926 = tpu.memref_slice %arg8[%dma_start3A_924, %dma_start3A_925] : memref<768x16xbf16, #tpu.memory_space<vmem>> -> memref<128x16xbf16, #tpu.memory_space<vmem>>
      %dma_start3A_927 = arith.constant 0 : i32
      %dma_start3A_928 = tpu.memref_slice %arg6[%add3A_923, %dma_start3A_927] : memref<79x128xi32, #tpu.memory_space<vmem>> -> memref<1x128xi32, #tpu.memory_space<vmem>>
      %dma_start3A_929 = tpu.memref_squeeze %dma_start3A_928 : memref<1x128xi32, #tpu.memory_space<vmem>> -> memref<128xi32, #tpu.memory_space<vmem>>
      %dma_start3A_930 = arith.constant 0 : i32
      %dma_start3A_931 = arith.constant 0 : i32
      %dma_start3A_932 = tpu.memref_slice %arg10[%dma_start3A_930, %dma_start3A_931] : memref<10112x16xbf16, #tpu.memory_space<vmem_shared>> -> memref<10112x16xbf16, #tpu.memory_space<vmem_shared>>
      tpu.enqueue_indirect_dma source(%dma_start3A_926 : memref<128x16xbf16, #tpu.memory_space<vmem>>) target(%dma_start3A_932 : memref<10112x16xbf16, #tpu.memory_space<vmem_shared>>) offsets(%dma_start3A_929 : memref<128xi32, #tpu.memory_space<vmem>>) semaphore(%arg13 : memref<!tpu.dma_semaphore, #tpu.memory_space<semaphore_mem>>) {add = true}
    }
    %scan3A_20 = arith.constant 6 : i32
    %dma_wait3A = arith.constant 0 : i32
    %dma_wait3A_21 = arith.constant 0 : i32
    %dma_wait3A_22 = arith.constant 0 : i32
    %dma_wait3A_23 = tpu.memref_slice %arg7[%dma_wait3A_21, %dma_wait3A_22] : memref<768x16xbf16, #tpu.memory_space<vmem>> -> memref<128x16xbf16, #tpu.memory_space<vmem>>
    %dma_wait3A_24 = arith.constant 0 : i32
    %dma_wait3A_25 = tpu.memref_slice %arg6[%dma_wait3A, %dma_wait3A_24] : memref<79x128xi32, #tpu.memory_space<vmem>> -> memref<1x128xi32, #tpu.memory_space<vmem>>
    %dma_wait3A_26 = tpu.memref_squeeze %dma_wait3A_25 : memref<1x128xi32, #tpu.memory_space<vmem>> -> memref<128xi32, #tpu.memory_space<vmem>>
    %dma_wait3A_27 = arith.constant 0 : i32
    %dma_wait3A_28 = arith.constant 0 : i32
    %dma_wait3A_29 = tpu.memref_slice %arg10[%dma_wait3A_27, %dma_wait3A_28] : memref<10112x16xbf16, #tpu.memory_space<vmem_shared>> -> memref<10112x16xbf16, #tpu.memory_space<vmem_shared>>
    tpu.wait_indirect_dma semaphore(%arg12 : memref<!tpu.dma_semaphore, #tpu.memory_space<semaphore_mem>>) src(%dma_wait3A_23 : memref<128x16xbf16, #tpu.memory_space<vmem>>) dst(%dma_wait3A_29 : memref<10112x16xbf16, #tpu.memory_space<vmem_shared>>)
    %dma_wait3A_30 = arith.constant 0 : i32
    %dma_wait3A_31 = arith.constant 128 : i32
    %dma_wait3A_32 = arith.constant 0 : i32
    %dma_wait3A_33 = tpu.memref_slice %arg7[%dma_wait3A_31, %dma_wait3A_32] : memref<768x16xbf16, #tpu.memory_space<vmem>> -> memref<128x16xbf16, #tpu.memory_space<vmem>>
    %dma_wait3A_34 = arith.constant 0 : i32
    %dma_wait3A_35 = tpu.memref_slice %arg6[%dma_wait3A_30, %dma_wait3A_34] : memref<79x128xi32, #tpu.memory_space<vmem>> -> memref<1x128xi32, #tpu.memory_space<vmem>>
    %dma_wait3A_36 = tpu.memref_squeeze %dma_wait3A_35 : memref<1x128xi32, #tpu.memory_space<vmem>> -> memref<128xi32, #tpu.memory_space<vmem>>
    %dma_wait3A_37 = arith.constant 0 : i32
    %dma_wait3A_38 = arith.constant 0 : i32
    %dma_wait3A_39 = tpu.memref_slice %arg10[%dma_wait3A_37, %dma_wait3A_38] : memref<10112x16xbf16, #tpu.memory_space<vmem_shared>> -> memref<10112x16xbf16, #tpu.memory_space<vmem_shared>>
    tpu.wait_indirect_dma semaphore(%arg12 : memref<!tpu.dma_semaphore, #tpu.memory_space<semaphore_mem>>) src(%dma_wait3A_33 : memref<128x16xbf16, #tpu.memory_space<vmem>>) dst(%dma_wait3A_39 : memref<10112x16xbf16, #tpu.memory_space<vmem_shared>>)
    %dma_wait3A_40 = arith.constant 0 : i32
    %dma_wait3A_41 = arith.constant 256 : i32
    %dma_wait3A_42 = arith.constant 0 : i32
    %dma_wait3A_43 = tpu.memref_slice %arg7[%dma_wait3A_41, %dma_wait3A_42] : memref<768x16xbf16, #tpu.memory_space<vmem>> -> memref<128x16xbf16, #tpu.memory_space<vmem>>
    %dma_wait3A_44 = arith.constant 0 : i32
    %dma_wait3A_45 = tpu.memref_slice %arg6[%dma_wait3A_40, %dma_wait3A_44] : memref<79x128xi32, #tpu.memory_space<vmem>> -> memref<1x128xi32, #tpu.memory_space<vmem>>
    %dma_wait3A_46 = tpu.memref_squeeze %dma_wait3A_45 : memref<1x128xi32, #tpu.memory_space<vmem>> -> memref<128xi32, #tpu.memory_space<vmem>>
    %dma_wait3A_47 = arith.constant 0 : i32
    %dma_wait3A_48 = arith.constant 0 : i32
    %dma_wait3A_49 = tpu.memref_slice %arg10[%dma_wait3A_47, %dma_wait3A_48] : memref<10112x16xbf16, #tpu.memory_space<vmem_shared>> -> memref<10112x16xbf16, #tpu.memory_space<vmem_shared>>
    tpu.wait_indirect_dma semaphore(%arg12 : memref<!tpu.dma_semaphore, #tpu.memory_space<semaphore_mem>>) src(%dma_wait3A_43 : memref<128x16xbf16, #tpu.memory_space<vmem>>) dst(%dma_wait3A_49 : memref<10112x16xbf16, #tpu.memory_space<vmem_shared>>)
    %dma_wait3A_50 = arith.constant 0 : i32
    %dma_wait3A_51 = arith.constant 384 : i32
    %dma_wait3A_52 = arith.constant 0 : i32
    %dma_wait3A_53 = tpu.memref_slice %arg7[%dma_wait3A_51, %dma_wait3A_52] : memref<768x16xbf16, #tpu.memory_space<vmem>> -> memref<128x16xbf16, #tpu.memory_space<vmem>>
    %dma_wait3A_54 = arith.constant 0 : i32
    %dma_wait3A_55 = tpu.memref_slice %arg6[%dma_wait3A_50, %dma_wait3A_54] : memref<79x128xi32, #tpu.memory_space<vmem>> -> memref<1x128xi32, #tpu.memory_space<vmem>>
    %dma_wait3A_56 = tpu.memref_squeeze %dma_wait3A_55 : memref<1x128xi32, #tpu.memory_space<vmem>> -> memref<128xi32, #tpu.memory_space<vmem>>
    %dma_wait3A_57 = arith.constant 0 : i32
    %dma_wait3A_58 = arith.constant 0 : i32
    %dma_wait3A_59 = tpu.memref_slice %arg10[%dma_wait3A_57, %dma_wait3A_58] : memref<10112x16xbf16, #tpu.memory_space<vmem_shared>> -> memref<10112x16xbf16, #tpu.memory_space<vmem_shared>>
    tpu.wait_indirect_dma semaphore(%arg12 : memref<!tpu.dma_semaphore, #tpu.memory_space<semaphore_mem>>) src(%dma_wait3A_53 : memref<128x16xbf16, #tpu.memory_space<vmem>>) dst(%dma_wait3A_59 : memref<10112x16xbf16, #tpu.memory_space<vmem_shared>>)
    %dma_wait3A_60 = arith.constant 0 : i32
    %dma_wait3A_61 = arith.constant 512 : i32
    %dma_wait3A_62 = arith.constant 0 : i32
    %dma_wait3A_63 = tpu.memref_slice %arg7[%dma_wait3A_61, %dma_wait3A_62] : memref<768x16xbf16, #tpu.memory_space<vmem>> -> memref<128x16xbf16, #tpu.memory_space<vmem>>
    %dma_wait3A_64 = arith.constant 0 : i32
    %dma_wait3A_65 = tpu.memref_slice %arg6[%dma_wait3A_60, %dma_wait3A_64] : memref<79x128xi32, #tpu.memory_space<vmem>> -> memref<1x128xi32, #tpu.memory_space<vmem>>
    %dma_wait3A_66 = tpu.memref_squeeze %dma_wait3A_65 : memref<1x128xi32, #tpu.memory_space<vmem>> -> memref<128xi32, #tpu.memory_space<vmem>>
    %dma_wait3A_67 = arith.constant 0 : i32
    %dma_wait3A_68 = arith.constant 0 : i32
    %dma_wait3A_69 = tpu.memref_slice %arg10[%dma_wait3A_67, %dma_wait3A_68] : memref<10112x16xbf16, #tpu.memory_space<vmem_shared>> -> memref<10112x16xbf16, #tpu.memory_space<vmem_shared>>
    tpu.wait_indirect_dma semaphore(%arg12 : memref<!tpu.dma_semaphore, #tpu.memory_space<semaphore_mem>>) src(%dma_wait3A_63 : memref<128x16xbf16, #tpu.memory_space<vmem>>) dst(%dma_wait3A_69 : memref<10112x16xbf16, #tpu.memory_space<vmem_shared>>)
    %dma_wait3A_70 = arith.constant 0 : i32
    %dma_wait3A_71 = arith.constant 640 : i32
    %dma_wait3A_72 = arith.constant 0 : i32
    %dma_wait3A_73 = tpu.memref_slice %arg7[%dma_wait3A_71, %dma_wait3A_72] : memref<768x16xbf16, #tpu.memory_space<vmem>> -> memref<128x16xbf16, #tpu.memory_space<vmem>>
    %dma_wait3A_74 = arith.constant 0 : i32
    %dma_wait3A_75 = tpu.memref_slice %arg6[%dma_wait3A_70, %dma_wait3A_74] : memref<79x128xi32, #tpu.memory_space<vmem>> -> memref<1x128xi32, #tpu.memory_space<vmem>>
    %dma_wait3A_76 = tpu.memref_squeeze %dma_wait3A_75 : memref<1x128xi32, #tpu.memory_space<vmem>> -> memref<128xi32, #tpu.memory_space<vmem>>
    %dma_wait3A_77 = arith.constant 0 : i32
    %dma_wait3A_78 = arith.constant 0 : i32
    %dma_wait3A_79 = tpu.memref_slice %arg10[%dma_wait3A_77, %dma_wait3A_78] : memref<10112x16xbf16, #tpu.memory_space<vmem_shared>> -> memref<10112x16xbf16, #tpu.memory_space<vmem_shared>>
    tpu.wait_indirect_dma semaphore(%arg12 : memref<!tpu.dma_semaphore, #tpu.memory_space<semaphore_mem>>) src(%dma_wait3A_73 : memref<128x16xbf16, #tpu.memory_space<vmem>>) dst(%dma_wait3A_79 : memref<10112x16xbf16, #tpu.memory_space<vmem_shared>>)
    %dma_start3A = arith.constant 72 : i32
    %dma_start3A_80 = arith.constant 0 : i32
    %dma_start3A_81 = arith.constant 0 : i32
    %dma_start3A_82 = arith.constant 0 : i32
    %dma_start3A_83 = tpu.memref_slice %arg7[%dma_start3A_81, %dma_start3A_82] : memref<768x16xbf16, #tpu.memory_space<vmem>> -> memref<128x16xbf16, #tpu.memory_space<vmem>>
    %dma_start3A_84 = arith.constant 0 : i32
    %dma_start3A_85 = tpu.memref_slice %arg5[%dma_start3A, %dma_start3A_84] : memref<79x128xi32, #tpu.memory_space<vmem>> -> memref<1x128xi32, #tpu.memory_space<vmem>>
    %dma_start3A_86 = tpu.memref_squeeze %dma_start3A_85 : memref<1x128xi32, #tpu.memory_space<vmem>> -> memref<128xi32, #tpu.memory_space<vmem>>
    %dma_start3A_87 = arith.constant 0 : i32
    %dma_start3A_88 = arith.constant 0 : i32
    %dma_start3A_89 = tpu.memref_slice %arg2[%dma_start3A_87, %dma_start3A_88] : memref<10000x16xbf16, #tpu.memory_space<hbm>> -> memref<10000x16xbf16, #tpu.memory_space<hbm>>
    %dma_start3A_90 = tpu.memref_slice %arg11[%dma_start3A_80] : memref<6x!tpu.dma_semaphore, #tpu.memory_space<semaphore_mem>> -> memref<1x!tpu.dma_semaphore, #tpu.memory_space<semaphore_mem>>
    %dma_start3A_91 = tpu.memref_squeeze %dma_start3A_90 : memref<1x!tpu.dma_semaphore, #tpu.memory_space<semaphore_mem>> -> memref<!tpu.dma_semaphore, #tpu.memory_space<semaphore_mem>>
    tpu.enqueue_indirect_dma source(%dma_start3A_89 : memref<10000x16xbf16, #tpu.memory_space<hbm>>) target(%dma_start3A_83 : memref<128x16xbf16, #tpu.memory_space<vmem>>) offsets(%dma_start3A_86 : memref<128xi32, #tpu.memory_space<vmem>>) semaphore(%dma_start3A_91 : memref<!tpu.dma_semaphore, #tpu.memory_space<semaphore_mem>>)
    %dma_start3A_92 = arith.constant 73 : i32
    %dma_start3A_93 = arith.constant 1 : i32
    %dma_start3A_94 = arith.constant 128 : i32
    %dma_start3A_95 = arith.constant 0 : i32
    %dma_start3A_96 = tpu.memref_slice %arg7[%dma_start3A_94, %dma_start3A_95] : memref<768x16xbf16, #tpu.memory_space<vmem>> -> memref<128x16xbf16, #tpu.memory_space<vmem>>
    %dma_start3A_97 = arith.constant 0 : i32
    %dma_start3A_98 = tpu.memref_slice %arg5[%dma_start3A_92, %dma_start3A_97] : memref<79x128xi32, #tpu.memory_space<vmem>> -> memref<1x128xi32, #tpu.memory_space<vmem>>
    %dma_start3A_99 = tpu.memref_squeeze %dma_start3A_98 : memref<1x128xi32, #tpu.memory_space<vmem>> -> memref<128xi32, #tpu.memory_space<vmem>>
    %dma_start3A_100 = arith.constant 0 : i32
    %dma_start3A_101 = arith.constant 0 : i32
    %dma_start3A_102 = tpu.memref_slice %arg2[%dma_start3A_100, %dma_start3A_101] : memref<10000x16xbf16, #tpu.memory_space<hbm>> -> memref<10000x16xbf16, #tpu.memory_space<hbm>>
    %dma_start3A_103 = tpu.memref_slice %arg11[%dma_start3A_93] : memref<6x!tpu.dma_semaphore, #tpu.memory_space<semaphore_mem>> -> memref<1x!tpu.dma_semaphore, #tpu.memory_space<semaphore_mem>>
    %dma_start3A_104 = tpu.memref_squeeze %dma_start3A_103 : memref<1x!tpu.dma_semaphore, #tpu.memory_space<semaphore_mem>> -> memref<!tpu.dma_semaphore, #tpu.memory_space<semaphore_mem>>
    tpu.enqueue_indirect_dma source(%dma_start3A_102 : memref<10000x16xbf16, #tpu.memory_space<hbm>>) target(%dma_start3A_96 : memref<128x16xbf16, #tpu.memory_space<vmem>>) offsets(%dma_start3A_99 : memref<128xi32, #tpu.memory_space<vmem>>) semaphore(%dma_start3A_104 : memref<!tpu.dma_semaphore, #tpu.memory_space<semaphore_mem>>)
    %dma_start3A_105 = arith.constant 74 : i32
    %dma_start3A_106 = arith.constant 2 : i32
    %dma_start3A_107 = arith.constant 256 : i32
    %dma_start3A_108 = arith.constant 0 : i32
    %dma_start3A_109 = tpu.memref_slice %arg7[%dma_start3A_107, %dma_start3A_108] : memref<768x16xbf16, #tpu.memory_space<vmem>> -> memref<128x16xbf16, #tpu.memory_space<vmem>>
    %dma_start3A_110 = arith.constant 0 : i32
    %dma_start3A_111 = tpu.memref_slice %arg5[%dma_start3A_105, %dma_start3A_110] : memref<79x128xi32, #tpu.memory_space<vmem>> -> memref<1x128xi32, #tpu.memory_space<vmem>>
    %dma_start3A_112 = tpu.memref_squeeze %dma_start3A_111 : memref<1x128xi32, #tpu.memory_space<vmem>> -> memref<128xi32, #tpu.memory_space<vmem>>
    %dma_start3A_113 = arith.constant 0 : i32
    %dma_start3A_114 = arith.constant 0 : i32
    %dma_start3A_115 = tpu.memref_slice %arg2[%dma_start3A_113, %dma_start3A_114] : memref<10000x16xbf16, #tpu.memory_space<hbm>> -> memref<10000x16xbf16, #tpu.memory_space<hbm>>
    %dma_start3A_116 = tpu.memref_slice %arg11[%dma_start3A_106] : memref<6x!tpu.dma_semaphore, #tpu.memory_space<semaphore_mem>> -> memref<1x!tpu.dma_semaphore, #tpu.memory_space<semaphore_mem>>
    %dma_start3A_117 = tpu.memref_squeeze %dma_start3A_116 : memref<1x!tpu.dma_semaphore, #tpu.memory_space<semaphore_mem>> -> memref<!tpu.dma_semaphore, #tpu.memory_space<semaphore_mem>>
    tpu.enqueue_indirect_dma source(%dma_start3A_115 : memref<10000x16xbf16, #tpu.memory_space<hbm>>) target(%dma_start3A_109 : memref<128x16xbf16, #tpu.memory_space<vmem>>) offsets(%dma_start3A_112 : memref<128xi32, #tpu.memory_space<vmem>>) semaphore(%dma_start3A_117 : memref<!tpu.dma_semaphore, #tpu.memory_space<semaphore_mem>>)
    %dma_start3A_118 = arith.constant 75 : i32
    %dma_start3A_119 = arith.constant 3 : i32
    %dma_start3A_120 = arith.constant 384 : i32
    %dma_start3A_121 = arith.constant 0 : i32
    %dma_start3A_122 = tpu.memref_slice %arg7[%dma_start3A_120, %dma_start3A_121] : memref<768x16xbf16, #tpu.memory_space<vmem>> -> memref<128x16xbf16, #tpu.memory_space<vmem>>
    %dma_start3A_123 = arith.constant 0 : i32
    %dma_start3A_124 = tpu.memref_slice %arg5[%dma_start3A_118, %dma_start3A_123] : memref<79x128xi32, #tpu.memory_space<vmem>> -> memref<1x128xi32, #tpu.memory_space<vmem>>
    %dma_start3A_125 = tpu.memref_squeeze %dma_start3A_124 : memref<1x128xi32, #tpu.memory_space<vmem>> -> memref<128xi32, #tpu.memory_space<vmem>>
    %dma_start3A_126 = arith.constant 0 : i32
    %dma_start3A_127 = arith.constant 0 : i32
    %dma_start3A_128 = tpu.memref_slice %arg2[%dma_start3A_126, %dma_start3A_127] : memref<10000x16xbf16, #tpu.memory_space<hbm>> -> memref<10000x16xbf16, #tpu.memory_space<hbm>>
    %dma_start3A_129 = tpu.memref_slice %arg11[%dma_start3A_119] : memref<6x!tpu.dma_semaphore, #tpu.memory_space<semaphore_mem>> -> memref<1x!tpu.dma_semaphore, #tpu.memory_space<semaphore_mem>>
    %dma_start3A_130 = tpu.memref_squeeze %dma_start3A_129 : memref<1x!tpu.dma_semaphore, #tpu.memory_space<semaphore_mem>> -> memref<!tpu.dma_semaphore, #tpu.memory_space<semaphore_mem>>
    tpu.enqueue_indirect_dma source(%dma_start3A_128 : memref<10000x16xbf16, #tpu.memory_space<hbm>>) target(%dma_start3A_122 : memref<128x16xbf16, #tpu.memory_space<vmem>>) offsets(%dma_start3A_125 : memref<128xi32, #tpu.memory_space<vmem>>) semaphore(%dma_start3A_130 : memref<!tpu.dma_semaphore, #tpu.memory_space<semaphore_mem>>)
    %dma_start3A_131 = arith.constant 76 : i32
    %dma_start3A_132 = arith.constant 4 : i32
    %dma_start3A_133 = arith.constant 512 : i32
    %dma_start3A_134 = arith.constant 0 : i32
    %dma_start3A_135 = tpu.memref_slice %arg7[%dma_start3A_133, %dma_start3A_134] : memref<768x16xbf16, #tpu.memory_space<vmem>> -> memref<128x16xbf16, #tpu.memory_space<vmem>>
    %dma_start3A_136 = arith.constant 0 : i32
    %dma_start3A_137 = tpu.memref_slice %arg5[%dma_start3A_131, %dma_start3A_136] : memref<79x128xi32, #tpu.memory_space<vmem>> -> memref<1x128xi32, #tpu.memory_space<vmem>>
    %dma_start3A_138 = tpu.memref_squeeze %dma_start3A_137 : memref<1x128xi32, #tpu.memory_space<vmem>> -> memref<128xi32, #tpu.memory_space<vmem>>
    %dma_start3A_139 = arith.constant 0 : i32
    %dma_start3A_140 = arith.constant 0 : i32
    %dma_start3A_141 = tpu.memref_slice %arg2[%dma_start3A_139, %dma_start3A_140] : memref<10000x16xbf16, #tpu.memory_space<hbm>> -> memref<10000x16xbf16, #tpu.memory_space<hbm>>
    %dma_start3A_142 = tpu.memref_slice %arg11[%dma_start3A_132] : memref<6x!tpu.dma_semaphore, #tpu.memory_space<semaphore_mem>> -> memref<1x!tpu.dma_semaphore, #tpu.memory_space<semaphore_mem>>
    %dma_start3A_143 = tpu.memref_squeeze %dma_start3A_142 : memref<1x!tpu.dma_semaphore, #tpu.memory_space<semaphore_mem>> -> memref<!tpu.dma_semaphore, #tpu.memory_space<semaphore_mem>>
    tpu.enqueue_indirect_dma source(%dma_start3A_141 : memref<10000x16xbf16, #tpu.memory_space<hbm>>) target(%dma_start3A_135 : memref<128x16xbf16, #tpu.memory_space<vmem>>) offsets(%dma_start3A_138 : memref<128xi32, #tpu.memory_space<vmem>>) semaphore(%dma_start3A_143 : memref<!tpu.dma_semaphore, #tpu.memory_space<semaphore_mem>>)
    %dma_start3A_144 = arith.constant 77 : i32
    %dma_start3A_145 = arith.constant 5 : i32
    %dma_start3A_146 = arith.constant 640 : i32
    %dma_start3A_147 = arith.constant 0 : i32
    %dma_start3A_148 = tpu.memref_slice %arg7[%dma_start3A_146, %dma_start3A_147] : memref<768x16xbf16, #tpu.memory_space<vmem>> -> memref<128x16xbf16, #tpu.memory_space<vmem>>
    %dma_start3A_149 = arith.constant 0 : i32
    %dma_start3A_150 = tpu.memref_slice %arg5[%dma_start3A_144, %dma_start3A_149] : memref<79x128xi32, #tpu.memory_space<vmem>> -> memref<1x128xi32, #tpu.memory_space<vmem>>
    %dma_start3A_151 = tpu.memref_squeeze %dma_start3A_150 : memref<1x128xi32, #tpu.memory_space<vmem>> -> memref<128xi32, #tpu.memory_space<vmem>>
    %dma_start3A_152 = arith.constant 0 : i32
    %dma_start3A_153 = arith.constant 0 : i32
    %dma_start3A_154 = tpu.memref_slice %arg2[%dma_start3A_152, %dma_start3A_153] : memref<10000x16xbf16, #tpu.memory_space<hbm>> -> memref<10000x16xbf16, #tpu.memory_space<hbm>>
    %dma_start3A_155 = tpu.memref_slice %arg11[%dma_start3A_145] : memref<6x!tpu.dma_semaphore, #tpu.memory_space<semaphore_mem>> -> memref<1x!tpu.dma_semaphore, #tpu.memory_space<semaphore_mem>>
    %dma_start3A_156 = tpu.memref_squeeze %dma_start3A_155 : memref<1x!tpu.dma_semaphore, #tpu.memory_space<semaphore_mem>> -> memref<!tpu.dma_semaphore, #tpu.memory_space<semaphore_mem>>
    tpu.enqueue_indirect_dma source(%dma_start3A_154 : memref<10000x16xbf16, #tpu.memory_space<hbm>>) target(%dma_start3A_148 : memref<128x16xbf16, #tpu.memory_space<vmem>>) offsets(%dma_start3A_151 : memref<128xi32, #tpu.memory_space<vmem>>) semaphore(%dma_start3A_156 : memref<!tpu.dma_semaphore, #tpu.memory_space<semaphore_mem>>)
    %dma_wait3A_157 = arith.constant 72 : i32
    %dma_wait3A_158 = arith.constant 0 : i32
    %dma_wait3A_159 = arith.constant 0 : i32
    %dma_wait3A_160 = arith.constant 0 : i32
    %dma_wait3A_161 = tpu.memref_slice %arg7[%dma_wait3A_159, %dma_wait3A_160] : memref<768x16xbf16, #tpu.memory_space<vmem>> -> memref<128x16xbf16, #tpu.memory_space<vmem>>
    %dma_wait3A_162 = arith.constant 0 : i32
    %dma_wait3A_163 = tpu.memref_slice %arg5[%dma_wait3A_157, %dma_wait3A_162] : memref<79x128xi32, #tpu.memory_space<vmem>> -> memref<1x128xi32, #tpu.memory_space<vmem>>
    %dma_wait3A_164 = tpu.memref_squeeze %dma_wait3A_163 : memref<1x128xi32, #tpu.memory_space<vmem>> -> memref<128xi32, #tpu.memory_space<vmem>>
    %dma_wait3A_165 = arith.constant 0 : i32
    %dma_wait3A_166 = arith.constant 0 : i32
    %dma_wait3A_167 = tpu.memref_slice %arg2[%dma_wait3A_165, %dma_wait3A_166] : memref<10000x16xbf16, #tpu.memory_space<hbm>> -> memref<10000x16xbf16, #tpu.memory_space<hbm>>
    %dma_wait3A_168 = tpu.memref_slice %arg11[%dma_wait3A_158] : memref<6x!tpu.dma_semaphore, #tpu.memory_space<semaphore_mem>> -> memref<1x!tpu.dma_semaphore, #tpu.memory_space<semaphore_mem>>
    %dma_wait3A_169 = tpu.memref_squeeze %dma_wait3A_168 : memref<1x!tpu.dma_semaphore, #tpu.memory_space<semaphore_mem>> -> memref<!tpu.dma_semaphore, #tpu.memory_space<semaphore_mem>>
    tpu.wait_indirect_dma semaphore(%dma_wait3A_169 : memref<!tpu.dma_semaphore, #tpu.memory_space<semaphore_mem>>) src(%dma_wait3A_167 : memref<10000x16xbf16, #tpu.memory_space<hbm>>) dst(%dma_wait3A_161 : memref<128x16xbf16, #tpu.memory_space<vmem>>)
    %dma_start3A_170 = arith.constant 72 : i32
    %dma_start3A_171 = arith.constant 0 : i32
    %dma_start3A_172 = arith.constant 0 : i32
    %dma_start3A_173 = tpu.memref_slice %arg7[%dma_start3A_171, %dma_start3A_172] : memref<768x16xbf16, #tpu.memory_space<vmem>> -> memref<128x16xbf16, #tpu.memory_space<vmem>>
    %dma_start3A_174 = arith.constant 0 : i32
    %dma_start3A_175 = tpu.memref_slice %arg6[%dma_start3A_170, %dma_start3A_174] : memref<79x128xi32, #tpu.memory_space<vmem>> -> memref<1x128xi32, #tpu.memory_space<vmem>>
    %dma_start3A_176 = tpu.memref_squeeze %dma_start3A_175 : memref<1x128xi32, #tpu.memory_space<vmem>> -> memref<128xi32, #tpu.memory_space<vmem>>
    %dma_start3A_177 = arith.constant 0 : i32
    %dma_start3A_178 = arith.constant 0 : i32
    %dma_start3A_179 = tpu.memref_slice %arg10[%dma_start3A_177, %dma_start3A_178] : memref<10112x16xbf16, #tpu.memory_space<vmem_shared>> -> memref<10112x16xbf16, #tpu.memory_space<vmem_shared>>
    tpu.enqueue_indirect_dma source(%dma_start3A_173 : memref<128x16xbf16, #tpu.memory_space<vmem>>) target(%dma_start3A_179 : memref<10112x16xbf16, #tpu.memory_space<vmem_shared>>) offsets(%dma_start3A_176 : memref<128xi32, #tpu.memory_space<vmem>>) semaphore(%arg12 : memref<!tpu.dma_semaphore, #tpu.memory_space<semaphore_mem>>) {add = true}
    %dma_wait3A_180 = arith.constant 73 : i32
    %dma_wait3A_181 = arith.constant 1 : i32
    %dma_wait3A_182 = arith.constant 128 : i32
    %dma_wait3A_183 = arith.constant 0 : i32
    %dma_wait3A_184 = tpu.memref_slice %arg7[%dma_wait3A_182, %dma_wait3A_183] : memref<768x16xbf16, #tpu.memory_space<vmem>> -> memref<128x16xbf16, #tpu.memory_space<vmem>>
    %dma_wait3A_185 = arith.constant 0 : i32
    %dma_wait3A_186 = tpu.memref_slice %arg5[%dma_wait3A_180, %dma_wait3A_185] : memref<79x128xi32, #tpu.memory_space<vmem>> -> memref<1x128xi32, #tpu.memory_space<vmem>>
    %dma_wait3A_187 = tpu.memref_squeeze %dma_wait3A_186 : memref<1x128xi32, #tpu.memory_space<vmem>> -> memref<128xi32, #tpu.memory_space<vmem>>
    %dma_wait3A_188 = arith.constant 0 : i32
    %dma_wait3A_189 = arith.constant 0 : i32
    %dma_wait3A_190 = tpu.memref_slice %arg2[%dma_wait3A_188, %dma_wait3A_189] : memref<10000x16xbf16, #tpu.memory_space<hbm>> -> memref<10000x16xbf16, #tpu.memory_space<hbm>>
    %dma_wait3A_191 = tpu.memref_slice %arg11[%dma_wait3A_181] : memref<6x!tpu.dma_semaphore, #tpu.memory_space<semaphore_mem>> -> memref<1x!tpu.dma_semaphore, #tpu.memory_space<semaphore_mem>>
    %dma_wait3A_192 = tpu.memref_squeeze %dma_wait3A_191 : memref<1x!tpu.dma_semaphore, #tpu.memory_space<semaphore_mem>> -> memref<!tpu.dma_semaphore, #tpu.memory_space<semaphore_mem>>
    tpu.wait_indirect_dma semaphore(%dma_wait3A_192 : memref<!tpu.dma_semaphore, #tpu.memory_space<semaphore_mem>>) src(%dma_wait3A_190 : memref<10000x16xbf16, #tpu.memory_space<hbm>>) dst(%dma_wait3A_184 : memref<128x16xbf16, #tpu.memory_space<vmem>>)
    %dma_start3A_193 = arith.constant 73 : i32
    %dma_start3A_194 = arith.constant 128 : i32
    %dma_start3A_195 = arith.constant 0 : i32
    %dma_start3A_196 = tpu.memref_slice %arg7[%dma_start3A_194, %dma_start3A_195] : memref<768x16xbf16, #tpu.memory_space<vmem>> -> memref<128x16xbf16, #tpu.memory_space<vmem>>
    %dma_start3A_197 = arith.constant 0 : i32
    %dma_start3A_198 = tpu.memref_slice %arg6[%dma_start3A_193, %dma_start3A_197] : memref<79x128xi32, #tpu.memory_space<vmem>> -> memref<1x128xi32, #tpu.memory_space<vmem>>
    %dma_start3A_199 = tpu.memref_squeeze %dma_start3A_198 : memref<1x128xi32, #tpu.memory_space<vmem>> -> memref<128xi32, #tpu.memory_space<vmem>>
    %dma_start3A_200 = arith.constant 0 : i32
    %dma_start3A_201 = arith.constant 0 : i32
    %dma_start3A_202 = tpu.memref_slice %arg10[%dma_start3A_200, %dma_start3A_201] : memref<10112x16xbf16, #tpu.memory_space<vmem_shared>> -> memref<10112x16xbf16, #tpu.memory_space<vmem_shared>>
    tpu.enqueue_indirect_dma source(%dma_start3A_196 : memref<128x16xbf16, #tpu.memory_space<vmem>>) target(%dma_start3A_202 : memref<10112x16xbf16, #tpu.memory_space<vmem_shared>>) offsets(%dma_start3A_199 : memref<128xi32, #tpu.memory_space<vmem>>) semaphore(%arg12 : memref<!tpu.dma_semaphore, #tpu.memory_space<semaphore_mem>>) {add = true}
    %dma_wait3A_203 = arith.constant 74 : i32
    %dma_wait3A_204 = arith.constant 2 : i32
    %dma_wait3A_205 = arith.constant 256 : i32
    %dma_wait3A_206 = arith.constant 0 : i32
    %dma_wait3A_207 = tpu.memref_slice %arg7[%dma_wait3A_205, %dma_wait3A_206] : memref<768x16xbf16, #tpu.memory_space<vmem>> -> memref<128x16xbf16, #tpu.memory_space<vmem>>
    %dma_wait3A_208 = arith.constant 0 : i32
    %dma_wait3A_209 = tpu.memref_slice %arg5[%dma_wait3A_203, %dma_wait3A_208] : memref<79x128xi32, #tpu.memory_space<vmem>> -> memref<1x128xi32, #tpu.memory_space<vmem>>
    %dma_wait3A_210 = tpu.memref_squeeze %dma_wait3A_209 : memref<1x128xi32, #tpu.memory_space<vmem>> -> memref<128xi32, #tpu.memory_space<vmem>>
    %dma_wait3A_211 = arith.constant 0 : i32
    %dma_wait3A_212 = arith.constant 0 : i32
    %dma_wait3A_213 = tpu.memref_slice %arg2[%dma_wait3A_211, %dma_wait3A_212] : memref<10000x16xbf16, #tpu.memory_space<hbm>> -> memref<10000x16xbf16, #tpu.memory_space<hbm>>
    %dma_wait3A_214 = tpu.memref_slice %arg11[%dma_wait3A_204] : memref<6x!tpu.dma_semaphore, #tpu.memory_space<semaphore_mem>> -> memref<1x!tpu.dma_semaphore, #tpu.memory_space<semaphore_mem>>
    %dma_wait3A_215 = tpu.memref_squeeze %dma_wait3A_214 : memref<1x!tpu.dma_semaphore, #tpu.memory_space<semaphore_mem>> -> memref<!tpu.dma_semaphore, #tpu.memory_space<semaphore_mem>>
    tpu.wait_indirect_dma semaphore(%dma_wait3A_215 : memref<!tpu.dma_semaphore, #tpu.memory_space<semaphore_mem>>) src(%dma_wait3A_213 : memref<10000x16xbf16, #tpu.memory_space<hbm>>) dst(%dma_wait3A_207 : memref<128x16xbf16, #tpu.memory_space<vmem>>)
    %dma_start3A_216 = arith.constant 74 : i32
    %dma_start3A_217 = arith.constant 256 : i32
    %dma_start3A_218 = arith.constant 0 : i32
    %dma_start3A_219 = tpu.memref_slice %arg7[%dma_start3A_217, %dma_start3A_218] : memref<768x16xbf16, #tpu.memory_space<vmem>> -> memref<128x16xbf16, #tpu.memory_space<vmem>>
    %dma_start3A_220 = arith.constant 0 : i32
    %dma_start3A_221 = tpu.memref_slice %arg6[%dma_start3A_216, %dma_start3A_220] : memref<79x128xi32, #tpu.memory_space<vmem>> -> memref<1x128xi32, #tpu.memory_space<vmem>>
    %dma_start3A_222 = tpu.memref_squeeze %dma_start3A_221 : memref<1x128xi32, #tpu.memory_space<vmem>> -> memref<128xi32, #tpu.memory_space<vmem>>
    %dma_start3A_223 = arith.constant 0 : i32
    %dma_start3A_224 = arith.constant 0 : i32
    %dma_start3A_225 = tpu.memref_slice %arg10[%dma_start3A_223, %dma_start3A_224] : memref<10112x16xbf16, #tpu.memory_space<vmem_shared>> -> memref<10112x16xbf16, #tpu.memory_space<vmem_shared>>
    tpu.enqueue_indirect_dma source(%dma_start3A_219 : memref<128x16xbf16, #tpu.memory_space<vmem>>) target(%dma_start3A_225 : memref<10112x16xbf16, #tpu.memory_space<vmem_shared>>) offsets(%dma_start3A_222 : memref<128xi32, #tpu.memory_space<vmem>>) semaphore(%arg12 : memref<!tpu.dma_semaphore, #tpu.memory_space<semaphore_mem>>) {add = true}
    %dma_wait3A_226 = arith.constant 75 : i32
    %dma_wait3A_227 = arith.constant 3 : i32
    %dma_wait3A_228 = arith.constant 384 : i32
    %dma_wait3A_229 = arith.constant 0 : i32
    %dma_wait3A_230 = tpu.memref_slice %arg7[%dma_wait3A_228, %dma_wait3A_229] : memref<768x16xbf16, #tpu.memory_space<vmem>> -> memref<128x16xbf16, #tpu.memory_space<vmem>>
    %dma_wait3A_231 = arith.constant 0 : i32
    %dma_wait3A_232 = tpu.memref_slice %arg5[%dma_wait3A_226, %dma_wait3A_231] : memref<79x128xi32, #tpu.memory_space<vmem>> -> memref<1x128xi32, #tpu.memory_space<vmem>>
    %dma_wait3A_233 = tpu.memref_squeeze %dma_wait3A_232 : memref<1x128xi32, #tpu.memory_space<vmem>> -> memref<128xi32, #tpu.memory_space<vmem>>
    %dma_wait3A_234 = arith.constant 0 : i32
    %dma_wait3A_235 = arith.constant 0 : i32
    %dma_wait3A_236 = tpu.memref_slice %arg2[%dma_wait3A_234, %dma_wait3A_235] : memref<10000x16xbf16, #tpu.memory_space<hbm>> -> memref<10000x16xbf16, #tpu.memory_space<hbm>>
    %dma_wait3A_237 = tpu.memref_slice %arg11[%dma_wait3A_227] : memref<6x!tpu.dma_semaphore, #tpu.memory_space<semaphore_mem>> -> memref<1x!tpu.dma_semaphore, #tpu.memory_space<semaphore_mem>>
    %dma_wait3A_238 = tpu.memref_squeeze %dma_wait3A_237 : memref<1x!tpu.dma_semaphore, #tpu.memory_space<semaphore_mem>> -> memref<!tpu.dma_semaphore, #tpu.memory_space<semaphore_mem>>
    tpu.wait_indirect_dma semaphore(%dma_wait3A_238 : memref<!tpu.dma_semaphore, #tpu.memory_space<semaphore_mem>>) src(%dma_wait3A_236 : memref<10000x16xbf16, #tpu.memory_space<hbm>>) dst(%dma_wait3A_230 : memref<128x16xbf16, #tpu.memory_space<vmem>>)
    %dma_start3A_239 = arith.constant 75 : i32
    %dma_start3A_240 = arith.constant 384 : i32
    %dma_start3A_241 = arith.constant 0 : i32
    %dma_start3A_242 = tpu.memref_slice %arg7[%dma_start3A_240, %dma_start3A_241] : memref<768x16xbf16, #tpu.memory_space<vmem>> -> memref<128x16xbf16, #tpu.memory_space<vmem>>
    %dma_start3A_243 = arith.constant 0 : i32
    %dma_start3A_244 = tpu.memref_slice %arg6[%dma_start3A_239, %dma_start3A_243] : memref<79x128xi32, #tpu.memory_space<vmem>> -> memref<1x128xi32, #tpu.memory_space<vmem>>
    %dma_start3A_245 = tpu.memref_squeeze %dma_start3A_244 : memref<1x128xi32, #tpu.memory_space<vmem>> -> memref<128xi32, #tpu.memory_space<vmem>>
    %dma_start3A_246 = arith.constant 0 : i32
    %dma_start3A_247 = arith.constant 0 : i32
    %dma_start3A_248 = tpu.memref_slice %arg10[%dma_start3A_246, %dma_start3A_247] : memref<10112x16xbf16, #tpu.memory_space<vmem_shared>> -> memref<10112x16xbf16, #tpu.memory_space<vmem_shared>>
    tpu.enqueue_indirect_dma source(%dma_start3A_242 : memref<128x16xbf16, #tpu.memory_space<vmem>>) target(%dma_start3A_248 : memref<10112x16xbf16, #tpu.memory_space<vmem_shared>>) offsets(%dma_start3A_245 : memref<128xi32, #tpu.memory_space<vmem>>) semaphore(%arg12 : memref<!tpu.dma_semaphore, #tpu.memory_space<semaphore_mem>>) {add = true}
    %dma_wait3A_249 = arith.constant 76 : i32
    %dma_wait3A_250 = arith.constant 4 : i32
    %dma_wait3A_251 = arith.constant 512 : i32
    %dma_wait3A_252 = arith.constant 0 : i32
    %dma_wait3A_253 = tpu.memref_slice %arg7[%dma_wait3A_251, %dma_wait3A_252] : memref<768x16xbf16, #tpu.memory_space<vmem>> -> memref<128x16xbf16, #tpu.memory_space<vmem>>
    %dma_wait3A_254 = arith.constant 0 : i32
    %dma_wait3A_255 = tpu.memref_slice %arg5[%dma_wait3A_249, %dma_wait3A_254] : memref<79x128xi32, #tpu.memory_space<vmem>> -> memref<1x128xi32, #tpu.memory_space<vmem>>
    %dma_wait3A_256 = tpu.memref_squeeze %dma_wait3A_255 : memref<1x128xi32, #tpu.memory_space<vmem>> -> memref<128xi32, #tpu.memory_space<vmem>>
    %dma_wait3A_257 = arith.constant 0 : i32
    %dma_wait3A_258 = arith.constant 0 : i32
    %dma_wait3A_259 = tpu.memref_slice %arg2[%dma_wait3A_257, %dma_wait3A_258] : memref<10000x16xbf16, #tpu.memory_space<hbm>> -> memref<10000x16xbf16, #tpu.memory_space<hbm>>
    %dma_wait3A_260 = tpu.memref_slice %arg11[%dma_wait3A_250] : memref<6x!tpu.dma_semaphore, #tpu.memory_space<semaphore_mem>> -> memref<1x!tpu.dma_semaphore, #tpu.memory_space<semaphore_mem>>
    %dma_wait3A_261 = tpu.memref_squeeze %dma_wait3A_260 : memref<1x!tpu.dma_semaphore, #tpu.memory_space<semaphore_mem>> -> memref<!tpu.dma_semaphore, #tpu.memory_space<semaphore_mem>>
    tpu.wait_indirect_dma semaphore(%dma_wait3A_261 : memref<!tpu.dma_semaphore, #tpu.memory_space<semaphore_mem>>) src(%dma_wait3A_259 : memref<10000x16xbf16, #tpu.memory_space<hbm>>) dst(%dma_wait3A_253 : memref<128x16xbf16, #tpu.memory_space<vmem>>)
    %dma_start3A_262 = arith.constant 76 : i32
    %dma_start3A_263 = arith.constant 512 : i32
    %dma_start3A_264 = arith.constant 0 : i32
    %dma_start3A_265 = tpu.memref_slice %arg7[%dma_start3A_263, %dma_start3A_264] : memref<768x16xbf16, #tpu.memory_space<vmem>> -> memref<128x16xbf16, #tpu.memory_space<vmem>>
    %dma_start3A_266 = arith.constant 0 : i32
    %dma_start3A_267 = tpu.memref_slice %arg6[%dma_start3A_262, %dma_start3A_266] : memref<79x128xi32, #tpu.memory_space<vmem>> -> memref<1x128xi32, #tpu.memory_space<vmem>>
    %dma_start3A_268 = tpu.memref_squeeze %dma_start3A_267 : memref<1x128xi32, #tpu.memory_space<vmem>> -> memref<128xi32, #tpu.memory_space<vmem>>
    %dma_start3A_269 = arith.constant 0 : i32
    %dma_start3A_270 = arith.constant 0 : i32
    %dma_start3A_271 = tpu.memref_slice %arg10[%dma_start3A_269, %dma_start3A_270] : memref<10112x16xbf16, #tpu.memory_space<vmem_shared>> -> memref<10112x16xbf16, #tpu.memory_space<vmem_shared>>
    tpu.enqueue_indirect_dma source(%dma_start3A_265 : memref<128x16xbf16, #tpu.memory_space<vmem>>) target(%dma_start3A_271 : memref<10112x16xbf16, #tpu.memory_space<vmem_shared>>) offsets(%dma_start3A_268 : memref<128xi32, #tpu.memory_space<vmem>>) semaphore(%arg12 : memref<!tpu.dma_semaphore, #tpu.memory_space<semaphore_mem>>) {add = true}
    %dma_wait3A_272 = arith.constant 77 : i32
    %dma_wait3A_273 = arith.constant 5 : i32
    %dma_wait3A_274 = arith.constant 640 : i32
    %dma_wait3A_275 = arith.constant 0 : i32
    %dma_wait3A_276 = tpu.memref_slice %arg7[%dma_wait3A_274, %dma_wait3A_275] : memref<768x16xbf16, #tpu.memory_space<vmem>> -> memref<128x16xbf16, #tpu.memory_space<vmem>>
    %dma_wait3A_277 = arith.constant 0 : i32
    %dma_wait3A_278 = tpu.memref_slice %arg5[%dma_wait3A_272, %dma_wait3A_277] : memref<79x128xi32, #tpu.memory_space<vmem>> -> memref<1x128xi32, #tpu.memory_space<vmem>>
    %dma_wait3A_279 = tpu.memref_squeeze %dma_wait3A_278 : memref<1x128xi32, #tpu.memory_space<vmem>> -> memref<128xi32, #tpu.memory_space<vmem>>
    %dma_wait3A_280 = arith.constant 0 : i32
    %dma_wait3A_281 = arith.constant 0 : i32
    %dma_wait3A_282 = tpu.memref_slice %arg2[%dma_wait3A_280, %dma_wait3A_281] : memref<10000x16xbf16, #tpu.memory_space<hbm>> -> memref<10000x16xbf16, #tpu.memory_space<hbm>>
    %dma_wait3A_283 = tpu.memref_slice %arg11[%dma_wait3A_273] : memref<6x!tpu.dma_semaphore, #tpu.memory_space<semaphore_mem>> -> memref<1x!tpu.dma_semaphore, #tpu.memory_space<semaphore_mem>>
    %dma_wait3A_284 = tpu.memref_squeeze %dma_wait3A_283 : memref<1x!tpu.dma_semaphore, #tpu.memory_space<semaphore_mem>> -> memref<!tpu.dma_semaphore, #tpu.memory_space<semaphore_mem>>
    tpu.wait_indirect_dma semaphore(%dma_wait3A_284 : memref<!tpu.dma_semaphore, #tpu.memory_space<semaphore_mem>>) src(%dma_wait3A_282 : memref<10000x16xbf16, #tpu.memory_space<hbm>>) dst(%dma_wait3A_276 : memref<128x16xbf16, #tpu.memory_space<vmem>>)
    %dma_start3A_285 = arith.constant 77 : i32
    %dma_start3A_286 = arith.constant 640 : i32
    %dma_start3A_287 = arith.constant 0 : i32
    %dma_start3A_288 = tpu.memref_slice %arg7[%dma_start3A_286, %dma_start3A_287] : memref<768x16xbf16, #tpu.memory_space<vmem>> -> memref<128x16xbf16, #tpu.memory_space<vmem>>
    %dma_start3A_289 = arith.constant 0 : i32
    %dma_start3A_290 = tpu.memref_slice %arg6[%dma_start3A_285, %dma_start3A_289] : memref<79x128xi32, #tpu.memory_space<vmem>> -> memref<1x128xi32, #tpu.memory_space<vmem>>
    %dma_start3A_291 = tpu.memref_squeeze %dma_start3A_290 : memref<1x128xi32, #tpu.memory_space<vmem>> -> memref<128xi32, #tpu.memory_space<vmem>>
    %dma_start3A_292 = arith.constant 0 : i32
    %dma_start3A_293 = arith.constant 0 : i32
    %dma_start3A_294 = tpu.memref_slice %arg10[%dma_start3A_292, %dma_start3A_293] : memref<10112x16xbf16, #tpu.memory_space<vmem_shared>> -> memref<10112x16xbf16, #tpu.memory_space<vmem_shared>>
    tpu.enqueue_indirect_dma source(%dma_start3A_288 : memref<128x16xbf16, #tpu.memory_space<vmem>>) target(%dma_start3A_294 : memref<10112x16xbf16, #tpu.memory_space<vmem_shared>>) offsets(%dma_start3A_291 : memref<128xi32, #tpu.memory_space<vmem>>) semaphore(%arg12 : memref<!tpu.dma_semaphore, #tpu.memory_space<semaphore_mem>>) {add = true}
    %dma_wait3A_295 = arith.constant 0 : i32
    %dma_wait3A_296 = arith.constant 0 : i32
    %dma_wait3A_297 = arith.constant 0 : i32
    %dma_wait3A_298 = tpu.memref_slice %arg7[%dma_wait3A_296, %dma_wait3A_297] : memref<768x16xbf16, #tpu.memory_space<vmem>> -> memref<128x16xbf16, #tpu.memory_space<vmem>>
    %dma_wait3A_299 = arith.constant 0 : i32
    %dma_wait3A_300 = tpu.memref_slice %arg6[%dma_wait3A_295, %dma_wait3A_299] : memref<79x128xi32, #tpu.memory_space<vmem>> -> memref<1x128xi32, #tpu.memory_space<vmem>>
    %dma_wait3A_301 = tpu.memref_squeeze %dma_wait3A_300 : memref<1x128xi32, #tpu.memory_space<vmem>> -> memref<128xi32, #tpu.memory_space<vmem>>
    %dma_wait3A_302 = arith.constant 0 : i32
    %dma_wait3A_303 = arith.constant 0 : i32
    %dma_wait3A_304 = tpu.memref_slice %arg10[%dma_wait3A_302, %dma_wait3A_303] : memref<10112x16xbf16, #tpu.memory_space<vmem_shared>> -> memref<10112x16xbf16, #tpu.memory_space<vmem_shared>>
    tpu.wait_indirect_dma semaphore(%arg12 : memref<!tpu.dma_semaphore, #tpu.memory_space<semaphore_mem>>) src(%dma_wait3A_298 : memref<128x16xbf16, #tpu.memory_space<vmem>>) dst(%dma_wait3A_304 : memref<10112x16xbf16, #tpu.memory_space<vmem_shared>>)
    %dma_wait3A_305 = arith.constant 0 : i32
    %dma_wait3A_306 = arith.constant 128 : i32
    %dma_wait3A_307 = arith.constant 0 : i32
    %dma_wait3A_308 = tpu.memref_slice %arg7[%dma_wait3A_306, %dma_wait3A_307] : memref<768x16xbf16, #tpu.memory_space<vmem>> -> memref<128x16xbf16, #tpu.memory_space<vmem>>
    %dma_wait3A_309 = arith.constant 0 : i32
    %dma_wait3A_310 = tpu.memref_slice %arg6[%dma_wait3A_305, %dma_wait3A_309] : memref<79x128xi32, #tpu.memory_space<vmem>> -> memref<1x128xi32, #tpu.memory_space<vmem>>
    %dma_wait3A_311 = tpu.memref_squeeze %dma_wait3A_310 : memref<1x128xi32, #tpu.memory_space<vmem>> -> memref<128xi32, #tpu.memory_space<vmem>>
    %dma_wait3A_312 = arith.constant 0 : i32
    %dma_wait3A_313 = arith.constant 0 : i32
    %dma_wait3A_314 = tpu.memref_slice %arg10[%dma_wait3A_312, %dma_wait3A_313] : memref<10112x16xbf16, #tpu.memory_space<vmem_shared>> -> memref<10112x16xbf16, #tpu.memory_space<vmem_shared>>
    tpu.wait_indirect_dma semaphore(%arg12 : memref<!tpu.dma_semaphore, #tpu.memory_space<semaphore_mem>>) src(%dma_wait3A_308 : memref<128x16xbf16, #tpu.memory_space<vmem>>) dst(%dma_wait3A_314 : memref<10112x16xbf16, #tpu.memory_space<vmem_shared>>)
    %dma_wait3A_315 = arith.constant 0 : i32
    %dma_wait3A_316 = arith.constant 256 : i32
    %dma_wait3A_317 = arith.constant 0 : i32
    %dma_wait3A_318 = tpu.memref_slice %arg7[%dma_wait3A_316, %dma_wait3A_317] : memref<768x16xbf16, #tpu.memory_space<vmem>> -> memref<128x16xbf16, #tpu.memory_space<vmem>>
    %dma_wait3A_319 = arith.constant 0 : i32
    %dma_wait3A_320 = tpu.memref_slice %arg6[%dma_wait3A_315, %dma_wait3A_319] : memref<79x128xi32, #tpu.memory_space<vmem>> -> memref<1x128xi32, #tpu.memory_space<vmem>>
    %dma_wait3A_321 = tpu.memref_squeeze %dma_wait3A_320 : memref<1x128xi32, #tpu.memory_space<vmem>> -> memref<128xi32, #tpu.memory_space<vmem>>
    %dma_wait3A_322 = arith.constant 0 : i32
    %dma_wait3A_323 = arith.constant 0 : i32
    %dma_wait3A_324 = tpu.memref_slice %arg10[%dma_wait3A_322, %dma_wait3A_323] : memref<10112x16xbf16, #tpu.memory_space<vmem_shared>> -> memref<10112x16xbf16, #tpu.memory_space<vmem_shared>>
    tpu.wait_indirect_dma semaphore(%arg12 : memref<!tpu.dma_semaphore, #tpu.memory_space<semaphore_mem>>) src(%dma_wait3A_318 : memref<128x16xbf16, #tpu.memory_space<vmem>>) dst(%dma_wait3A_324 : memref<10112x16xbf16, #tpu.memory_space<vmem_shared>>)
    %dma_wait3A_325 = arith.constant 0 : i32
    %dma_wait3A_326 = arith.constant 384 : i32
    %dma_wait3A_327 = arith.constant 0 : i32
    %dma_wait3A_328 = tpu.memref_slice %arg7[%dma_wait3A_326, %dma_wait3A_327] : memref<768x16xbf16, #tpu.memory_space<vmem>> -> memref<128x16xbf16, #tpu.memory_space<vmem>>
    %dma_wait3A_329 = arith.constant 0 : i32
    %dma_wait3A_330 = tpu.memref_slice %arg6[%dma_wait3A_325, %dma_wait3A_329] : memref<79x128xi32, #tpu.memory_space<vmem>> -> memref<1x128xi32, #tpu.memory_space<vmem>>
    %dma_wait3A_331 = tpu.memref_squeeze %dma_wait3A_330 : memref<1x128xi32, #tpu.memory_space<vmem>> -> memref<128xi32, #tpu.memory_space<vmem>>
    %dma_wait3A_332 = arith.constant 0 : i32
    %dma_wait3A_333 = arith.constant 0 : i32
    %dma_wait3A_334 = tpu.memref_slice %arg10[%dma_wait3A_332, %dma_wait3A_333] : memref<10112x16xbf16, #tpu.memory_space<vmem_shared>> -> memref<10112x16xbf16, #tpu.memory_space<vmem_shared>>
    tpu.wait_indirect_dma semaphore(%arg12 : memref<!tpu.dma_semaphore, #tpu.memory_space<semaphore_mem>>) src(%dma_wait3A_328 : memref<128x16xbf16, #tpu.memory_space<vmem>>) dst(%dma_wait3A_334 : memref<10112x16xbf16, #tpu.memory_space<vmem_shared>>)
    %dma_wait3A_335 = arith.constant 0 : i32
    %dma_wait3A_336 = arith.constant 512 : i32
    %dma_wait3A_337 = arith.constant 0 : i32
    %dma_wait3A_338 = tpu.memref_slice %arg7[%dma_wait3A_336, %dma_wait3A_337] : memref<768x16xbf16, #tpu.memory_space<vmem>> -> memref<128x16xbf16, #tpu.memory_space<vmem>>
    %dma_wait3A_339 = arith.constant 0 : i32
    %dma_wait3A_340 = tpu.memref_slice %arg6[%dma_wait3A_335, %dma_wait3A_339] : memref<79x128xi32, #tpu.memory_space<vmem>> -> memref<1x128xi32, #tpu.memory_space<vmem>>
    %dma_wait3A_341 = tpu.memref_squeeze %dma_wait3A_340 : memref<1x128xi32, #tpu.memory_space<vmem>> -> memref<128xi32, #tpu.memory_space<vmem>>
    %dma_wait3A_342 = arith.constant 0 : i32
    %dma_wait3A_343 = arith.constant 0 : i32
    %dma_wait3A_344 = tpu.memref_slice %arg10[%dma_wait3A_342, %dma_wait3A_343] : memref<10112x16xbf16, #tpu.memory_space<vmem_shared>> -> memref<10112x16xbf16, #tpu.memory_space<vmem_shared>>
    tpu.wait_indirect_dma semaphore(%arg12 : memref<!tpu.dma_semaphore, #tpu.memory_space<semaphore_mem>>) src(%dma_wait3A_338 : memref<128x16xbf16, #tpu.memory_space<vmem>>) dst(%dma_wait3A_344 : memref<10112x16xbf16, #tpu.memory_space<vmem_shared>>)
    %dma_wait3A_345 = arith.constant 0 : i32
    %dma_wait3A_346 = arith.constant 640 : i32
    %dma_wait3A_347 = arith.constant 0 : i32
    %dma_wait3A_348 = tpu.memref_slice %arg7[%dma_wait3A_346, %dma_wait3A_347] : memref<768x16xbf16, #tpu.memory_space<vmem>> -> memref<128x16xbf16, #tpu.memory_space<vmem>>
    %dma_wait3A_349 = arith.constant 0 : i32
    %dma_wait3A_350 = tpu.memref_slice %arg6[%dma_wait3A_345, %dma_wait3A_349] : memref<79x128xi32, #tpu.memory_space<vmem>> -> memref<1x128xi32, #tpu.memory_space<vmem>>
    %dma_wait3A_351 = tpu.memref_squeeze %dma_wait3A_350 : memref<1x128xi32, #tpu.memory_space<vmem>> -> memref<128xi32, #tpu.memory_space<vmem>>
    %dma_wait3A_352 = arith.constant 0 : i32
    %dma_wait3A_353 = arith.constant 0 : i32
    %dma_wait3A_354 = tpu.memref_slice %arg10[%dma_wait3A_352, %dma_wait3A_353] : memref<10112x16xbf16, #tpu.memory_space<vmem_shared>> -> memref<10112x16xbf16, #tpu.memory_space<vmem_shared>>
    tpu.wait_indirect_dma semaphore(%arg12 : memref<!tpu.dma_semaphore, #tpu.memory_space<semaphore_mem>>) src(%dma_wait3A_348 : memref<128x16xbf16, #tpu.memory_space<vmem>>) dst(%dma_wait3A_354 : memref<10112x16xbf16, #tpu.memory_space<vmem_shared>>)
    %dma_wait3A_355 = arith.constant 0 : i32
    %dma_wait3A_356 = arith.constant 0 : i32
    %dma_wait3A_357 = arith.constant 0 : i32
    %dma_wait3A_358 = tpu.memref_slice %arg8[%dma_wait3A_356, %dma_wait3A_357] : memref<768x16xbf16, #tpu.memory_space<vmem>> -> memref<128x16xbf16, #tpu.memory_space<vmem>>
    %dma_wait3A_359 = arith.constant 0 : i32
    %dma_wait3A_360 = tpu.memref_slice %arg6[%dma_wait3A_355, %dma_wait3A_359] : memref<79x128xi32, #tpu.memory_space<vmem>> -> memref<1x128xi32, #tpu.memory_space<vmem>>
    %dma_wait3A_361 = tpu.memref_squeeze %dma_wait3A_360 : memref<1x128xi32, #tpu.memory_space<vmem>> -> memref<128xi32, #tpu.memory_space<vmem>>
    %dma_wait3A_362 = arith.constant 0 : i32
    %dma_wait3A_363 = arith.constant 0 : i32
    %dma_wait3A_364 = tpu.memref_slice %arg10[%dma_wait3A_362, %dma_wait3A_363] : memref<10112x16xbf16, #tpu.memory_space<vmem_shared>> -> memref<10112x16xbf16, #tpu.memory_space<vmem_shared>>
    tpu.wait_indirect_dma semaphore(%arg13 : memref<!tpu.dma_semaphore, #tpu.memory_space<semaphore_mem>>) src(%dma_wait3A_358 : memref<128x16xbf16, #tpu.memory_space<vmem>>) dst(%dma_wait3A_364 : memref<10112x16xbf16, #tpu.memory_space<vmem_shared>>)
    %dma_wait3A_365 = arith.constant 0 : i32
    %dma_wait3A_366 = arith.constant 128 : i32
    %dma_wait3A_367 = arith.constant 0 : i32
    %dma_wait3A_368 = tpu.memref_slice %arg8[%dma_wait3A_366, %dma_wait3A_367] : memref<768x16xbf16, #tpu.memory_space<vmem>> -> memref<128x16xbf16, #tpu.memory_space<vmem>>
    %dma_wait3A_369 = arith.constant 0 : i32
    %dma_wait3A_370 = tpu.memref_slice %arg6[%dma_wait3A_365, %dma_wait3A_369] : memref<79x128xi32, #tpu.memory_space<vmem>> -> memref<1x128xi32, #tpu.memory_space<vmem>>
    %dma_wait3A_371 = tpu.memref_squeeze %dma_wait3A_370 : memref<1x128xi32, #tpu.memory_space<vmem>> -> memref<128xi32, #tpu.memory_space<vmem>>
    %dma_wait3A_372 = arith.constant 0 : i32
    %dma_wait3A_373 = arith.constant 0 : i32
    %dma_wait3A_374 = tpu.memref_slice %arg10[%dma_wait3A_372, %dma_wait3A_373] : memref<10112x16xbf16, #tpu.memory_space<vmem_shared>> -> memref<10112x16xbf16, #tpu.memory_space<vmem_shared>>
    tpu.wait_indirect_dma semaphore(%arg13 : memref<!tpu.dma_semaphore, #tpu.memory_space<semaphore_mem>>) src(%dma_wait3A_368 : memref<128x16xbf16, #tpu.memory_space<vmem>>) dst(%dma_wait3A_374 : memref<10112x16xbf16, #tpu.memory_space<vmem_shared>>)
    %dma_wait3A_375 = arith.constant 0 : i32
    %dma_wait3A_376 = arith.constant 256 : i32
    %dma_wait3A_377 = arith.constant 0 : i32
    %dma_wait3A_378 = tpu.memref_slice %arg8[%dma_wait3A_376, %dma_wait3A_377] : memref<768x16xbf16, #tpu.memory_space<vmem>> -> memref<128x16xbf16, #tpu.memory_space<vmem>>
    %dma_wait3A_379 = arith.constant 0 : i32
    %dma_wait3A_380 = tpu.memref_slice %arg6[%dma_wait3A_375, %dma_wait3A_379] : memref<79x128xi32, #tpu.memory_space<vmem>> -> memref<1x128xi32, #tpu.memory_space<vmem>>
    %dma_wait3A_381 = tpu.memref_squeeze %dma_wait3A_380 : memref<1x128xi32, #tpu.memory_space<vmem>> -> memref<128xi32, #tpu.memory_space<vmem>>
    %dma_wait3A_382 = arith.constant 0 : i32
    %dma_wait3A_383 = arith.constant 0 : i32
    %dma_wait3A_384 = tpu.memref_slice %arg10[%dma_wait3A_382, %dma_wait3A_383] : memref<10112x16xbf16, #tpu.memory_space<vmem_shared>> -> memref<10112x16xbf16, #tpu.memory_space<vmem_shared>>
    tpu.wait_indirect_dma semaphore(%arg13 : memref<!tpu.dma_semaphore, #tpu.memory_space<semaphore_mem>>) src(%dma_wait3A_378 : memref<128x16xbf16, #tpu.memory_space<vmem>>) dst(%dma_wait3A_384 : memref<10112x16xbf16, #tpu.memory_space<vmem_shared>>)
    %dma_wait3A_385 = arith.constant 0 : i32
    %dma_wait3A_386 = arith.constant 384 : i32
    %dma_wait3A_387 = arith.constant 0 : i32
    %dma_wait3A_388 = tpu.memref_slice %arg8[%dma_wait3A_386, %dma_wait3A_387] : memref<768x16xbf16, #tpu.memory_space<vmem>> -> memref<128x16xbf16, #tpu.memory_space<vmem>>
    %dma_wait3A_389 = arith.constant 0 : i32
    %dma_wait3A_390 = tpu.memref_slice %arg6[%dma_wait3A_385, %dma_wait3A_389] : memref<79x128xi32, #tpu.memory_space<vmem>> -> memref<1x128xi32, #tpu.memory_space<vmem>>
    %dma_wait3A_391 = tpu.memref_squeeze %dma_wait3A_390 : memref<1x128xi32, #tpu.memory_space<vmem>> -> memref<128xi32, #tpu.memory_space<vmem>>
    %dma_wait3A_392 = arith.constant 0 : i32
    %dma_wait3A_393 = arith.constant 0 : i32
    %dma_wait3A_394 = tpu.memref_slice %arg10[%dma_wait3A_392, %dma_wait3A_393] : memref<10112x16xbf16, #tpu.memory_space<vmem_shared>> -> memref<10112x16xbf16, #tpu.memory_space<vmem_shared>>
    tpu.wait_indirect_dma semaphore(%arg13 : memref<!tpu.dma_semaphore, #tpu.memory_space<semaphore_mem>>) src(%dma_wait3A_388 : memref<128x16xbf16, #tpu.memory_space<vmem>>) dst(%dma_wait3A_394 : memref<10112x16xbf16, #tpu.memory_space<vmem_shared>>)
    %dma_wait3A_395 = arith.constant 0 : i32
    %dma_wait3A_396 = arith.constant 512 : i32
    %dma_wait3A_397 = arith.constant 0 : i32
    %dma_wait3A_398 = tpu.memref_slice %arg8[%dma_wait3A_396, %dma_wait3A_397] : memref<768x16xbf16, #tpu.memory_space<vmem>> -> memref<128x16xbf16, #tpu.memory_space<vmem>>
    %dma_wait3A_399 = arith.constant 0 : i32
    %dma_wait3A_400 = tpu.memref_slice %arg6[%dma_wait3A_395, %dma_wait3A_399] : memref<79x128xi32, #tpu.memory_space<vmem>> -> memref<1x128xi32, #tpu.memory_space<vmem>>
    %dma_wait3A_401 = tpu.memref_squeeze %dma_wait3A_400 : memref<1x128xi32, #tpu.memory_space<vmem>> -> memref<128xi32, #tpu.memory_space<vmem>>
    %dma_wait3A_402 = arith.constant 0 : i32
    %dma_wait3A_403 = arith.constant 0 : i32
    %dma_wait3A_404 = tpu.memref_slice %arg10[%dma_wait3A_402, %dma_wait3A_403] : memref<10112x16xbf16, #tpu.memory_space<vmem_shared>> -> memref<10112x16xbf16, #tpu.memory_space<vmem_shared>>
    tpu.wait_indirect_dma semaphore(%arg13 : memref<!tpu.dma_semaphore, #tpu.memory_space<semaphore_mem>>) src(%dma_wait3A_398 : memref<128x16xbf16, #tpu.memory_space<vmem>>) dst(%dma_wait3A_404 : memref<10112x16xbf16, #tpu.memory_space<vmem_shared>>)
    %dma_wait3A_405 = arith.constant 0 : i32
    %dma_wait3A_406 = arith.constant 640 : i32
    %dma_wait3A_407 = arith.constant 0 : i32
    %dma_wait3A_408 = tpu.memref_slice %arg8[%dma_wait3A_406, %dma_wait3A_407] : memref<768x16xbf16, #tpu.memory_space<vmem>> -> memref<128x16xbf16, #tpu.memory_space<vmem>>
    %dma_wait3A_409 = arith.constant 0 : i32
    %dma_wait3A_410 = tpu.memref_slice %arg6[%dma_wait3A_405, %dma_wait3A_409] : memref<79x128xi32, #tpu.memory_space<vmem>> -> memref<1x128xi32, #tpu.memory_space<vmem>>
    %dma_wait3A_411 = tpu.memref_squeeze %dma_wait3A_410 : memref<1x128xi32, #tpu.memory_space<vmem>> -> memref<128xi32, #tpu.memory_space<vmem>>
    %dma_wait3A_412 = arith.constant 0 : i32
    %dma_wait3A_413 = arith.constant 0 : i32
    %dma_wait3A_414 = tpu.memref_slice %arg10[%dma_wait3A_412, %dma_wait3A_413] : memref<10112x16xbf16, #tpu.memory_space<vmem_shared>> -> memref<10112x16xbf16, #tpu.memory_space<vmem_shared>>
    tpu.wait_indirect_dma semaphore(%arg13 : memref<!tpu.dma_semaphore, #tpu.memory_space<semaphore_mem>>) src(%dma_wait3A_408 : memref<128x16xbf16, #tpu.memory_space<vmem>>) dst(%dma_wait3A_414 : memref<10112x16xbf16, #tpu.memory_space<vmem_shared>>)
    %ge3A_415 = arith.constant 28 : i32
    %ge3A_416 = arith.cmpi sge, %add3A, %ge3A_415 : i32
    %convert_element_type3A_417 = arith.extui %ge3A_416 : i1 to i32
    %cond3A_418 = arith.constant 0 : i32
    %cond3A_419 = arith.cmpi ne, %convert_element_type3A_417, %cond3A_418 : i32
    scf.if %cond3A_419 {
      %dma_start3A_425 = arith.constant 78 : i32
      %dma_start3A_426 = arith.constant 0 : i32
      %dma_start3A_427 = arith.constant 0 : i32
      %dma_start3A_428 = arith.constant 0 : i32
      %dma_start3A_429 = tpu.memref_slice %arg7[%dma_start3A_427, %dma_start3A_428] : memref<768x16xbf16, #tpu.memory_space<vmem>> -> memref<128x16xbf16, #tpu.memory_space<vmem>>
      %dma_start3A_430 = arith.constant 0 : i32
      %dma_start3A_431 = tpu.memref_slice %arg5[%dma_start3A_425, %dma_start3A_430] : memref<79x128xi32, #tpu.memory_space<vmem>> -> memref<1x128xi32, #tpu.memory_space<vmem>>
      %dma_start3A_432 = tpu.memref_squeeze %dma_start3A_431 : memref<1x128xi32, #tpu.memory_space<vmem>> -> memref<128xi32, #tpu.memory_space<vmem>>
      %dma_start3A_433 = arith.constant 0 : i32
      %dma_start3A_434 = arith.constant 0 : i32
      %dma_start3A_435 = tpu.memref_slice %arg2[%dma_start3A_433, %dma_start3A_434] : memref<10000x16xbf16, #tpu.memory_space<hbm>> -> memref<10000x16xbf16, #tpu.memory_space<hbm>>
      %dma_start3A_436 = tpu.memref_slice %arg11[%dma_start3A_426] : memref<6x!tpu.dma_semaphore, #tpu.memory_space<semaphore_mem>> -> memref<1x!tpu.dma_semaphore, #tpu.memory_space<semaphore_mem>>
      %dma_start3A_437 = tpu.memref_squeeze %dma_start3A_436 : memref<1x!tpu.dma_semaphore, #tpu.memory_space<semaphore_mem>> -> memref<!tpu.dma_semaphore, #tpu.memory_space<semaphore_mem>>
      tpu.enqueue_indirect_dma source(%dma_start3A_435 : memref<10000x16xbf16, #tpu.memory_space<hbm>>) target(%dma_start3A_429 : memref<128x16xbf16, #tpu.memory_space<vmem>>) offsets(%dma_start3A_432 : memref<128xi32, #tpu.memory_space<vmem>>) semaphore(%dma_start3A_437 : memref<!tpu.dma_semaphore, #tpu.memory_space<semaphore_mem>>)
      %dma_wait3A_438 = arith.constant 78 : i32
      %dma_wait3A_439 = arith.constant 0 : i32
      %dma_wait3A_440 = arith.constant 0 : i32
      %dma_wait3A_441 = arith.constant 0 : i32
      %dma_wait3A_442 = tpu.memref_slice %arg7[%dma_wait3A_440, %dma_wait3A_441] : memref<768x16xbf16, #tpu.memory_space<vmem>> -> memref<128x16xbf16, #tpu.memory_space<vmem>>
      %dma_wait3A_443 = arith.constant 0 : i32
      %dma_wait3A_444 = tpu.memref_slice %arg5[%dma_wait3A_438, %dma_wait3A_443] : memref<79x128xi32, #tpu.memory_space<vmem>> -> memref<1x128xi32, #tpu.memory_space<vmem>>
      %dma_wait3A_445 = tpu.memref_squeeze %dma_wait3A_444 : memref<1x128xi32, #tpu.memory_space<vmem>> -> memref<128xi32, #tpu.memory_space<vmem>>
      %dma_wait3A_446 = arith.constant 0 : i32
      %dma_wait3A_447 = arith.constant 0 : i32
      %dma_wait3A_448 = tpu.memref_slice %arg2[%dma_wait3A_446, %dma_wait3A_447] : memref<10000x16xbf16, #tpu.memory_space<hbm>> -> memref<10000x16xbf16, #tpu.memory_space<hbm>>
      %dma_wait3A_449 = tpu.memref_slice %arg11[%dma_wait3A_439] : memref<6x!tpu.dma_semaphore, #tpu.memory_space<semaphore_mem>> -> memref<1x!tpu.dma_semaphore, #tpu.memory_space<semaphore_mem>>
      %dma_wait3A_450 = tpu.memref_squeeze %dma_wait3A_449 : memref<1x!tpu.dma_semaphore, #tpu.memory_space<semaphore_mem>> -> memref<!tpu.dma_semaphore, #tpu.memory_space<semaphore_mem>>
      tpu.wait_indirect_dma semaphore(%dma_wait3A_450 : memref<!tpu.dma_semaphore, #tpu.memory_space<semaphore_mem>>) src(%dma_wait3A_448 : memref<10000x16xbf16, #tpu.memory_space<hbm>>) dst(%dma_wait3A_442 : memref<128x16xbf16, #tpu.memory_space<vmem>>)
      %run_scoped3A_451 = arith.constant 78 : i32
      "tpu.region"() ({
        %run_scoped3A_452 = tpu.sem_alloc : memref<!tpu.dma_semaphore, #tpu.memory_space<semaphore_mem>>
        %dma_start3A_453 = arith.constant 0 : i32
        %dma_start3A_454 = arith.constant 0 : i32
        %dma_start3A_455 = tpu.memref_slice %arg7[%dma_start3A_453, %dma_start3A_454] : memref<768x16xbf16, #tpu.memory_space<vmem>> -> memref<128x16xbf16, #tpu.memory_space<vmem>>
        %dma_start3A_456 = arith.constant 0 : i32
        %dma_start3A_457 = tpu.memref_slice %arg6[%run_scoped3A_451, %dma_start3A_456] : memref<79x128xi32, #tpu.memory_space<vmem>> -> memref<1x128xi32, #tpu.memory_space<vmem>>
        %dma_start3A_458 = tpu.memref_squeeze %dma_start3A_457 : memref<1x128xi32, #tpu.memory_space<vmem>> -> memref<128xi32, #tpu.memory_space<vmem>>
        %dma_start3A_459 = arith.constant 0 : i32
        %dma_start3A_460 = arith.constant 0 : i32
        %dma_start3A_461 = tpu.memref_slice %arg10[%dma_start3A_459, %dma_start3A_460] : memref<10112x16xbf16, #tpu.memory_space<vmem_shared>> -> memref<10112x16xbf16, #tpu.memory_space<vmem_shared>>
        tpu.enqueue_indirect_dma source(%dma_start3A_455 : memref<128x16xbf16, #tpu.memory_space<vmem>>) target(%dma_start3A_461 : memref<10112x16xbf16, #tpu.memory_space<vmem_shared>>) offsets(%dma_start3A_458 : memref<128xi32, #tpu.memory_space<vmem>>) semaphore(%run_scoped3A_452 : memref<!tpu.dma_semaphore, #tpu.memory_space<semaphore_mem>>) {add = true}
        %dma_wait3A_462 = arith.constant 0 : i32
        %dma_wait3A_463 = arith.constant 0 : i32
        %dma_wait3A_464 = tpu.memref_slice %arg7[%dma_wait3A_462, %dma_wait3A_463] : memref<768x16xbf16, #tpu.memory_space<vmem>> -> memref<128x16xbf16, #tpu.memory_space<vmem>>
        %dma_wait3A_465 = arith.constant 0 : i32
        %dma_wait3A_466 = tpu.memref_slice %arg6[%run_scoped3A_451, %dma_wait3A_465] : memref<79x128xi32, #tpu.memory_space<vmem>> -> memref<1x128xi32, #tpu.memory_space<vmem>>
        %dma_wait3A_467 = tpu.memref_squeeze %dma_wait3A_466 : memref<1x128xi32, #tpu.memory_space<vmem>> -> memref<128xi32, #tpu.memory_space<vmem>>
        %dma_wait3A_468 = arith.constant 0 : i32
        %dma_wait3A_469 = arith.constant 0 : i32
        %dma_wait3A_470 = tpu.memref_slice %arg10[%dma_wait3A_468, %dma_wait3A_469] : memref<10112x16xbf16, #tpu.memory_space<vmem_shared>> -> memref<10112x16xbf16, #tpu.memory_space<vmem_shared>>
        tpu.wait_indirect_dma semaphore(%run_scoped3A_452 : memref<!tpu.dma_semaphore, #tpu.memory_space<semaphore_mem>>) src(%dma_wait3A_464 : memref<128x16xbf16, #tpu.memory_space<vmem>>) dst(%dma_wait3A_470 : memref<10112x16xbf16, #tpu.memory_space<vmem_shared>>)
        tpu.yield
      }) : () -> ()
    } else {
    }
    %barrier3A_420 = arith.constant 0 : index
    tpu.barrier barrier_id(%barrier3A_420)
    %mul3A_421 = arith.constant 632 : i32
    %mul3A_422 = arith.muli %arg1, %mul3A_421 : i32
    %mul3A_423 = arith.constant 632 : i32
    %mul3A_424 = arith.muli %arg1, %mul3A_423 : i32
    "tpu.region"() ({
      %run_scoped3A_425 = tpu.sem_alloc : memref<!tpu.dma_semaphore, #tpu.memory_space<semaphore_mem>>
      %dma_start3A_426 = arith.constant 0 : i32
      %dma_start3A_427 = tpu.memref_slice %arg4[%arg0, %mul3A_424, %dma_start3A_426] : memref<2x10112x16xbf16, #tpu.memory_space<hbm>> -> memref<1x632x16xbf16, #tpu.memory_space<hbm>>
      %dma_start3A_428 = tpu.memref_squeeze %dma_start3A_427 : memref<1x632x16xbf16, #tpu.memory_space<hbm>> -> memref<632x16xbf16, #tpu.memory_space<hbm>>
      %dma_start3A_429 = arith.constant 0 : i32
      %dma_start3A_430 = tpu.memref_slice %arg10[%mul3A_422, %dma_start3A_429] : memref<10112x16xbf16, #tpu.memory_space<vmem_shared>> -> memref<632x16xbf16, #tpu.memory_space<vmem_shared>>
      tpu.enqueue_dma source(%dma_start3A_430 : memref<632x16xbf16, #tpu.memory_space<vmem_shared>>) target(%dma_start3A_428 : memref<632x16xbf16, #tpu.memory_space<hbm>>) target_semaphore(%run_scoped3A_425 : memref<!tpu.dma_semaphore, #tpu.memory_space<semaphore_mem>>)
      %dma_wait3A_431 = arith.constant 0 : i32
      %dma_wait3A_432 = tpu.memref_slice %arg4[%arg0, %mul3A_424, %dma_wait3A_431] : memref<2x10112x16xbf16, #tpu.memory_space<hbm>> -> memref<1x632x16xbf16, #tpu.memory_space<hbm>>
      %dma_wait3A_433 = tpu.memref_squeeze %dma_wait3A_432 : memref<1x632x16xbf16, #tpu.memory_space<hbm>> -> memref<632x16xbf16, #tpu.memory_space<hbm>>
      %dma_wait3A_434 = arith.constant 0 : i32
      %dma_wait3A_435 = tpu.memref_slice %arg10[%mul3A_422, %dma_wait3A_434] : memref<10112x16xbf16, #tpu.memory_space<vmem_shared>> -> memref<632x16xbf16, #tpu.memory_space<vmem_shared>>
      tpu.wait_dma2 semaphore(%run_scoped3A_425 : memref<!tpu.dma_semaphore, #tpu.memory_space<semaphore_mem>>) src(%dma_wait3A_435 : memref<632x16xbf16, #tpu.memory_space<vmem_shared>>) dst(%dma_wait3A_433 : memref<632x16xbf16, #tpu.memory_space<hbm>>)
      tpu.yield
    }) : () -> ()
    return
  }
}

#map = affine_map<(d0, d1) -> (0, 0)>
#map1 = affine_map<(d0, d1) -> (0, 0, 0)>
module attributes {stable_mosaic.version = 14 : i64} {
  func.func @_conv_body(%arg0: i32, %arg1: i32, %arg2: memref<10000x16xbf16, #tpu.memory_space<hbm>>, %arg3: memref<2x2500x128xi32, #tpu.memory_space<hbm>>, %arg4: memref<2x10112x16xbf16, #tpu.memory_space<hbm>>, %arg5: memref<79x128xi32, #tpu.memory_space<vmem>>, %arg6: memref<79x128xi32, #tpu.memory_space<vmem>>, %arg7: memref<768x16xbf16, #tpu.memory_space<vmem>>, %arg8: memref<768x16xbf16, #tpu.memory_space<vmem>>, %arg9: memref<632x16xbf16, #tpu.memory_space<vmem>>, %arg10: memref<10112x16xbf16, #tpu.memory_space<vmem_shared>>, %arg11: memref<6x!tpu.dma_semaphore, #tpu.memory_space<semaphore_mem>>, %arg12: memref<!tpu.dma_semaphore, #tpu.memory_space<semaphore_mem>>, %arg13: memref<!tpu.dma_semaphore, #tpu.memory_space<semaphore_mem>>) attributes {dimension_semantics = [#tpu.dimension_semantics<core_parallel>, #tpu.dimension_semantics<subcore_parallel>], iteration_bounds = array<i64: 2, 16>, scalar_prefetch = 0 : i64, scratch_operands = 9 : i64, tpu.core_type = #tpu.core_type<sc_vector_subcore>, window_params = [{transform_indices = #map}, {transform_indices = #map1}, {transform_indices = #map1}]} {
    %mul3A = arith.constant 16 : i32
    %mul3A_0 = arith.muli %arg0, %mul3A : i32
    %add3A = arith.addi %mul3A_0, %arg1 : i32
    %scan3A = arith.constant 0 : i32
    %scan3A_1 = arith.constant 0 : i32
    %scan3A_2 = arith.constant 316 : i32
    %scan3A_3 = arith.addi %scan3A_1, %scan3A_2 : i32
    %scan3A_4 = arith.constant 1 : i32
    scf.for %scan3A_425 = %scan3A_1 to %scan3A_3 step %scan3A_4  : i32 {
      %broadcast_in_dim3A = arith.constant 0.000000e+00 : bf16
      %broadcast_in_dim3A_426 = vector.broadcast %broadcast_in_dim3A : bf16 to vector<2x16xbf16>
      %mul3A_427 = arith.constant 2 : i32
      %mul3A_428 = arith.muli %mul3A_427, %scan3A_425 : i32
      %swap3A = arith.index_cast %mul3A_428 : i32 to index
      %swap3A_429 = arith.constant 0 : index
      %swap3A_430 = tpu.vector_load %arg9[%swap3A, %swap3A_429] {strides = array<i32>} : memref<632x16xbf16, #tpu.memory_space<vmem>>, vector<2x16xbf16>,
      %swap3A_431 = vector.shape_cast %swap3A_430 : vector<2x16xbf16> to vector<2x16xbf16>
      %swap3A_432 = vector.shape_cast %broadcast_in_dim3A_426 : vector<2x16xbf16> to vector<2x16xbf16>
      tpu.vector_store %arg9[%swap3A, %swap3A_429], %swap3A_432 {strides = array<i32>} : memref<632x16xbf16, #tpu.memory_space<vmem>>, vector<2x16xbf16>,
    }
    %scan3A_5 = arith.constant 316 : i32
    %mul3A_6 = arith.constant 632 : i32
    %mul3A_7 = arith.muli %arg1, %mul3A_6 : i32
    "tpu.region"() ({
      %run_scoped3A_425 = tpu.sem_alloc : memref<!tpu.dma_semaphore, #tpu.memory_space<semaphore_mem>>
      %dma_start3A_426 = arith.constant 0 : i32
      %dma_start3A_427 = tpu.memref_slice %arg10[%mul3A_7, %dma_start3A_426] : memref<10112x16xbf16, #tpu.memory_space<vmem_shared>> -> memref<632x16xbf16, #tpu.memory_space<vmem_shared>>
      %dma_start3A_428 = arith.constant 0 : i32
      %dma_start3A_429 = tpu.memref_slice %arg10[%mul3A_7, %dma_start3A_428] : memref<10112x16xbf16, #tpu.memory_space<vmem_shared>> -> memref<632x16xbf16, #tpu.memory_space<vmem_shared>>
      tpu.enqueue_dma source(%arg9 : memref<632x16xbf16, #tpu.memory_space<vmem>>) target(%dma_start3A_429 : memref<632x16xbf16, #tpu.memory_space<vmem_shared>>) target_semaphore(%run_scoped3A_425 : memref<!tpu.dma_semaphore, #tpu.memory_space<semaphore_mem>>)
      %dma_wait3A_430 = arith.constant 0 : i32
      %dma_wait3A_431 = tpu.memref_slice %arg10[%mul3A_7, %dma_wait3A_430] : memref<10112x16xbf16, #tpu.memory_space<vmem_shared>> -> memref<632x16xbf16, #tpu.memory_space<vmem_shared>>
      %dma_wait3A_432 = arith.constant 0 : i32
      %dma_wait3A_433 = tpu.memref_slice %arg10[%mul3A_7, %dma_wait3A_432] : memref<10112x16xbf16, #tpu.memory_space<vmem_shared>> -> memref<632x16xbf16, #tpu.memory_space<vmem_shared>>
      tpu.wait_dma2 semaphore(%run_scoped3A_425 : memref<!tpu.dma_semaphore, #tpu.memory_space<semaphore_mem>>) src(%arg9 : memref<632x16xbf16, #tpu.memory_space<vmem>>) dst(%dma_wait3A_433 : memref<632x16xbf16, #tpu.memory_space<vmem_shared>>)
      tpu.yield
    }) : () -> ()
    %mul3A_8 = arith.constant 78 : i32
    %mul3A_9 = arith.muli %add3A, %mul3A_8 : i32
    %run_scoped3A = arith.constant 0 : i32
    "tpu.region"() ({
      %run_scoped3A_425 = tpu.sem_alloc : memref<!tpu.dma_semaphore, #tpu.memory_space<semaphore_mem>>
      %dma_start3A_426 = arith.constant 0 : i32
      %dma_start3A_427 = arith.constant 0 : i32
      %dma_start3A_428 = tpu.memref_slice %arg5[%dma_start3A_426, %dma_start3A_427] : memref<79x128xi32, #tpu.memory_space<vmem>> -> memref<78x128xi32, #tpu.memory_space<vmem>>
      %dma_start3A_429 = arith.constant 0 : i32
      %dma_start3A_430 = tpu.memref_slice %arg3[%run_scoped3A, %mul3A_9, %dma_start3A_429] : memref<2x2500x128xi32, #tpu.memory_space<hbm>> -> memref<1x78x128xi32, #tpu.memory_space<hbm>>
      %dma_start3A_431 = tpu.memref_squeeze %dma_start3A_430 : memref<1x78x128xi32, #tpu.memory_space<hbm>> -> memref<78x128xi32, #tpu.memory_space<hbm>>
      %dma_start3A_432 = arith.constant 0 : i32
      %dma_start3A_433 = arith.constant 0 : i32
      %dma_start3A_434 = tpu.memref_slice %arg5[%dma_start3A_432, %dma_start3A_433] : memref<79x128xi32, #tpu.memory_space<vmem>> -> memref<78x128xi32, #tpu.memory_space<vmem>>
      %dma_start3A_435 = arith.constant 0 : i32
      %dma_start3A_436 = tpu.memref_slice %arg3[%run_scoped3A, %mul3A_9, %dma_start3A_435] : memref<2x2500x128xi32, #tpu.memory_space<hbm>> -> memref<1x78x128xi32, #tpu.memory_space<hbm>>
      %dma_start3A_437 = tpu.memref_squeeze %dma_start3A_436 : memref<1x78x128xi32, #tpu.memory_space<hbm>> -> memref<78x128xi32, #tpu.memory_space<hbm>>
      tpu.enqueue_dma source(%dma_start3A_437 : memref<78x128xi32, #tpu.memory_space<hbm>>) target(%dma_start3A_434 : memref<78x128xi32, #tpu.memory_space<vmem>>) target_semaphore(%run_scoped3A_425 : memref<!tpu.dma_semaphore, #tpu.memory_space<semaphore_mem>>)
      %dma_wait3A_438 = arith.constant 0 : i32
      %dma_wait3A_439 = arith.constant 0 : i32
      %dma_wait3A_440 = tpu.memref_slice %arg5[%dma_wait3A_438, %dma_wait3A_439] : memref<79x128xi32, #tpu.memory_space<vmem>> -> memref<78x128xi32, #tpu.memory_space<vmem>>
      %dma_wait3A_441 = arith.constant 0 : i32
      %dma_wait3A_442 = tpu.memref_slice %arg3[%run_scoped3A, %mul3A_9, %dma_wait3A_441] : memref<2x2500x128xi32, #tpu.memory_space<hbm>> -> memref<1x78x128xi32, #tpu.memory_space<hbm>>
      %dma_wait3A_443 = tpu.memref_squeeze %dma_wait3A_442 : memref<1x78x128xi32, #tpu.memory_space<hbm>> -> memref<78x128xi32, #tpu.memory_space<hbm>>
      %dma_wait3A_444 = arith.constant 0 : i32
      %dma_wait3A_445 = arith.constant 0 : i32
      %dma_wait3A_446 = tpu.memref_slice %arg5[%dma_wait3A_444, %dma_wait3A_445] : memref<79x128xi32, #tpu.memory_space<vmem>> -> memref<78x128xi32, #tpu.memory_space<vmem>>
      %dma_wait3A_447 = arith.constant 0 : i32
      %dma_wait3A_448 = tpu.memref_slice %arg3[%run_scoped3A, %mul3A_9, %dma_wait3A_447] : memref<2x2500x128xi32, #tpu.memory_space<hbm>> -> memref<1x78x128xi32, #tpu.memory_space<hbm>>
      %dma_wait3A_449 = tpu.memref_squeeze %dma_wait3A_448 : memref<1x78x128xi32, #tpu.memory_space<hbm>> -> memref<78x128xi32, #tpu.memory_space<hbm>>
      tpu.wait_dma2 semaphore(%run_scoped3A_425 : memref<!tpu.dma_semaphore, #tpu.memory_space<semaphore_mem>>) src(%dma_wait3A_449 : memref<78x128xi32, #tpu.memory_space<hbm>>) dst(%dma_wait3A_446 : memref<78x128xi32, #tpu.memory_space<vmem>>)
      tpu.yield
    }) : () -> ()
    %mul3A_10 = arith.constant 78 : i32
    %mul3A_11 = arith.muli %add3A, %mul3A_10 : i32
    %run_scoped3A_12 = arith.constant 1 : i32
    "tpu.region"() ({
      %run_scoped3A_425 = tpu.sem_alloc : memref<!tpu.dma_semaphore, #tpu.memory_space<semaphore_mem>>
      %dma_start3A_426 = arith.constant 0 : i32
      %dma_start3A_427 = arith.constant 0 : i32
      %dma_start3A_428 = tpu.memref_slice %arg6[%dma_start3A_426, %dma_start3A_427] : memref<79x128xi32, #tpu.memory_space<vmem>> -> memref<78x128xi32, #tpu.memory_space<vmem>>
      %dma_start3A_429 = arith.constant 0 : i32
      %dma_start3A_430 = tpu.memref_slice %arg3[%run_scoped3A_12, %mul3A_11, %dma_start3A_429] : memref<2x2500x128xi32, #tpu.memory_space<hbm>> -> memref<1x78x128xi32, #tpu.memory_space<hbm>>
      %dma_start3A_431 = tpu.memref_squeeze %dma_start3A_430 : memref<1x78x128xi32, #tpu.memory_space<hbm>> -> memref<78x128xi32, #tpu.memory_space<hbm>>
      %dma_start3A_432 = arith.constant 0 : i32
      %dma_start3A_433 = arith.constant 0 : i32
      %dma_start3A_434 = tpu.memref_slice %arg6[%dma_start3A_432, %dma_start3A_433] : memref<79x128xi32, #tpu.memory_space<vmem>> -> memref<78x128xi32, #tpu.memory_space<vmem>>
      %dma_start3A_435 = arith.constant 0 : i32
      %dma_start3A_436 = tpu.memref_slice %arg3[%run_scoped3A_12, %mul3A_11, %dma_start3A_435] : memref<2x2500x128xi32, #tpu.memory_space<hbm>> -> memref<1x78x128xi32, #tpu.memory_space<hbm>>
      %dma_start3A_437 = tpu.memref_squeeze %dma_start3A_436 : memref<1x78x128xi32, #tpu.memory_space<hbm>> -> memref<78x128xi32, #tpu.memory_space<hbm>>
      tpu.enqueue_dma source(%dma_start3A_437 : memref<78x128xi32, #tpu.memory_space<hbm>>) target(%dma_start3A_434 : memref<78x128xi32, #tpu.memory_space<vmem>>) target_semaphore(%run_scoped3A_425 : memref<!tpu.dma_semaphore, #tpu.memory_space<semaphore_mem>>)
      %dma_wait3A_438 = arith.constant 0 : i32
      %dma_wait3A_439 = arith.constant 0 : i32
      %dma_wait3A_440 = tpu.memref_slice %arg6[%dma_wait3A_438, %dma_wait3A_439] : memref<79x128xi32, #tpu.memory_space<vmem>> -> memref<78x128xi32, #tpu.memory_space<vmem>>
      %dma_wait3A_441 = arith.constant 0 : i32
      %dma_wait3A_442 = tpu.memref_slice %arg3[%run_scoped3A_12, %mul3A_11, %dma_wait3A_441] : memref<2x2500x128xi32, #tpu.memory_space<hbm>> -> memref<1x78x128xi32, #tpu.memory_space<hbm>>
      %dma_wait3A_443 = tpu.memref_squeeze %dma_wait3A_442 : memref<1x78x128xi32, #tpu.memory_space<hbm>> -> memref<78x128xi32, #tpu.memory_space<hbm>>
      %dma_wait3A_444 = arith.constant 0 : i32
      %dma_wait3A_445 = arith.constant 0 : i32
      %dma_wait3A_446 = tpu.memref_slice %arg6[%dma_wait3A_444, %dma_wait3A_445] : memref<79x128xi32, #tpu.memory_space<vmem>> -> memref<78x128xi32, #tpu.memory_space<vmem>>
      %dma_wait3A_447 = arith.constant 0 : i32
      %dma_wait3A_448 = tpu.memref_slice %arg3[%run_scoped3A_12, %mul3A_11, %dma_wait3A_447] : memref<2x2500x128xi32, #tpu.memory_space<hbm>> -> memref<1x78x128xi32, #tpu.memory_space<hbm>>
      %dma_wait3A_449 = tpu.memref_squeeze %dma_wait3A_448 : memref<1x78x128xi32, #tpu.memory_space<hbm>> -> memref<78x128xi32, #tpu.memory_space<hbm>>
      tpu.wait_dma2 semaphore(%run_scoped3A_425 : memref<!tpu.dma_semaphore, #tpu.memory_space<semaphore_mem>>) src(%dma_wait3A_449 : memref<78x128xi32, #tpu.memory_space<hbm>>) dst(%dma_wait3A_446 : memref<78x128xi32, #tpu.memory_space<vmem>>)
      tpu.yield
    }) : () -> ()
    %ge3A = arith.constant 28 : i32
    %ge3A_13 = arith.cmpi sge, %add3A, %ge3A : i32
    %convert_element_type3A = arith.extui %ge3A_13 : i1 to i32
    %cond3A = arith.constant 0 : i32
    %cond3A_14 = arith.cmpi ne, %convert_element_type3A, %cond3A : i32
    scf.if %cond3A_14 {
      %sub3A = arith.constant 28 : i32
      %sub3A_425 = arith.subi %add3A, %sub3A : i32
      %add3A_426 = arith.constant 2496 : i32
      %add3A_427 = arith.addi %add3A_426, %sub3A_425 : i32
      %run_scoped3A_428 = arith.constant 0 : i32
      "tpu.region"() ({
        %run_scoped3A_430 = tpu.sem_alloc : memref<!tpu.dma_semaphore, #tpu.memory_space<semaphore_mem>>
        %dma_start3A_431 = arith.constant 78 : i32
        %dma_start3A_432 = arith.constant 0 : i32
        %dma_start3A_433 = tpu.memref_slice %arg5[%dma_start3A_431, %dma_start3A_432] : memref<79x128xi32, #tpu.memory_space<vmem>> -> memref<1x128xi32, #tpu.memory_space<vmem>>
        %dma_start3A_434 = arith.constant 0 : i32
        %dma_start3A_435 = tpu.memref_slice %arg3[%run_scoped3A_428, %add3A_427, %dma_start3A_434] : memref<2x2500x128xi32, #tpu.memory_space<hbm>> -> memref<1x1x128xi32, #tpu.memory_space<hbm>>
        %dma_start3A_436 = tpu.memref_squeeze %dma_start3A_435 : memref<1x1x128xi32, #tpu.memory_space<hbm>> -> memref<1x128xi32, #tpu.memory_space<hbm>>
        %dma_start3A_437 = arith.constant 78 : i32
        %dma_start3A_438 = arith.constant 0 : i32
        %dma_start3A_439 = tpu.memref_slice %arg5[%dma_start3A_437, %dma_start3A_438] : memref<79x128xi32, #tpu.memory_space<vmem>> -> memref<1x128xi32, #tpu.memory_space<vmem>>
        %dma_start3A_440 = arith.constant 0 : i32
        %dma_start3A_441 = tpu.memref_slice %arg3[%run_scoped3A_428, %add3A_427, %dma_start3A_440] : memref<2x2500x128xi32, #tpu.memory_space<hbm>> -> memref<1x1x128xi32, #tpu.memory_space<hbm>>
        %dma_start3A_442 = tpu.memref_squeeze %dma_start3A_441 : memref<1x1x128xi32, #tpu.memory_space<hbm>> -> memref<1x128xi32, #tpu.memory_space<hbm>>
        tpu.enqueue_dma source(%dma_start3A_442 : memref<1x128xi32, #tpu.memory_space<hbm>>) target(%dma_start3A_439 : memref<1x128xi32, #tpu.memory_space<vmem>>) target_semaphore(%run_scoped3A_430 : memref<!tpu.dma_semaphore, #tpu.memory_space<semaphore_mem>>)
        %dma_wait3A_443 = arith.constant 78 : i32
        %dma_wait3A_444 = arith.constant 0 : i32
        %dma_wait3A_445 = tpu.memref_slice %arg5[%dma_wait3A_443, %dma_wait3A_444] : memref<79x128xi32, #tpu.memory_space<vmem>> -> memref<1x128xi32, #tpu.memory_space<vmem>>
        %dma_wait3A_446 = arith.constant 0 : i32
        %dma_wait3A_447 = tpu.memref_slice %arg3[%run_scoped3A_428, %add3A_427, %dma_wait3A_446] : memref<2x2500x128xi32, #tpu.memory_space<hbm>> -> memref<1x1x128xi32, #tpu.memory_space<hbm>>
        %dma_wait3A_448 = tpu.memref_squeeze %dma_wait3A_447 : memref<1x1x128xi32, #tpu.memory_space<hbm>> -> memref<1x128xi32, #tpu.memory_space<hbm>>
        %dma_wait3A_449 = arith.constant 78 : i32
        %dma_wait3A_450 = arith.constant 0 : i32
        %dma_wait3A_451 = tpu.memref_slice %arg5[%dma_wait3A_449, %dma_wait3A_450] : memref<79x128xi32, #tpu.memory_space<vmem>> -> memref<1x128xi32, #tpu.memory_space<vmem>>
        %dma_wait3A_452 = arith.constant 0 : i32
        %dma_wait3A_453 = tpu.memref_slice %arg3[%run_scoped3A_428, %add3A_427, %dma_wait3A_452] : memref<2x2500x128xi32, #tpu.memory_space<hbm>> -> memref<1x1x128xi32, #tpu.memory_space<hbm>>
        %dma_wait3A_454 = tpu.memref_squeeze %dma_wait3A_453 : memref<1x1x128xi32, #tpu.memory_space<hbm>> -> memref<1x128xi32, #tpu.memory_space<hbm>>
        tpu.wait_dma2 semaphore(%run_scoped3A_430 : memref<!tpu.dma_semaphore, #tpu.memory_space<semaphore_mem>>) src(%dma_wait3A_454 : memref<1x128xi32, #tpu.memory_space<hbm>>) dst(%dma_wait3A_451 : memref<1x128xi32, #tpu.memory_space<vmem>>)
        tpu.yield
      }) : () -> ()
      %run_scoped3A_429 = arith.constant 1 : i32
      "tpu.region"() ({
        %run_scoped3A_430 = tpu.sem_alloc : memref<!tpu.dma_semaphore, #tpu.memory_space<semaphore_mem>>
        %dma_start3A_431 = arith.constant 78 : i32
        %dma_start3A_432 = arith.constant 0 : i32
        %dma_start3A_433 = tpu.memref_slice %arg6[%dma_start3A_431, %dma_start3A_432] : memref<79x128xi32, #tpu.memory_space<vmem>> -> memref<1x128xi32, #tpu.memory_space<vmem>>
        %dma_start3A_434 = arith.constant 0 : i32
        %dma_start3A_435 = tpu.memref_slice %arg3[%run_scoped3A_429, %add3A_427, %dma_start3A_434] : memref<2x2500x128xi32, #tpu.memory_space<hbm>> -> memref<1x1x128xi32, #tpu.memory_space<hbm>>
        %dma_start3A_436 = tpu.memref_squeeze %dma_start3A_435 : memref<1x1x128xi32, #tpu.memory_space<hbm>> -> memref<1x128xi32, #tpu.memory_space<hbm>>
        %dma_start3A_437 = arith.constant 78 : i32
        %dma_start3A_438 = arith.constant 0 : i32
        %dma_start3A_439 = tpu.memref_slice %arg6[%dma_start3A_437, %dma_start3A_438] : memref<79x128xi32, #tpu.memory_space<vmem>> -> memref<1x128xi32, #tpu.memory_space<vmem>>
        %dma_start3A_440 = arith.constant 0 : i32
        %dma_start3A_441 = tpu.memref_slice %arg3[%run_scoped3A_429, %add3A_427, %dma_start3A_440] : memref<2x2500x128xi32, #tpu.memory_space<hbm>> -> memref<1x1x128xi32, #tpu.memory_space<hbm>>
        %dma_start3A_442 = tpu.memref_squeeze %dma_start3A_441 : memref<1x1x128xi32, #tpu.memory_space<hbm>> -> memref<1x128xi32, #tpu.memory_space<hbm>>
        tpu.enqueue_dma source(%dma_start3A_442 : memref<1x128xi32, #tpu.memory_space<hbm>>) target(%dma_start3A_439 : memref<1x128xi32, #tpu.memory_space<vmem>>) target_semaphore(%run_scoped3A_430 : memref<!tpu.dma_semaphore, #tpu.memory_space<semaphore_mem>>)
        %dma_wait3A_443 = arith.constant 78 : i32
        %dma_wait3A_444 = arith.constant 0 : i32
        %dma_wait3A_445 = tpu.memref_slice %arg6[%dma_wait3A_443, %dma_wait3A_444] : memref<79x128xi32, #tpu.memory_space<vmem>> -> memref<1x128xi32, #tpu.memory_space<vmem>>
        %dma_wait3A_446 = arith.constant 0 : i32
        %dma_wait3A_447 = tpu.memref_slice %arg3[%run_scoped3A_429, %add3A_427, %dma_wait3A_446] : memref<2x2500x128xi32, #tpu.memory_space<hbm>> -> memref<1x1x128xi32, #tpu.memory_space<hbm>>
        %dma_wait3A_448 = tpu.memref_squeeze %dma_wait3A_447 : memref<1x1x128xi32, #tpu.memory_space<hbm>> -> memref<1x128xi32, #tpu.memory_space<hbm>>
        %dma_wait3A_449 = arith.constant 78 : i32
        %dma_wait3A_450 = arith.constant 0 : i32
        %dma_wait3A_451 = tpu.memref_slice %arg6[%dma_wait3A_449, %dma_wait3A_450] : memref<79x128xi32, #tpu.memory_space<vmem>> -> memref<1x128xi32, #tpu.memory_space<vmem>>
        %dma_wait3A_452 = arith.constant 0 : i32
        %dma_wait3A_453 = tpu.memref_slice %arg3[%run_scoped3A_429, %add3A_427, %dma_wait3A_452] : memref<2x2500x128xi32, #tpu.memory_space<hbm>> -> memref<1x1x128xi32, #tpu.memory_space<hbm>>
        %dma_wait3A_454 = tpu.memref_squeeze %dma_wait3A_453 : memref<1x1x128xi32, #tpu.memory_space<hbm>> -> memref<1x128xi32, #tpu.memory_space<hbm>>
        tpu.wait_dma2 semaphore(%run_scoped3A_430 : memref<!tpu.dma_semaphore, #tpu.memory_space<semaphore_mem>>) src(%dma_wait3A_454 : memref<1x128xi32, #tpu.memory_space<hbm>>) dst(%dma_wait3A_451 : memref<1x128xi32, #tpu.memory_space<vmem>>)
        tpu.yield
      }) : () -> ()
    } else {
    }
    %barrier3A = arith.constant 0 : index
    tpu.barrier barrier_id(%barrier3A)
    %scan3A_15 = arith.constant 0 : i32
    %scan3A_16 = arith.constant 0 : i32
    %scan3A_17 = arith.constant 6 : i32
    %scan3A_18 = arith.addi %scan3A_16, %scan3A_17 : i32
    %scan3A_19 = arith.constant 1 : i32
    scf.for %scan3A_425 = %scan3A_16 to %scan3A_18 step %scan3A_19  : i32 {
      %gt3A = arith.constant 0 : i32
      %gt3A_426 = arith.cmpi sgt, %scan3A_425, %gt3A : i32
      %convert_element_type3A_427 = arith.extui %gt3A_426 : i1 to i32
      %cond3A_428 = arith.constant 0 : i32
      %cond3A_429 = arith.cmpi ne, %convert_element_type3A_427, %cond3A_428 : i32
      scf.if %cond3A_429 {
        %dma_wait3A_933 = arith.constant 0 : i32
        %dma_wait3A_934 = arith.constant 0 : i32
        %dma_wait3A_935 = arith.constant 0 : i32
        %dma_wait3A_936 = tpu.memref_slice %arg7[%dma_wait3A_934, %dma_wait3A_935] : memref<768x16xbf16, #tpu.memory_space<vmem>> -> memref<128x16xbf16, #tpu.memory_space<vmem>>
        %dma_wait3A_937 = arith.constant 0 : i32
        %dma_wait3A_938 = tpu.memref_slice %arg6[%dma_wait3A_933, %dma_wait3A_937] : memref<79x128xi32, #tpu.memory_space<vmem>> -> memref<1x128xi32, #tpu.memory_space<vmem>>
        %dma_wait3A_939 = tpu.memref_squeeze %dma_wait3A_938 : memref<1x128xi32, #tpu.memory_space<vmem>> -> memref<128xi32, #tpu.memory_space<vmem>>
        %dma_wait3A_940 = arith.constant 0 : i32
        %dma_wait3A_941 = arith.constant 0 : i32
        %dma_wait3A_942 = tpu.memref_slice %arg10[%dma_wait3A_940, %dma_wait3A_941] : memref<10112x16xbf16, #tpu.memory_space<vmem_shared>> -> memref<10112x16xbf16, #tpu.memory_space<vmem_shared>>
        tpu.wait_indirect_dma semaphore(%arg12 : memref<!tpu.dma_semaphore, #tpu.memory_space<semaphore_mem>>) src(%dma_wait3A_936 : memref<128x16xbf16, #tpu.memory_space<vmem>>) dst(%dma_wait3A_942 : memref<10112x16xbf16, #tpu.memory_space<vmem_shared>>)
        %dma_wait3A_943 = arith.constant 0 : i32
        %dma_wait3A_944 = arith.constant 128 : i32
        %dma_wait3A_945 = arith.constant 0 : i32
        %dma_wait3A_946 = tpu.memref_slice %arg7[%dma_wait3A_944, %dma_wait3A_945] : memref<768x16xbf16, #tpu.memory_space<vmem>> -> memref<128x16xbf16, #tpu.memory_space<vmem>>
        %dma_wait3A_947 = arith.constant 0 : i32
        %dma_wait3A_948 = tpu.memref_slice %arg6[%dma_wait3A_943, %dma_wait3A_947] : memref<79x128xi32, #tpu.memory_space<vmem>> -> memref<1x128xi32, #tpu.memory_space<vmem>>
        %dma_wait3A_949 = tpu.memref_squeeze %dma_wait3A_948 : memref<1x128xi32, #tpu.memory_space<vmem>> -> memref<128xi32, #tpu.memory_space<vmem>>
        %dma_wait3A_950 = arith.constant 0 : i32
        %dma_wait3A_951 = arith.constant 0 : i32
        %dma_wait3A_952 = tpu.memref_slice %arg10[%dma_wait3A_950, %dma_wait3A_951] : memref<10112x16xbf16, #tpu.memory_space<vmem_shared>> -> memref<10112x16xbf16, #tpu.memory_space<vmem_shared>>
        tpu.wait_indirect_dma semaphore(%arg12 : memref<!tpu.dma_semaphore, #tpu.memory_space<semaphore_mem>>) src(%dma_wait3A_946 : memref<128x16xbf16, #tpu.memory_space<vmem>>) dst(%dma_wait3A_952 : memref<10112x16xbf16, #tpu.memory_space<vmem_shared>>)
        %dma_wait3A_953 = arith.constant 0 : i32
        %dma_wait3A_954 = arith.constant 256 : i32
        %dma_wait3A_955 = arith.constant 0 : i32
        %dma_wait3A_956 = tpu.memref_slice %arg7[%dma_wait3A_954, %dma_wait3A_955] : memref<768x16xbf16, #tpu.memory_space<vmem>> -> memref<128x16xbf16, #tpu.memory_space<vmem>>
        %dma_wait3A_957 = arith.constant 0 : i32
        %dma_wait3A_958 = tpu.memref_slice %arg6[%dma_wait3A_953, %dma_wait3A_957] : memref<79x128xi32, #tpu.memory_space<vmem>> -> memref<1x128xi32, #tpu.memory_space<vmem>>
        %dma_wait3A_959 = tpu.memref_squeeze %dma_wait3A_958 : memref<1x128xi32, #tpu.memory_space<vmem>> -> memref<128xi32, #tpu.memory_space<vmem>>
        %dma_wait3A_960 = arith.constant 0 : i32
        %dma_wait3A_961 = arith.constant 0 : i32
        %dma_wait3A_962 = tpu.memref_slice %arg10[%dma_wait3A_960, %dma_wait3A_961] : memref<10112x16xbf16, #tpu.memory_space<vmem_shared>> -> memref<10112x16xbf16, #tpu.memory_space<vmem_shared>>
        tpu.wait_indirect_dma semaphore(%arg12 : memref<!tpu.dma_semaphore, #tpu.memory_space<semaphore_mem>>) src(%dma_wait3A_956 : memref<128x16xbf16, #tpu.memory_space<vmem>>) dst(%dma_wait3A_962 : memref<10112x16xbf16, #tpu.memory_space<vmem_shared>>)
        %dma_wait3A_963 = arith.constant 0 : i32
        %dma_wait3A_964 = arith.constant 384 : i32
        %dma_wait3A_965 = arith.constant 0 : i32
        %dma_wait3A_966 = tpu.memref_slice %arg7[%dma_wait3A_964, %dma_wait3A_965] : memref<768x16xbf16, #tpu.memory_space<vmem>> -> memref<128x16xbf16, #tpu.memory_space<vmem>>
        %dma_wait3A_967 = arith.constant 0 : i32
        %dma_wait3A_968 = tpu.memref_slice %arg6[%dma_wait3A_963, %dma_wait3A_967] : memref<79x128xi32, #tpu.memory_space<vmem>> -> memref<1x128xi32, #tpu.memory_space<vmem>>
        %dma_wait3A_969 = tpu.memref_squeeze %dma_wait3A_968 : memref<1x128xi32, #tpu.memory_space<vmem>> -> memref<128xi32, #tpu.memory_space<vmem>>
        %dma_wait3A_970 = arith.constant 0 : i32
        %dma_wait3A_971 = arith.constant 0 : i32
        %dma_wait3A_972 = tpu.memref_slice %arg10[%dma_wait3A_970, %dma_wait3A_971] : memref<10112x16xbf16, #tpu.memory_space<vmem_shared>> -> memref<10112x16xbf16, #tpu.memory_space<vmem_shared>>
        tpu.wait_indirect_dma semaphore(%arg12 : memref<!tpu.dma_semaphore, #tpu.memory_space<semaphore_mem>>) src(%dma_wait3A_966 : memref<128x16xbf16, #tpu.memory_space<vmem>>) dst(%dma_wait3A_972 : memref<10112x16xbf16, #tpu.memory_space<vmem_shared>>)
        %dma_wait3A_973 = arith.constant 0 : i32
        %dma_wait3A_974 = arith.constant 512 : i32
        %dma_wait3A_975 = arith.constant 0 : i32
        %dma_wait3A_976 = tpu.memref_slice %arg7[%dma_wait3A_974, %dma_wait3A_975] : memref<768x16xbf16, #tpu.memory_space<vmem>> -> memref<128x16xbf16, #tpu.memory_space<vmem>>
        %dma_wait3A_977 = arith.constant 0 : i32
        %dma_wait3A_978 = tpu.memref_slice %arg6[%dma_wait3A_973, %dma_wait3A_977] : memref<79x128xi32, #tpu.memory_space<vmem>> -> memref<1x128xi32, #tpu.memory_space<vmem>>
        %dma_wait3A_979 = tpu.memref_squeeze %dma_wait3A_978 : memref<1x128xi32, #tpu.memory_space<vmem>> -> memref<128xi32, #tpu.memory_space<vmem>>
        %dma_wait3A_980 = arith.constant 0 : i32
        %dma_wait3A_981 = arith.constant 0 : i32
        %dma_wait3A_982 = tpu.memref_slice %arg10[%dma_wait3A_980, %dma_wait3A_981] : memref<10112x16xbf16, #tpu.memory_space<vmem_shared>> -> memref<10112x16xbf16, #tpu.memory_space<vmem_shared>>
        tpu.wait_indirect_dma semaphore(%arg12 : memref<!tpu.dma_semaphore, #tpu.memory_space<semaphore_mem>>) src(%dma_wait3A_976 : memref<128x16xbf16, #tpu.memory_space<vmem>>) dst(%dma_wait3A_982 : memref<10112x16xbf16, #tpu.memory_space<vmem_shared>>)
        %dma_wait3A_983 = arith.constant 0 : i32
        %dma_wait3A_984 = arith.constant 640 : i32
        %dma_wait3A_985 = arith.constant 0 : i32
        %dma_wait3A_986 = tpu.memref_slice %arg7[%dma_wait3A_984, %dma_wait3A_985] : memref<768x16xbf16, #tpu.memory_space<vmem>> -> memref<128x16xbf16, #tpu.memory_space<vmem>>
        %dma_wait3A_987 = arith.constant 0 : i32
        %dma_wait3A_988 = tpu.memref_slice %arg6[%dma_wait3A_983, %dma_wait3A_987] : memref<79x128xi32, #tpu.memory_space<vmem>> -> memref<1x128xi32, #tpu.memory_space<vmem>>
        %dma_wait3A_989 = tpu.memref_squeeze %dma_wait3A_988 : memref<1x128xi32, #tpu.memory_space<vmem>> -> memref<128xi32, #tpu.memory_space<vmem>>
        %dma_wait3A_990 = arith.constant 0 : i32
        %dma_wait3A_991 = arith.constant 0 : i32
        %dma_wait3A_992 = tpu.memref_slice %arg10[%dma_wait3A_990, %dma_wait3A_991] : memref<10112x16xbf16, #tpu.memory_space<vmem_shared>> -> memref<10112x16xbf16, #tpu.memory_space<vmem_shared>>
        tpu.wait_indirect_dma semaphore(%arg12 : memref<!tpu.dma_semaphore, #tpu.memory_space<semaphore_mem>>) src(%dma_wait3A_986 : memref<128x16xbf16, #tpu.memory_space<vmem>>) dst(%dma_wait3A_992 : memref<10112x16xbf16, #tpu.memory_space<vmem_shared>>)
      } else {
      }
      %mul3A_430 = arith.constant 2 : i32
      %mul3A_431 = arith.muli %mul3A_430, %scan3A_425 : i32
      %mul3A_432 = arith.constant 6 : i32
      %mul3A_433 = arith.muli %mul3A_431, %mul3A_432 : i32
      %add3A_434 = arith.constant 0 : i32
      %add3A_435 = arith.addi %mul3A_433, %add3A_434 : i32
      %dma_start3A_436 = arith.constant 0 : i32
      %dma_start3A_437 = arith.constant 0 : i32
      %dma_start3A_438 = arith.constant 0 : i32
      %dma_start3A_439 = tpu.memref_slice %arg7[%dma_start3A_437, %dma_start3A_438] : memref<768x16xbf16, #tpu.memory_space<vmem>> -> memref<128x16xbf16, #tpu.memory_space<vmem>>
      %dma_start3A_440 = arith.constant 0 : i32
      %dma_start3A_441 = tpu.memref_slice %arg5[%add3A_435, %dma_start3A_440] : memref<79x128xi32, #tpu.memory_space<vmem>> -> memref<1x128xi32, #tpu.memory_space<vmem>>
      %dma_start3A_442 = tpu.memref_squeeze %dma_start3A_441 : memref<1x128xi32, #tpu.memory_space<vmem>> -> memref<128xi32, #tpu.memory_space<vmem>>
      %dma_start3A_443 = arith.constant 0 : i32
      %dma_start3A_444 = arith.constant 0 : i32
      %dma_start3A_445 = tpu.memref_slice %arg2[%dma_start3A_443, %dma_start3A_444] : memref<10000x16xbf16, #tpu.memory_space<hbm>> -> memref<10000x16xbf16, #tpu.memory_space<hbm>>
      %dma_start3A_446 = tpu.memref_slice %arg11[%dma_start3A_436] : memref<6x!tpu.dma_semaphore, #tpu.memory_space<semaphore_mem>> -> memref<1x!tpu.dma_semaphore, #tpu.memory_space<semaphore_mem>>
      %dma_start3A_447 = tpu.memref_squeeze %dma_start3A_446 : memref<1x!tpu.dma_semaphore, #tpu.memory_space<semaphore_mem>> -> memref<!tpu.dma_semaphore, #tpu.memory_space<semaphore_mem>>
      tpu.enqueue_indirect_dma source(%dma_start3A_445 : memref<10000x16xbf16, #tpu.memory_space<hbm>>) target(%dma_start3A_439 : memref<128x16xbf16, #tpu.memory_space<vmem>>) offsets(%dma_start3A_442 : memref<128xi32, #tpu.memory_space<vmem>>) semaphore(%dma_start3A_447 : memref<!tpu.dma_semaphore, #tpu.memory_space<semaphore_mem>>)
      %mul3A_448 = arith.constant 6 : i32
      %mul3A_449 = arith.muli %mul3A_431, %mul3A_448 : i32
      %add3A_450 = arith.constant 1 : i32
      %add3A_451 = arith.addi %mul3A_449, %add3A_450 : i32
      %dma_start3A_452 = arith.constant 1 : i32
      %dma_start3A_453 = arith.constant 128 : i32
      %dma_start3A_454 = arith.constant 0 : i32
      %dma_start3A_455 = tpu.memref_slice %arg7[%dma_start3A_453, %dma_start3A_454] : memref<768x16xbf16, #tpu.memory_space<vmem>> -> memref<128x16xbf16, #tpu.memory_space<vmem>>
      %dma_start3A_456 = arith.constant 0 : i32
      %dma_start3A_457 = tpu.memref_slice %arg5[%add3A_451, %dma_start3A_456] : memref<79x128xi32, #tpu.memory_space<vmem>> -> memref<1x128xi32, #tpu.memory_space<vmem>>
      %dma_start3A_458 = tpu.memref_squeeze %dma_start3A_457 : memref<1x128xi32, #tpu.memory_space<vmem>> -> memref<128xi32, #tpu.memory_space<vmem>>
      %dma_start3A_459 = arith.constant 0 : i32
      %dma_start3A_460 = arith.constant 0 : i32
      %dma_start3A_461 = tpu.memref_slice %arg2[%dma_start3A_459, %dma_start3A_460] : memref<10000x16xbf16, #tpu.memory_space<hbm>> -> memref<10000x16xbf16, #tpu.memory_space<hbm>>
      %dma_start3A_462 = tpu.memref_slice %arg11[%dma_start3A_452] : memref<6x!tpu.dma_semaphore, #tpu.memory_space<semaphore_mem>> -> memref<1x!tpu.dma_semaphore, #tpu.memory_space<semaphore_mem>>
      %dma_start3A_463 = tpu.memref_squeeze %dma_start3A_462 : memref<1x!tpu.dma_semaphore, #tpu.memory_space<semaphore_mem>> -> memref<!tpu.dma_semaphore, #tpu.memory_space<semaphore_mem>>
      tpu.enqueue_indirect_dma source(%dma_start3A_461 : memref<10000x16xbf16, #tpu.memory_space<hbm>>) target(%dma_start3A_455 : memref<128x16xbf16, #tpu.memory_space<vmem>>) offsets(%dma_start3A_458 : memref<128xi32, #tpu.memory_space<vmem>>) semaphore(%dma_start3A_463 : memref<!tpu.dma_semaphore, #tpu.memory_space<semaphore_mem>>)
      %mul3A_464 = arith.constant 6 : i32
      %mul3A_465 = arith.muli %mul3A_431, %mul3A_464 : i32
      %add3A_466 = arith.constant 2 : i32
      %add3A_467 = arith.addi %mul3A_465, %add3A_466 : i32
      %dma_start3A_468 = arith.constant 2 : i32
      %dma_start3A_469 = arith.constant 256 : i32
      %dma_start3A_470 = arith.constant 0 : i32
      %dma_start3A_471 = tpu.memref_slice %arg7[%dma_start3A_469, %dma_start3A_470] : memref<768x16xbf16, #tpu.memory_space<vmem>> -> memref<128x16xbf16, #tpu.memory_space<vmem>>
      %dma_start3A_472 = arith.constant 0 : i32
      %dma_start3A_473 = tpu.memref_slice %arg5[%add3A_467, %dma_start3A_472] : memref<79x128xi32, #tpu.memory_space<vmem>> -> memref<1x128xi32, #tpu.memory_space<vmem>>
      %dma_start3A_474 = tpu.memref_squeeze %dma_start3A_473 : memref<1x128xi32, #tpu.memory_space<vmem>> -> memref<128xi32, #tpu.memory_space<vmem>>
      %dma_start3A_475 = arith.constant 0 : i32
      %dma_start3A_476 = arith.constant 0 : i32
      %dma_start3A_477 = tpu.memref_slice %arg2[%dma_start3A_475, %dma_start3A_476] : memref<10000x16xbf16, #tpu.memory_space<hbm>> -> memref<10000x16xbf16, #tpu.memory_space<hbm>>
      %dma_start3A_478 = tpu.memref_slice %arg11[%dma_start3A_468] : memref<6x!tpu.dma_semaphore, #tpu.memory_space<semaphore_mem>> -> memref<1x!tpu.dma_semaphore, #tpu.memory_space<semaphore_mem>>
      %dma_start3A_479 = tpu.memref_squeeze %dma_start3A_478 : memref<1x!tpu.dma_semaphore, #tpu.memory_space<semaphore_mem>> -> memref<!tpu.dma_semaphore, #tpu.memory_space<semaphore_mem>>
      tpu.enqueue_indirect_dma source(%dma_start3A_477 : memref<10000x16xbf16, #tpu.memory_space<hbm>>) target(%dma_start3A_471 : memref<128x16xbf16, #tpu.memory_space<vmem>>) offsets(%dma_start3A_474 : memref<128xi32, #tpu.memory_space<vmem>>) semaphore(%dma_start3A_479 : memref<!tpu.dma_semaphore, #tpu.memory_space<semaphore_mem>>)
      %mul3A_480 = arith.constant 6 : i32
      %mul3A_481 = arith.muli %mul3A_431, %mul3A_480 : i32
      %add3A_482 = arith.constant 3 : i32
      %add3A_483 = arith.addi %mul3A_481, %add3A_482 : i32
      %dma_start3A_484 = arith.constant 3 : i32
      %dma_start3A_485 = arith.constant 384 : i32
      %dma_start3A_486 = arith.constant 0 : i32
      %dma_start3A_487 = tpu.memref_slice %arg7[%dma_start3A_485, %dma_start3A_486] : memref<768x16xbf16, #tpu.memory_space<vmem>> -> memref<128x16xbf16, #tpu.memory_space<vmem>>
      %dma_start3A_488 = arith.constant 0 : i32
      %dma_start3A_489 = tpu.memref_slice %arg5[%add3A_483, %dma_start3A_488] : memref<79x128xi32, #tpu.memory_space<vmem>> -> memref<1x128xi32, #tpu.memory_space<vmem>>
      %dma_start3A_490 = tpu.memref_squeeze %dma_start3A_489 : memref<1x128xi32, #tpu.memory_space<vmem>> -> memref<128xi32, #tpu.memory_space<vmem>>
      %dma_start3A_491 = arith.constant 0 : i32
      %dma_start3A_492 = arith.constant 0 : i32
      %dma_start3A_493 = tpu.memref_slice %arg2[%dma_start3A_491, %dma_start3A_492] : memref<10000x16xbf16, #tpu.memory_space<hbm>> -> memref<10000x16xbf16, #tpu.memory_space<hbm>>
      %dma_start3A_494 = tpu.memref_slice %arg11[%dma_start3A_484] : memref<6x!tpu.dma_semaphore, #tpu.memory_space<semaphore_mem>> -> memref<1x!tpu.dma_semaphore, #tpu.memory_space<semaphore_mem>>
      %dma_start3A_495 = tpu.memref_squeeze %dma_start3A_494 : memref<1x!tpu.dma_semaphore, #tpu.memory_space<semaphore_mem>> -> memref<!tpu.dma_semaphore, #tpu.memory_space<semaphore_mem>>
      tpu.enqueue_indirect_dma source(%dma_start3A_493 : memref<10000x16xbf16, #tpu.memory_space<hbm>>) target(%dma_start3A_487 : memref<128x16xbf16, #tpu.memory_space<vmem>>) offsets(%dma_start3A_490 : memref<128xi32, #tpu.memory_space<vmem>>) semaphore(%dma_start3A_495 : memref<!tpu.dma_semaphore, #tpu.memory_space<semaphore_mem>>)
      %mul3A_496 = arith.constant 6 : i32
      %mul3A_497 = arith.muli %mul3A_431, %mul3A_496 : i32
      %add3A_498 = arith.constant 4 : i32
      %add3A_499 = arith.addi %mul3A_497, %add3A_498 : i32
      %dma_start3A_500 = arith.constant 4 : i32
      %dma_start3A_501 = arith.constant 512 : i32
      %dma_start3A_502 = arith.constant 0 : i32
      %dma_start3A_503 = tpu.memref_slice %arg7[%dma_start3A_501, %dma_start3A_502] : memref<768x16xbf16, #tpu.memory_space<vmem>> -> memref<128x16xbf16, #tpu.memory_space<vmem>>
      %dma_start3A_504 = arith.constant 0 : i32
      %dma_start3A_505 = tpu.memref_slice %arg5[%add3A_499, %dma_start3A_504] : memref<79x128xi32, #tpu.memory_space<vmem>> -> memref<1x128xi32, #tpu.memory_space<vmem>>
      %dma_start3A_506 = tpu.memref_squeeze %dma_start3A_505 : memref<1x128xi32, #tpu.memory_space<vmem>> -> memref<128xi32, #tpu.memory_space<vmem>>
      %dma_start3A_507 = arith.constant 0 : i32
      %dma_start3A_508 = arith.constant 0 : i32
      %dma_start3A_509 = tpu.memref_slice %arg2[%dma_start3A_507, %dma_start3A_508] : memref<10000x16xbf16, #tpu.memory_space<hbm>> -> memref<10000x16xbf16, #tpu.memory_space<hbm>>
      %dma_start3A_510 = tpu.memref_slice %arg11[%dma_start3A_500] : memref<6x!tpu.dma_semaphore, #tpu.memory_space<semaphore_mem>> -> memref<1x!tpu.dma_semaphore, #tpu.memory_space<semaphore_mem>>
      %dma_start3A_511 = tpu.memref_squeeze %dma_start3A_510 : memref<1x!tpu.dma_semaphore, #tpu.memory_space<semaphore_mem>> -> memref<!tpu.dma_semaphore, #tpu.memory_space<semaphore_mem>>
      tpu.enqueue_indirect_dma source(%dma_start3A_509 : memref<10000x16xbf16, #tpu.memory_space<hbm>>) target(%dma_start3A_503 : memref<128x16xbf16, #tpu.memory_space<vmem>>) offsets(%dma_start3A_506 : memref<128xi32, #tpu.memory_space<vmem>>) semaphore(%dma_start3A_511 : memref<!tpu.dma_semaphore, #tpu.memory_space<semaphore_mem>>)
      %mul3A_512 = arith.constant 6 : i32
      %mul3A_513 = arith.muli %mul3A_431, %mul3A_512 : i32
      %add3A_514 = arith.constant 5 : i32
      %add3A_515 = arith.addi %mul3A_513, %add3A_514 : i32
      %dma_start3A_516 = arith.constant 5 : i32
      %dma_start3A_517 = arith.constant 640 : i32
      %dma_start3A_518 = arith.constant 0 : i32
      %dma_start3A_519 = tpu.memref_slice %arg7[%dma_start3A_517, %dma_start3A_518] : memref<768x16xbf16, #tpu.memory_space<vmem>> -> memref<128x16xbf16, #tpu.memory_space<vmem>>
      %dma_start3A_520 = arith.constant 0 : i32
      %dma_start3A_521 = tpu.memref_slice %arg5[%add3A_515, %dma_start3A_520] : memref<79x128xi32, #tpu.memory_space<vmem>> -> memref<1x128xi32, #tpu.memory_space<vmem>>
      %dma_start3A_522 = tpu.memref_squeeze %dma_start3A_521 : memref<1x128xi32, #tpu.memory_space<vmem>> -> memref<128xi32, #tpu.memory_space<vmem>>
      %dma_start3A_523 = arith.constant 0 : i32
      %dma_start3A_524 = arith.constant 0 : i32
      %dma_start3A_525 = tpu.memref_slice %arg2[%dma_start3A_523, %dma_start3A_524] : memref<10000x16xbf16, #tpu.memory_space<hbm>> -> memref<10000x16xbf16, #tpu.memory_space<hbm>>
      %dma_start3A_526 = tpu.memref_slice %arg11[%dma_start3A_516] : memref<6x!tpu.dma_semaphore, #tpu.memory_space<semaphore_mem>> -> memref<1x!tpu.dma_semaphore, #tpu.memory_space<semaphore_mem>>
      %dma_start3A_527 = tpu.memref_squeeze %dma_start3A_526 : memref<1x!tpu.dma_semaphore, #tpu.memory_space<semaphore_mem>> -> memref<!tpu.dma_semaphore, #tpu.memory_space<semaphore_mem>>
      tpu.enqueue_indirect_dma source(%dma_start3A_525 : memref<10000x16xbf16, #tpu.memory_space<hbm>>) target(%dma_start3A_519 : memref<128x16xbf16, #tpu.memory_space<vmem>>) offsets(%dma_start3A_522 : memref<128xi32, #tpu.memory_space<vmem>>) semaphore(%dma_start3A_527 : memref<!tpu.dma_semaphore, #tpu.memory_space<semaphore_mem>>)
      %dma_wait3A_528 = arith.constant 0 : i32
      %dma_wait3A_529 = arith.constant 0 : i32
      %dma_wait3A_530 = arith.constant 0 : i32
      %dma_wait3A_531 = tpu.memref_slice %arg7[%dma_wait3A_529, %dma_wait3A_530] : memref<768x16xbf16, #tpu.memory_space<vmem>> -> memref<128x16xbf16, #tpu.memory_space<vmem>>
      %dma_wait3A_532 = arith.constant 0 : i32
      %dma_wait3A_533 = tpu.memref_slice %arg5[%add3A_435, %dma_wait3A_532] : memref<79x128xi32, #tpu.memory_space<vmem>> -> memref<1x128xi32, #tpu.memory_space<vmem>>
      %dma_wait3A_534 = tpu.memref_squeeze %dma_wait3A_533 : memref<1x128xi32, #tpu.memory_space<vmem>> -> memref<128xi32, #tpu.memory_space<vmem>>
      %dma_wait3A_535 = arith.constant 0 : i32
      %dma_wait3A_536 = arith.constant 0 : i32
      %dma_wait3A_537 = tpu.memref_slice %arg2[%dma_wait3A_535, %dma_wait3A_536] : memref<10000x16xbf16, #tpu.memory_space<hbm>> -> memref<10000x16xbf16, #tpu.memory_space<hbm>>
      %dma_wait3A_538 = tpu.memref_slice %arg11[%dma_wait3A_528] : memref<6x!tpu.dma_semaphore, #tpu.memory_space<semaphore_mem>> -> memref<1x!tpu.dma_semaphore, #tpu.memory_space<semaphore_mem>>
      %dma_wait3A_539 = tpu.memref_squeeze %dma_wait3A_538 : memref<1x!tpu.dma_semaphore, #tpu.memory_space<semaphore_mem>> -> memref<!tpu.dma_semaphore, #tpu.memory_space<semaphore_mem>>
      tpu.wait_indirect_dma semaphore(%dma_wait3A_539 : memref<!tpu.dma_semaphore, #tpu.memory_space<semaphore_mem>>) src(%dma_wait3A_537 : memref<10000x16xbf16, #tpu.memory_space<hbm>>) dst(%dma_wait3A_531 : memref<128x16xbf16, #tpu.memory_space<vmem>>)
      %mul3A_540 = arith.constant 6 : i32
      %mul3A_541 = arith.muli %mul3A_431, %mul3A_540 : i32
      %add3A_542 = arith.constant 0 : i32
      %add3A_543 = arith.addi %mul3A_541, %add3A_542 : i32
      %dma_start3A_544 = arith.constant 0 : i32
      %dma_start3A_545 = arith.constant 0 : i32
      %dma_start3A_546 = tpu.memref_slice %arg7[%dma_start3A_544, %dma_start3A_545] : memref<768x16xbf16, #tpu.memory_space<vmem>> -> memref<128x16xbf16, #tpu.memory_space<vmem>>
      %dma_start3A_547 = arith.constant 0 : i32
      %dma_start3A_548 = tpu.memref_slice %arg6[%add3A_543, %dma_start3A_547] : memref<79x128xi32, #tpu.memory_space<vmem>> -> memref<1x128xi32, #tpu.memory_space<vmem>>
      %dma_start3A_549 = tpu.memref_squeeze %dma_start3A_548 : memref<1x128xi32, #tpu.memory_space<vmem>> -> memref<128xi32, #tpu.memory_space<vmem>>
      %dma_start3A_550 = arith.constant 0 : i32
      %dma_start3A_551 = arith.constant 0 : i32
      %dma_start3A_552 = tpu.memref_slice %arg10[%dma_start3A_550, %dma_start3A_551] : memref<10112x16xbf16, #tpu.memory_space<vmem_shared>> -> memref<10112x16xbf16, #tpu.memory_space<vmem_shared>>
      tpu.enqueue_indirect_dma source(%dma_start3A_546 : memref<128x16xbf16, #tpu.memory_space<vmem>>) target(%dma_start3A_552 : memref<10112x16xbf16, #tpu.memory_space<vmem_shared>>) offsets(%dma_start3A_549 : memref<128xi32, #tpu.memory_space<vmem>>) semaphore(%arg12 : memref<!tpu.dma_semaphore, #tpu.memory_space<semaphore_mem>>) {add = true}
      %dma_wait3A_553 = arith.constant 1 : i32
      %dma_wait3A_554 = arith.constant 128 : i32
      %dma_wait3A_555 = arith.constant 0 : i32
      %dma_wait3A_556 = tpu.memref_slice %arg7[%dma_wait3A_554, %dma_wait3A_555] : memref<768x16xbf16, #tpu.memory_space<vmem>> -> memref<128x16xbf16, #tpu.memory_space<vmem>>
      %dma_wait3A_557 = arith.constant 0 : i32
      %dma_wait3A_558 = tpu.memref_slice %arg5[%add3A_451, %dma_wait3A_557] : memref<79x128xi32, #tpu.memory_space<vmem>> -> memref<1x128xi32, #tpu.memory_space<vmem>>
      %dma_wait3A_559 = tpu.memref_squeeze %dma_wait3A_558 : memref<1x128xi32, #tpu.memory_space<vmem>> -> memref<128xi32, #tpu.memory_space<vmem>>
      %dma_wait3A_560 = arith.constant 0 : i32
      %dma_wait3A_561 = arith.constant 0 : i32
      %dma_wait3A_562 = tpu.memref_slice %arg2[%dma_wait3A_560, %dma_wait3A_561] : memref<10000x16xbf16, #tpu.memory_space<hbm>> -> memref<10000x16xbf16, #tpu.memory_space<hbm>>
      %dma_wait3A_563 = tpu.memref_slice %arg11[%dma_wait3A_553] : memref<6x!tpu.dma_semaphore, #tpu.memory_space<semaphore_mem>> -> memref<1x!tpu.dma_semaphore, #tpu.memory_space<semaphore_mem>>
      %dma_wait3A_564 = tpu.memref_squeeze %dma_wait3A_563 : memref<1x!tpu.dma_semaphore, #tpu.memory_space<semaphore_mem>> -> memref<!tpu.dma_semaphore, #tpu.memory_space<semaphore_mem>>
      tpu.wait_indirect_dma semaphore(%dma_wait3A_564 : memref<!tpu.dma_semaphore, #tpu.memory_space<semaphore_mem>>) src(%dma_wait3A_562 : memref<10000x16xbf16, #tpu.memory_space<hbm>>) dst(%dma_wait3A_556 : memref<128x16xbf16, #tpu.memory_space<vmem>>)
      %mul3A_565 = arith.constant 6 : i32
      %mul3A_566 = arith.muli %mul3A_431, %mul3A_565 : i32
      %add3A_567 = arith.constant 1 : i32
      %add3A_568 = arith.addi %mul3A_566, %add3A_567 : i32
      %dma_start3A_569 = arith.constant 128 : i32
      %dma_start3A_570 = arith.constant 0 : i32
      %dma_start3A_571 = tpu.memref_slice %arg7[%dma_start3A_569, %dma_start3A_570] : memref<768x16xbf16, #tpu.memory_space<vmem>> -> memref<128x16xbf16, #tpu.memory_space<vmem>>
      %dma_start3A_572 = arith.constant 0 : i32
      %dma_start3A_573 = tpu.memref_slice %arg6[%add3A_568, %dma_start3A_572] : memref<79x128xi32, #tpu.memory_space<vmem>> -> memref<1x128xi32, #tpu.memory_space<vmem>>
      %dma_start3A_574 = tpu.memref_squeeze %dma_start3A_573 : memref<1x128xi32, #tpu.memory_space<vmem>> -> memref<128xi32, #tpu.memory_space<vmem>>
      %dma_start3A_575 = arith.constant 0 : i32
      %dma_start3A_576 = arith.constant 0 : i32
      %dma_start3A_577 = tpu.memref_slice %arg10[%dma_start3A_575, %dma_start3A_576] : memref<10112x16xbf16, #tpu.memory_space<vmem_shared>> -> memref<10112x16xbf16, #tpu.memory_space<vmem_shared>>
      tpu.enqueue_indirect_dma source(%dma_start3A_571 : memref<128x16xbf16, #tpu.memory_space<vmem>>) target(%dma_start3A_577 : memref<10112x16xbf16, #tpu.memory_space<vmem_shared>>) offsets(%dma_start3A_574 : memref<128xi32, #tpu.memory_space<vmem>>) semaphore(%arg12 : memref<!tpu.dma_semaphore, #tpu.memory_space<semaphore_mem>>) {add = true}
      %dma_wait3A_578 = arith.constant 2 : i32
      %dma_wait3A_579 = arith.constant 256 : i32
      %dma_wait3A_580 = arith.constant 0 : i32
      %dma_wait3A_581 = tpu.memref_slice %arg7[%dma_wait3A_579, %dma_wait3A_580] : memref<768x16xbf16, #tpu.memory_space<vmem>> -> memref<128x16xbf16, #tpu.memory_space<vmem>>
      %dma_wait3A_582 = arith.constant 0 : i32
      %dma_wait3A_583 = tpu.memref_slice %arg5[%add3A_467, %dma_wait3A_582] : memref<79x128xi32, #tpu.memory_space<vmem>> -> memref<1x128xi32, #tpu.memory_space<vmem>>
      %dma_wait3A_584 = tpu.memref_squeeze %dma_wait3A_583 : memref<1x128xi32, #tpu.memory_space<vmem>> -> memref<128xi32, #tpu.memory_space<vmem>>
      %dma_wait3A_585 = arith.constant 0 : i32
      %dma_wait3A_586 = arith.constant 0 : i32
      %dma_wait3A_587 = tpu.memref_slice %arg2[%dma_wait3A_585, %dma_wait3A_586] : memref<10000x16xbf16, #tpu.memory_space<hbm>> -> memref<10000x16xbf16, #tpu.memory_space<hbm>>
      %dma_wait3A_588 = tpu.memref_slice %arg11[%dma_wait3A_578] : memref<6x!tpu.dma_semaphore, #tpu.memory_space<semaphore_mem>> -> memref<1x!tpu.dma_semaphore, #tpu.memory_space<semaphore_mem>>
      %dma_wait3A_589 = tpu.memref_squeeze %dma_wait3A_588 : memref<1x!tpu.dma_semaphore, #tpu.memory_space<semaphore_mem>> -> memref<!tpu.dma_semaphore, #tpu.memory_space<semaphore_mem>>
      tpu.wait_indirect_dma semaphore(%dma_wait3A_589 : memref<!tpu.dma_semaphore, #tpu.memory_space<semaphore_mem>>) src(%dma_wait3A_587 : memref<10000x16xbf16, #tpu.memory_space<hbm>>) dst(%dma_wait3A_581 : memref<128x16xbf16, #tpu.memory_space<vmem>>)
      %mul3A_590 = arith.constant 6 : i32
      %mul3A_591 = arith.muli %mul3A_431, %mul3A_590 : i32
      %add3A_592 = arith.constant 2 : i32
      %add3A_593 = arith.addi %mul3A_591, %add3A_592 : i32
      %dma_start3A_594 = arith.constant 256 : i32
      %dma_start3A_595 = arith.constant 0 : i32
      %dma_start3A_596 = tpu.memref_slice %arg7[%dma_start3A_594, %dma_start3A_595] : memref<768x16xbf16, #tpu.memory_space<vmem>> -> memref<128x16xbf16, #tpu.memory_space<vmem>>
      %dma_start3A_597 = arith.constant 0 : i32
      %dma_start3A_598 = tpu.memref_slice %arg6[%add3A_593, %dma_start3A_597] : memref<79x128xi32, #tpu.memory_space<vmem>> -> memref<1x128xi32, #tpu.memory_space<vmem>>
      %dma_start3A_599 = tpu.memref_squeeze %dma_start3A_598 : memref<1x128xi32, #tpu.memory_space<vmem>> -> memref<128xi32, #tpu.memory_space<vmem>>
      %dma_start3A_600 = arith.constant 0 : i32
      %dma_start3A_601 = arith.constant 0 : i32
      %dma_start3A_602 = tpu.memref_slice %arg10[%dma_start3A_600, %dma_start3A_601] : memref<10112x16xbf16, #tpu.memory_space<vmem_shared>> -> memref<10112x16xbf16, #tpu.memory_space<vmem_shared>>
      tpu.enqueue_indirect_dma source(%dma_start3A_596 : memref<128x16xbf16, #tpu.memory_space<vmem>>) target(%dma_start3A_602 : memref<10112x16xbf16, #tpu.memory_space<vmem_shared>>) offsets(%dma_start3A_599 : memref<128xi32, #tpu.memory_space<vmem>>) semaphore(%arg12 : memref<!tpu.dma_semaphore, #tpu.memory_space<semaphore_mem>>) {add = true}
      %dma_wait3A_603 = arith.constant 3 : i32
      %dma_wait3A_604 = arith.constant 384 : i32
      %dma_wait3A_605 = arith.constant 0 : i32
      %dma_wait3A_606 = tpu.memref_slice %arg7[%dma_wait3A_604, %dma_wait3A_605] : memref<768x16xbf16, #tpu.memory_space<vmem>> -> memref<128x16xbf16, #tpu.memory_space<vmem>>
      %dma_wait3A_607 = arith.constant 0 : i32
      %dma_wait3A_608 = tpu.memref_slice %arg5[%add3A_483, %dma_wait3A_607] : memref<79x128xi32, #tpu.memory_space<vmem>> -> memref<1x128xi32, #tpu.memory_space<vmem>>
      %dma_wait3A_609 = tpu.memref_squeeze %dma_wait3A_608 : memref<1x128xi32, #tpu.memory_space<vmem>> -> memref<128xi32, #tpu.memory_space<vmem>>
      %dma_wait3A_610 = arith.constant 0 : i32
      %dma_wait3A_611 = arith.constant 0 : i32
      %dma_wait3A_612 = tpu.memref_slice %arg2[%dma_wait3A_610, %dma_wait3A_611] : memref<10000x16xbf16, #tpu.memory_space<hbm>> -> memref<10000x16xbf16, #tpu.memory_space<hbm>>
      %dma_wait3A_613 = tpu.memref_slice %arg11[%dma_wait3A_603] : memref<6x!tpu.dma_semaphore, #tpu.memory_space<semaphore_mem>> -> memref<1x!tpu.dma_semaphore, #tpu.memory_space<semaphore_mem>>
      %dma_wait3A_614 = tpu.memref_squeeze %dma_wait3A_613 : memref<1x!tpu.dma_semaphore, #tpu.memory_space<semaphore_mem>> -> memref<!tpu.dma_semaphore, #tpu.memory_space<semaphore_mem>>
      tpu.wait_indirect_dma semaphore(%dma_wait3A_614 : memref<!tpu.dma_semaphore, #tpu.memory_space<semaphore_mem>>) src(%dma_wait3A_612 : memref<10000x16xbf16, #tpu.memory_space<hbm>>) dst(%dma_wait3A_606 : memref<128x16xbf16, #tpu.memory_space<vmem>>)
      %mul3A_615 = arith.constant 6 : i32
      %mul3A_616 = arith.muli %mul3A_431, %mul3A_615 : i32
      %add3A_617 = arith.constant 3 : i32
      %add3A_618 = arith.addi %mul3A_616, %add3A_617 : i32
      %dma_start3A_619 = arith.constant 384 : i32
      %dma_start3A_620 = arith.constant 0 : i32
      %dma_start3A_621 = tpu.memref_slice %arg7[%dma_start3A_619, %dma_start3A_620] : memref<768x16xbf16, #tpu.memory_space<vmem>> -> memref<128x16xbf16, #tpu.memory_space<vmem>>
      %dma_start3A_622 = arith.constant 0 : i32
      %dma_start3A_623 = tpu.memref_slice %arg6[%add3A_618, %dma_start3A_622] : memref<79x128xi32, #tpu.memory_space<vmem>> -> memref<1x128xi32, #tpu.memory_space<vmem>>
      %dma_start3A_624 = tpu.memref_squeeze %dma_start3A_623 : memref<1x128xi32, #tpu.memory_space<vmem>> -> memref<128xi32, #tpu.memory_space<vmem>>
      %dma_start3A_625 = arith.constant 0 : i32
      %dma_start3A_626 = arith.constant 0 : i32
      %dma_start3A_627 = tpu.memref_slice %arg10[%dma_start3A_625, %dma_start3A_626] : memref<10112x16xbf16, #tpu.memory_space<vmem_shared>> -> memref<10112x16xbf16, #tpu.memory_space<vmem_shared>>
      tpu.enqueue_indirect_dma source(%dma_start3A_621 : memref<128x16xbf16, #tpu.memory_space<vmem>>) target(%dma_start3A_627 : memref<10112x16xbf16, #tpu.memory_space<vmem_shared>>) offsets(%dma_start3A_624 : memref<128xi32, #tpu.memory_space<vmem>>) semaphore(%arg12 : memref<!tpu.dma_semaphore, #tpu.memory_space<semaphore_mem>>) {add = true}
      %dma_wait3A_628 = arith.constant 4 : i32
      %dma_wait3A_629 = arith.constant 512 : i32
      %dma_wait3A_630 = arith.constant 0 : i32
      %dma_wait3A_631 = tpu.memref_slice %arg7[%dma_wait3A_629, %dma_wait3A_630] : memref<768x16xbf16, #tpu.memory_space<vmem>> -> memref<128x16xbf16, #tpu.memory_space<vmem>>
      %dma_wait3A_632 = arith.constant 0 : i32
      %dma_wait3A_633 = tpu.memref_slice %arg5[%add3A_499, %dma_wait3A_632] : memref<79x128xi32, #tpu.memory_space<vmem>> -> memref<1x128xi32, #tpu.memory_space<vmem>>
      %dma_wait3A_634 = tpu.memref_squeeze %dma_wait3A_633 : memref<1x128xi32, #tpu.memory_space<vmem>> -> memref<128xi32, #tpu.memory_space<vmem>>
      %dma_wait3A_635 = arith.constant 0 : i32
      %dma_wait3A_636 = arith.constant 0 : i32
      %dma_wait3A_637 = tpu.memref_slice %arg2[%dma_wait3A_635, %dma_wait3A_636] : memref<10000x16xbf16, #tpu.memory_space<hbm>> -> memref<10000x16xbf16, #tpu.memory_space<hbm>>
      %dma_wait3A_638 = tpu.memref_slice %arg11[%dma_wait3A_628] : memref<6x!tpu.dma_semaphore, #tpu.memory_space<semaphore_mem>> -> memref<1x!tpu.dma_semaphore, #tpu.memory_space<semaphore_mem>>
      %dma_wait3A_639 = tpu.memref_squeeze %dma_wait3A_638 : memref<1x!tpu.dma_semaphore, #tpu.memory_space<semaphore_mem>> -> memref<!tpu.dma_semaphore, #tpu.memory_space<semaphore_mem>>
      tpu.wait_indirect_dma semaphore(%dma_wait3A_639 : memref<!tpu.dma_semaphore, #tpu.memory_space<semaphore_mem>>) src(%dma_wait3A_637 : memref<10000x16xbf16, #tpu.memory_space<hbm>>) dst(%dma_wait3A_631 : memref<128x16xbf16, #tpu.memory_space<vmem>>)
      %mul3A_640 = arith.constant 6 : i32
      %mul3A_641 = arith.muli %mul3A_431, %mul3A_640 : i32
      %add3A_642 = arith.constant 4 : i32
      %add3A_643 = arith.addi %mul3A_641, %add3A_642 : i32
      %dma_start3A_644 = arith.constant 512 : i32
      %dma_start3A_645 = arith.constant 0 : i32
      %dma_start3A_646 = tpu.memref_slice %arg7[%dma_start3A_644, %dma_start3A_645] : memref<768x16xbf16, #tpu.memory_space<vmem>> -> memref<128x16xbf16, #tpu.memory_space<vmem>>
      %dma_start3A_647 = arith.constant 0 : i32
      %dma_start3A_648 = tpu.memref_slice %arg6[%add3A_643, %dma_start3A_647] : memref<79x128xi32, #tpu.memory_space<vmem>> -> memref<1x128xi32, #tpu.memory_space<vmem>>
      %dma_start3A_649 = tpu.memref_squeeze %dma_start3A_648 : memref<1x128xi32, #tpu.memory_space<vmem>> -> memref<128xi32, #tpu.memory_space<vmem>>
      %dma_start3A_650 = arith.constant 0 : i32
      %dma_start3A_651 = arith.constant 0 : i32
      %dma_start3A_652 = tpu.memref_slice %arg10[%dma_start3A_650, %dma_start3A_651] : memref<10112x16xbf16, #tpu.memory_space<vmem_shared>> -> memref<10112x16xbf16, #tpu.memory_space<vmem_shared>>
      tpu.enqueue_indirect_dma source(%dma_start3A_646 : memref<128x16xbf16, #tpu.memory_space<vmem>>) target(%dma_start3A_652 : memref<10112x16xbf16, #tpu.memory_space<vmem_shared>>) offsets(%dma_start3A_649 : memref<128xi32, #tpu.memory_space<vmem>>) semaphore(%arg12 : memref<!tpu.dma_semaphore, #tpu.memory_space<semaphore_mem>>) {add = true}
      %dma_wait3A_653 = arith.constant 5 : i32
      %dma_wait3A_654 = arith.constant 640 : i32
      %dma_wait3A_655 = arith.constant 0 : i32
      %dma_wait3A_656 = tpu.memref_slice %arg7[%dma_wait3A_654, %dma_wait3A_655] : memref<768x16xbf16, #tpu.memory_space<vmem>> -> memref<128x16xbf16, #tpu.memory_space<vmem>>
      %dma_wait3A_657 = arith.constant 0 : i32
      %dma_wait3A_658 = tpu.memref_slice %arg5[%add3A_515, %dma_wait3A_657] : memref<79x128xi32, #tpu.memory_space<vmem>> -> memref<1x128xi32, #tpu.memory_space<vmem>>
      %dma_wait3A_659 = tpu.memref_squeeze %dma_wait3A_658 : memref<1x128xi32, #tpu.memory_space<vmem>> -> memref<128xi32, #tpu.memory_space<vmem>>
      %dma_wait3A_660 = arith.constant 0 : i32
      %dma_wait3A_661 = arith.constant 0 : i32
      %dma_wait3A_662 = tpu.memref_slice %arg2[%dma_wait3A_660, %dma_wait3A_661] : memref<10000x16xbf16, #tpu.memory_space<hbm>> -> memref<10000x16xbf16, #tpu.memory_space<hbm>>
      %dma_wait3A_663 = tpu.memref_slice %arg11[%dma_wait3A_653] : memref<6x!tpu.dma_semaphore, #tpu.memory_space<semaphore_mem>> -> memref<1x!tpu.dma_semaphore, #tpu.memory_space<semaphore_mem>>
      %dma_wait3A_664 = tpu.memref_squeeze %dma_wait3A_663 : memref<1x!tpu.dma_semaphore, #tpu.memory_space<semaphore_mem>> -> memref<!tpu.dma_semaphore, #tpu.memory_space<semaphore_mem>>
      tpu.wait_indirect_dma semaphore(%dma_wait3A_664 : memref<!tpu.dma_semaphore, #tpu.memory_space<semaphore_mem>>) src(%dma_wait3A_662 : memref<10000x16xbf16, #tpu.memory_space<hbm>>) dst(%dma_wait3A_656 : memref<128x16xbf16, #tpu.memory_space<vmem>>)
      %mul3A_665 = arith.constant 6 : i32
      %mul3A_666 = arith.muli %mul3A_431, %mul3A_665 : i32
      %add3A_667 = arith.constant 5 : i32
      %add3A_668 = arith.addi %mul3A_666, %add3A_667 : i32
      %dma_start3A_669 = arith.constant 640 : i32
      %dma_start3A_670 = arith.constant 0 : i32
      %dma_start3A_671 = tpu.memref_slice %arg7[%dma_start3A_669, %dma_start3A_670] : memref<768x16xbf16, #tpu.memory_space<vmem>> -> memref<128x16xbf16, #tpu.memory_space<vmem>>
      %dma_start3A_672 = arith.constant 0 : i32
      %dma_start3A_673 = tpu.memref_slice %arg6[%add3A_668, %dma_start3A_672] : memref<79x128xi32, #tpu.memory_space<vmem>> -> memref<1x128xi32, #tpu.memory_space<vmem>>
      %dma_start3A_674 = tpu.memref_squeeze %dma_start3A_673 : memref<1x128xi32, #tpu.memory_space<vmem>> -> memref<128xi32, #tpu.memory_space<vmem>>
      %dma_start3A_675 = arith.constant 0 : i32
      %dma_start3A_676 = arith.constant 0 : i32
      %dma_start3A_677 = tpu.memref_slice %arg10[%dma_start3A_675, %dma_start3A_676] : memref<10112x16xbf16, #tpu.memory_space<vmem_shared>> -> memref<10112x16xbf16, #tpu.memory_space<vmem_shared>>
      tpu.enqueue_indirect_dma source(%dma_start3A_671 : memref<128x16xbf16, #tpu.memory_space<vmem>>) target(%dma_start3A_677 : memref<10112x16xbf16, #tpu.memory_space<vmem_shared>>) offsets(%dma_start3A_674 : memref<128xi32, #tpu.memory_space<vmem>>) semaphore(%arg12 : memref<!tpu.dma_semaphore, #tpu.memory_space<semaphore_mem>>) {add = true}
      %gt3A_678 = arith.constant 0 : i32
      %gt3A_679 = arith.cmpi sgt, %scan3A_425, %gt3A_678 : i32
      %convert_element_type3A_680 = arith.extui %gt3A_679 : i1 to i32
      %cond3A_681 = arith.constant 0 : i32
      %cond3A_682 = arith.cmpi ne, %convert_element_type3A_680, %cond3A_681 : i32
      scf.if %cond3A_682 {
        %dma_wait3A_933 = arith.constant 0 : i32
        %dma_wait3A_934 = arith.constant 0 : i32
        %dma_wait3A_935 = arith.constant 0 : i32
        %dma_wait3A_936 = tpu.memref_slice %arg8[%dma_wait3A_934, %dma_wait3A_935] : memref<768x16xbf16, #tpu.memory_space<vmem>> -> memref<128x16xbf16, #tpu.memory_space<vmem>>
        %dma_wait3A_937 = arith.constant 0 : i32
        %dma_wait3A_938 = tpu.memref_slice %arg6[%dma_wait3A_933, %dma_wait3A_937] : memref<79x128xi32, #tpu.memory_space<vmem>> -> memref<1x128xi32, #tpu.memory_space<vmem>>
        %dma_wait3A_939 = tpu.memref_squeeze %dma_wait3A_938 : memref<1x128xi32, #tpu.memory_space<vmem>> -> memref<128xi32, #tpu.memory_space<vmem>>
        %dma_wait3A_940 = arith.constant 0 : i32
        %dma_wait3A_941 = arith.constant 0 : i32
        %dma_wait3A_942 = tpu.memref_slice %arg10[%dma_wait3A_940, %dma_wait3A_941] : memref<10112x16xbf16, #tpu.memory_space<vmem_shared>> -> memref<10112x16xbf16, #tpu.memory_space<vmem_shared>>
        tpu.wait_indirect_dma semaphore(%arg13 : memref<!tpu.dma_semaphore, #tpu.memory_space<semaphore_mem>>) src(%dma_wait3A_936 : memref<128x16xbf16, #tpu.memory_space<vmem>>) dst(%dma_wait3A_942 : memref<10112x16xbf16, #tpu.memory_space<vmem_shared>>)
        %dma_wait3A_943 = arith.constant 0 : i32
        %dma_wait3A_944 = arith.constant 128 : i32
        %dma_wait3A_945 = arith.constant 0 : i32
        %dma_wait3A_946 = tpu.memref_slice %arg8[%dma_wait3A_944, %dma_wait3A_945] : memref<768x16xbf16, #tpu.memory_space<vmem>> -> memref<128x16xbf16, #tpu.memory_space<vmem>>
        %dma_wait3A_947 = arith.constant 0 : i32
        %dma_wait3A_948 = tpu.memref_slice %arg6[%dma_wait3A_943, %dma_wait3A_947] : memref<79x128xi32, #tpu.memory_space<vmem>> -> memref<1x128xi32, #tpu.memory_space<vmem>>
        %dma_wait3A_949 = tpu.memref_squeeze %dma_wait3A_948 : memref<1x128xi32, #tpu.memory_space<vmem>> -> memref<128xi32, #tpu.memory_space<vmem>>
        %dma_wait3A_950 = arith.constant 0 : i32
        %dma_wait3A_951 = arith.constant 0 : i32
        %dma_wait3A_952 = tpu.memref_slice %arg10[%dma_wait3A_950, %dma_wait3A_951] : memref<10112x16xbf16, #tpu.memory_space<vmem_shared>> -> memref<10112x16xbf16, #tpu.memory_space<vmem_shared>>
        tpu.wait_indirect_dma semaphore(%arg13 : memref<!tpu.dma_semaphore, #tpu.memory_space<semaphore_mem>>) src(%dma_wait3A_946 : memref<128x16xbf16, #tpu.memory_space<vmem>>) dst(%dma_wait3A_952 : memref<10112x16xbf16, #tpu.memory_space<vmem_shared>>)
        %dma_wait3A_953 = arith.constant 0 : i32
        %dma_wait3A_954 = arith.constant 256 : i32
        %dma_wait3A_955 = arith.constant 0 : i32
        %dma_wait3A_956 = tpu.memref_slice %arg8[%dma_wait3A_954, %dma_wait3A_955] : memref<768x16xbf16, #tpu.memory_space<vmem>> -> memref<128x16xbf16, #tpu.memory_space<vmem>>
        %dma_wait3A_957 = arith.constant 0 : i32
        %dma_wait3A_958 = tpu.memref_slice %arg6[%dma_wait3A_953, %dma_wait3A_957] : memref<79x128xi32, #tpu.memory_space<vmem>> -> memref<1x128xi32, #tpu.memory_space<vmem>>
        %dma_wait3A_959 = tpu.memref_squeeze %dma_wait3A_958 : memref<1x128xi32, #tpu.memory_space<vmem>> -> memref<128xi32, #tpu.memory_space<vmem>>
        %dma_wait3A_960 = arith.constant 0 : i32
        %dma_wait3A_961 = arith.constant 0 : i32
        %dma_wait3A_962 = tpu.memref_slice %arg10[%dma_wait3A_960, %dma_wait3A_961] : memref<10112x16xbf16, #tpu.memory_space<vmem_shared>> -> memref<10112x16xbf16, #tpu.memory_space<vmem_shared>>
        tpu.wait_indirect_dma semaphore(%arg13 : memref<!tpu.dma_semaphore, #tpu.memory_space<semaphore_mem>>) src(%dma_wait3A_956 : memref<128x16xbf16, #tpu.memory_space<vmem>>) dst(%dma_wait3A_962 : memref<10112x16xbf16, #tpu.memory_space<vmem_shared>>)
        %dma_wait3A_963 = arith.constant 0 : i32
        %dma_wait3A_964 = arith.constant 384 : i32
        %dma_wait3A_965 = arith.constant 0 : i32
        %dma_wait3A_966 = tpu.memref_slice %arg8[%dma_wait3A_964, %dma_wait3A_965] : memref<768x16xbf16, #tpu.memory_space<vmem>> -> memref<128x16xbf16, #tpu.memory_space<vmem>>
        %dma_wait3A_967 = arith.constant 0 : i32
        %dma_wait3A_968 = tpu.memref_slice %arg6[%dma_wait3A_963, %dma_wait3A_967] : memref<79x128xi32, #tpu.memory_space<vmem>> -> memref<1x128xi32, #tpu.memory_space<vmem>>
        %dma_wait3A_969 = tpu.memref_squeeze %dma_wait3A_968 : memref<1x128xi32, #tpu.memory_space<vmem>> -> memref<128xi32, #tpu.memory_space<vmem>>
        %dma_wait3A_970 = arith.constant 0 : i32
        %dma_wait3A_971 = arith.constant 0 : i32
        %dma_wait3A_972 = tpu.memref_slice %arg10[%dma_wait3A_970, %dma_wait3A_971] : memref<10112x16xbf16, #tpu.memory_space<vmem_shared>> -> memref<10112x16xbf16, #tpu.memory_space<vmem_shared>>
        tpu.wait_indirect_dma semaphore(%arg13 : memref<!tpu.dma_semaphore, #tpu.memory_space<semaphore_mem>>) src(%dma_wait3A_966 : memref<128x16xbf16, #tpu.memory_space<vmem>>) dst(%dma_wait3A_972 : memref<10112x16xbf16, #tpu.memory_space<vmem_shared>>)
        %dma_wait3A_973 = arith.constant 0 : i32
        %dma_wait3A_974 = arith.constant 512 : i32
        %dma_wait3A_975 = arith.constant 0 : i32
        %dma_wait3A_976 = tpu.memref_slice %arg8[%dma_wait3A_974, %dma_wait3A_975] : memref<768x16xbf16, #tpu.memory_space<vmem>> -> memref<128x16xbf16, #tpu.memory_space<vmem>>
        %dma_wait3A_977 = arith.constant 0 : i32
        %dma_wait3A_978 = tpu.memref_slice %arg6[%dma_wait3A_973, %dma_wait3A_977] : memref<79x128xi32, #tpu.memory_space<vmem>> -> memref<1x128xi32, #tpu.memory_space<vmem>>
        %dma_wait3A_979 = tpu.memref_squeeze %dma_wait3A_978 : memref<1x128xi32, #tpu.memory_space<vmem>> -> memref<128xi32, #tpu.memory_space<vmem>>
        %dma_wait3A_980 = arith.constant 0 : i32
        %dma_wait3A_981 = arith.constant 0 : i32
        %dma_wait3A_982 = tpu.memref_slice %arg10[%dma_wait3A_980, %dma_wait3A_981] : memref<10112x16xbf16, #tpu.memory_space<vmem_shared>> -> memref<10112x16xbf16, #tpu.memory_space<vmem_shared>>
        tpu.wait_indirect_dma semaphore(%arg13 : memref<!tpu.dma_semaphore, #tpu.memory_space<semaphore_mem>>) src(%dma_wait3A_976 : memref<128x16xbf16, #tpu.memory_space<vmem>>) dst(%dma_wait3A_982 : memref<10112x16xbf16, #tpu.memory_space<vmem_shared>>)
        %dma_wait3A_983 = arith.constant 0 : i32
        %dma_wait3A_984 = arith.constant 640 : i32
        %dma_wait3A_985 = arith.constant 0 : i32
        %dma_wait3A_986 = tpu.memref_slice %arg8[%dma_wait3A_984, %dma_wait3A_985] : memref<768x16xbf16, #tpu.memory_space<vmem>> -> memref<128x16xbf16, #tpu.memory_space<vmem>>
        %dma_wait3A_987 = arith.constant 0 : i32
        %dma_wait3A_988 = tpu.memref_slice %arg6[%dma_wait3A_983, %dma_wait3A_987] : memref<79x128xi32, #tpu.memory_space<vmem>> -> memref<1x128xi32, #tpu.memory_space<vmem>>
        %dma_wait3A_989 = tpu.memref_squeeze %dma_wait3A_988 : memref<1x128xi32, #tpu.memory_space<vmem>> -> memref<128xi32, #tpu.memory_space<vmem>>
        %dma_wait3A_990 = arith.constant 0 : i32
        %dma_wait3A_991 = arith.constant 0 : i32
        %dma_wait3A_992 = tpu.memref_slice %arg10[%dma_wait3A_990, %dma_wait3A_991] : memref<10112x16xbf16, #tpu.memory_space<vmem_shared>> -> memref<10112x16xbf16, #tpu.memory_space<vmem_shared>>
        tpu.wait_indirect_dma semaphore(%arg13 : memref<!tpu.dma_semaphore, #tpu.memory_space<semaphore_mem>>) src(%dma_wait3A_986 : memref<128x16xbf16, #tpu.memory_space<vmem>>) dst(%dma_wait3A_992 : memref<10112x16xbf16, #tpu.memory_space<vmem_shared>>)
      } else {
      }
      %mul3A_683 = arith.constant 2 : i32
      %mul3A_684 = arith.muli %mul3A_683, %scan3A_425 : i32
      %add3A_685 = arith.constant 1 : i32
      %add3A_686 = arith.addi %mul3A_684, %add3A_685 : i32
      %mul3A_687 = arith.constant 6 : i32
      %mul3A_688 = arith.muli %add3A_686, %mul3A_687 : i32
      %add3A_689 = arith.constant 0 : i32
      %add3A_690 = arith.addi %mul3A_688, %add3A_689 : i32
      %dma_start3A_691 = arith.constant 0 : i32
      %dma_start3A_692 = arith.constant 0 : i32
      %dma_start3A_693 = arith.constant 0 : i32
      %dma_start3A_694 = tpu.memref_slice %arg8[%dma_start3A_692, %dma_start3A_693] : memref<768x16xbf16, #tpu.memory_space<vmem>> -> memref<128x16xbf16, #tpu.memory_space<vmem>>
      %dma_start3A_695 = arith.constant 0 : i32
      %dma_start3A_696 = tpu.memref_slice %arg5[%add3A_690, %dma_start3A_695] : memref<79x128xi32, #tpu.memory_space<vmem>> -> memref<1x128xi32, #tpu.memory_space<vmem>>
      %dma_start3A_697 = tpu.memref_squeeze %dma_start3A_696 : memref<1x128xi32, #tpu.memory_space<vmem>> -> memref<128xi32, #tpu.memory_space<vmem>>
      %dma_start3A_698 = arith.constant 0 : i32
      %dma_start3A_699 = arith.constant 0 : i32
      %dma_start3A_700 = tpu.memref_slice %arg2[%dma_start3A_698, %dma_start3A_699] : memref<10000x16xbf16, #tpu.memory_space<hbm>> -> memref<10000x16xbf16, #tpu.memory_space<hbm>>
      %dma_start3A_701 = tpu.memref_slice %arg11[%dma_start3A_691] : memref<6x!tpu.dma_semaphore, #tpu.memory_space<semaphore_mem>> -> memref<1x!tpu.dma_semaphore, #tpu.memory_space<semaphore_mem>>
      %dma_start3A_702 = tpu.memref_squeeze %dma_start3A_701 : memref<1x!tpu.dma_semaphore, #tpu.memory_space<semaphore_mem>> -> memref<!tpu.dma_semaphore, #tpu.memory_space<semaphore_mem>>
      tpu.enqueue_indirect_dma source(%dma_start3A_700 : memref<10000x16xbf16, #tpu.memory_space<hbm>>) target(%dma_start3A_694 : memref<128x16xbf16, #tpu.memory_space<vmem>>) offsets(%dma_start3A_697 : memref<128xi32, #tpu.memory_space<vmem>>) semaphore(%dma_start3A_702 : memref<!tpu.dma_semaphore, #tpu.memory_space<semaphore_mem>>)
      %mul3A_703 = arith.constant 6 : i32
      %mul3A_704 = arith.muli %add3A_686, %mul3A_703 : i32
      %add3A_705 = arith.constant 1 : i32
      %add3A_706 = arith.addi %mul3A_704, %add3A_705 : i32
      %dma_start3A_707 = arith.constant 1 : i32
      %dma_start3A_708 = arith.constant 128 : i32
      %dma_start3A_709 = arith.constant 0 : i32
      %dma_start3A_710 = tpu.memref_slice %arg8[%dma_start3A_708, %dma_start3A_709] : memref<768x16xbf16, #tpu.memory_space<vmem>> -> memref<128x16xbf16, #tpu.memory_space<vmem>>
      %dma_start3A_711 = arith.constant 0 : i32
      %dma_start3A_712 = tpu.memref_slice %arg5[%add3A_706, %dma_start3A_711] : memref<79x128xi32, #tpu.memory_space<vmem>> -> memref<1x128xi32, #tpu.memory_space<vmem>>
      %dma_start3A_713 = tpu.memref_squeeze %dma_start3A_712 : memref<1x128xi32, #tpu.memory_space<vmem>> -> memref<128xi32, #tpu.memory_space<vmem>>
      %dma_start3A_714 = arith.constant 0 : i32
      %dma_start3A_715 = arith.constant 0 : i32
      %dma_start3A_716 = tpu.memref_slice %arg2[%dma_start3A_714, %dma_start3A_715] : memref<10000x16xbf16, #tpu.memory_space<hbm>> -> memref<10000x16xbf16, #tpu.memory_space<hbm>>
      %dma_start3A_717 = tpu.memref_slice %arg11[%dma_start3A_707] : memref<6x!tpu.dma_semaphore, #tpu.memory_space<semaphore_mem>> -> memref<1x!tpu.dma_semaphore, #tpu.memory_space<semaphore_mem>>
      %dma_start3A_718 = tpu.memref_squeeze %dma_start3A_717 : memref<1x!tpu.dma_semaphore, #tpu.memory_space<semaphore_mem>> -> memref<!tpu.dma_semaphore, #tpu.memory_space<semaphore_mem>>
      tpu.enqueue_indirect_dma source(%dma_start3A_716 : memref<10000x16xbf16, #tpu.memory_space<hbm>>) target(%dma_start3A_710 : memref<128x16xbf16, #tpu.memory_space<vmem>>) offsets(%dma_start3A_713 : memref<128xi32, #tpu.memory_space<vmem>>) semaphore(%dma_start3A_718 : memref<!tpu.dma_semaphore, #tpu.memory_space<semaphore_mem>>)
      %mul3A_719 = arith.constant 6 : i32
      %mul3A_720 = arith.muli %add3A_686, %mul3A_719 : i32
      %add3A_721 = arith.constant 2 : i32
      %add3A_722 = arith.addi %mul3A_720, %add3A_721 : i32
      %dma_start3A_723 = arith.constant 2 : i32
      %dma_start3A_724 = arith.constant 256 : i32
      %dma_start3A_725 = arith.constant 0 : i32
      %dma_start3A_726 = tpu.memref_slice %arg8[%dma_start3A_724, %dma_start3A_725] : memref<768x16xbf16, #tpu.memory_space<vmem>> -> memref<128x16xbf16, #tpu.memory_space<vmem>>
      %dma_start3A_727 = arith.constant 0 : i32
      %dma_start3A_728 = tpu.memref_slice %arg5[%add3A_722, %dma_start3A_727] : memref<79x128xi32, #tpu.memory_space<vmem>> -> memref<1x128xi32, #tpu.memory_space<vmem>>
      %dma_start3A_729 = tpu.memref_squeeze %dma_start3A_728 : memref<1x128xi32, #tpu.memory_space<vmem>> -> memref<128xi32, #tpu.memory_space<vmem>>
      %dma_start3A_730 = arith.constant 0 : i32
      %dma_start3A_731 = arith.constant 0 : i32
      %dma_start3A_732 = tpu.memref_slice %arg2[%dma_start3A_730, %dma_start3A_731] : memref<10000x16xbf16, #tpu.memory_space<hbm>> -> memref<10000x16xbf16, #tpu.memory_space<hbm>>
      %dma_start3A_733 = tpu.memref_slice %arg11[%dma_start3A_723] : memref<6x!tpu.dma_semaphore, #tpu.memory_space<semaphore_mem>> -> memref<1x!tpu.dma_semaphore, #tpu.memory_space<semaphore_mem>>
      %dma_start3A_734 = tpu.memref_squeeze %dma_start3A_733 : memref<1x!tpu.dma_semaphore, #tpu.memory_space<semaphore_mem>> -> memref<!tpu.dma_semaphore, #tpu.memory_space<semaphore_mem>>
      tpu.enqueue_indirect_dma source(%dma_start3A_732 : memref<10000x16xbf16, #tpu.memory_space<hbm>>) target(%dma_start3A_726 : memref<128x16xbf16, #tpu.memory_space<vmem>>) offsets(%dma_start3A_729 : memref<128xi32, #tpu.memory_space<vmem>>) semaphore(%dma_start3A_734 : memref<!tpu.dma_semaphore, #tpu.memory_space<semaphore_mem>>)
      %mul3A_735 = arith.constant 6 : i32
      %mul3A_736 = arith.muli %add3A_686, %mul3A_735 : i32
      %add3A_737 = arith.constant 3 : i32
      %add3A_738 = arith.addi %mul3A_736, %add3A_737 : i32
      %dma_start3A_739 = arith.constant 3 : i32
      %dma_start3A_740 = arith.constant 384 : i32
      %dma_start3A_741 = arith.constant 0 : i32
      %dma_start3A_742 = tpu.memref_slice %arg8[%dma_start3A_740, %dma_start3A_741] : memref<768x16xbf16, #tpu.memory_space<vmem>> -> memref<128x16xbf16, #tpu.memory_space<vmem>>
      %dma_start3A_743 = arith.constant 0 : i32
      %dma_start3A_744 = tpu.memref_slice %arg5[%add3A_738, %dma_start3A_743] : memref<79x128xi32, #tpu.memory_space<vmem>> -> memref<1x128xi32, #tpu.memory_space<vmem>>
      %dma_start3A_745 = tpu.memref_squeeze %dma_start3A_744 : memref<1x128xi32, #tpu.memory_space<vmem>> -> memref<128xi32, #tpu.memory_space<vmem>>
      %dma_start3A_746 = arith.constant 0 : i32
      %dma_start3A_747 = arith.constant 0 : i32
      %dma_start3A_748 = tpu.memref_slice %arg2[%dma_start3A_746, %dma_start3A_747] : memref<10000x16xbf16, #tpu.memory_space<hbm>> -> memref<10000x16xbf16, #tpu.memory_space<hbm>>
      %dma_start3A_749 = tpu.memref_slice %arg11[%dma_start3A_739] : memref<6x!tpu.dma_semaphore, #tpu.memory_space<semaphore_mem>> -> memref<1x!tpu.dma_semaphore, #tpu.memory_space<semaphore_mem>>
      %dma_start3A_750 = tpu.memref_squeeze %dma_start3A_749 : memref<1x!tpu.dma_semaphore, #tpu.memory_space<semaphore_mem>> -> memref<!tpu.dma_semaphore, #tpu.memory_space<semaphore_mem>>
      tpu.enqueue_indirect_dma source(%dma_start3A_748 : memref<10000x16xbf16, #tpu.memory_space<hbm>>) target(%dma_start3A_742 : memref<128x16xbf16, #tpu.memory_space<vmem>>) offsets(%dma_start3A_745 : memref<128xi32, #tpu.memory_space<vmem>>) semaphore(%dma_start3A_750 : memref<!tpu.dma_semaphore, #tpu.memory_space<semaphore_mem>>)
      %mul3A_751 = arith.constant 6 : i32
      %mul3A_752 = arith.muli %add3A_686, %mul3A_751 : i32
      %add3A_753 = arith.constant 4 : i32
      %add3A_754 = arith.addi %mul3A_752, %add3A_753 : i32
      %dma_start3A_755 = arith.constant 4 : i32
      %dma_start3A_756 = arith.constant 512 : i32
      %dma_start3A_757 = arith.constant 0 : i32
      %dma_start3A_758 = tpu.memref_slice %arg8[%dma_start3A_756, %dma_start3A_757] : memref<768x16xbf16, #tpu.memory_space<vmem>> -> memref<128x16xbf16, #tpu.memory_space<vmem>>
      %dma_start3A_759 = arith.constant 0 : i32
      %dma_start3A_760 = tpu.memref_slice %arg5[%add3A_754, %dma_start3A_759] : memref<79x128xi32, #tpu.memory_space<vmem>> -> memref<1x128xi32, #tpu.memory_space<vmem>>
      %dma_start3A_761 = tpu.memref_squeeze %dma_start3A_760 : memref<1x128xi32, #tpu.memory_space<vmem>> -> memref<128xi32, #tpu.memory_space<vmem>>
      %dma_start3A_762 = arith.constant 0 : i32
      %dma_start3A_763 = arith.constant 0 : i32
      %dma_start3A_764 = tpu.memref_slice %arg2[%dma_start3A_762, %dma_start3A_763] : memref<10000x16xbf16, #tpu.memory_space<hbm>> -> memref<10000x16xbf16, #tpu.memory_space<hbm>>
      %dma_start3A_765 = tpu.memref_slice %arg11[%dma_start3A_755] : memref<6x!tpu.dma_semaphore, #tpu.memory_space<semaphore_mem>> -> memref<1x!tpu.dma_semaphore, #tpu.memory_space<semaphore_mem>>
      %dma_start3A_766 = tpu.memref_squeeze %dma_start3A_765 : memref<1x!tpu.dma_semaphore, #tpu.memory_space<semaphore_mem>> -> memref<!tpu.dma_semaphore, #tpu.memory_space<semaphore_mem>>
      tpu.enqueue_indirect_dma source(%dma_start3A_764 : memref<10000x16xbf16, #tpu.memory_space<hbm>>) target(%dma_start3A_758 : memref<128x16xbf16, #tpu.memory_space<vmem>>) offsets(%dma_start3A_761 : memref<128xi32, #tpu.memory_space<vmem>>) semaphore(%dma_start3A_766 : memref<!tpu.dma_semaphore, #tpu.memory_space<semaphore_mem>>)
      %mul3A_767 = arith.constant 6 : i32
      %mul3A_768 = arith.muli %add3A_686, %mul3A_767 : i32
      %add3A_769 = arith.constant 5 : i32
      %add3A_770 = arith.addi %mul3A_768, %add3A_769 : i32
      %dma_start3A_771 = arith.constant 5 : i32
      %dma_start3A_772 = arith.constant 640 : i32
      %dma_start3A_773 = arith.constant 0 : i32
      %dma_start3A_774 = tpu.memref_slice %arg8[%dma_start3A_772, %dma_start3A_773] : memref<768x16xbf16, #tpu.memory_space<vmem>> -> memref<128x16xbf16, #tpu.memory_space<vmem>>
      %dma_start3A_775 = arith.constant 0 : i32
      %dma_start3A_776 = tpu.memref_slice %arg5[%add3A_770, %dma_start3A_775] : memref<79x128xi32, #tpu.memory_space<vmem>> -> memref<1x128xi32, #tpu.memory_space<vmem>>
      %dma_start3A_777 = tpu.memref_squeeze %dma_start3A_776 : memref<1x128xi32, #tpu.memory_space<vmem>> -> memref<128xi32, #tpu.memory_space<vmem>>
      %dma_start3A_778 = arith.constant 0 : i32
      %dma_start3A_779 = arith.constant 0 : i32
      %dma_start3A_780 = tpu.memref_slice %arg2[%dma_start3A_778, %dma_start3A_779] : memref<10000x16xbf16, #tpu.memory_space<hbm>> -> memref<10000x16xbf16, #tpu.memory_space<hbm>>
      %dma_start3A_781 = tpu.memref_slice %arg11[%dma_start3A_771] : memref<6x!tpu.dma_semaphore, #tpu.memory_space<semaphore_mem>> -> memref<1x!tpu.dma_semaphore, #tpu.memory_space<semaphore_mem>>
      %dma_start3A_782 = tpu.memref_squeeze %dma_start3A_781 : memref<1x!tpu.dma_semaphore, #tpu.memory_space<semaphore_mem>> -> memref<!tpu.dma_semaphore, #tpu.memory_space<semaphore_mem>>
      tpu.enqueue_indirect_dma source(%dma_start3A_780 : memref<10000x16xbf16, #tpu.memory_space<hbm>>) target(%dma_start3A_774 : memref<128x16xbf16, #tpu.memory_space<vmem>>) offsets(%dma_start3A_777 : memref<128xi32, #tpu.memory_space<vmem>>) semaphore(%dma_start3A_782 : memref<!tpu.dma_semaphore, #tpu.memory_space<semaphore_mem>>)
      %dma_wait3A_783 = arith.constant 0 : i32
      %dma_wait3A_784 = arith.constant 0 : i32
      %dma_wait3A_785 = arith.constant 0 : i32
      %dma_wait3A_786 = tpu.memref_slice %arg8[%dma_wait3A_784, %dma_wait3A_785] : memref<768x16xbf16, #tpu.memory_space<vmem>> -> memref<128x16xbf16, #tpu.memory_space<vmem>>
      %dma_wait3A_787 = arith.constant 0 : i32
      %dma_wait3A_788 = tpu.memref_slice %arg5[%add3A_690, %dma_wait3A_787] : memref<79x128xi32, #tpu.memory_space<vmem>> -> memref<1x128xi32, #tpu.memory_space<vmem>>
      %dma_wait3A_789 = tpu.memref_squeeze %dma_wait3A_788 : memref<1x128xi32, #tpu.memory_space<vmem>> -> memref<128xi32, #tpu.memory_space<vmem>>
      %dma_wait3A_790 = arith.constant 0 : i32
      %dma_wait3A_791 = arith.constant 0 : i32
      %dma_wait3A_792 = tpu.memref_slice %arg2[%dma_wait3A_790, %dma_wait3A_791] : memref<10000x16xbf16, #tpu.memory_space<hbm>> -> memref<10000x16xbf16, #tpu.memory_space<hbm>>
      %dma_wait3A_793 = tpu.memref_slice %arg11[%dma_wait3A_783] : memref<6x!tpu.dma_semaphore, #tpu.memory_space<semaphore_mem>> -> memref<1x!tpu.dma_semaphore, #tpu.memory_space<semaphore_mem>>
      %dma_wait3A_794 = tpu.memref_squeeze %dma_wait3A_793 : memref<1x!tpu.dma_semaphore, #tpu.memory_space<semaphore_mem>> -> memref<!tpu.dma_semaphore, #tpu.memory_space<semaphore_mem>>
      tpu.wait_indirect_dma semaphore(%dma_wait3A_794 : memref<!tpu.dma_semaphore, #tpu.memory_space<semaphore_mem>>) src(%dma_wait3A_792 : memref<10000x16xbf16, #tpu.memory_space<hbm>>) dst(%dma_wait3A_786 : memref<128x16xbf16, #tpu.memory_space<vmem>>)
      %mul3A_795 = arith.constant 6 : i32
      %mul3A_796 = arith.muli %add3A_686, %mul3A_795 : i32
      %add3A_797 = arith.constant 0 : i32
      %add3A_798 = arith.addi %mul3A_796, %add3A_797 : i32
      %dma_start3A_799 = arith.constant 0 : i32
      %dma_start3A_800 = arith.constant 0 : i32
      %dma_start3A_801 = tpu.memref_slice %arg8[%dma_start3A_799, %dma_start3A_800] : memref<768x16xbf16, #tpu.memory_space<vmem>> -> memref<128x16xbf16, #tpu.memory_space<vmem>>
      %dma_start3A_802 = arith.constant 0 : i32
      %dma_start3A_803 = tpu.memref_slice %arg6[%add3A_798, %dma_start3A_802] : memref<79x128xi32, #tpu.memory_space<vmem>> -> memref<1x128xi32, #tpu.memory_space<vmem>>
      %dma_start3A_804 = tpu.memref_squeeze %dma_start3A_803 : memref<1x128xi32, #tpu.memory_space<vmem>> -> memref<128xi32, #tpu.memory_space<vmem>>
      %dma_start3A_805 = arith.constant 0 : i32
      %dma_start3A_806 = arith.constant 0 : i32
      %dma_start3A_807 = tpu.memref_slice %arg10[%dma_start3A_805, %dma_start3A_806] : memref<10112x16xbf16, #tpu.memory_space<vmem_shared>> -> memref<10112x16xbf16, #tpu.memory_space<vmem_shared>>
      tpu.enqueue_indirect_dma source(%dma_start3A_801 : memref<128x16xbf16, #tpu.memory_space<vmem>>) target(%dma_start3A_807 : memref<10112x16xbf16, #tpu.memory_space<vmem_shared>>) offsets(%dma_start3A_804 : memref<128xi32, #tpu.memory_space<vmem>>) semaphore(%arg13 : memref<!tpu.dma_semaphore, #tpu.memory_space<semaphore_mem>>) {add = true}
      %dma_wait3A_808 = arith.constant 1 : i32
      %dma_wait3A_809 = arith.constant 128 : i32
      %dma_wait3A_810 = arith.constant 0 : i32
      %dma_wait3A_811 = tpu.memref_slice %arg8[%dma_wait3A_809, %dma_wait3A_810] : memref<768x16xbf16, #tpu.memory_space<vmem>> -> memref<128x16xbf16, #tpu.memory_space<vmem>>
      %dma_wait3A_812 = arith.constant 0 : i32
      %dma_wait3A_813 = tpu.memref_slice %arg5[%add3A_706, %dma_wait3A_812] : memref<79x128xi32, #tpu.memory_space<vmem>> -> memref<1x128xi32, #tpu.memory_space<vmem>>
      %dma_wait3A_814 = tpu.memref_squeeze %dma_wait3A_813 : memref<1x128xi32, #tpu.memory_space<vmem>> -> memref<128xi32, #tpu.memory_space<vmem>>
      %dma_wait3A_815 = arith.constant 0 : i32
      %dma_wait3A_816 = arith.constant 0 : i32
      %dma_wait3A_817 = tpu.memref_slice %arg2[%dma_wait3A_815, %dma_wait3A_816] : memref<10000x16xbf16, #tpu.memory_space<hbm>> -> memref<10000x16xbf16, #tpu.memory_space<hbm>>
      %dma_wait3A_818 = tpu.memref_slice %arg11[%dma_wait3A_808] : memref<6x!tpu.dma_semaphore, #tpu.memory_space<semaphore_mem>> -> memref<1x!tpu.dma_semaphore, #tpu.memory_space<semaphore_mem>>
      %dma_wait3A_819 = tpu.memref_squeeze %dma_wait3A_818 : memref<1x!tpu.dma_semaphore, #tpu.memory_space<semaphore_mem>> -> memref<!tpu.dma_semaphore, #tpu.memory_space<semaphore_mem>>
      tpu.wait_indirect_dma semaphore(%dma_wait3A_819 : memref<!tpu.dma_semaphore, #tpu.memory_space<semaphore_mem>>) src(%dma_wait3A_817 : memref<10000x16xbf16, #tpu.memory_space<hbm>>) dst(%dma_wait3A_811 : memref<128x16xbf16, #tpu.memory_space<vmem>>)
      %mul3A_820 = arith.constant 6 : i32
      %mul3A_821 = arith.muli %add3A_686, %mul3A_820 : i32
      %add3A_822 = arith.constant 1 : i32
      %add3A_823 = arith.addi %mul3A_821, %add3A_822 : i32
      %dma_start3A_824 = arith.constant 128 : i32
      %dma_start3A_825 = arith.constant 0 : i32
      %dma_start3A_826 = tpu.memref_slice %arg8[%dma_start3A_824, %dma_start3A_825] : memref<768x16xbf16, #tpu.memory_space<vmem>> -> memref<128x16xbf16, #tpu.memory_space<vmem>>
      %dma_start3A_827 = arith.constant 0 : i32
      %dma_start3A_828 = tpu.memref_slice %arg6[%add3A_823, %dma_start3A_827] : memref<79x128xi32, #tpu.memory_space<vmem>> -> memref<1x128xi32, #tpu.memory_space<vmem>>
      %dma_start3A_829 = tpu.memref_squeeze %dma_start3A_828 : memref<1x128xi32, #tpu.memory_space<vmem>> -> memref<128xi32, #tpu.memory_space<vmem>>
      %dma_start3A_830 = arith.constant 0 : i32
      %dma_start3A_831 = arith.constant 0 : i32
      %dma_start3A_832 = tpu.memref_slice %arg10[%dma_start3A_830, %dma_start3A_831] : memref<10112x16xbf16, #tpu.memory_space<vmem_shared>> -> memref<10112x16xbf16, #tpu.memory_space<vmem_shared>>
      tpu.enqueue_indirect_dma source(%dma_start3A_826 : memref<128x16xbf16, #tpu.memory_space<vmem>>) target(%dma_start3A_832 : memref<10112x16xbf16, #tpu.memory_space<vmem_shared>>) offsets(%dma_start3A_829 : memref<128xi32, #tpu.memory_space<vmem>>) semaphore(%arg13 : memref<!tpu.dma_semaphore, #tpu.memory_space<semaphore_mem>>) {add = true}
      %dma_wait3A_833 = arith.constant 2 : i32
      %dma_wait3A_834 = arith.constant 256 : i32
      %dma_wait3A_835 = arith.constant 0 : i32
      %dma_wait3A_836 = tpu.memref_slice %arg8[%dma_wait3A_834, %dma_wait3A_835] : memref<768x16xbf16, #tpu.memory_space<vmem>> -> memref<128x16xbf16, #tpu.memory_space<vmem>>
      %dma_wait3A_837 = arith.constant 0 : i32
      %dma_wait3A_838 = tpu.memref_slice %arg5[%add3A_722, %dma_wait3A_837] : memref<79x128xi32, #tpu.memory_space<vmem>> -> memref<1x128xi32, #tpu.memory_space<vmem>>
      %dma_wait3A_839 = tpu.memref_squeeze %dma_wait3A_838 : memref<1x128xi32, #tpu.memory_space<vmem>> -> memref<128xi32, #tpu.memory_space<vmem>>
      %dma_wait3A_840 = arith.constant 0 : i32
      %dma_wait3A_841 = arith.constant 0 : i32
      %dma_wait3A_842 = tpu.memref_slice %arg2[%dma_wait3A_840, %dma_wait3A_841] : memref<10000x16xbf16, #tpu.memory_space<hbm>> -> memref<10000x16xbf16, #tpu.memory_space<hbm>>
      %dma_wait3A_843 = tpu.memref_slice %arg11[%dma_wait3A_833] : memref<6x!tpu.dma_semaphore, #tpu.memory_space<semaphore_mem>> -> memref<1x!tpu.dma_semaphore, #tpu.memory_space<semaphore_mem>>
      %dma_wait3A_844 = tpu.memref_squeeze %dma_wait3A_843 : memref<1x!tpu.dma_semaphore, #tpu.memory_space<semaphore_mem>> -> memref<!tpu.dma_semaphore, #tpu.memory_space<semaphore_mem>>
      tpu.wait_indirect_dma semaphore(%dma_wait3A_844 : memref<!tpu.dma_semaphore, #tpu.memory_space<semaphore_mem>>) src(%dma_wait3A_842 : memref<10000x16xbf16, #tpu.memory_space<hbm>>) dst(%dma_wait3A_836 : memref<128x16xbf16, #tpu.memory_space<vmem>>)
      %mul3A_845 = arith.constant 6 : i32
      %mul3A_846 = arith.muli %add3A_686, %mul3A_845 : i32
      %add3A_847 = arith.constant 2 : i32
      %add3A_848 = arith.addi %mul3A_846, %add3A_847 : i32
      %dma_start3A_849 = arith.constant 256 : i32
      %dma_start3A_850 = arith.constant 0 : i32
      %dma_start3A_851 = tpu.memref_slice %arg8[%dma_start3A_849, %dma_start3A_850] : memref<768x16xbf16, #tpu.memory_space<vmem>> -> memref<128x16xbf16, #tpu.memory_space<vmem>>
      %dma_start3A_852 = arith.constant 0 : i32
      %dma_start3A_853 = tpu.memref_slice %arg6[%add3A_848, %dma_start3A_852] : memref<79x128xi32, #tpu.memory_space<vmem>> -> memref<1x128xi32, #tpu.memory_space<vmem>>
      %dma_start3A_854 = tpu.memref_squeeze %dma_start3A_853 : memref<1x128xi32, #tpu.memory_space<vmem>> -> memref<128xi32, #tpu.memory_space<vmem>>
      %dma_start3A_855 = arith.constant 0 : i32
      %dma_start3A_856 = arith.constant 0 : i32
      %dma_start3A_857 = tpu.memref_slice %arg10[%dma_start3A_855, %dma_start3A_856] : memref<10112x16xbf16, #tpu.memory_space<vmem_shared>> -> memref<10112x16xbf16, #tpu.memory_space<vmem_shared>>
      tpu.enqueue_indirect_dma source(%dma_start3A_851 : memref<128x16xbf16, #tpu.memory_space<vmem>>) target(%dma_start3A_857 : memref<10112x16xbf16, #tpu.memory_space<vmem_shared>>) offsets(%dma_start3A_854 : memref<128xi32, #tpu.memory_space<vmem>>) semaphore(%arg13 : memref<!tpu.dma_semaphore, #tpu.memory_space<semaphore_mem>>) {add = true}
      %dma_wait3A_858 = arith.constant 3 : i32
      %dma_wait3A_859 = arith.constant 384 : i32
      %dma_wait3A_860 = arith.constant 0 : i32
      %dma_wait3A_861 = tpu.memref_slice %arg8[%dma_wait3A_859, %dma_wait3A_860] : memref<768x16xbf16, #tpu.memory_space<vmem>> -> memref<128x16xbf16, #tpu.memory_space<vmem>>
      %dma_wait3A_862 = arith.constant 0 : i32
      %dma_wait3A_863 = tpu.memref_slice %arg5[%add3A_738, %dma_wait3A_862] : memref<79x128xi32, #tpu.memory_space<vmem>> -> memref<1x128xi32, #tpu.memory_space<vmem>>
      %dma_wait3A_864 = tpu.memref_squeeze %dma_wait3A_863 : memref<1x128xi32, #tpu.memory_space<vmem>> -> memref<128xi32, #tpu.memory_space<vmem>>
      %dma_wait3A_865 = arith.constant 0 : i32
      %dma_wait3A_866 = arith.constant 0 : i32
      %dma_wait3A_867 = tpu.memref_slice %arg2[%dma_wait3A_865, %dma_wait3A_866] : memref<10000x16xbf16, #tpu.memory_space<hbm>> -> memref<10000x16xbf16, #tpu.memory_space<hbm>>
      %dma_wait3A_868 = tpu.memref_slice %arg11[%dma_wait3A_858] : memref<6x!tpu.dma_semaphore, #tpu.memory_space<semaphore_mem>> -> memref<1x!tpu.dma_semaphore, #tpu.memory_space<semaphore_mem>>
      %dma_wait3A_869 = tpu.memref_squeeze %dma_wait3A_868 : memref<1x!tpu.dma_semaphore, #tpu.memory_space<semaphore_mem>> -> memref<!tpu.dma_semaphore, #tpu.memory_space<semaphore_mem>>
      tpu.wait_indirect_dma semaphore(%dma_wait3A_869 : memref<!tpu.dma_semaphore, #tpu.memory_space<semaphore_mem>>) src(%dma_wait3A_867 : memref<10000x16xbf16, #tpu.memory_space<hbm>>) dst(%dma_wait3A_861 : memref<128x16xbf16, #tpu.memory_space<vmem>>)
      %mul3A_870 = arith.constant 6 : i32
      %mul3A_871 = arith.muli %add3A_686, %mul3A_870 : i32
      %add3A_872 = arith.constant 3 : i32
      %add3A_873 = arith.addi %mul3A_871, %add3A_872 : i32
      %dma_start3A_874 = arith.constant 384 : i32
      %dma_start3A_875 = arith.constant 0 : i32
      %dma_start3A_876 = tpu.memref_slice %arg8[%dma_start3A_874, %dma_start3A_875] : memref<768x16xbf16, #tpu.memory_space<vmem>> -> memref<128x16xbf16, #tpu.memory_space<vmem>>
      %dma_start3A_877 = arith.constant 0 : i32
      %dma_start3A_878 = tpu.memref_slice %arg6[%add3A_873, %dma_start3A_877] : memref<79x128xi32, #tpu.memory_space<vmem>> -> memref<1x128xi32, #tpu.memory_space<vmem>>
      %dma_start3A_879 = tpu.memref_squeeze %dma_start3A_878 : memref<1x128xi32, #tpu.memory_space<vmem>> -> memref<128xi32, #tpu.memory_space<vmem>>
      %dma_start3A_880 = arith.constant 0 : i32
      %dma_start3A_881 = arith.constant 0 : i32
      %dma_start3A_882 = tpu.memref_slice %arg10[%dma_start3A_880, %dma_start3A_881] : memref<10112x16xbf16, #tpu.memory_space<vmem_shared>> -> memref<10112x16xbf16, #tpu.memory_space<vmem_shared>>
      tpu.enqueue_indirect_dma source(%dma_start3A_876 : memref<128x16xbf16, #tpu.memory_space<vmem>>) target(%dma_start3A_882 : memref<10112x16xbf16, #tpu.memory_space<vmem_shared>>) offsets(%dma_start3A_879 : memref<128xi32, #tpu.memory_space<vmem>>) semaphore(%arg13 : memref<!tpu.dma_semaphore, #tpu.memory_space<semaphore_mem>>) {add = true}
      %dma_wait3A_883 = arith.constant 4 : i32
      %dma_wait3A_884 = arith.constant 512 : i32
      %dma_wait3A_885 = arith.constant 0 : i32
      %dma_wait3A_886 = tpu.memref_slice %arg8[%dma_wait3A_884, %dma_wait3A_885] : memref<768x16xbf16, #tpu.memory_space<vmem>> -> memref<128x16xbf16, #tpu.memory_space<vmem>>
      %dma_wait3A_887 = arith.constant 0 : i32
      %dma_wait3A_888 = tpu.memref_slice %arg5[%add3A_754, %dma_wait3A_887] : memref<79x128xi32, #tpu.memory_space<vmem>> -> memref<1x128xi32, #tpu.memory_space<vmem>>
      %dma_wait3A_889 = tpu.memref_squeeze %dma_wait3A_888 : memref<1x128xi32, #tpu.memory_space<vmem>> -> memref<128xi32, #tpu.memory_space<vmem>>
      %dma_wait3A_890 = arith.constant 0 : i32
      %dma_wait3A_891 = arith.constant 0 : i32
      %dma_wait3A_892 = tpu.memref_slice %arg2[%dma_wait3A_890, %dma_wait3A_891] : memref<10000x16xbf16, #tpu.memory_space<hbm>> -> memref<10000x16xbf16, #tpu.memory_space<hbm>>
      %dma_wait3A_893 = tpu.memref_slice %arg11[%dma_wait3A_883] : memref<6x!tpu.dma_semaphore, #tpu.memory_space<semaphore_mem>> -> memref<1x!tpu.dma_semaphore, #tpu.memory_space<semaphore_mem>>
      %dma_wait3A_894 = tpu.memref_squeeze %dma_wait3A_893 : memref<1x!tpu.dma_semaphore, #tpu.memory_space<semaphore_mem>> -> memref<!tpu.dma_semaphore, #tpu.memory_space<semaphore_mem>>
      tpu.wait_indirect_dma semaphore(%dma_wait3A_894 : memref<!tpu.dma_semaphore, #tpu.memory_space<semaphore_mem>>) src(%dma_wait3A_892 : memref<10000x16xbf16, #tpu.memory_space<hbm>>) dst(%dma_wait3A_886 : memref<128x16xbf16, #tpu.memory_space<vmem>>)
      %mul3A_895 = arith.constant 6 : i32
      %mul3A_896 = arith.muli %add3A_686, %mul3A_895 : i32
      %add3A_897 = arith.constant 4 : i32
      %add3A_898 = arith.addi %mul3A_896, %add3A_897 : i32
      %dma_start3A_899 = arith.constant 512 : i32
      %dma_start3A_900 = arith.constant 0 : i32
      %dma_start3A_901 = tpu.memref_slice %arg8[%dma_start3A_899, %dma_start3A_900] : memref<768x16xbf16, #tpu.memory_space<vmem>> -> memref<128x16xbf16, #tpu.memory_space<vmem>>
      %dma_start3A_902 = arith.constant 0 : i32
      %dma_start3A_903 = tpu.memref_slice %arg6[%add3A_898, %dma_start3A_902] : memref<79x128xi32, #tpu.memory_space<vmem>> -> memref<1x128xi32, #tpu.memory_space<vmem>>
      %dma_start3A_904 = tpu.memref_squeeze %dma_start3A_903 : memref<1x128xi32, #tpu.memory_space<vmem>> -> memref<128xi32, #tpu.memory_space<vmem>>
      %dma_start3A_905 = arith.constant 0 : i32
      %dma_start3A_906 = arith.constant 0 : i32
      %dma_start3A_907 = tpu.memref_slice %arg10[%dma_start3A_905, %dma_start3A_906] : memref<10112x16xbf16, #tpu.memory_space<vmem_shared>> -> memref<10112x16xbf16, #tpu.memory_space<vmem_shared>>
      tpu.enqueue_indirect_dma source(%dma_start3A_901 : memref<128x16xbf16, #tpu.memory_space<vmem>>) target(%dma_start3A_907 : memref<10112x16xbf16, #tpu.memory_space<vmem_shared>>) offsets(%dma_start3A_904 : memref<128xi32, #tpu.memory_space<vmem>>) semaphore(%arg13 : memref<!tpu.dma_semaphore, #tpu.memory_space<semaphore_mem>>) {add = true}
      %dma_wait3A_908 = arith.constant 5 : i32
      %dma_wait3A_909 = arith.constant 640 : i32
      %dma_wait3A_910 = arith.constant 0 : i32
      %dma_wait3A_911 = tpu.memref_slice %arg8[%dma_wait3A_909, %dma_wait3A_910] : memref<768x16xbf16, #tpu.memory_space<vmem>> -> memref<128x16xbf16, #tpu.memory_space<vmem>>
      %dma_wait3A_912 = arith.constant 0 : i32
      %dma_wait3A_913 = tpu.memref_slice %arg5[%add3A_770, %dma_wait3A_912] : memref<79x128xi32, #tpu.memory_space<vmem>> -> memref<1x128xi32, #tpu.memory_space<vmem>>
      %dma_wait3A_914 = tpu.memref_squeeze %dma_wait3A_913 : memref<1x128xi32, #tpu.memory_space<vmem>> -> memref<128xi32, #tpu.memory_space<vmem>>
      %dma_wait3A_915 = arith.constant 0 : i32
      %dma_wait3A_916 = arith.constant 0 : i32
      %dma_wait3A_917 = tpu.memref_slice %arg2[%dma_wait3A_915, %dma_wait3A_916] : memref<10000x16xbf16, #tpu.memory_space<hbm>> -> memref<10000x16xbf16, #tpu.memory_space<hbm>>
      %dma_wait3A_918 = tpu.memref_slice %arg11[%dma_wait3A_908] : memref<6x!tpu.dma_semaphore, #tpu.memory_space<semaphore_mem>> -> memref<1x!tpu.dma_semaphore, #tpu.memory_space<semaphore_mem>>
      %dma_wait3A_919 = tpu.memref_squeeze %dma_wait3A_918 : memref<1x!tpu.dma_semaphore, #tpu.memory_space<semaphore_mem>> -> memref<!tpu.dma_semaphore, #tpu.memory_space<semaphore_mem>>
      tpu.wait_indirect_dma semaphore(%dma_wait3A_919 : memref<!tpu.dma_semaphore, #tpu.memory_space<semaphore_mem>>) src(%dma_wait3A_917 : memref<10000x16xbf16, #tpu.memory_space<hbm>>) dst(%dma_wait3A_911 : memref<128x16xbf16, #tpu.memory_space<vmem>>)
      %mul3A_920 = arith.constant 6 : i32
      %mul3A_921 = arith.muli %add3A_686, %mul3A_920 : i32
      %add3A_922 = arith.constant 5 : i32
      %add3A_923 = arith.addi %mul3A_921, %add3A_922 : i32
      %dma_start3A_924 = arith.constant 640 : i32
      %dma_start3A_925 = arith.constant 0 : i32
      %dma_start3A_926 = tpu.memref_slice %arg8[%dma_start3A_924, %dma_start3A_925] : memref<768x16xbf16, #tpu.memory_space<vmem>> -> memref<128x16xbf16, #tpu.memory_space<vmem>>
      %dma_start3A_927 = arith.constant 0 : i32
      %dma_start3A_928 = tpu.memref_slice %arg6[%add3A_923, %dma_start3A_927] : memref<79x128xi32, #tpu.memory_space<vmem>> -> memref<1x128xi32, #tpu.memory_space<vmem>>
      %dma_start3A_929 = tpu.memref_squeeze %dma_start3A_928 : memref<1x128xi32, #tpu.memory_space<vmem>> -> memref<128xi32, #tpu.memory_space<vmem>>
      %dma_start3A_930 = arith.constant 0 : i32
      %dma_start3A_931 = arith.constant 0 : i32
      %dma_start3A_932 = tpu.memref_slice %arg10[%dma_start3A_930, %dma_start3A_931] : memref<10112x16xbf16, #tpu.memory_space<vmem_shared>> -> memref<10112x16xbf16, #tpu.memory_space<vmem_shared>>
      tpu.enqueue_indirect_dma source(%dma_start3A_926 : memref<128x16xbf16, #tpu.memory_space<vmem>>) target(%dma_start3A_932 : memref<10112x16xbf16, #tpu.memory_space<vmem_shared>>) offsets(%dma_start3A_929 : memref<128xi32, #tpu.memory_space<vmem>>) semaphore(%arg13 : memref<!tpu.dma_semaphore, #tpu.memory_space<semaphore_mem>>) {add = true}
    }
    %scan3A_20 = arith.constant 6 : i32
    %dma_wait3A = arith.constant 0 : i32
    %dma_wait3A_21 = arith.constant 0 : i32
    %dma_wait3A_22 = arith.constant 0 : i32
    %dma_wait3A_23 = tpu.memref_slice %arg7[%dma_wait3A_21, %dma_wait3A_22] : memref<768x16xbf16, #tpu.memory_space<vmem>> -> memref<128x16xbf16, #tpu.memory_space<vmem>>
    %dma_wait3A_24 = arith.constant 0 : i32
    %dma_wait3A_25 = tpu.memref_slice %arg6[%dma_wait3A, %dma_wait3A_24] : memref<79x128xi32, #tpu.memory_space<vmem>> -> memref<1x128xi32, #tpu.memory_space<vmem>>
    %dma_wait3A_26 = tpu.memref_squeeze %dma_wait3A_25 : memref<1x128xi32, #tpu.memory_space<vmem>> -> memref<128xi32, #tpu.memory_space<vmem>>
    %dma_wait3A_27 = arith.constant 0 : i32
    %dma_wait3A_28 = arith.constant 0 : i32
    %dma_wait3A_29 = tpu.memref_slice %arg10[%dma_wait3A_27, %dma_wait3A_28] : memref<10112x16xbf16, #tpu.memory_space<vmem_shared>> -> memref<10112x16xbf16, #tpu.memory_space<vmem_shared>>
    tpu.wait_indirect_dma semaphore(%arg12 : memref<!tpu.dma_semaphore, #tpu.memory_space<semaphore_mem>>) src(%dma_wait3A_23 : memref<128x16xbf16, #tpu.memory_space<vmem>>) dst(%dma_wait3A_29 : memref<10112x16xbf16, #tpu.memory_space<vmem_shared>>)
    %dma_wait3A_30 = arith.constant 0 : i32
    %dma_wait3A_31 = arith.constant 128 : i32
    %dma_wait3A_32 = arith.constant 0 : i32
    %dma_wait3A_33 = tpu.memref_slice %arg7[%dma_wait3A_31, %dma_wait3A_32] : memref<768x16xbf16, #tpu.memory_space<vmem>> -> memref<128x16xbf16, #tpu.memory_space<vmem>>
    %dma_wait3A_34 = arith.constant 0 : i32
    %dma_wait3A_35 = tpu.memref_slice %arg6[%dma_wait3A_30, %dma_wait3A_34] : memref<79x128xi32, #tpu.memory_space<vmem>> -> memref<1x128xi32, #tpu.memory_space<vmem>>
    %dma_wait3A_36 = tpu.memref_squeeze %dma_wait3A_35 : memref<1x128xi32, #tpu.memory_space<vmem>> -> memref<128xi32, #tpu.memory_space<vmem>>
    %dma_wait3A_37 = arith.constant 0 : i32
    %dma_wait3A_38 = arith.constant 0 : i32
    %dma_wait3A_39 = tpu.memref_slice %arg10[%dma_wait3A_37, %dma_wait3A_38] : memref<10112x16xbf16, #tpu.memory_space<vmem_shared>> -> memref<10112x16xbf16, #tpu.memory_space<vmem_shared>>
    tpu.wait_indirect_dma semaphore(%arg12 : memref<!tpu.dma_semaphore, #tpu.memory_space<semaphore_mem>>) src(%dma_wait3A_33 : memref<128x16xbf16, #tpu.memory_space<vmem>>) dst(%dma_wait3A_39 : memref<10112x16xbf16, #tpu.memory_space<vmem_shared>>)
    %dma_wait3A_40 = arith.constant 0 : i32
    %dma_wait3A_41 = arith.constant 256 : i32
    %dma_wait3A_42 = arith.constant 0 : i32
    %dma_wait3A_43 = tpu.memref_slice %arg7[%dma_wait3A_41, %dma_wait3A_42] : memref<768x16xbf16, #tpu.memory_space<vmem>> -> memref<128x16xbf16, #tpu.memory_space<vmem>>
    %dma_wait3A_44 = arith.constant 0 : i32
    %dma_wait3A_45 = tpu.memref_slice %arg6[%dma_wait3A_40, %dma_wait3A_44] : memref<79x128xi32, #tpu.memory_space<vmem>> -> memref<1x128xi32, #tpu.memory_space<vmem>>
    %dma_wait3A_46 = tpu.memref_squeeze %dma_wait3A_45 : memref<1x128xi32, #tpu.memory_space<vmem>> -> memref<128xi32, #tpu.memory_space<vmem>>
    %dma_wait3A_47 = arith.constant 0 : i32
    %dma_wait3A_48 = arith.constant 0 : i32
    %dma_wait3A_49 = tpu.memref_slice %arg10[%dma_wait3A_47, %dma_wait3A_48] : memref<10112x16xbf16, #tpu.memory_space<vmem_shared>> -> memref<10112x16xbf16, #tpu.memory_space<vmem_shared>>
    tpu.wait_indirect_dma semaphore(%arg12 : memref<!tpu.dma_semaphore, #tpu.memory_space<semaphore_mem>>) src(%dma_wait3A_43 : memref<128x16xbf16, #tpu.memory_space<vmem>>) dst(%dma_wait3A_49 : memref<10112x16xbf16, #tpu.memory_space<vmem_shared>>)
    %dma_wait3A_50 = arith.constant 0 : i32
    %dma_wait3A_51 = arith.constant 384 : i32
    %dma_wait3A_52 = arith.constant 0 : i32
    %dma_wait3A_53 = tpu.memref_slice %arg7[%dma_wait3A_51, %dma_wait3A_52] : memref<768x16xbf16, #tpu.memory_space<vmem>> -> memref<128x16xbf16, #tpu.memory_space<vmem>>
    %dma_wait3A_54 = arith.constant 0 : i32
    %dma_wait3A_55 = tpu.memref_slice %arg6[%dma_wait3A_50, %dma_wait3A_54] : memref<79x128xi32, #tpu.memory_space<vmem>> -> memref<1x128xi32, #tpu.memory_space<vmem>>
    %dma_wait3A_56 = tpu.memref_squeeze %dma_wait3A_55 : memref<1x128xi32, #tpu.memory_space<vmem>> -> memref<128xi32, #tpu.memory_space<vmem>>
    %dma_wait3A_57 = arith.constant 0 : i32
    %dma_wait3A_58 = arith.constant 0 : i32
    %dma_wait3A_59 = tpu.memref_slice %arg10[%dma_wait3A_57, %dma_wait3A_58] : memref<10112x16xbf16, #tpu.memory_space<vmem_shared>> -> memref<10112x16xbf16, #tpu.memory_space<vmem_shared>>
    tpu.wait_indirect_dma semaphore(%arg12 : memref<!tpu.dma_semaphore, #tpu.memory_space<semaphore_mem>>) src(%dma_wait3A_53 : memref<128x16xbf16, #tpu.memory_space<vmem>>) dst(%dma_wait3A_59 : memref<10112x16xbf16, #tpu.memory_space<vmem_shared>>)
    %dma_wait3A_60 = arith.constant 0 : i32
    %dma_wait3A_61 = arith.constant 512 : i32
    %dma_wait3A_62 = arith.constant 0 : i32
    %dma_wait3A_63 = tpu.memref_slice %arg7[%dma_wait3A_61, %dma_wait3A_62] : memref<768x16xbf16, #tpu.memory_space<vmem>> -> memref<128x16xbf16, #tpu.memory_space<vmem>>
    %dma_wait3A_64 = arith.constant 0 : i32
    %dma_wait3A_65 = tpu.memref_slice %arg6[%dma_wait3A_60, %dma_wait3A_64] : memref<79x128xi32, #tpu.memory_space<vmem>> -> memref<1x128xi32, #tpu.memory_space<vmem>>
    %dma_wait3A_66 = tpu.memref_squeeze %dma_wait3A_65 : memref<1x128xi32, #tpu.memory_space<vmem>> -> memref<128xi32, #tpu.memory_space<vmem>>
    %dma_wait3A_67 = arith.constant 0 : i32
    %dma_wait3A_68 = arith.constant 0 : i32
    %dma_wait3A_69 = tpu.memref_slice %arg10[%dma_wait3A_67, %dma_wait3A_68] : memref<10112x16xbf16, #tpu.memory_space<vmem_shared>> -> memref<10112x16xbf16, #tpu.memory_space<vmem_shared>>
    tpu.wait_indirect_dma semaphore(%arg12 : memref<!tpu.dma_semaphore, #tpu.memory_space<semaphore_mem>>) src(%dma_wait3A_63 : memref<128x16xbf16, #tpu.memory_space<vmem>>) dst(%dma_wait3A_69 : memref<10112x16xbf16, #tpu.memory_space<vmem_shared>>)
    %dma_wait3A_70 = arith.constant 0 : i32
    %dma_wait3A_71 = arith.constant 640 : i32
    %dma_wait3A_72 = arith.constant 0 : i32
    %dma_wait3A_73 = tpu.memref_slice %arg7[%dma_wait3A_71, %dma_wait3A_72] : memref<768x16xbf16, #tpu.memory_space<vmem>> -> memref<128x16xbf16, #tpu.memory_space<vmem>>
    %dma_wait3A_74 = arith.constant 0 : i32
    %dma_wait3A_75 = tpu.memref_slice %arg6[%dma_wait3A_70, %dma_wait3A_74] : memref<79x128xi32, #tpu.memory_space<vmem>> -> memref<1x128xi32, #tpu.memory_space<vmem>>
    %dma_wait3A_76 = tpu.memref_squeeze %dma_wait3A_75 : memref<1x128xi32, #tpu.memory_space<vmem>> -> memref<128xi32, #tpu.memory_space<vmem>>
    %dma_wait3A_77 = arith.constant 0 : i32
    %dma_wait3A_78 = arith.constant 0 : i32
    %dma_wait3A_79 = tpu.memref_slice %arg10[%dma_wait3A_77, %dma_wait3A_78] : memref<10112x16xbf16, #tpu.memory_space<vmem_shared>> -> memref<10112x16xbf16, #tpu.memory_space<vmem_shared>>
    tpu.wait_indirect_dma semaphore(%arg12 : memref<!tpu.dma_semaphore, #tpu.memory_space<semaphore_mem>>) src(%dma_wait3A_73 : memref<128x16xbf16, #tpu.memory_space<vmem>>) dst(%dma_wait3A_79 : memref<10112x16xbf16, #tpu.memory_space<vmem_shared>>)
    %dma_start3A = arith.constant 72 : i32
    %dma_start3A_80 = arith.constant 0 : i32
    %dma_start3A_81 = arith.constant 0 : i32
    %dma_start3A_82 = arith.constant 0 : i32
    %dma_start3A_83 = tpu.memref_slice %arg7[%dma_start3A_81, %dma_start3A_82] : memref<768x16xbf16, #tpu.memory_space<vmem>> -> memref<128x16xbf16, #tpu.memory_space<vmem>>
    %dma_start3A_84 = arith.constant 0 : i32
    %dma_start3A_85 = tpu.memref_slice %arg5[%dma_start3A, %dma_start3A_84] : memref<79x128xi32, #tpu.memory_space<vmem>> -> memref<1x128xi32, #tpu.memory_space<vmem>>
    %dma_start3A_86 = tpu.memref_squeeze %dma_start3A_85 : memref<1x128xi32, #tpu.memory_space<vmem>> -> memref<128xi32, #tpu.memory_space<vmem>>
    %dma_start3A_87 = arith.constant 0 : i32
    %dma_start3A_88 = arith.constant 0 : i32
    %dma_start3A_89 = tpu.memref_slice %arg2[%dma_start3A_87, %dma_start3A_88] : memref<10000x16xbf16, #tpu.memory_space<hbm>> -> memref<10000x16xbf16, #tpu.memory_space<hbm>>
    %dma_start3A_90 = tpu.memref_slice %arg11[%dma_start3A_80] : memref<6x!tpu.dma_semaphore, #tpu.memory_space<semaphore_mem>> -> memref<1x!tpu.dma_semaphore, #tpu.memory_space<semaphore_mem>>
    %dma_start3A_91 = tpu.memref_squeeze %dma_start3A_90 : memref<1x!tpu.dma_semaphore, #tpu.memory_space<semaphore_mem>> -> memref<!tpu.dma_semaphore, #tpu.memory_space<semaphore_mem>>
    tpu.enqueue_indirect_dma source(%dma_start3A_89 : memref<10000x16xbf16, #tpu.memory_space<hbm>>) target(%dma_start3A_83 : memref<128x16xbf16, #tpu.memory_space<vmem>>) offsets(%dma_start3A_86 : memref<128xi32, #tpu.memory_space<vmem>>) semaphore(%dma_start3A_91 : memref<!tpu.dma_semaphore, #tpu.memory_space<semaphore_mem>>)
    %dma_start3A_92 = arith.constant 73 : i32
    %dma_start3A_93 = arith.constant 1 : i32
    %dma_start3A_94 = arith.constant 128 : i32
    %dma_start3A_95 = arith.constant 0 : i32
    %dma_start3A_96 = tpu.memref_slice %arg7[%dma_start3A_94, %dma_start3A_95] : memref<768x16xbf16, #tpu.memory_space<vmem>> -> memref<128x16xbf16, #tpu.memory_space<vmem>>
    %dma_start3A_97 = arith.constant 0 : i32
    %dma_start3A_98 = tpu.memref_slice %arg5[%dma_start3A_92, %dma_start3A_97] : memref<79x128xi32, #tpu.memory_space<vmem>> -> memref<1x128xi32, #tpu.memory_space<vmem>>
    %dma_start3A_99 = tpu.memref_squeeze %dma_start3A_98 : memref<1x128xi32, #tpu.memory_space<vmem>> -> memref<128xi32, #tpu.memory_space<vmem>>
    %dma_start3A_100 = arith.constant 0 : i32
    %dma_start3A_101 = arith.constant 0 : i32
    %dma_start3A_102 = tpu.memref_slice %arg2[%dma_start3A_100, %dma_start3A_101] : memref<10000x16xbf16, #tpu.memory_space<hbm>> -> memref<10000x16xbf16, #tpu.memory_space<hbm>>
    %dma_start3A_103 = tpu.memref_slice %arg11[%dma_start3A_93] : memref<6x!tpu.dma_semaphore, #tpu.memory_space<semaphore_mem>> -> memref<1x!tpu.dma_semaphore, #tpu.memory_space<semaphore_mem>>
    %dma_start3A_104 = tpu.memref_squeeze %dma_start3A_103 : memref<1x!tpu.dma_semaphore, #tpu.memory_space<semaphore_mem>> -> memref<!tpu.dma_semaphore, #tpu.memory_space<semaphore_mem>>
    tpu.enqueue_indirect_dma source(%dma_start3A_102 : memref<10000x16xbf16, #tpu.memory_space<hbm>>) target(%dma_start3A_96 : memref<128x16xbf16, #tpu.memory_space<vmem>>) offsets(%dma_start3A_99 : memref<128xi32, #tpu.memory_space<vmem>>) semaphore(%dma_start3A_104 : memref<!tpu.dma_semaphore, #tpu.memory_space<semaphore_mem>>)
    %dma_start3A_105 = arith.constant 74 : i32
    %dma_start3A_106 = arith.constant 2 : i32
    %dma_start3A_107 = arith.constant 256 : i32
    %dma_start3A_108 = arith.constant 0 : i32
    %dma_start3A_109 = tpu.memref_slice %arg7[%dma_start3A_107, %dma_start3A_108] : memref<768x16xbf16, #tpu.memory_space<vmem>> -> memref<128x16xbf16, #tpu.memory_space<vmem>>
    %dma_start3A_110 = arith.constant 0 : i32
    %dma_start3A_111 = tpu.memref_slice %arg5[%dma_start3A_105, %dma_start3A_110] : memref<79x128xi32, #tpu.memory_space<vmem>> -> memref<1x128xi32, #tpu.memory_space<vmem>>
    %dma_start3A_112 = tpu.memref_squeeze %dma_start3A_111 : memref<1x128xi32, #tpu.memory_space<vmem>> -> memref<128xi32, #tpu.memory_space<vmem>>
    %dma_start3A_113 = arith.constant 0 : i32
    %dma_start3A_114 = arith.constant 0 : i32
    %dma_start3A_115 = tpu.memref_slice %arg2[%dma_start3A_113, %dma_start3A_114] : memref<10000x16xbf16, #tpu.memory_space<hbm>> -> memref<10000x16xbf16, #tpu.memory_space<hbm>>
    %dma_start3A_116 = tpu.memref_slice %arg11[%dma_start3A_106] : memref<6x!tpu.dma_semaphore, #tpu.memory_space<semaphore_mem>> -> memref<1x!tpu.dma_semaphore, #tpu.memory_space<semaphore_mem>>
    %dma_start3A_117 = tpu.memref_squeeze %dma_start3A_116 : memref<1x!tpu.dma_semaphore, #tpu.memory_space<semaphore_mem>> -> memref<!tpu.dma_semaphore, #tpu.memory_space<semaphore_mem>>
    tpu.enqueue_indirect_dma source(%dma_start3A_115 : memref<10000x16xbf16, #tpu.memory_space<hbm>>) target(%dma_start3A_109 : memref<128x16xbf16, #tpu.memory_space<vmem>>) offsets(%dma_start3A_112 : memref<128xi32, #tpu.memory_space<vmem>>) semaphore(%dma_start3A_117 : memref<!tpu.dma_semaphore, #tpu.memory_space<semaphore_mem>>)
    %dma_start3A_118 = arith.constant 75 : i32
    %dma_start3A_119 = arith.constant 3 : i32
    %dma_start3A_120 = arith.constant 384 : i32
    %dma_start3A_121 = arith.constant 0 : i32
    %dma_start3A_122 = tpu.memref_slice %arg7[%dma_start3A_120, %dma_start3A_121] : memref<768x16xbf16, #tpu.memory_space<vmem>> -> memref<128x16xbf16, #tpu.memory_space<vmem>>
    %dma_start3A_123 = arith.constant 0 : i32
    %dma_start3A_124 = tpu.memref_slice %arg5[%dma_start3A_118, %dma_start3A_123] : memref<79x128xi32, #tpu.memory_space<vmem>> -> memref<1x128xi32, #tpu.memory_space<vmem>>
    %dma_start3A_125 = tpu.memref_squeeze %dma_start3A_124 : memref<1x128xi32, #tpu.memory_space<vmem>> -> memref<128xi32, #tpu.memory_space<vmem>>
    %dma_start3A_126 = arith.constant 0 : i32
    %dma_start3A_127 = arith.constant 0 : i32
    %dma_start3A_128 = tpu.memref_slice %arg2[%dma_start3A_126, %dma_start3A_127] : memref<10000x16xbf16, #tpu.memory_space<hbm>> -> memref<10000x16xbf16, #tpu.memory_space<hbm>>
    %dma_start3A_129 = tpu.memref_slice %arg11[%dma_start3A_119] : memref<6x!tpu.dma_semaphore, #tpu.memory_space<semaphore_mem>> -> memref<1x!tpu.dma_semaphore, #tpu.memory_space<semaphore_mem>>
    %dma_start3A_130 = tpu.memref_squeeze %dma_start3A_129 : memref<1x!tpu.dma_semaphore, #tpu.memory_space<semaphore_mem>> -> memref<!tpu.dma_semaphore, #tpu.memory_space<semaphore_mem>>
    tpu.enqueue_indirect_dma source(%dma_start3A_128 : memref<10000x16xbf16, #tpu.memory_space<hbm>>) target(%dma_start3A_122 : memref<128x16xbf16, #tpu.memory_space<vmem>>) offsets(%dma_start3A_125 : memref<128xi32, #tpu.memory_space<vmem>>) semaphore(%dma_start3A_130 : memref<!tpu.dma_semaphore, #tpu.memory_space<semaphore_mem>>)
    %dma_start3A_131 = arith.constant 76 : i32
    %dma_start3A_132 = arith.constant 4 : i32
    %dma_start3A_133 = arith.constant 512 : i32
    %dma_start3A_134 = arith.constant 0 : i32
    %dma_start3A_135 = tpu.memref_slice %arg7[%dma_start3A_133, %dma_start3A_134] : memref<768x16xbf16, #tpu.memory_space<vmem>> -> memref<128x16xbf16, #tpu.memory_space<vmem>>
    %dma_start3A_136 = arith.constant 0 : i32
    %dma_start3A_137 = tpu.memref_slice %arg5[%dma_start3A_131, %dma_start3A_136] : memref<79x128xi32, #tpu.memory_space<vmem>> -> memref<1x128xi32, #tpu.memory_space<vmem>>
    %dma_start3A_138 = tpu.memref_squeeze %dma_start3A_137 : memref<1x128xi32, #tpu.memory_space<vmem>> -> memref<128xi32, #tpu.memory_space<vmem>>
    %dma_start3A_139 = arith.constant 0 : i32
    %dma_start3A_140 = arith.constant 0 : i32
    %dma_start3A_141 = tpu.memref_slice %arg2[%dma_start3A_139, %dma_start3A_140] : memref<10000x16xbf16, #tpu.memory_space<hbm>> -> memref<10000x16xbf16, #tpu.memory_space<hbm>>
    %dma_start3A_142 = tpu.memref_slice %arg11[%dma_start3A_132] : memref<6x!tpu.dma_semaphore, #tpu.memory_space<semaphore_mem>> -> memref<1x!tpu.dma_semaphore, #tpu.memory_space<semaphore_mem>>
    %dma_start3A_143 = tpu.memref_squeeze %dma_start3A_142 : memref<1x!tpu.dma_semaphore, #tpu.memory_space<semaphore_mem>> -> memref<!tpu.dma_semaphore, #tpu.memory_space<semaphore_mem>>
    tpu.enqueue_indirect_dma source(%dma_start3A_141 : memref<10000x16xbf16, #tpu.memory_space<hbm>>) target(%dma_start3A_135 : memref<128x16xbf16, #tpu.memory_space<vmem>>) offsets(%dma_start3A_138 : memref<128xi32, #tpu.memory_space<vmem>>) semaphore(%dma_start3A_143 : memref<!tpu.dma_semaphore, #tpu.memory_space<semaphore_mem>>)
    %dma_start3A_144 = arith.constant 77 : i32
    %dma_start3A_145 = arith.constant 5 : i32
    %dma_start3A_146 = arith.constant 640 : i32
    %dma_start3A_147 = arith.constant 0 : i32
    %dma_start3A_148 = tpu.memref_slice %arg7[%dma_start3A_146, %dma_start3A_147] : memref<768x16xbf16, #tpu.memory_space<vmem>> -> memref<128x16xbf16, #tpu.memory_space<vmem>>
    %dma_start3A_149 = arith.constant 0 : i32
    %dma_start3A_150 = tpu.memref_slice %arg5[%dma_start3A_144, %dma_start3A_149] : memref<79x128xi32, #tpu.memory_space<vmem>> -> memref<1x128xi32, #tpu.memory_space<vmem>>
    %dma_start3A_151 = tpu.memref_squeeze %dma_start3A_150 : memref<1x128xi32, #tpu.memory_space<vmem>> -> memref<128xi32, #tpu.memory_space<vmem>>
    %dma_start3A_152 = arith.constant 0 : i32
    %dma_start3A_153 = arith.constant 0 : i32
    %dma_start3A_154 = tpu.memref_slice %arg2[%dma_start3A_152, %dma_start3A_153] : memref<10000x16xbf16, #tpu.memory_space<hbm>> -> memref<10000x16xbf16, #tpu.memory_space<hbm>>
    %dma_start3A_155 = tpu.memref_slice %arg11[%dma_start3A_145] : memref<6x!tpu.dma_semaphore, #tpu.memory_space<semaphore_mem>> -> memref<1x!tpu.dma_semaphore, #tpu.memory_space<semaphore_mem>>
    %dma_start3A_156 = tpu.memref_squeeze %dma_start3A_155 : memref<1x!tpu.dma_semaphore, #tpu.memory_space<semaphore_mem>> -> memref<!tpu.dma_semaphore, #tpu.memory_space<semaphore_mem>>
    tpu.enqueue_indirect_dma source(%dma_start3A_154 : memref<10000x16xbf16, #tpu.memory_space<hbm>>) target(%dma_start3A_148 : memref<128x16xbf16, #tpu.memory_space<vmem>>) offsets(%dma_start3A_151 : memref<128xi32, #tpu.memory_space<vmem>>) semaphore(%dma_start3A_156 : memref<!tpu.dma_semaphore, #tpu.memory_space<semaphore_mem>>)
    %dma_wait3A_157 = arith.constant 72 : i32
    %dma_wait3A_158 = arith.constant 0 : i32
    %dma_wait3A_159 = arith.constant 0 : i32
    %dma_wait3A_160 = arith.constant 0 : i32
    %dma_wait3A_161 = tpu.memref_slice %arg7[%dma_wait3A_159, %dma_wait3A_160] : memref<768x16xbf16, #tpu.memory_space<vmem>> -> memref<128x16xbf16, #tpu.memory_space<vmem>>
    %dma_wait3A_162 = arith.constant 0 : i32
    %dma_wait3A_163 = tpu.memref_slice %arg5[%dma_wait3A_157, %dma_wait3A_162] : memref<79x128xi32, #tpu.memory_space<vmem>> -> memref<1x128xi32, #tpu.memory_space<vmem>>
    %dma_wait3A_164 = tpu.memref_squeeze %dma_wait3A_163 : memref<1x128xi32, #tpu.memory_space<vmem>> -> memref<128xi32, #tpu.memory_space<vmem>>
    %dma_wait3A_165 = arith.constant 0 : i32
    %dma_wait3A_166 = arith.constant 0 : i32
    %dma_wait3A_167 = tpu.memref_slice %arg2[%dma_wait3A_165, %dma_wait3A_166] : memref<10000x16xbf16, #tpu.memory_space<hbm>> -> memref<10000x16xbf16, #tpu.memory_space<hbm>>
    %dma_wait3A_168 = tpu.memref_slice %arg11[%dma_wait3A_158] : memref<6x!tpu.dma_semaphore, #tpu.memory_space<semaphore_mem>> -> memref<1x!tpu.dma_semaphore, #tpu.memory_space<semaphore_mem>>
    %dma_wait3A_169 = tpu.memref_squeeze %dma_wait3A_168 : memref<1x!tpu.dma_semaphore, #tpu.memory_space<semaphore_mem>> -> memref<!tpu.dma_semaphore, #tpu.memory_space<semaphore_mem>>
    tpu.wait_indirect_dma semaphore(%dma_wait3A_169 : memref<!tpu.dma_semaphore, #tpu.memory_space<semaphore_mem>>) src(%dma_wait3A_167 : memref<10000x16xbf16, #tpu.memory_space<hbm>>) dst(%dma_wait3A_161 : memref<128x16xbf16, #tpu.memory_space<vmem>>)
    %dma_start3A_170 = arith.constant 72 : i32
    %dma_start3A_171 = arith.constant 0 : i32
    %dma_start3A_172 = arith.constant 0 : i32
    %dma_start3A_173 = tpu.memref_slice %arg7[%dma_start3A_171, %dma_start3A_172] : memref<768x16xbf16, #tpu.memory_space<vmem>> -> memref<128x16xbf16, #tpu.memory_space<vmem>>
    %dma_start3A_174 = arith.constant 0 : i32
    %dma_start3A_175 = tpu.memref_slice %arg6[%dma_start3A_170, %dma_start3A_174] : memref<79x128xi32, #tpu.memory_space<vmem>> -> memref<1x128xi32, #tpu.memory_space<vmem>>
    %dma_start3A_176 = tpu.memref_squeeze %dma_start3A_175 : memref<1x128xi32, #tpu.memory_space<vmem>> -> memref<128xi32, #tpu.memory_space<vmem>>
    %dma_start3A_177 = arith.constant 0 : i32
    %dma_start3A_178 = arith.constant 0 : i32
    %dma_start3A_179 = tpu.memref_slice %arg10[%dma_start3A_177, %dma_start3A_178] : memref<10112x16xbf16, #tpu.memory_space<vmem_shared>> -> memref<10112x16xbf16, #tpu.memory_space<vmem_shared>>
    tpu.enqueue_indirect_dma source(%dma_start3A_173 : memref<128x16xbf16, #tpu.memory_space<vmem>>) target(%dma_start3A_179 : memref<10112x16xbf16, #tpu.memory_space<vmem_shared>>) offsets(%dma_start3A_176 : memref<128xi32, #tpu.memory_space<vmem>>) semaphore(%arg12 : memref<!tpu.dma_semaphore, #tpu.memory_space<semaphore_mem>>) {add = true}
    %dma_wait3A_180 = arith.constant 73 : i32
    %dma_wait3A_181 = arith.constant 1 : i32
    %dma_wait3A_182 = arith.constant 128 : i32
    %dma_wait3A_183 = arith.constant 0 : i32
    %dma_wait3A_184 = tpu.memref_slice %arg7[%dma_wait3A_182, %dma_wait3A_183] : memref<768x16xbf16, #tpu.memory_space<vmem>> -> memref<128x16xbf16, #tpu.memory_space<vmem>>
    %dma_wait3A_185 = arith.constant 0 : i32
    %dma_wait3A_186 = tpu.memref_slice %arg5[%dma_wait3A_180, %dma_wait3A_185] : memref<79x128xi32, #tpu.memory_space<vmem>> -> memref<1x128xi32, #tpu.memory_space<vmem>>
    %dma_wait3A_187 = tpu.memref_squeeze %dma_wait3A_186 : memref<1x128xi32, #tpu.memory_space<vmem>> -> memref<128xi32, #tpu.memory_space<vmem>>
    %dma_wait3A_188 = arith.constant 0 : i32
    %dma_wait3A_189 = arith.constant 0 : i32
    %dma_wait3A_190 = tpu.memref_slice %arg2[%dma_wait3A_188, %dma_wait3A_189] : memref<10000x16xbf16, #tpu.memory_space<hbm>> -> memref<10000x16xbf16, #tpu.memory_space<hbm>>
    %dma_wait3A_191 = tpu.memref_slice %arg11[%dma_wait3A_181] : memref<6x!tpu.dma_semaphore, #tpu.memory_space<semaphore_mem>> -> memref<1x!tpu.dma_semaphore, #tpu.memory_space<semaphore_mem>>
    %dma_wait3A_192 = tpu.memref_squeeze %dma_wait3A_191 : memref<1x!tpu.dma_semaphore, #tpu.memory_space<semaphore_mem>> -> memref<!tpu.dma_semaphore, #tpu.memory_space<semaphore_mem>>
    tpu.wait_indirect_dma semaphore(%dma_wait3A_192 : memref<!tpu.dma_semaphore, #tpu.memory_space<semaphore_mem>>) src(%dma_wait3A_190 : memref<10000x16xbf16, #tpu.memory_space<hbm>>) dst(%dma_wait3A_184 : memref<128x16xbf16, #tpu.memory_space<vmem>>)
    %dma_start3A_193 = arith.constant 73 : i32
    %dma_start3A_194 = arith.constant 128 : i32
    %dma_start3A_195 = arith.constant 0 : i32
    %dma_start3A_196 = tpu.memref_slice %arg7[%dma_start3A_194, %dma_start3A_195] : memref<768x16xbf16, #tpu.memory_space<vmem>> -> memref<128x16xbf16, #tpu.memory_space<vmem>>
    %dma_start3A_197 = arith.constant 0 : i32
    %dma_start3A_198 = tpu.memref_slice %arg6[%dma_start3A_193, %dma_start3A_197] : memref<79x128xi32, #tpu.memory_space<vmem>> -> memref<1x128xi32, #tpu.memory_space<vmem>>
    %dma_start3A_199 = tpu.memref_squeeze %dma_start3A_198 : memref<1x128xi32, #tpu.memory_space<vmem>> -> memref<128xi32, #tpu.memory_space<vmem>>
    %dma_start3A_200 = arith.constant 0 : i32
    %dma_start3A_201 = arith.constant 0 : i32
    %dma_start3A_202 = tpu.memref_slice %arg10[%dma_start3A_200, %dma_start3A_201] : memref<10112x16xbf16, #tpu.memory_space<vmem_shared>> -> memref<10112x16xbf16, #tpu.memory_space<vmem_shared>>
    tpu.enqueue_indirect_dma source(%dma_start3A_196 : memref<128x16xbf16, #tpu.memory_space<vmem>>) target(%dma_start3A_202 : memref<10112x16xbf16, #tpu.memory_space<vmem_shared>>) offsets(%dma_start3A_199 : memref<128xi32, #tpu.memory_space<vmem>>) semaphore(%arg12 : memref<!tpu.dma_semaphore, #tpu.memory_space<semaphore_mem>>) {add = true}
    %dma_wait3A_203 = arith.constant 74 : i32
    %dma_wait3A_204 = arith.constant 2 : i32
    %dma_wait3A_205 = arith.constant 256 : i32
    %dma_wait3A_206 = arith.constant 0 : i32
    %dma_wait3A_207 = tpu.memref_slice %arg7[%dma_wait3A_205, %dma_wait3A_206] : memref<768x16xbf16, #tpu.memory_space<vmem>> -> memref<128x16xbf16, #tpu.memory_space<vmem>>
    %dma_wait3A_208 = arith.constant 0 : i32
    %dma_wait3A_209 = tpu.memref_slice %arg5[%dma_wait3A_203, %dma_wait3A_208] : memref<79x128xi32, #tpu.memory_space<vmem>> -> memref<1x128xi32, #tpu.memory_space<vmem>>
    %dma_wait3A_210 = tpu.memref_squeeze %dma_wait3A_209 : memref<1x128xi32, #tpu.memory_space<vmem>> -> memref<128xi32, #tpu.memory_space<vmem>>
    %dma_wait3A_211 = arith.constant 0 : i32
    %dma_wait3A_212 = arith.constant 0 : i32
    %dma_wait3A_213 = tpu.memref_slice %arg2[%dma_wait3A_211, %dma_wait3A_212] : memref<10000x16xbf16, #tpu.memory_space<hbm>> -> memref<10000x16xbf16, #tpu.memory_space<hbm>>
    %dma_wait3A_214 = tpu.memref_slice %arg11[%dma_wait3A_204] : memref<6x!tpu.dma_semaphore, #tpu.memory_space<semaphore_mem>> -> memref<1x!tpu.dma_semaphore, #tpu.memory_space<semaphore_mem>>
    %dma_wait3A_215 = tpu.memref_squeeze %dma_wait3A_214 : memref<1x!tpu.dma_semaphore, #tpu.memory_space<semaphore_mem>> -> memref<!tpu.dma_semaphore, #tpu.memory_space<semaphore_mem>>
    tpu.wait_indirect_dma semaphore(%dma_wait3A_215 : memref<!tpu.dma_semaphore, #tpu.memory_space<semaphore_mem>>) src(%dma_wait3A_213 : memref<10000x16xbf16, #tpu.memory_space<hbm>>) dst(%dma_wait3A_207 : memref<128x16xbf16, #tpu.memory_space<vmem>>)
    %dma_start3A_216 = arith.constant 74 : i32
    %dma_start3A_217 = arith.constant 256 : i32
    %dma_start3A_218 = arith.constant 0 : i32
    %dma_start3A_219 = tpu.memref_slice %arg7[%dma_start3A_217, %dma_start3A_218] : memref<768x16xbf16, #tpu.memory_space<vmem>> -> memref<128x16xbf16, #tpu.memory_space<vmem>>
    %dma_start3A_220 = arith.constant 0 : i32
    %dma_start3A_221 = tpu.memref_slice %arg6[%dma_start3A_216, %dma_start3A_220] : memref<79x128xi32, #tpu.memory_space<vmem>> -> memref<1x128xi32, #tpu.memory_space<vmem>>
    %dma_start3A_222 = tpu.memref_squeeze %dma_start3A_221 : memref<1x128xi32, #tpu.memory_space<vmem>> -> memref<128xi32, #tpu.memory_space<vmem>>
    %dma_start3A_223 = arith.constant 0 : i32
    %dma_start3A_224 = arith.constant 0 : i32
    %dma_start3A_225 = tpu.memref_slice %arg10[%dma_start3A_223, %dma_start3A_224] : memref<10112x16xbf16, #tpu.memory_space<vmem_shared>> -> memref<10112x16xbf16, #tpu.memory_space<vmem_shared>>
    tpu.enqueue_indirect_dma source(%dma_start3A_219 : memref<128x16xbf16, #tpu.memory_space<vmem>>) target(%dma_start3A_225 : memref<10112x16xbf16, #tpu.memory_space<vmem_shared>>) offsets(%dma_start3A_222 : memref<128xi32, #tpu.memory_space<vmem>>) semaphore(%arg12 : memref<!tpu.dma_semaphore, #tpu.memory_space<semaphore_mem>>) {add = true}
    %dma_wait3A_226 = arith.constant 75 : i32
    %dma_wait3A_227 = arith.constant 3 : i32
    %dma_wait3A_228 = arith.constant 384 : i32
    %dma_wait3A_229 = arith.constant 0 : i32
    %dma_wait3A_230 = tpu.memref_slice %arg7[%dma_wait3A_228, %dma_wait3A_229] : memref<768x16xbf16, #tpu.memory_space<vmem>> -> memref<128x16xbf16, #tpu.memory_space<vmem>>
    %dma_wait3A_231 = arith.constant 0 : i32
    %dma_wait3A_232 = tpu.memref_slice %arg5[%dma_wait3A_226, %dma_wait3A_231] : memref<79x128xi32, #tpu.memory_space<vmem>> -> memref<1x128xi32, #tpu.memory_space<vmem>>
    %dma_wait3A_233 = tpu.memref_squeeze %dma_wait3A_232 : memref<1x128xi32, #tpu.memory_space<vmem>> -> memref<128xi32, #tpu.memory_space<vmem>>
    %dma_wait3A_234 = arith.constant 0 : i32
    %dma_wait3A_235 = arith.constant 0 : i32
    %dma_wait3A_236 = tpu.memref_slice %arg2[%dma_wait3A_234, %dma_wait3A_235] : memref<10000x16xbf16, #tpu.memory_space<hbm>> -> memref<10000x16xbf16, #tpu.memory_space<hbm>>
    %dma_wait3A_237 = tpu.memref_slice %arg11[%dma_wait3A_227] : memref<6x!tpu.dma_semaphore, #tpu.memory_space<semaphore_mem>> -> memref<1x!tpu.dma_semaphore, #tpu.memory_space<semaphore_mem>>
    %dma_wait3A_238 = tpu.memref_squeeze %dma_wait3A_237 : memref<1x!tpu.dma_semaphore, #tpu.memory_space<semaphore_mem>> -> memref<!tpu.dma_semaphore, #tpu.memory_space<semaphore_mem>>
    tpu.wait_indirect_dma semaphore(%dma_wait3A_238 : memref<!tpu.dma_semaphore, #tpu.memory_space<semaphore_mem>>) src(%dma_wait3A_236 : memref<10000x16xbf16, #tpu.memory_space<hbm>>) dst(%dma_wait3A_230 : memref<128x16xbf16, #tpu.memory_space<vmem>>)
    %dma_start3A_239 = arith.constant 75 : i32
    %dma_start3A_240 = arith.constant 384 : i32
    %dma_start3A_241 = arith.constant 0 : i32
    %dma_start3A_242 = tpu.memref_slice %arg7[%dma_start3A_240, %dma_start3A_241] : memref<768x16xbf16, #tpu.memory_space<vmem>> -> memref<128x16xbf16, #tpu.memory_space<vmem>>
    %dma_start3A_243 = arith.constant 0 : i32
    %dma_start3A_244 = tpu.memref_slice %arg6[%dma_start3A_239, %dma_start3A_243] : memref<79x128xi32, #tpu.memory_space<vmem>> -> memref<1x128xi32, #tpu.memory_space<vmem>>
    %dma_start3A_245 = tpu.memref_squeeze %dma_start3A_244 : memref<1x128xi32, #tpu.memory_space<vmem>> -> memref<128xi32, #tpu.memory_space<vmem>>
    %dma_start3A_246 = arith.constant 0 : i32
    %dma_start3A_247 = arith.constant 0 : i32
    %dma_start3A_248 = tpu.memref_slice %arg10[%dma_start3A_246, %dma_start3A_247] : memref<10112x16xbf16, #tpu.memory_space<vmem_shared>> -> memref<10112x16xbf16, #tpu.memory_space<vmem_shared>>
    tpu.enqueue_indirect_dma source(%dma_start3A_242 : memref<128x16xbf16, #tpu.memory_space<vmem>>) target(%dma_start3A_248 : memref<10112x16xbf16, #tpu.memory_space<vmem_shared>>) offsets(%dma_start3A_245 : memref<128xi32, #tpu.memory_space<vmem>>) semaphore(%arg12 : memref<!tpu.dma_semaphore, #tpu.memory_space<semaphore_mem>>) {add = true}
    %dma_wait3A_249 = arith.constant 76 : i32
    %dma_wait3A_250 = arith.constant 4 : i32
    %dma_wait3A_251 = arith.constant 512 : i32
    %dma_wait3A_252 = arith.constant 0 : i32
    %dma_wait3A_253 = tpu.memref_slice %arg7[%dma_wait3A_251, %dma_wait3A_252] : memref<768x16xbf16, #tpu.memory_space<vmem>> -> memref<128x16xbf16, #tpu.memory_space<vmem>>
    %dma_wait3A_254 = arith.constant 0 : i32
    %dma_wait3A_255 = tpu.memref_slice %arg5[%dma_wait3A_249, %dma_wait3A_254] : memref<79x128xi32, #tpu.memory_space<vmem>> -> memref<1x128xi32, #tpu.memory_space<vmem>>
    %dma_wait3A_256 = tpu.memref_squeeze %dma_wait3A_255 : memref<1x128xi32, #tpu.memory_space<vmem>> -> memref<128xi32, #tpu.memory_space<vmem>>
    %dma_wait3A_257 = arith.constant 0 : i32
    %dma_wait3A_258 = arith.constant 0 : i32
    %dma_wait3A_259 = tpu.memref_slice %arg2[%dma_wait3A_257, %dma_wait3A_258] : memref<10000x16xbf16, #tpu.memory_space<hbm>> -> memref<10000x16xbf16, #tpu.memory_space<hbm>>
    %dma_wait3A_260 = tpu.memref_slice %arg11[%dma_wait3A_250] : memref<6x!tpu.dma_semaphore, #tpu.memory_space<semaphore_mem>> -> memref<1x!tpu.dma_semaphore, #tpu.memory_space<semaphore_mem>>
    %dma_wait3A_261 = tpu.memref_squeeze %dma_wait3A_260 : memref<1x!tpu.dma_semaphore, #tpu.memory_space<semaphore_mem>> -> memref<!tpu.dma_semaphore, #tpu.memory_space<semaphore_mem>>
    tpu.wait_indirect_dma semaphore(%dma_wait3A_261 : memref<!tpu.dma_semaphore, #tpu.memory_space<semaphore_mem>>) src(%dma_wait3A_259 : memref<10000x16xbf16, #tpu.memory_space<hbm>>) dst(%dma_wait3A_253 : memref<128x16xbf16, #tpu.memory_space<vmem>>)
    %dma_start3A_262 = arith.constant 76 : i32
    %dma_start3A_263 = arith.constant 512 : i32
    %dma_start3A_264 = arith.constant 0 : i32
    %dma_start3A_265 = tpu.memref_slice %arg7[%dma_start3A_263, %dma_start3A_264] : memref<768x16xbf16, #tpu.memory_space<vmem>> -> memref<128x16xbf16, #tpu.memory_space<vmem>>
    %dma_start3A_266 = arith.constant 0 : i32
    %dma_start3A_267 = tpu.memref_slice %arg6[%dma_start3A_262, %dma_start3A_266] : memref<79x128xi32, #tpu.memory_space<vmem>> -> memref<1x128xi32, #tpu.memory_space<vmem>>
    %dma_start3A_268 = tpu.memref_squeeze %dma_start3A_267 : memref<1x128xi32, #tpu.memory_space<vmem>> -> memref<128xi32, #tpu.memory_space<vmem>>
    %dma_start3A_269 = arith.constant 0 : i32
    %dma_start3A_270 = arith.constant 0 : i32
    %dma_start3A_271 = tpu.memref_slice %arg10[%dma_start3A_269, %dma_start3A_270] : memref<10112x16xbf16, #tpu.memory_space<vmem_shared>> -> memref<10112x16xbf16, #tpu.memory_space<vmem_shared>>
    tpu.enqueue_indirect_dma source(%dma_start3A_265 : memref<128x16xbf16, #tpu.memory_space<vmem>>) target(%dma_start3A_271 : memref<10112x16xbf16, #tpu.memory_space<vmem_shared>>) offsets(%dma_start3A_268 : memref<128xi32, #tpu.memory_space<vmem>>) semaphore(%arg12 : memref<!tpu.dma_semaphore, #tpu.memory_space<semaphore_mem>>) {add = true}
    %dma_wait3A_272 = arith.constant 77 : i32
    %dma_wait3A_273 = arith.constant 5 : i32
    %dma_wait3A_274 = arith.constant 640 : i32
    %dma_wait3A_275 = arith.constant 0 : i32
    %dma_wait3A_276 = tpu.memref_slice %arg7[%dma_wait3A_274, %dma_wait3A_275] : memref<768x16xbf16, #tpu.memory_space<vmem>> -> memref<128x16xbf16, #tpu.memory_space<vmem>>
    %dma_wait3A_277 = arith.constant 0 : i32
    %dma_wait3A_278 = tpu.memref_slice %arg5[%dma_wait3A_272, %dma_wait3A_277] : memref<79x128xi32, #tpu.memory_space<vmem>> -> memref<1x128xi32, #tpu.memory_space<vmem>>
    %dma_wait3A_279 = tpu.memref_squeeze %dma_wait3A_278 : memref<1x128xi32, #tpu.memory_space<vmem>> -> memref<128xi32, #tpu.memory_space<vmem>>
    %dma_wait3A_280 = arith.constant 0 : i32
    %dma_wait3A_281 = arith.constant 0 : i32
    %dma_wait3A_282 = tpu.memref_slice %arg2[%dma_wait3A_280, %dma_wait3A_281] : memref<10000x16xbf16, #tpu.memory_space<hbm>> -> memref<10000x16xbf16, #tpu.memory_space<hbm>>
    %dma_wait3A_283 = tpu.memref_slice %arg11[%dma_wait3A_273] : memref<6x!tpu.dma_semaphore, #tpu.memory_space<semaphore_mem>> -> memref<1x!tpu.dma_semaphore, #tpu.memory_space<semaphore_mem>>
    %dma_wait3A_284 = tpu.memref_squeeze %dma_wait3A_283 : memref<1x!tpu.dma_semaphore, #tpu.memory_space<semaphore_mem>> -> memref<!tpu.dma_semaphore, #tpu.memory_space<semaphore_mem>>
    tpu.wait_indirect_dma semaphore(%dma_wait3A_284 : memref<!tpu.dma_semaphore, #tpu.memory_space<semaphore_mem>>) src(%dma_wait3A_282 : memref<10000x16xbf16, #tpu.memory_space<hbm>>) dst(%dma_wait3A_276 : memref<128x16xbf16, #tpu.memory_space<vmem>>)
    %dma_start3A_285 = arith.constant 77 : i32
    %dma_start3A_286 = arith.constant 640 : i32
    %dma_start3A_287 = arith.constant 0 : i32
    %dma_start3A_288 = tpu.memref_slice %arg7[%dma_start3A_286, %dma_start3A_287] : memref<768x16xbf16, #tpu.memory_space<vmem>> -> memref<128x16xbf16, #tpu.memory_space<vmem>>
    %dma_start3A_289 = arith.constant 0 : i32
    %dma_start3A_290 = tpu.memref_slice %arg6[%dma_start3A_285, %dma_start3A_289] : memref<79x128xi32, #tpu.memory_space<vmem>> -> memref<1x128xi32, #tpu.memory_space<vmem>>
    %dma_start3A_291 = tpu.memref_squeeze %dma_start3A_290 : memref<1x128xi32, #tpu.memory_space<vmem>> -> memref<128xi32, #tpu.memory_space<vmem>>
    %dma_start3A_292 = arith.constant 0 : i32
    %dma_start3A_293 = arith.constant 0 : i32
    %dma_start3A_294 = tpu.memref_slice %arg10[%dma_start3A_292, %dma_start3A_293] : memref<10112x16xbf16, #tpu.memory_space<vmem_shared>> -> memref<10112x16xbf16, #tpu.memory_space<vmem_shared>>
    tpu.enqueue_indirect_dma source(%dma_start3A_288 : memref<128x16xbf16, #tpu.memory_space<vmem>>) target(%dma_start3A_294 : memref<10112x16xbf16, #tpu.memory_space<vmem_shared>>) offsets(%dma_start3A_291 : memref<128xi32, #tpu.memory_space<vmem>>) semaphore(%arg12 : memref<!tpu.dma_semaphore, #tpu.memory_space<semaphore_mem>>) {add = true}
    %dma_wait3A_295 = arith.constant 0 : i32
    %dma_wait3A_296 = arith.constant 0 : i32
    %dma_wait3A_297 = arith.constant 0 : i32
    %dma_wait3A_298 = tpu.memref_slice %arg7[%dma_wait3A_296, %dma_wait3A_297] : memref<768x16xbf16, #tpu.memory_space<vmem>> -> memref<128x16xbf16, #tpu.memory_space<vmem>>
    %dma_wait3A_299 = arith.constant 0 : i32
    %dma_wait3A_300 = tpu.memref_slice %arg6[%dma_wait3A_295, %dma_wait3A_299] : memref<79x128xi32, #tpu.memory_space<vmem>> -> memref<1x128xi32, #tpu.memory_space<vmem>>
    %dma_wait3A_301 = tpu.memref_squeeze %dma_wait3A_300 : memref<1x128xi32, #tpu.memory_space<vmem>> -> memref<128xi32, #tpu.memory_space<vmem>>
    %dma_wait3A_302 = arith.constant 0 : i32
    %dma_wait3A_303 = arith.constant 0 : i32
    %dma_wait3A_304 = tpu.memref_slice %arg10[%dma_wait3A_302, %dma_wait3A_303] : memref<10112x16xbf16, #tpu.memory_space<vmem_shared>> -> memref<10112x16xbf16, #tpu.memory_space<vmem_shared>>
    tpu.wait_indirect_dma semaphore(%arg12 : memref<!tpu.dma_semaphore, #tpu.memory_space<semaphore_mem>>) src(%dma_wait3A_298 : memref<128x16xbf16, #tpu.memory_space<vmem>>) dst(%dma_wait3A_304 : memref<10112x16xbf16, #tpu.memory_space<vmem_shared>>)
    %dma_wait3A_305 = arith.constant 0 : i32
    %dma_wait3A_306 = arith.constant 128 : i32
    %dma_wait3A_307 = arith.constant 0 : i32
    %dma_wait3A_308 = tpu.memref_slice %arg7[%dma_wait3A_306, %dma_wait3A_307] : memref<768x16xbf16, #tpu.memory_space<vmem>> -> memref<128x16xbf16, #tpu.memory_space<vmem>>
    %dma_wait3A_309 = arith.constant 0 : i32
    %dma_wait3A_310 = tpu.memref_slice %arg6[%dma_wait3A_305, %dma_wait3A_309] : memref<79x128xi32, #tpu.memory_space<vmem>> -> memref<1x128xi32, #tpu.memory_space<vmem>>
    %dma_wait3A_311 = tpu.memref_squeeze %dma_wait3A_310 : memref<1x128xi32, #tpu.memory_space<vmem>> -> memref<128xi32, #tpu.memory_space<vmem>>
    %dma_wait3A_312 = arith.constant 0 : i32
    %dma_wait3A_313 = arith.constant 0 : i32
    %dma_wait3A_314 = tpu.memref_slice %arg10[%dma_wait3A_312, %dma_wait3A_313] : memref<10112x16xbf16, #tpu.memory_space<vmem_shared>> -> memref<10112x16xbf16, #tpu.memory_space<vmem_shared>>
    tpu.wait_indirect_dma semaphore(%arg12 : memref<!tpu.dma_semaphore, #tpu.memory_space<semaphore_mem>>) src(%dma_wait3A_308 : memref<128x16xbf16, #tpu.memory_space<vmem>>) dst(%dma_wait3A_314 : memref<10112x16xbf16, #tpu.memory_space<vmem_shared>>)
    %dma_wait3A_315 = arith.constant 0 : i32
    %dma_wait3A_316 = arith.constant 256 : i32
    %dma_wait3A_317 = arith.constant 0 : i32
    %dma_wait3A_318 = tpu.memref_slice %arg7[%dma_wait3A_316, %dma_wait3A_317] : memref<768x16xbf16, #tpu.memory_space<vmem>> -> memref<128x16xbf16, #tpu.memory_space<vmem>>
    %dma_wait3A_319 = arith.constant 0 : i32
    %dma_wait3A_320 = tpu.memref_slice %arg6[%dma_wait3A_315, %dma_wait3A_319] : memref<79x128xi32, #tpu.memory_space<vmem>> -> memref<1x128xi32, #tpu.memory_space<vmem>>
    %dma_wait3A_321 = tpu.memref_squeeze %dma_wait3A_320 : memref<1x128xi32, #tpu.memory_space<vmem>> -> memref<128xi32, #tpu.memory_space<vmem>>
    %dma_wait3A_322 = arith.constant 0 : i32
    %dma_wait3A_323 = arith.constant 0 : i32
    %dma_wait3A_324 = tpu.memref_slice %arg10[%dma_wait3A_322, %dma_wait3A_323] : memref<10112x16xbf16, #tpu.memory_space<vmem_shared>> -> memref<10112x16xbf16, #tpu.memory_space<vmem_shared>>
    tpu.wait_indirect_dma semaphore(%arg12 : memref<!tpu.dma_semaphore, #tpu.memory_space<semaphore_mem>>) src(%dma_wait3A_318 : memref<128x16xbf16, #tpu.memory_space<vmem>>) dst(%dma_wait3A_324 : memref<10112x16xbf16, #tpu.memory_space<vmem_shared>>)
    %dma_wait3A_325 = arith.constant 0 : i32
    %dma_wait3A_326 = arith.constant 384 : i32
    %dma_wait3A_327 = arith.constant 0 : i32
    %dma_wait3A_328 = tpu.memref_slice %arg7[%dma_wait3A_326, %dma_wait3A_327] : memref<768x16xbf16, #tpu.memory_space<vmem>> -> memref<128x16xbf16, #tpu.memory_space<vmem>>
    %dma_wait3A_329 = arith.constant 0 : i32
    %dma_wait3A_330 = tpu.memref_slice %arg6[%dma_wait3A_325, %dma_wait3A_329] : memref<79x128xi32, #tpu.memory_space<vmem>> -> memref<1x128xi32, #tpu.memory_space<vmem>>
    %dma_wait3A_331 = tpu.memref_squeeze %dma_wait3A_330 : memref<1x128xi32, #tpu.memory_space<vmem>> -> memref<128xi32, #tpu.memory_space<vmem>>
    %dma_wait3A_332 = arith.constant 0 : i32
    %dma_wait3A_333 = arith.constant 0 : i32
    %dma_wait3A_334 = tpu.memref_slice %arg10[%dma_wait3A_332, %dma_wait3A_333] : memref<10112x16xbf16, #tpu.memory_space<vmem_shared>> -> memref<10112x16xbf16, #tpu.memory_space<vmem_shared>>
    tpu.wait_indirect_dma semaphore(%arg12 : memref<!tpu.dma_semaphore, #tpu.memory_space<semaphore_mem>>) src(%dma_wait3A_328 : memref<128x16xbf16, #tpu.memory_space<vmem>>) dst(%dma_wait3A_334 : memref<10112x16xbf16, #tpu.memory_space<vmem_shared>>)
    %dma_wait3A_335 = arith.constant 0 : i32
    %dma_wait3A_336 = arith.constant 512 : i32
    %dma_wait3A_337 = arith.constant 0 : i32
    %dma_wait3A_338 = tpu.memref_slice %arg7[%dma_wait3A_336, %dma_wait3A_337] : memref<768x16xbf16, #tpu.memory_space<vmem>> -> memref<128x16xbf16, #tpu.memory_space<vmem>>
    %dma_wait3A_339 = arith.constant 0 : i32
    %dma_wait3A_340 = tpu.memref_slice %arg6[%dma_wait3A_335, %dma_wait3A_339] : memref<79x128xi32, #tpu.memory_space<vmem>> -> memref<1x128xi32, #tpu.memory_space<vmem>>
    %dma_wait3A_341 = tpu.memref_squeeze %dma_wait3A_340 : memref<1x128xi32, #tpu.memory_space<vmem>> -> memref<128xi32, #tpu.memory_space<vmem>>
    %dma_wait3A_342 = arith.constant 0 : i32
    %dma_wait3A_343 = arith.constant 0 : i32
    %dma_wait3A_344 = tpu.memref_slice %arg10[%dma_wait3A_342, %dma_wait3A_343] : memref<10112x16xbf16, #tpu.memory_space<vmem_shared>> -> memref<10112x16xbf16, #tpu.memory_space<vmem_shared>>
    tpu.wait_indirect_dma semaphore(%arg12 : memref<!tpu.dma_semaphore, #tpu.memory_space<semaphore_mem>>) src(%dma_wait3A_338 : memref<128x16xbf16, #tpu.memory_space<vmem>>) dst(%dma_wait3A_344 : memref<10112x16xbf16, #tpu.memory_space<vmem_shared>>)
    %dma_wait3A_345 = arith.constant 0 : i32
    %dma_wait3A_346 = arith.constant 640 : i32
    %dma_wait3A_347 = arith.constant 0 : i32
    %dma_wait3A_348 = tpu.memref_slice %arg7[%dma_wait3A_346, %dma_wait3A_347] : memref<768x16xbf16, #tpu.memory_space<vmem>> -> memref<128x16xbf16, #tpu.memory_space<vmem>>
    %dma_wait3A_349 = arith.constant 0 : i32
    %dma_wait3A_350 = tpu.memref_slice %arg6[%dma_wait3A_345, %dma_wait3A_349] : memref<79x128xi32, #tpu.memory_space<vmem>> -> memref<1x128xi32, #tpu.memory_space<vmem>>
    %dma_wait3A_351 = tpu.memref_squeeze %dma_wait3A_350 : memref<1x128xi32, #tpu.memory_space<vmem>> -> memref<128xi32, #tpu.memory_space<vmem>>
    %dma_wait3A_352 = arith.constant 0 : i32
    %dma_wait3A_353 = arith.constant 0 : i32
    %dma_wait3A_354 = tpu.memref_slice %arg10[%dma_wait3A_352, %dma_wait3A_353] : memref<10112x16xbf16, #tpu.memory_space<vmem_shared>> -> memref<10112x16xbf16, #tpu.memory_space<vmem_shared>>
    tpu.wait_indirect_dma semaphore(%arg12 : memref<!tpu.dma_semaphore, #tpu.memory_space<semaphore_mem>>) src(%dma_wait3A_348 : memref<128x16xbf16, #tpu.memory_space<vmem>>) dst(%dma_wait3A_354 : memref<10112x16xbf16, #tpu.memory_space<vmem_shared>>)
    %dma_wait3A_355 = arith.constant 0 : i32
    %dma_wait3A_356 = arith.constant 0 : i32
    %dma_wait3A_357 = arith.constant 0 : i32
    %dma_wait3A_358 = tpu.memref_slice %arg8[%dma_wait3A_356, %dma_wait3A_357] : memref<768x16xbf16, #tpu.memory_space<vmem>> -> memref<128x16xbf16, #tpu.memory_space<vmem>>
    %dma_wait3A_359 = arith.constant 0 : i32
    %dma_wait3A_360 = tpu.memref_slice %arg6[%dma_wait3A_355, %dma_wait3A_359] : memref<79x128xi32, #tpu.memory_space<vmem>> -> memref<1x128xi32, #tpu.memory_space<vmem>>
    %dma_wait3A_361 = tpu.memref_squeeze %dma_wait3A_360 : memref<1x128xi32, #tpu.memory_space<vmem>> -> memref<128xi32, #tpu.memory_space<vmem>>
    %dma_wait3A_362 = arith.constant 0 : i32
    %dma_wait3A_363 = arith.constant 0 : i32
    %dma_wait3A_364 = tpu.memref_slice %arg10[%dma_wait3A_362, %dma_wait3A_363] : memref<10112x16xbf16, #tpu.memory_space<vmem_shared>> -> memref<10112x16xbf16, #tpu.memory_space<vmem_shared>>
    tpu.wait_indirect_dma semaphore(%arg13 : memref<!tpu.dma_semaphore, #tpu.memory_space<semaphore_mem>>) src(%dma_wait3A_358 : memref<128x16xbf16, #tpu.memory_space<vmem>>) dst(%dma_wait3A_364 : memref<10112x16xbf16, #tpu.memory_space<vmem_shared>>)
    %dma_wait3A_365 = arith.constant 0 : i32
    %dma_wait3A_366 = arith.constant 128 : i32
    %dma_wait3A_367 = arith.constant 0 : i32
    %dma_wait3A_368 = tpu.memref_slice %arg8[%dma_wait3A_366, %dma_wait3A_367] : memref<768x16xbf16, #tpu.memory_space<vmem>> -> memref<128x16xbf16, #tpu.memory_space<vmem>>
    %dma_wait3A_369 = arith.constant 0 : i32
    %dma_wait3A_370 = tpu.memref_slice %arg6[%dma_wait3A_365, %dma_wait3A_369] : memref<79x128xi32, #tpu.memory_space<vmem>> -> memref<1x128xi32, #tpu.memory_space<vmem>>
    %dma_wait3A_371 = tpu.memref_squeeze %dma_wait3A_370 : memref<1x128xi32, #tpu.memory_space<vmem>> -> memref<128xi32, #tpu.memory_space<vmem>>
    %dma_wait3A_372 = arith.constant 0 : i32
    %dma_wait3A_373 = arith.constant 0 : i32
    %dma_wait3A_374 = tpu.memref_slice %arg10[%dma_wait3A_372, %dma_wait3A_373] : memref<10112x16xbf16, #tpu.memory_space<vmem_shared>> -> memref<10112x16xbf16, #tpu.memory_space<vmem_shared>>
    tpu.wait_indirect_dma semaphore(%arg13 : memref<!tpu.dma_semaphore, #tpu.memory_space<semaphore_mem>>) src(%dma_wait3A_368 : memref<128x16xbf16, #tpu.memory_space<vmem>>) dst(%dma_wait3A_374 : memref<10112x16xbf16, #tpu.memory_space<vmem_shared>>)
    %dma_wait3A_375 = arith.constant 0 : i32
    %dma_wait3A_376 = arith.constant 256 : i32
    %dma_wait3A_377 = arith.constant 0 : i32
    %dma_wait3A_378 = tpu.memref_slice %arg8[%dma_wait3A_376, %dma_wait3A_377] : memref<768x16xbf16, #tpu.memory_space<vmem>> -> memref<128x16xbf16, #tpu.memory_space<vmem>>
    %dma_wait3A_379 = arith.constant 0 : i32
    %dma_wait3A_380 = tpu.memref_slice %arg6[%dma_wait3A_375, %dma_wait3A_379] : memref<79x128xi32, #tpu.memory_space<vmem>> -> memref<1x128xi32, #tpu.memory_space<vmem>>
    %dma_wait3A_381 = tpu.memref_squeeze %dma_wait3A_380 : memref<1x128xi32, #tpu.memory_space<vmem>> -> memref<128xi32, #tpu.memory_space<vmem>>
    %dma_wait3A_382 = arith.constant 0 : i32
    %dma_wait3A_383 = arith.constant 0 : i32
    %dma_wait3A_384 = tpu.memref_slice %arg10[%dma_wait3A_382, %dma_wait3A_383] : memref<10112x16xbf16, #tpu.memory_space<vmem_shared>> -> memref<10112x16xbf16, #tpu.memory_space<vmem_shared>>
    tpu.wait_indirect_dma semaphore(%arg13 : memref<!tpu.dma_semaphore, #tpu.memory_space<semaphore_mem>>) src(%dma_wait3A_378 : memref<128x16xbf16, #tpu.memory_space<vmem>>) dst(%dma_wait3A_384 : memref<10112x16xbf16, #tpu.memory_space<vmem_shared>>)
    %dma_wait3A_385 = arith.constant 0 : i32
    %dma_wait3A_386 = arith.constant 384 : i32
    %dma_wait3A_387 = arith.constant 0 : i32
    %dma_wait3A_388 = tpu.memref_slice %arg8[%dma_wait3A_386, %dma_wait3A_387] : memref<768x16xbf16, #tpu.memory_space<vmem>> -> memref<128x16xbf16, #tpu.memory_space<vmem>>
    %dma_wait3A_389 = arith.constant 0 : i32
    %dma_wait3A_390 = tpu.memref_slice %arg6[%dma_wait3A_385, %dma_wait3A_389] : memref<79x128xi32, #tpu.memory_space<vmem>> -> memref<1x128xi32, #tpu.memory_space<vmem>>
    %dma_wait3A_391 = tpu.memref_squeeze %dma_wait3A_390 : memref<1x128xi32, #tpu.memory_space<vmem>> -> memref<128xi32, #tpu.memory_space<vmem>>
    %dma_wait3A_392 = arith.constant 0 : i32
    %dma_wait3A_393 = arith.constant 0 : i32
    %dma_wait3A_394 = tpu.memref_slice %arg10[%dma_wait3A_392, %dma_wait3A_393] : memref<10112x16xbf16, #tpu.memory_space<vmem_shared>> -> memref<10112x16xbf16, #tpu.memory_space<vmem_shared>>
    tpu.wait_indirect_dma semaphore(%arg13 : memref<!tpu.dma_semaphore, #tpu.memory_space<semaphore_mem>>) src(%dma_wait3A_388 : memref<128x16xbf16, #tpu.memory_space<vmem>>) dst(%dma_wait3A_394 : memref<10112x16xbf16, #tpu.memory_space<vmem_shared>>)
    %dma_wait3A_395 = arith.constant 0 : i32
    %dma_wait3A_396 = arith.constant 512 : i32
    %dma_wait3A_397 = arith.constant 0 : i32
    %dma_wait3A_398 = tpu.memref_slice %arg8[%dma_wait3A_396, %dma_wait3A_397] : memref<768x16xbf16, #tpu.memory_space<vmem>> -> memref<128x16xbf16, #tpu.memory_space<vmem>>
    %dma_wait3A_399 = arith.constant 0 : i32
    %dma_wait3A_400 = tpu.memref_slice %arg6[%dma_wait3A_395, %dma_wait3A_399] : memref<79x128xi32, #tpu.memory_space<vmem>> -> memref<1x128xi32, #tpu.memory_space<vmem>>
    %dma_wait3A_401 = tpu.memref_squeeze %dma_wait3A_400 : memref<1x128xi32, #tpu.memory_space<vmem>> -> memref<128xi32, #tpu.memory_space<vmem>>
    %dma_wait3A_402 = arith.constant 0 : i32
    %dma_wait3A_403 = arith.constant 0 : i32
    %dma_wait3A_404 = tpu.memref_slice %arg10[%dma_wait3A_402, %dma_wait3A_403] : memref<10112x16xbf16, #tpu.memory_space<vmem_shared>> -> memref<10112x16xbf16, #tpu.memory_space<vmem_shared>>
    tpu.wait_indirect_dma semaphore(%arg13 : memref<!tpu.dma_semaphore, #tpu.memory_space<semaphore_mem>>) src(%dma_wait3A_398 : memref<128x16xbf16, #tpu.memory_space<vmem>>) dst(%dma_wait3A_404 : memref<10112x16xbf16, #tpu.memory_space<vmem_shared>>)
    %dma_wait3A_405 = arith.constant 0 : i32
    %dma_wait3A_406 = arith.constant 640 : i32
    %dma_wait3A_407 = arith.constant 0 : i32
    %dma_wait3A_408 = tpu.memref_slice %arg8[%dma_wait3A_406, %dma_wait3A_407] : memref<768x16xbf16, #tpu.memory_space<vmem>> -> memref<128x16xbf16, #tpu.memory_space<vmem>>
    %dma_wait3A_409 = arith.constant 0 : i32
    %dma_wait3A_410 = tpu.memref_slice %arg6[%dma_wait3A_405, %dma_wait3A_409] : memref<79x128xi32, #tpu.memory_space<vmem>> -> memref<1x128xi32, #tpu.memory_space<vmem>>
    %dma_wait3A_411 = tpu.memref_squeeze %dma_wait3A_410 : memref<1x128xi32, #tpu.memory_space<vmem>> -> memref<128xi32, #tpu.memory_space<vmem>>
    %dma_wait3A_412 = arith.constant 0 : i32
    %dma_wait3A_413 = arith.constant 0 : i32
    %dma_wait3A_414 = tpu.memref_slice %arg10[%dma_wait3A_412, %dma_wait3A_413] : memref<10112x16xbf16, #tpu.memory_space<vmem_shared>> -> memref<10112x16xbf16, #tpu.memory_space<vmem_shared>>
    tpu.wait_indirect_dma semaphore(%arg13 : memref<!tpu.dma_semaphore, #tpu.memory_space<semaphore_mem>>) src(%dma_wait3A_408 : memref<128x16xbf16, #tpu.memory_space<vmem>>) dst(%dma_wait3A_414 : memref<10112x16xbf16, #tpu.memory_space<vmem_shared>>)
    %ge3A_415 = arith.constant 28 : i32
    %ge3A_416 = arith.cmpi sge, %add3A, %ge3A_415 : i32
    %convert_element_type3A_417 = arith.extui %ge3A_416 : i1 to i32
    %cond3A_418 = arith.constant 0 : i32
    %cond3A_419 = arith.cmpi ne, %convert_element_type3A_417, %cond3A_418 : i32
    scf.if %cond3A_419 {
      %dma_start3A_425 = arith.constant 78 : i32
      %dma_start3A_426 = arith.constant 0 : i32
      %dma_start3A_427 = arith.constant 0 : i32
      %dma_start3A_428 = arith.constant 0 : i32
      %dma_start3A_429 = tpu.memref_slice %arg7[%dma_start3A_427, %dma_start3A_428] : memref<768x16xbf16, #tpu.memory_space<vmem>> -> memref<128x16xbf16, #tpu.memory_space<vmem>>
      %dma_start3A_430 = arith.constant 0 : i32
      %dma_start3A_431 = tpu.memref_slice %arg5[%dma_start3A_425, %dma_start3A_430] : memref<79x128xi32, #tpu.memory_space<vmem>> -> memref<1x128xi32, #tpu.memory_space<vmem>>
      %dma_start3A_432 = tpu.memref_squeeze %dma_start3A_431 : memref<1x128xi32, #tpu.memory_space<vmem>> -> memref<128xi32, #tpu.memory_space<vmem>>
      %dma_start3A_433 = arith.constant 0 : i32
      %dma_start3A_434 = arith.constant 0 : i32
      %dma_start3A_435 = tpu.memref_slice %arg2[%dma_start3A_433, %dma_start3A_434] : memref<10000x16xbf16, #tpu.memory_space<hbm>> -> memref<10000x16xbf16, #tpu.memory_space<hbm>>
      %dma_start3A_436 = tpu.memref_slice %arg11[%dma_start3A_426] : memref<6x!tpu.dma_semaphore, #tpu.memory_space<semaphore_mem>> -> memref<1x!tpu.dma_semaphore, #tpu.memory_space<semaphore_mem>>
      %dma_start3A_437 = tpu.memref_squeeze %dma_start3A_436 : memref<1x!tpu.dma_semaphore, #tpu.memory_space<semaphore_mem>> -> memref<!tpu.dma_semaphore, #tpu.memory_space<semaphore_mem>>
      tpu.enqueue_indirect_dma source(%dma_start3A_435 : memref<10000x16xbf16, #tpu.memory_space<hbm>>) target(%dma_start3A_429 : memref<128x16xbf16, #tpu.memory_space<vmem>>) offsets(%dma_start3A_432 : memref<128xi32, #tpu.memory_space<vmem>>) semaphore(%dma_start3A_437 : memref<!tpu.dma_semaphore, #tpu.memory_space<semaphore_mem>>)
      %dma_wait3A_438 = arith.constant 78 : i32
      %dma_wait3A_439 = arith.constant 0 : i32
      %dma_wait3A_440 = arith.constant 0 : i32
      %dma_wait3A_441 = arith.constant 0 : i32
      %dma_wait3A_442 = tpu.memref_slice %arg7[%dma_wait3A_440, %dma_wait3A_441] : memref<768x16xbf16, #tpu.memory_space<vmem>> -> memref<128x16xbf16, #tpu.memory_space<vmem>>
      %dma_wait3A_443 = arith.constant 0 : i32
      %dma_wait3A_444 = tpu.memref_slice %arg5[%dma_wait3A_438, %dma_wait3A_443] : memref<79x128xi32, #tpu.memory_space<vmem>> -> memref<1x128xi32, #tpu.memory_space<vmem>>
      %dma_wait3A_445 = tpu.memref_squeeze %dma_wait3A_444 : memref<1x128xi32, #tpu.memory_space<vmem>> -> memref<128xi32, #tpu.memory_space<vmem>>
      %dma_wait3A_446 = arith.constant 0 : i32
      %dma_wait3A_447 = arith.constant 0 : i32
      %dma_wait3A_448 = tpu.memref_slice %arg2[%dma_wait3A_446, %dma_wait3A_447] : memref<10000x16xbf16, #tpu.memory_space<hbm>> -> memref<10000x16xbf16, #tpu.memory_space<hbm>>
      %dma_wait3A_449 = tpu.memref_slice %arg11[%dma_wait3A_439] : memref<6x!tpu.dma_semaphore, #tpu.memory_space<semaphore_mem>> -> memref<1x!tpu.dma_semaphore, #tpu.memory_space<semaphore_mem>>
      %dma_wait3A_450 = tpu.memref_squeeze %dma_wait3A_449 : memref<1x!tpu.dma_semaphore, #tpu.memory_space<semaphore_mem>> -> memref<!tpu.dma_semaphore, #tpu.memory_space<semaphore_mem>>
      tpu.wait_indirect_dma semaphore(%dma_wait3A_450 : memref<!tpu.dma_semaphore, #tpu.memory_space<semaphore_mem>>) src(%dma_wait3A_448 : memref<10000x16xbf16, #tpu.memory_space<hbm>>) dst(%dma_wait3A_442 : memref<128x16xbf16, #tpu.memory_space<vmem>>)
      %run_scoped3A_451 = arith.constant 78 : i32
      "tpu.region"() ({
        %run_scoped3A_452 = tpu.sem_alloc : memref<!tpu.dma_semaphore, #tpu.memory_space<semaphore_mem>>
        %dma_start3A_453 = arith.constant 0 : i32
        %dma_start3A_454 = arith.constant 0 : i32
        %dma_start3A_455 = tpu.memref_slice %arg7[%dma_start3A_453, %dma_start3A_454] : memref<768x16xbf16, #tpu.memory_space<vmem>> -> memref<128x16xbf16, #tpu.memory_space<vmem>>
        %dma_start3A_456 = arith.constant 0 : i32
        %dma_start3A_457 = tpu.memref_slice %arg6[%run_scoped3A_451, %dma_start3A_456] : memref<79x128xi32, #tpu.memory_space<vmem>> -> memref<1x128xi32, #tpu.memory_space<vmem>>
        %dma_start3A_458 = tpu.memref_squeeze %dma_start3A_457 : memref<1x128xi32, #tpu.memory_space<vmem>> -> memref<128xi32, #tpu.memory_space<vmem>>
        %dma_start3A_459 = arith.constant 0 : i32
        %dma_start3A_460 = arith.constant 0 : i32
        %dma_start3A_461 = tpu.memref_slice %arg10[%dma_start3A_459, %dma_start3A_460] : memref<10112x16xbf16, #tpu.memory_space<vmem_shared>> -> memref<10112x16xbf16, #tpu.memory_space<vmem_shared>>
        tpu.enqueue_indirect_dma source(%dma_start3A_455 : memref<128x16xbf16, #tpu.memory_space<vmem>>) target(%dma_start3A_461 : memref<10112x16xbf16, #tpu.memory_space<vmem_shared>>) offsets(%dma_start3A_458 : memref<128xi32, #tpu.memory_space<vmem>>) semaphore(%run_scoped3A_452 : memref<!tpu.dma_semaphore, #tpu.memory_space<semaphore_mem>>) {add = true}
        %dma_wait3A_462 = arith.constant 0 : i32
        %dma_wait3A_463 = arith.constant 0 : i32
        %dma_wait3A_464 = tpu.memref_slice %arg7[%dma_wait3A_462, %dma_wait3A_463] : memref<768x16xbf16, #tpu.memory_space<vmem>> -> memref<128x16xbf16, #tpu.memory_space<vmem>>
        %dma_wait3A_465 = arith.constant 0 : i32
        %dma_wait3A_466 = tpu.memref_slice %arg6[%run_scoped3A_451, %dma_wait3A_465] : memref<79x128xi32, #tpu.memory_space<vmem>> -> memref<1x128xi32, #tpu.memory_space<vmem>>
        %dma_wait3A_467 = tpu.memref_squeeze %dma_wait3A_466 : memref<1x128xi32, #tpu.memory_space<vmem>> -> memref<128xi32, #tpu.memory_space<vmem>>
        %dma_wait3A_468 = arith.constant 0 : i32
        %dma_wait3A_469 = arith.constant 0 : i32
        %dma_wait3A_470 = tpu.memref_slice %arg10[%dma_wait3A_468, %dma_wait3A_469] : memref<10112x16xbf16, #tpu.memory_space<vmem_shared>> -> memref<10112x16xbf16, #tpu.memory_space<vmem_shared>>
        tpu.wait_indirect_dma semaphore(%run_scoped3A_452 : memref<!tpu.dma_semaphore, #tpu.memory_space<semaphore_mem>>) src(%dma_wait3A_464 : memref<128x16xbf16, #tpu.memory_space<vmem>>) dst(%dma_wait3A_470 : memref<10112x16xbf16, #tpu.memory_space<vmem_shared>>)
        tpu.yield
      }) : () -> ()
    } else {
    }
    %barrier3A_420 = arith.constant 0 : index
    tpu.barrier barrier_id(%barrier3A_420)
    %mul3A_421 = arith.constant 632 : i32
    %mul3A_422 = arith.muli %arg1, %mul3A_421 : i32
    %mul3A_423 = arith.constant 632 : i32
    %mul3A_424 = arith.muli %arg1, %mul3A_423 : i32
    "tpu.region"() ({
      %run_scoped3A_425 = tpu.sem_alloc : memref<!tpu.dma_semaphore, #tpu.memory_space<semaphore_mem>>
      %dma_start3A_426 = arith.constant 0 : i32
      %dma_start3A_427 = tpu.memref_slice %arg4[%arg0, %mul3A_424, %dma_start3A_426] : memref<2x10112x16xbf16, #tpu.memory_space<hbm>> -> memref<1x632x16xbf16, #tpu.memory_space<hbm>>
      %dma_start3A_428 = tpu.memref_squeeze %dma_start3A_427 : memref<1x632x16xbf16, #tpu.memory_space<hbm>> -> memref<632x16xbf16, #tpu.memory_space<hbm>>
      %dma_start3A_429 = arith.constant 0 : i32
      %dma_start3A_430 = tpu.memref_slice %arg10[%mul3A_422, %dma_start3A_429] : memref<10112x16xbf16, #tpu.memory_space<vmem_shared>> -> memref<632x16xbf16, #tpu.memory_space<vmem_shared>>
      tpu.enqueue_dma source(%dma_start3A_430 : memref<632x16xbf16, #tpu.memory_space<vmem_shared>>) target(%dma_start3A_428 : memref<632x16xbf16, #tpu.memory_space<hbm>>) target_semaphore(%run_scoped3A_425 : memref<!tpu.dma_semaphore, #tpu.memory_space<semaphore_mem>>)
      %dma_wait3A_431 = arith.constant 0 : i32
      %dma_wait3A_432 = tpu.memref_slice %arg4[%arg0, %mul3A_424, %dma_wait3A_431] : memref<2x10112x16xbf16, #tpu.memory_space<hbm>> -> memref<1x632x16xbf16, #tpu.memory_space<hbm>>
      %dma_wait3A_433 = tpu.memref_squeeze %dma_wait3A_432 : memref<1x632x16xbf16, #tpu.memory_space<hbm>> -> memref<632x16xbf16, #tpu.memory_space<hbm>>
      %dma_wait3A_434 = arith.constant 0 : i32
      %dma_wait3A_435 = tpu.memref_slice %arg10[%mul3A_422, %dma_wait3A_434] : memref<10112x16xbf16, #tpu.memory_space<vmem_shared>> -> memref<632x16xbf16, #tpu.memory_space<vmem_shared>>
      tpu.wait_dma2 semaphore(%run_scoped3A_425 : memref<!tpu.dma_semaphore, #tpu.memory_space<semaphore_mem>>) src(%dma_wait3A_435 : memref<632x16xbf16, #tpu.memory_space<vmem_shared>>) dst(%dma_wait3A_433 : memref<632x16xbf16, #tpu.memory_space<hbm>>)
      tpu.yield
    }) : () -> ()
    return
  }
}

module attributes {stable_mosaic.version = 14 : i64} {
  func.func @_tcmm_body(%arg0: memref<1250x1024xf32, #tpu.memory_space<vmem>>, %arg1: memref<1024x128xf32, #tpu.memory_space<vmem>>, %arg2: memref<1250x128xf32, #tpu.memory_space<vmem>>) attributes {dimension_semantics = [], scalar_prefetch = 0 : i64, scratch_operands = 0 : i64, tpu.core_type = #tpu.core_type<tc>} {
    %get3A = arith.constant 0 : index
    %get3A_0 = arith.constant 0 : index
    %get3A_1 = vector.load %arg0[%get3A, %get3A_0] : memref<1250x1024xf32, #tpu.memory_space<vmem>>, vector<1250x1024xf32>
    %get3A_2 = arith.constant 0 : index
    %get3A_3 = arith.constant 0 : index
    %get3A_4 = vector.load %arg1[%get3A_2, %get3A_3] : memref<1024x128xf32, #tpu.memory_space<vmem>>, vector<1024x128xf32>
    %dot_general3A = arith.constant dense<0.000000e+00> : vector<1250x128xf32>
    %dot_general3A_5 = tpu.matmul %get3A_1, %get3A_4, %dot_general3A {dimension_numbers = #tpu.dot_dimension_numbers<[1], [0], [0], [1], [0, 0, 1, 1], [], []>, transpose_lhs_hint = false} : vector<1250x1024xf32>, vector<1024x128xf32>, vector<1250x128xf32> -> vector<1250x128xf32>
    %swap3A = arith.constant 0 : index
    %swap3A_6 = arith.constant 0 : index
    %swap3A_7 = vector.load %arg2[%swap3A, %swap3A_6] : memref<1250x128xf32, #tpu.memory_space<vmem>>, vector<1250x128xf32>
    tpu.vector_store %arg2[%swap3A, %swap3A_6], %dot_general3A_5 {strides = array<i32>} : memref<1250x128xf32, #tpu.memory_space<vmem>>, vector<1250x128xf32>,
    return
  }
}

module attributes {stable_mosaic.version = 14 : i64} {
  func.func @_tcdinv_body(%arg0: memref<2x80x128xf32, #tpu.memory_space<vmem>>, %arg1: memref<80x128xf32, #tpu.memory_space<vmem>>) attributes {dimension_semantics = [], scalar_prefetch = 0 : i64, scratch_operands = 0 : i64, tpu.core_type = #tpu.core_type<tc>} {
    %get3A = arith.constant 0 : index
    %get3A_0 = arith.constant 0 : index
    %get3A_1 = arith.constant 0 : index
    %get3A_2 = vector.load %arg0[%get3A, %get3A_0, %get3A_1] : memref<2x80x128xf32, #tpu.memory_space<vmem>>, vector<1x80x128xf32>
    %get3A_3 = vector.shape_cast %get3A_2 : vector<1x80x128xf32> to vector<80x128xf32>
    %get3A_4 = arith.constant 1 : index
    %get3A_5 = arith.constant 0 : index
    %get3A_6 = arith.constant 0 : index
    %get3A_7 = vector.load %arg0[%get3A_4, %get3A_5, %get3A_6] : memref<2x80x128xf32, #tpu.memory_space<vmem>>, vector<1x80x128xf32>
    %get3A_8 = vector.shape_cast %get3A_7 : vector<1x80x128xf32> to vector<80x128xf32>
    %add3A = arith.addf %get3A_3, %get3A_8 : vector<80x128xf32>
    %add3A_9 = arith.constant 1.000000e+00 : f32
    %add3A_10 = vector.broadcast %add3A_9 : f32 to vector<80x128xf32>
    %add3A_11 = arith.addf %add3A, %add3A_10 : vector<80x128xf32>
    %rsqrt3A = math.rsqrt %add3A_11 : vector<80x128xf32>
    %swap3A = arith.constant 0 : index
    %swap3A_12 = arith.constant 0 : index
    %swap3A_13 = vector.load %arg1[%swap3A, %swap3A_12] : memref<80x128xf32, #tpu.memory_space<vmem>>, vector<80x128xf32>
    tpu.vector_store %arg1[%swap3A, %swap3A_12], %rsqrt3A {strides = array<i32>} : memref<80x128xf32, #tpu.memory_space<vmem>>, vector<80x128xf32>,
    return
  }
}

module attributes {stable_mosaic.version = 14 : i64} {
  func.func @_tcscale_body(%arg0: memref<1250x128xf32, #tpu.memory_space<vmem>>, %arg1: memref<1250x128xf32, #tpu.memory_space<vmem>>, %arg2: memref<1250x128xf32, #tpu.memory_space<vmem>>, %arg3: memref<1250x128xbf16, #tpu.memory_space<vmem>>) attributes {dimension_semantics = [], scalar_prefetch = 0 : i64, scratch_operands = 0 : i64, tpu.core_type = #tpu.core_type<tc>} {
    %get3A = arith.constant 0 : index
    %get3A_0 = arith.constant 0 : index
    %get3A_1 = vector.load %arg0[%get3A, %get3A_0] : memref<1250x128xf32, #tpu.memory_space<vmem>>, vector<1250x128xf32>
    %get3A_2 = arith.constant 0 : index
    %get3A_3 = arith.constant 0 : index
    %get3A_4 = vector.load %arg1[%get3A_2, %get3A_3] : memref<1250x128xf32, #tpu.memory_space<vmem>>, vector<1250x128xf32>
    %mul3A = arith.mulf %get3A_1, %get3A_4 : vector<1250x128xf32>
    %swap3A = arith.constant 0 : index
    %swap3A_5 = arith.constant 0 : index
    %swap3A_6 = vector.load %arg2[%swap3A, %swap3A_5] : memref<1250x128xf32, #tpu.memory_space<vmem>>, vector<1250x128xf32>
    tpu.vector_store %arg2[%swap3A, %swap3A_5], %mul3A {strides = array<i32>} : memref<1250x128xf32, #tpu.memory_space<vmem>>, vector<1250x128xf32>,
    %convert_element_type3A = arith.truncf %mul3A : vector<1250x128xf32> to vector<1250x128xbf16>
    %swap3A_7 = arith.constant 0 : index
    %swap3A_8 = arith.constant 0 : index
    %swap3A_9 = vector.load %arg3[%swap3A_7, %swap3A_8] : memref<1250x128xbf16, #tpu.memory_space<vmem>>, vector<1250x128xbf16>
    tpu.vector_store %arg3[%swap3A_7, %swap3A_8], %convert_element_type3A {strides = array<i32>} : memref<1250x128xbf16, #tpu.memory_space<vmem>>, vector<1250x128xbf16>,
    return
  }
}

module attributes {stable_mosaic.version = 14 : i64} {
  func.func @_tc2_body(%arg0: memref<2x1264x128xbf16, #tpu.memory_space<vmem>>, %arg1: memref<1250x128xf32, #tpu.memory_space<vmem>>, %arg2: memref<1250x128xf32, #tpu.memory_space<vmem>>, %arg3: memref<1x128xf32, #tpu.memory_space<vmem>>, %arg4: memref<128x128xf32, #tpu.memory_space<vmem>>, %arg5: memref<1250x128xf32, #tpu.memory_space<vmem>>, %arg6: memref<1250x128xbf16, #tpu.memory_space<vmem>>) attributes {dimension_semantics = [], scalar_prefetch = 0 : i64, scratch_operands = 0 : i64, tpu.core_type = #tpu.core_type<tc>} {
    %get3A = arith.constant 0 : index
    %get3A_0 = arith.constant 0 : index
    %get3A_1 = arith.constant 0 : index
    %get3A_2 = vector.load %arg0[%get3A, %get3A_0, %get3A_1] : memref<2x1264x128xbf16, #tpu.memory_space<vmem>>, vector<1x1250x128xbf16>
    %get3A_3 = vector.shape_cast %get3A_2 : vector<1x1250x128xbf16> to vector<1250x128xbf16>
    %get3A_4 = arith.constant 1 : index
    %get3A_5 = arith.constant 0 : index
    %get3A_6 = arith.constant 0 : index
    %get3A_7 = vector.load %arg0[%get3A_4, %get3A_5, %get3A_6] : memref<2x1264x128xbf16, #tpu.memory_space<vmem>>, vector<1x1250x128xbf16>
    %get3A_8 = vector.shape_cast %get3A_7 : vector<1x1250x128xbf16> to vector<1250x128xbf16>
    %add3A = arith.addf %get3A_3, %get3A_8 : vector<1250x128xbf16>
    %convert_element_type3A = arith.extf %add3A : vector<1250x128xbf16> to vector<1250x128xf32>
    %get3A_9 = arith.constant 0 : index
    %get3A_10 = arith.constant 0 : index
    %get3A_11 = vector.load %arg1[%get3A_9, %get3A_10] : memref<1250x128xf32, #tpu.memory_space<vmem>>, vector<1250x128xf32>
    %add3A_12 = arith.addf %convert_element_type3A, %get3A_11 : vector<1250x128xf32>
    %get3A_13 = arith.constant 0 : index
    %get3A_14 = arith.constant 0 : index
    %get3A_15 = vector.load %arg2[%get3A_13, %get3A_14] : memref<1250x128xf32, #tpu.memory_space<vmem>>, vector<1250x128xf32>
    %mul3A = arith.mulf %get3A_15, %add3A_12 : vector<1250x128xf32>
    %get3A_16 = arith.constant 0 : index
    %get3A_17 = arith.constant 0 : index
    %get3A_18 = vector.load %arg3[%get3A_16, %get3A_17] : memref<1x128xf32, #tpu.memory_space<vmem>>, vector<1x128xf32>
    %add3A_19 = vector.broadcast %get3A_18 : vector<1x128xf32> to vector<1250x128xf32>
    %add3A_20 = arith.addf %mul3A, %add3A_19 : vector<1250x128xf32>
    %max3A = arith.constant 0.000000e+00 : f32
    %max3A_21 = vector.broadcast %max3A : f32 to vector<1250x128xf32>
    %max3A_22 = arith.maximumf %add3A_20, %max3A_21 : vector<1250x128xf32>
    %get3A_23 = arith.constant 0 : index
    %get3A_24 = arith.constant 0 : index
    %get3A_25 = vector.load %arg2[%get3A_23, %get3A_24] : memref<1250x128xf32, #tpu.memory_space<vmem>>, vector<1250x128xf32>
    %get3A_26 = arith.constant 0 : index
    %get3A_27 = arith.constant 0 : index
    %get3A_28 = vector.load %arg4[%get3A_26, %get3A_27] : memref<128x128xf32, #tpu.memory_space<vmem>>, vector<128x128xf32>
    %dot_general3A = arith.constant dense<0.000000e+00> : vector<1250x128xf32>
    %dot_general3A_29 = tpu.matmul %max3A_22, %get3A_28, %dot_general3A {dimension_numbers = #tpu.dot_dimension_numbers<[1], [0], [0], [1], [0, 0, 1, 1], [], []>, transpose_lhs_hint = false} : vector<1250x128xf32>, vector<128x128xf32>, vector<1250x128xf32> -> vector<1250x128xf32>
    %mul3A_30 = arith.mulf %get3A_25, %dot_general3A_29 : vector<1250x128xf32>
    %swap3A = arith.constant 0 : index
    %swap3A_31 = arith.constant 0 : index
    %swap3A_32 = vector.load %arg5[%swap3A, %swap3A_31] : memref<1250x128xf32, #tpu.memory_space<vmem>>, vector<1250x128xf32>
    tpu.vector_store %arg5[%swap3A, %swap3A_31], %mul3A_30 {strides = array<i32>} : memref<1250x128xf32, #tpu.memory_space<vmem>>, vector<1250x128xf32>,
    %convert_element_type3A_33 = arith.truncf %mul3A_30 : vector<1250x128xf32> to vector<1250x128xbf16>
    %swap3A_34 = arith.constant 0 : index
    %swap3A_35 = arith.constant 0 : index
    %swap3A_36 = vector.load %arg6[%swap3A_34, %swap3A_35] : memref<1250x128xbf16, #tpu.memory_space<vmem>>, vector<1250x128xbf16>
    tpu.vector_store %arg6[%swap3A_34, %swap3A_35], %convert_element_type3A_33 {strides = array<i32>} : memref<1250x128xbf16, #tpu.memory_space<vmem>>, vector<1250x128xbf16>,
    return
  }
}

module attributes {stable_mosaic.version = 14 : i64} {
  func.func @_tc3_body(%arg0: memref<2x1264x128xbf16, #tpu.memory_space<vmem>>, %arg1: memref<1250x128xf32, #tpu.memory_space<vmem>>, %arg2: memref<1250x128xf32, #tpu.memory_space<vmem>>, %arg3: memref<1x128xf32, #tpu.memory_space<vmem>>, %arg4: memref<1250x8xi32, #tpu.memory_space<vmem>>, %arg5: memref<16x2xf32, #tpu.memory_space<vmem>>, %arg6: memref<1x2xf32, #tpu.memory_space<vmem>>, %arg7: memref<64x2xf32, #tpu.memory_space<vmem>>) attributes {dimension_semantics = [], scalar_prefetch = 0 : i64, scratch_operands = 0 : i64, tpu.core_type = #tpu.core_type<tc>} {
    %get3A = arith.constant 0 : index
    %get3A_0 = arith.constant 0 : index
    %get3A_1 = arith.constant 0 : index
    %get3A_2 = vector.load %arg0[%get3A, %get3A_0, %get3A_1] : memref<2x1264x128xbf16, #tpu.memory_space<vmem>>, vector<1x1250x128xbf16>
    %get3A_3 = vector.shape_cast %get3A_2 : vector<1x1250x128xbf16> to vector<1250x128xbf16>
    %get3A_4 = arith.constant 1 : index
    %get3A_5 = arith.constant 0 : index
    %get3A_6 = arith.constant 0 : index
    %get3A_7 = vector.load %arg0[%get3A_4, %get3A_5, %get3A_6] : memref<2x1264x128xbf16, #tpu.memory_space<vmem>>, vector<1x1250x128xbf16>
    %get3A_8 = vector.shape_cast %get3A_7 : vector<1x1250x128xbf16> to vector<1250x128xbf16>
    %add3A = arith.addf %get3A_3, %get3A_8 : vector<1250x128xbf16>
    %convert_element_type3A = arith.extf %add3A : vector<1250x128xbf16> to vector<1250x128xf32>
    %get3A_9 = arith.constant 0 : index
    %get3A_10 = arith.constant 0 : index
    %get3A_11 = vector.load %arg1[%get3A_9, %get3A_10] : memref<1250x128xf32, #tpu.memory_space<vmem>>, vector<1250x128xf32>
    %add3A_12 = arith.addf %convert_element_type3A, %get3A_11 : vector<1250x128xf32>
    %get3A_13 = arith.constant 0 : index
    %get3A_14 = arith.constant 0 : index
    %get3A_15 = vector.load %arg2[%get3A_13, %get3A_14] : memref<1250x128xf32, #tpu.memory_space<vmem>>, vector<1250x128xf32>
    %mul3A = arith.mulf %get3A_15, %add3A_12 : vector<1250x128xf32>
    %get3A_16 = arith.constant 0 : index
    %get3A_17 = arith.constant 0 : index
    %get3A_18 = vector.load %arg3[%get3A_16, %get3A_17] : memref<1x128xf32, #tpu.memory_space<vmem>>, vector<1x128xf32>
    %add3A_19 = vector.broadcast %get3A_18 : vector<1x128xf32> to vector<1250x128xf32>
    %add3A_20 = arith.addf %mul3A, %add3A_19 : vector<1250x128xf32>
    %max3A = arith.constant 0.000000e+00 : f32
    %max3A_21 = vector.broadcast %max3A : f32 to vector<1250x128xf32>
    %max3A_22 = arith.maximumf %add3A_20, %max3A_21 : vector<1250x128xf32>
    %iota3A = tpu.iota {dimensions = array<i32: 1>} : vector<1x64xi32>
    %broadcast_in_dim3A = arith.constant 1.000000e+00 : f32
    %broadcast_in_dim3A_23 = vector.broadcast %broadcast_in_dim3A : f32 to vector<1250x1xf32>
    %broadcast_in_dim3A_24 = arith.constant 0.000000e+00 : f32
    %broadcast_in_dim3A_25 = vector.broadcast %broadcast_in_dim3A_24 : f32 to vector<64x16xf32>
    %broadcast_in_dim3A_26 = arith.constant 0.000000e+00 : f32
    %broadcast_in_dim3A_27 = vector.broadcast %broadcast_in_dim3A_26 : f32 to vector<64x1xf32>
    %get3A_28 = arith.constant 0 : index
    %get3A_29 = arith.constant 0 : index
    %get3A_30 = vector.load %arg4[%get3A_28, %get3A_29] : memref<1250x8xi32, #tpu.memory_space<vmem>>, vector<1250x1xi32>
    %eq3A = vector.broadcast %get3A_30 : vector<1250x1xi32> to vector<1250x64xi32>
    %eq3A_31 = vector.broadcast %iota3A : vector<1x64xi32> to vector<1250x64xi32>
    %eq3A_32 = arith.cmpi eq, %eq3A, %eq3A_31 : vector<1250x64xi32>
    %convert_element_type3A_33 = arith.extui %eq3A_32 : vector<1250x64xi1> to vector<1250x64xi32>
    %convert_element_type3A_34 = arith.sitofp %convert_element_type3A_33 : vector<1250x64xi32> to vector<1250x64xf32>
    %slice3A = vector.extract_strided_slice %max3A_22 {offsets = [0, 0], sizes = [1250, 16], strides = [1, 1]} : vector<1250x128xf32> to vector<1250x16xf32>
    %dot_general3A = arith.constant dense<0.000000e+00> : vector<64x16xf32>
    %dot_general3A_35 = tpu.matmul %convert_element_type3A_34, %slice3A, %dot_general3A {dimension_numbers = #tpu.dot_dimension_numbers<[0], [0], [1], [1], [0, 1, 1, 1], [], []>, transpose_lhs_hint = false} : vector<1250x64xf32>, vector<1250x16xf32>, vector<64x16xf32> -> vector<64x16xf32>
    %add3A_36 = arith.addf %broadcast_in_dim3A_25, %dot_general3A_35 : vector<64x16xf32>
    %dot_general3A_37 = arith.constant dense<0.000000e+00> : vector<64x1xf32>
    %dot_general3A_38 = tpu.matmul %convert_element_type3A_34, %broadcast_in_dim3A_23, %dot_general3A_37 {dimension_numbers = #tpu.dot_dimension_numbers<[0], [0], [1], [1], [0, 1, 1, 1], [], []>, transpose_lhs_hint = false} : vector<1250x64xf32>, vector<1250x1xf32>, vector<64x1xf32> -> vector<64x1xf32>
    %add3A_39 = arith.addf %broadcast_in_dim3A_27, %dot_general3A_38 : vector<64x1xf32>
    %get3A_40 = arith.constant 0 : index
    %get3A_41 = arith.constant 1 : index
    %get3A_42 = vector.load %arg4[%get3A_40, %get3A_41] : memref<1250x8xi32, #tpu.memory_space<vmem>>, vector<1250x1xi32>
    %eq3A_43 = vector.broadcast %get3A_42 : vector<1250x1xi32> to vector<1250x64xi32>
    %eq3A_44 = vector.broadcast %iota3A : vector<1x64xi32> to vector<1250x64xi32>
    %eq3A_45 = arith.cmpi eq, %eq3A_43, %eq3A_44 : vector<1250x64xi32>
    %convert_element_type3A_46 = arith.extui %eq3A_45 : vector<1250x64xi1> to vector<1250x64xi32>
    %convert_element_type3A_47 = arith.sitofp %convert_element_type3A_46 : vector<1250x64xi32> to vector<1250x64xf32>
    %slice3A_48 = vector.extract_strided_slice %max3A_22 {offsets = [0, 16], sizes = [1250, 16], strides = [1, 1]} : vector<1250x128xf32> to vector<1250x16xf32>
    %dot_general3A_49 = arith.constant dense<0.000000e+00> : vector<64x16xf32>
    %dot_general3A_50 = tpu.matmul %convert_element_type3A_47, %slice3A_48, %dot_general3A_49 {dimension_numbers = #tpu.dot_dimension_numbers<[0], [0], [1], [1], [0, 1, 1, 1], [], []>, transpose_lhs_hint = false} : vector<1250x64xf32>, vector<1250x16xf32>, vector<64x16xf32> -> vector<64x16xf32>
    %add3A_51 = arith.addf %add3A_36, %dot_general3A_50 : vector<64x16xf32>
    %dot_general3A_52 = arith.constant dense<0.000000e+00> : vector<64x1xf32>
    %dot_general3A_53 = tpu.matmul %convert_element_type3A_47, %broadcast_in_dim3A_23, %dot_general3A_52 {dimension_numbers = #tpu.dot_dimension_numbers<[0], [0], [1], [1], [0, 1, 1, 1], [], []>, transpose_lhs_hint = false} : vector<1250x64xf32>, vector<1250x1xf32>, vector<64x1xf32> -> vector<64x1xf32>
    %add3A_54 = arith.addf %add3A_39, %dot_general3A_53 : vector<64x1xf32>
    %get3A_55 = arith.constant 0 : index
    %get3A_56 = arith.constant 2 : index
    %get3A_57 = vector.load %arg4[%get3A_55, %get3A_56] : memref<1250x8xi32, #tpu.memory_space<vmem>>, vector<1250x1xi32>
    %eq3A_58 = vector.broadcast %get3A_57 : vector<1250x1xi32> to vector<1250x64xi32>
    %eq3A_59 = vector.broadcast %iota3A : vector<1x64xi32> to vector<1250x64xi32>
    %eq3A_60 = arith.cmpi eq, %eq3A_58, %eq3A_59 : vector<1250x64xi32>
    %convert_element_type3A_61 = arith.extui %eq3A_60 : vector<1250x64xi1> to vector<1250x64xi32>
    %convert_element_type3A_62 = arith.sitofp %convert_element_type3A_61 : vector<1250x64xi32> to vector<1250x64xf32>
    %slice3A_63 = vector.extract_strided_slice %max3A_22 {offsets = [0, 32], sizes = [1250, 16], strides = [1, 1]} : vector<1250x128xf32> to vector<1250x16xf32>
    %dot_general3A_64 = arith.constant dense<0.000000e+00> : vector<64x16xf32>
    %dot_general3A_65 = tpu.matmul %convert_element_type3A_62, %slice3A_63, %dot_general3A_64 {dimension_numbers = #tpu.dot_dimension_numbers<[0], [0], [1], [1], [0, 1, 1, 1], [], []>, transpose_lhs_hint = false} : vector<1250x64xf32>, vector<1250x16xf32>, vector<64x16xf32> -> vector<64x16xf32>
    %add3A_66 = arith.addf %add3A_51, %dot_general3A_65 : vector<64x16xf32>
    %dot_general3A_67 = arith.constant dense<0.000000e+00> : vector<64x1xf32>
    %dot_general3A_68 = tpu.matmul %convert_element_type3A_62, %broadcast_in_dim3A_23, %dot_general3A_67 {dimension_numbers = #tpu.dot_dimension_numbers<[0], [0], [1], [1], [0, 1, 1, 1], [], []>, transpose_lhs_hint = false} : vector<1250x64xf32>, vector<1250x1xf32>, vector<64x1xf32> -> vector<64x1xf32>
    %add3A_69 = arith.addf %add3A_54, %dot_general3A_68 : vector<64x1xf32>
    %get3A_70 = arith.constant 0 : index
    %get3A_71 = arith.constant 3 : index
    %get3A_72 = vector.load %arg4[%get3A_70, %get3A_71] : memref<1250x8xi32, #tpu.memory_space<vmem>>, vector<1250x1xi32>
    %eq3A_73 = vector.broadcast %get3A_72 : vector<1250x1xi32> to vector<1250x64xi32>
    %eq3A_74 = vector.broadcast %iota3A : vector<1x64xi32> to vector<1250x64xi32>
    %eq3A_75 = arith.cmpi eq, %eq3A_73, %eq3A_74 : vector<1250x64xi32>
    %convert_element_type3A_76 = arith.extui %eq3A_75 : vector<1250x64xi1> to vector<1250x64xi32>
    %convert_element_type3A_77 = arith.sitofp %convert_element_type3A_76 : vector<1250x64xi32> to vector<1250x64xf32>
    %slice3A_78 = vector.extract_strided_slice %max3A_22 {offsets = [0, 48], sizes = [1250, 16], strides = [1, 1]} : vector<1250x128xf32> to vector<1250x16xf32>
    %dot_general3A_79 = arith.constant dense<0.000000e+00> : vector<64x16xf32>
    %dot_general3A_80 = tpu.matmul %convert_element_type3A_77, %slice3A_78, %dot_general3A_79 {dimension_numbers = #tpu.dot_dimension_numbers<[0], [0], [1], [1], [0, 1, 1, 1], [], []>, transpose_lhs_hint = false} : vector<1250x64xf32>, vector<1250x16xf32>, vector<64x16xf32> -> vector<64x16xf32>
    %add3A_81 = arith.addf %add3A_66, %dot_general3A_80 : vector<64x16xf32>
    %dot_general3A_82 = arith.constant dense<0.000000e+00> : vector<64x1xf32>
    %dot_general3A_83 = tpu.matmul %convert_element_type3A_77, %broadcast_in_dim3A_23, %dot_general3A_82 {dimension_numbers = #tpu.dot_dimension_numbers<[0], [0], [1], [1], [0, 1, 1, 1], [], []>, transpose_lhs_hint = false} : vector<1250x64xf32>, vector<1250x1xf32>, vector<64x1xf32> -> vector<64x1xf32>
    %add3A_84 = arith.addf %add3A_69, %dot_general3A_83 : vector<64x1xf32>
    %get3A_85 = arith.constant 0 : index
    %get3A_86 = arith.constant 4 : index
    %get3A_87 = vector.load %arg4[%get3A_85, %get3A_86] : memref<1250x8xi32, #tpu.memory_space<vmem>>, vector<1250x1xi32>
    %eq3A_88 = vector.broadcast %get3A_87 : vector<1250x1xi32> to vector<1250x64xi32>
    %eq3A_89 = vector.broadcast %iota3A : vector<1x64xi32> to vector<1250x64xi32>
    %eq3A_90 = arith.cmpi eq, %eq3A_88, %eq3A_89 : vector<1250x64xi32>
    %convert_element_type3A_91 = arith.extui %eq3A_90 : vector<1250x64xi1> to vector<1250x64xi32>
    %convert_element_type3A_92 = arith.sitofp %convert_element_type3A_91 : vector<1250x64xi32> to vector<1250x64xf32>
    %slice3A_93 = vector.extract_strided_slice %max3A_22 {offsets = [0, 64], sizes = [1250, 16], strides = [1, 1]} : vector<1250x128xf32> to vector<1250x16xf32>
    %dot_general3A_94 = arith.constant dense<0.000000e+00> : vector<64x16xf32>
    %dot_general3A_95 = tpu.matmul %convert_element_type3A_92, %slice3A_93, %dot_general3A_94 {dimension_numbers = #tpu.dot_dimension_numbers<[0], [0], [1], [1], [0, 1, 1, 1], [], []>, transpose_lhs_hint = false} : vector<1250x64xf32>, vector<1250x16xf32>, vector<64x16xf32> -> vector<64x16xf32>
    %add3A_96 = arith.addf %add3A_81, %dot_general3A_95 : vector<64x16xf32>
    %dot_general3A_97 = arith.constant dense<0.000000e+00> : vector<64x1xf32>
    %dot_general3A_98 = tpu.matmul %convert_element_type3A_92, %broadcast_in_dim3A_23, %dot_general3A_97 {dimension_numbers = #tpu.dot_dimension_numbers<[0], [0], [1], [1], [0, 1, 1, 1], [], []>, transpose_lhs_hint = false} : vector<1250x64xf32>, vector<1250x1xf32>, vector<64x1xf32> -> vector<64x1xf32>
    %add3A_99 = arith.addf %add3A_84, %dot_general3A_98 : vector<64x1xf32>
    %get3A_100 = arith.constant 0 : index
    %get3A_101 = arith.constant 5 : index
    %get3A_102 = vector.load %arg4[%get3A_100, %get3A_101] : memref<1250x8xi32, #tpu.memory_space<vmem>>, vector<1250x1xi32>
    %eq3A_103 = vector.broadcast %get3A_102 : vector<1250x1xi32> to vector<1250x64xi32>
    %eq3A_104 = vector.broadcast %iota3A : vector<1x64xi32> to vector<1250x64xi32>
    %eq3A_105 = arith.cmpi eq, %eq3A_103, %eq3A_104 : vector<1250x64xi32>
    %convert_element_type3A_106 = arith.extui %eq3A_105 : vector<1250x64xi1> to vector<1250x64xi32>
    %convert_element_type3A_107 = arith.sitofp %convert_element_type3A_106 : vector<1250x64xi32> to vector<1250x64xf32>
    %slice3A_108 = vector.extract_strided_slice %max3A_22 {offsets = [0, 80], sizes = [1250, 16], strides = [1, 1]} : vector<1250x128xf32> to vector<1250x16xf32>
    %dot_general3A_109 = arith.constant dense<0.000000e+00> : vector<64x16xf32>
    %dot_general3A_110 = tpu.matmul %convert_element_type3A_107, %slice3A_108, %dot_general3A_109 {dimension_numbers = #tpu.dot_dimension_numbers<[0], [0], [1], [1], [0, 1, 1, 1], [], []>, transpose_lhs_hint = false} : vector<1250x64xf32>, vector<1250x16xf32>, vector<64x16xf32> -> vector<64x16xf32>
    %add3A_111 = arith.addf %add3A_96, %dot_general3A_110 : vector<64x16xf32>
    %dot_general3A_112 = arith.constant dense<0.000000e+00> : vector<64x1xf32>
    %dot_general3A_113 = tpu.matmul %convert_element_type3A_107, %broadcast_in_dim3A_23, %dot_general3A_112 {dimension_numbers = #tpu.dot_dimension_numbers<[0], [0], [1], [1], [0, 1, 1, 1], [], []>, transpose_lhs_hint = false} : vector<1250x64xf32>, vector<1250x1xf32>, vector<64x1xf32> -> vector<64x1xf32>
    %add3A_114 = arith.addf %add3A_99, %dot_general3A_113 : vector<64x1xf32>
    %get3A_115 = arith.constant 0 : index
    %get3A_116 = arith.constant 6 : index
    %get3A_117 = vector.load %arg4[%get3A_115, %get3A_116] : memref<1250x8xi32, #tpu.memory_space<vmem>>, vector<1250x1xi32>
    %eq3A_118 = vector.broadcast %get3A_117 : vector<1250x1xi32> to vector<1250x64xi32>
    %eq3A_119 = vector.broadcast %iota3A : vector<1x64xi32> to vector<1250x64xi32>
    %eq3A_120 = arith.cmpi eq, %eq3A_118, %eq3A_119 : vector<1250x64xi32>
    %convert_element_type3A_121 = arith.extui %eq3A_120 : vector<1250x64xi1> to vector<1250x64xi32>
    %convert_element_type3A_122 = arith.sitofp %convert_element_type3A_121 : vector<1250x64xi32> to vector<1250x64xf32>
    %slice3A_123 = vector.extract_strided_slice %max3A_22 {offsets = [0, 96], sizes = [1250, 16], strides = [1, 1]} : vector<1250x128xf32> to vector<1250x16xf32>
    %dot_general3A_124 = arith.constant dense<0.000000e+00> : vector<64x16xf32>
    %dot_general3A_125 = tpu.matmul %convert_element_type3A_122, %slice3A_123, %dot_general3A_124 {dimension_numbers = #tpu.dot_dimension_numbers<[0], [0], [1], [1], [0, 1, 1, 1], [], []>, transpose_lhs_hint = false} : vector<1250x64xf32>, vector<1250x16xf32>, vector<64x16xf32> -> vector<64x16xf32>
    %add3A_126 = arith.addf %add3A_111, %dot_general3A_125 : vector<64x16xf32>
    %dot_general3A_127 = arith.constant dense<0.000000e+00> : vector<64x1xf32>
    %dot_general3A_128 = tpu.matmul %convert_element_type3A_122, %broadcast_in_dim3A_23, %dot_general3A_127 {dimension_numbers = #tpu.dot_dimension_numbers<[0], [0], [1], [1], [0, 1, 1, 1], [], []>, transpose_lhs_hint = false} : vector<1250x64xf32>, vector<1250x1xf32>, vector<64x1xf32> -> vector<64x1xf32>
    %add3A_129 = arith.addf %add3A_114, %dot_general3A_128 : vector<64x1xf32>
    %get3A_130 = arith.constant 0 : index
    %get3A_131 = arith.constant 7 : index
    %get3A_132 = vector.load %arg4[%get3A_130, %get3A_131] : memref<1250x8xi32, #tpu.memory_space<vmem>>, vector<1250x1xi32>
    %eq3A_133 = vector.broadcast %get3A_132 : vector<1250x1xi32> to vector<1250x64xi32>
    %eq3A_134 = vector.broadcast %iota3A : vector<1x64xi32> to vector<1250x64xi32>
    %eq3A_135 = arith.cmpi eq, %eq3A_133, %eq3A_134 : vector<1250x64xi32>
    %convert_element_type3A_136 = arith.extui %eq3A_135 : vector<1250x64xi1> to vector<1250x64xi32>
    %convert_element_type3A_137 = arith.sitofp %convert_element_type3A_136 : vector<1250x64xi32> to vector<1250x64xf32>
    %slice3A_138 = vector.extract_strided_slice %max3A_22 {offsets = [0, 112], sizes = [1250, 16], strides = [1, 1]} : vector<1250x128xf32> to vector<1250x16xf32>
    %dot_general3A_139 = arith.constant dense<0.000000e+00> : vector<64x16xf32>
    %dot_general3A_140 = tpu.matmul %convert_element_type3A_137, %slice3A_138, %dot_general3A_139 {dimension_numbers = #tpu.dot_dimension_numbers<[0], [0], [1], [1], [0, 1, 1, 1], [], []>, transpose_lhs_hint = false} : vector<1250x64xf32>, vector<1250x16xf32>, vector<64x16xf32> -> vector<64x16xf32>
    %add3A_141 = arith.addf %add3A_126, %dot_general3A_140 : vector<64x16xf32>
    %dot_general3A_142 = arith.constant dense<0.000000e+00> : vector<64x1xf32>
    %dot_general3A_143 = tpu.matmul %convert_element_type3A_137, %broadcast_in_dim3A_23, %dot_general3A_142 {dimension_numbers = #tpu.dot_dimension_numbers<[0], [0], [1], [1], [0, 1, 1, 1], [], []>, transpose_lhs_hint = false} : vector<1250x64xf32>, vector<1250x1xf32>, vector<64x1xf32> -> vector<64x1xf32>
    %add3A_144 = arith.addf %add3A_129, %dot_general3A_143 : vector<64x1xf32>
    %max3A_145 = arith.constant 1.000000e+00 : f32
    %max3A_146 = vector.broadcast %max3A_145 : f32 to vector<64x1xf32>
    %max3A_147 = arith.maximumf %add3A_144, %max3A_146 : vector<64x1xf32>
    %div3A = vector.broadcast %max3A_147 : vector<64x1xf32> to vector<64x16xf32>
    %div3A_148 = arith.divf %add3A_141, %div3A : vector<64x16xf32>
    %get3A_149 = arith.constant 0 : index
    %get3A_150 = arith.constant 0 : index
    %get3A_151 = vector.load %arg5[%get3A_149, %get3A_150] : memref<16x2xf32, #tpu.memory_space<vmem>>, vector<16x2xf32>
    %dot_general3A_152 = arith.constant dense<0.000000e+00> : vector<64x2xf32>
    %dot_general3A_153 = tpu.matmul %div3A_148, %get3A_151, %dot_general3A_152 {dimension_numbers = #tpu.dot_dimension_numbers<[1], [0], [0], [1], [0, 0, 1, 1], [], []>, transpose_lhs_hint = false} : vector<64x16xf32>, vector<16x2xf32>, vector<64x2xf32> -> vector<64x2xf32>
    %get3A_154 = arith.constant 0 : index
    %get3A_155 = arith.constant 0 : index
    %get3A_156 = vector.load %arg6[%get3A_154, %get3A_155] : memref<1x2xf32, #tpu.memory_space<vmem>>, vector<1x2xf32>
    %add3A_157 = vector.broadcast %get3A_156 : vector<1x2xf32> to vector<64x2xf32>
    %add3A_158 = arith.addf %dot_general3A_153, %add3A_157 : vector<64x2xf32>
    %swap3A = arith.constant 0 : index
    %swap3A_159 = arith.constant 0 : index
    %swap3A_160 = vector.load %arg7[%swap3A, %swap3A_159] : memref<64x2xf32, #tpu.memory_space<vmem>>, vector<64x2xf32>
    tpu.vector_store %arg7[%swap3A, %swap3A_159], %add3A_158 {strides = array<i32>} : memref<64x2xf32, #tpu.memory_space<vmem>>, vector<64x2xf32>,
    return
  }
}

</mosaic_0001>

<sc_bundles>
// kernel: kernel.10.cloned.1.call-start
scs
__scs_entry_jumppad:
0x0: {  	(pc) =	sbr.rel $0x88, $3  }
0x1: {  	(tag) =	ssettag $0x0;
	lr =	simm.s32 $0x1  }
0x2: {  	[smem:$0x3F98] =	sst lr;
	_ =	strace $0xD0000000  }
0x3: {  	_ = 	snop  }
0x4: {  	_ = 	snop  }
0x5: {  	_ = 	snop  }
0x6: {  	_ = 	snop  }
0x7: {  	_ = 	snop  }
__scs_overlays_trampoline_lowered:
0x8: {  	[smem:$0x3FA7] =	sst s0  }
0x9: {  	[smem:$0x3FA8] =	sst s1  }
0xa: {  	[smem:$0x3FA9] =	sst s2  }
0xb: {  	[smem:$0x3FAA] =	sst s3  }
0xc: {  	[smem:$0x3FAB] =	sst s4  }
0xd: {  	[smem:$0x3FAC] =	sst s5  }
0xe: {  	[smem:$0x3FAD] =	sst s6  }
0xf: {  	[smem:$0x3FAE] =	sst s7  }
0x10: {  	[smem:$0x3FAF] =	sst s8  }
0x11: {  	[smem:$0x3FB0] =	sst s9;
	s0 =	simm.s32 @!p0 $0x0  }
0x12: {  	s1 =	sld [smem:$0x3F96];
	s0 =	simm.s32 @p0 $0x1  }
0x13: {  	[smem:$0x3FB1] =	sst s0;
	s0 =	simm.s32 @!p1 $0x0  }
0x14: {  	s2 =	sld [smem:$0x3F95];
	s0 =	simm.s32 @p1 $0x1  }
0x15: {  	[smem:$0x3FB2] =	sst s0;
	s0 =	simm.s32 @!p2 $0x0  }
0x16: {  	s3 =	sld [smem:$0x3FDB];
	s0 =	simm.s32 @p2 $0x1  }
0x17: {  	s4 =	simm.s32 $0x1BF5;
	[smem:$0x3FB4] =	sst s0  }
0x18: {  	s0 =	sld [smem:$0x3F97];
	_ =	swait.ge [sflag:s4], $0x0  }
0x19: {  	s7 =	sld [smem:$0x3F98]  }
0x1a: {  	s8 =	sadd.s32 $0xFFFFE003, lr  }
0x1b: {  	s9 =	sadd.s32 $0xFFFFFEF7, lr;
	s5 =	simm.s32 $0xFFFFFFFF;
	p2 =	slt.u32 s8, $0xFFFFF086  }
0x1c: {  	p1 =	slt.u32 s9, $0xF7A;
	s5 =	simm.s32 @!p2 $0x0  }
0x1d: {  	s5 =	simm.s32 @p1 $0x1;
	p0 =	seq.s32 s7, s2  }
0x1e: {  	s7 =	smul.u32 @!p0 $0xF7A, s2;
	p2 =	seq.s32 @!p0 s5, $0x0  }
0x1f: {  	s9 =	smul.u32 $0xF7A, s1;
	s8 =	simm.s32 @!p0 $0x1BF5;
	p2 =	por !p2, p0  }
0x20: {  	[sflag:s8] =	ssyncset.s32 @!p0 $0xFFFFF086;
	s6 =	sadd.s32 @!p0 s3, s7;
	s7 =	simm.s32 @!p0 $0x108  }
0x21: {  	s3 =	sadd.s32 s3, s9;
	s6 =	sadd.s32 @!p0 $0x88, s6;
	s7 =	simm.s32 @p2 $0x1082  }
0x22: {  	[simem:s7], [sflag:s8] =	dma.local @!p0 [hbm:s6], $0xF7A  }
0x23: {  	s9 =	sor.u32 $0xD0000000, s2;
	s6 =	simm.s32 $0x108;
	_ =	swait.ge @!p0 [sflag:s8], $0x0  }
0x24: {  	s3 =	sadd.s32 $0x88, s3;
	s6 =	simm.s32 @!p1 $0x1082;
	[sflag:s4] =	ssyncset.s32 $0xFFFFF086  }
0x25: {  	[simem:s6], [sflag:s4] =	dma.local [hbm:s3], $0xF7A  }
0x26: {  	[smem:$0x3F98] =	sst s1;
	(tag) =	ssettag s2;
	_ =	strace s9  }
0x27: {  	s1 =	sld [smem:$0x3FA8]  }
0x28: {  	s2 =	sld [smem:$0x3FA9]  }
0x29: {  	s4 =	sld [smem:$0x3FAB]  }
0x2a: {  	p0 =	seq.s32 s5, $0x0;
	s5 =	sld [smem:$0x3FAC]  }
0x2b: {  	s6 =	sld [smem:$0x3FAD]  }
0x2c: {  	s7 =	sld [smem:$0x3FAE]  }
0x2d: {  	s3 =	simm.s32 $0x108;
	s8 =	sld [smem:$0x3FAF]  }
0x2e: {  	s3 =	simm.s32 @!p0 $0x1082;
	s9 =	sld [smem:$0x3FB0]  }
0x2f: {  	lr =	sadd.s32 s0, s3;
	s0 =	sld [smem:$0x3FA7]  }
0x30: {  	s3 =	sld [smem:$0x3FAA]  }
0x31: {  	[smem:$0x3FB3] =	sst s10  }
0x32: {  	s10 =	sld [smem:$0x3FB1];
	_ =	sdelay $0x3  }
0x33: {  	p0 =	seq.s32 s10, $0x1;
	s10 =	sld [smem:$0x3FB3];
	_ =	sdelay $0x3  }
0x34: {  	[smem:$0x3FB3] =	sst s10  }
0x35: {  	s10 =	sld [smem:$0x3FB2];
	_ =	sdelay $0x3  }
0x36: {  	p1 =	seq.s32 s10, $0x1;
	s10 =	sld [smem:$0x3FB3];
	_ =	sdelay $0x3  }
0x37: {  	[smem:$0x3FB3] =	sst s10  }
0x38: {  	s10 =	sld [smem:$0x3FB4]  }
0x39: {  	_ = 	snop;
	(pc) =	sbr.ind lr, $3  }
0x3a: {  	_ = 	snop  }
0x3b: {  	_ = 	snop  }
0x3c: {  	p2 =	seq.s32 s10, $0x1;
	s10 =	sld [smem:$0x3FB3]  }
0x3d: {  	_ =	shalt  }
0x3e: {  	_ =	shalt  }
0x3f: {  	_ =	shalt  }
0x40: {  	_ =	shalt  }
0x41: {  	_ =	shalt  }
0x42: {  	_ =	shalt  }
0x43: {  	_ =	shalt  }
0x44: {  	_ =	shalt  }
0x45: {  	_ =	shalt  }
0x46: {  	_ =	shalt  }
0x47: {  	_ =	shalt  }
0x48: {  	_ =	shalt  }
0x49: {  	_ =	shalt  }
0x4a: {  	_ =	shalt  }
0x4b: {  	_ =	shalt  }
0x4c: {  	_ =	shalt  }
0x4d: {  	_ =	shalt  }
0x4e: {  	_ =	shalt  }
0x4f: {  	_ =	shalt  }
0x50: {  	_ =	shalt  }
0x51: {  	_ =	shalt  }
0x52: {  	_ =	shalt  }
0x53: {  	_ =	shalt  }
0x54: {  	_ =	shalt  }
0x55: {  	_ =	shalt  }
0x56: {  	_ =	shalt  }
0x57: {  	_ =	shalt  }
0x58: {  	_ =	shalt  }
0x59: {  	_ =	shalt  }
0x5a: {  	_ =	shalt  }
0x5b: {  	_ =	shalt  }
0x5c: {  	_ =	shalt  }
0x5d: {  	_ =	shalt  }
0x5e: {  	_ =	shalt  }
0x5f: {  	_ =	shalt  }
0x60: {  	_ =	shalt  }
0x61: {  	_ =	shalt  }
0x62: {  	_ =	shalt  }
0x63: {  	_ =	shalt  }
0x64: {  	_ =	shalt  }
0x65: {  	_ =	shalt  }
0x66: {  	_ =	shalt  }
0x67: {  	_ =	shalt  }
0x68: {  	_ =	shalt  }
0x69: {  	_ =	shalt  }
0x6a: {  	_ =	shalt  }
0x6b: {  	_ =	shalt  }
0x6c: {  	_ =	shalt  }
0x6d: {  	_ =	shalt  }
0x6e: {  	_ =	shalt  }
0x6f: {  	_ =	shalt  }
0x70: {  	_ =	shalt  }
0x71: {  	_ =	shalt  }
0x72: {  	_ =	shalt  }
0x73: {  	_ =	shalt  }
0x74: {  	_ =	shalt  }
0x75: {  	_ =	shalt  }
0x76: {  	_ =	shalt  }
0x77: {  	_ =	shalt  }
0x78: {  	_ =	shalt  }
0x79: {  	_ =	shalt  }
0x7a: {  	_ =	shalt  }
0x7b: {  	_ =	shalt  }
0x7c: {  	_ =	shalt  }
0x7d: {  	_ =	shalt  }
0x7e: {  	_ =	shalt  }
0x7f: {  	_ =	shalt  }
0x80: {  	_ =	shalt  }
0x81: {  	_ =	shalt  }
0x82: {  	_ =	shalt  }
0x83: {  	_ =	shalt  }
0x84: {  	_ =	shalt  }
0x85: {  	_ =	shalt  }
0x86: {  	_ =	shalt  }
0x87: {  	_ =	shalt  }
.Lfunc_end0:
.L_simem_size_0:
called_computation_lowered:
.L_overlay_start_0:
0x88: {  	s2 =	sld [smem:$0x3FD9]  }
0x89: {  	s3 =	sld [smem:$0x3FFE];
	_ =	sdelay $0x1  }
0x8a: {  	s1 =	srdreg.scid  }
0x8b: {  	s0 =	sand.u32 $0x1, s1  }
0x8c: {  	s16 =	sshll.u32 s0, $0xA;
	s2 =	sadd.s32 s3, s2  }
0x8d: {  	s2 =	sadd.s32 s2, s16  }
0x8e: {  	[smem:$0x3FBF] =	sst s2  }
0x8f: {  	_ = 	snop  }
0x90: {  	(tm) =	ssettm $0x1  }
0x91: {  	s17 =	sld [smem:$0x3FFB];
	_ =	sdelay $0x3  }
0x92: {  	_ =	strace s17  }
0x93: {  	s2 =	sld [smem:$0x3FFC];
	_ =	sdelay $0x3  }
0x94: {  	_ =	strace s2  }
0x95: {  	s2 =	sld [smem:$0x3FFD];
	_ =	sdelay $0x3  }
0x96: {  	_ =	strace s2  }
0x97: {  	_ =	strace $0x8FFFFFFF  }
0x98: {  	s18 =	sld [smem:$0x3FDB];
	_ =	sdelay $0x1  }
0x99: {  	s19 =	simm.s32 $_scs_section_size  }
0x9a: {  	s4 =	simm.s32 $_size__tile_overlayer_lowered;
	s5 =	simm.s32 $_tile_overlayer_lowered  }
0x9b: {  	s22 =	simm.s32 $0x1BFF;
	s21 =	sshll.u32 s5, $0x1;
	s2 =	sadd.s32 s19, s18  }
0x9c: {  	s6 =	simm.s32 $0x0;
	s20 =	sshll.u32 s4, $0x1;
	s4 =	sadd.s32 s21, s2  }
0x9d: {  	[timem:s6], [sflag:s22] =	dma.local [hbm:s4], s20  }
0x9e: {  	_ =	swait.ge [sflag:s22], s20  }
0x9f: {  	s3 =	ssub.s32 $0x0, s20;
	[sflag:s22] =	ssyncset.done $0x0  }
0xa0: {  	[sflag:s22] =	ssyncadd.s32 s3;
	_ =	sdelay $0x1  }
0xa1: {  	s23 =	simm.s32 $0x1B8B  }
0xa2: {  	_ =	swait.ge [sflag:s23], $0x1  }
0xa3: {  	[sflag:s23] =	ssyncset.done $0x0  }
0xa4: {  	s25 =	simm.s32 $0x1B8E;
	s24 =	sld [smem:$0x3FFE];
	[sflag:s23] =	ssyncadd.s32 $0xFFFFFFFF  }
0xa5: {  	s26 =	simm.s32 $execute0_lowered;
	[smem:$0x3FD2] =	sst s25  }
0xa6: {  	s4 =	sshll.u32 s26, $0x1;
	_ =	strace $0x80000046;
	[dreg:$0x1] =	wrdreg $0xFFFFFFFF  }
0xa7: {  	s28 =	simm.s32 $_size_execute0_lowered;
	s2 =	sadd.s32 s2, s4;
	[dreg:$0x0] =	wrdreg $0x0  }
0xa8: {  	s4 =	sshll.u32 s28, $0x1;
	[dreg:$0x2] =	wrdreg s2  }
0xa9: {  	[dreg:$0x3] =	wrdreg s4  }
0xaa: {  	[dreg:$0x4] =	wrdreg $0xC0  }
0xab: {  	_ =	task [dreg:s6], $0x5FFFF  }
0xac: {  	[dreg:$0x1] =	wrdreg $0xFFFFFFFF  }
0xad: {  	[dreg:$0x0] =	wrdreg $0x60  }
0xae: {  	[dreg:$0x2] =	wrdreg s24  }
0xaf: {  	[dreg:$0x3] =	wrdreg $0x6000  }
0xb0: {  	[dreg:$0x4] =	wrdreg $0x9  }
0xb1: {  	_ =	task.clear_ibuf [dreg:s6], $0x5FFFF;
	_ =	strace $0x90000046  }
0xb2: {  	s29 =	simm.s32 $0x9;
	_ =	strace $0x80000048  }
0xb3: {  	_ =	swait.ge [sflag:s29], $0x1  }
0xb4: {  	[sflag:s29] =	ssyncadd.s32 $0xFFFFFFFF  }
0xb5: {  	_ =	strace $0x90000048  }
0xb6: {  	_ =	sfence  }
0xb7: {  	s30 =	sld [smem:$0x0];
	_ =	sdelay $0x2  }
0xb8: {  	s31 =	sshll.u32 s1, $0xD;
	s1 =	sshrl.u32 s1, $0x2  }
0xb9: {  	s3 =	sand.u32 $0x4000, s31;
	s1 =	sadd.s32 s1, s30  }
0xba: {  	s0 =	sor.u32 s3, s0;
	s1 =	sshll.u32 s1, $0x11  }
0xbb: {  	s0 =	sor.u32 s1, s0  }
0xbc: {  	s0 =	sadd.s32 $0x8F2B, s0  }
0xbd: {  	[sflag:s0] =	ssyncadd.remote.s32 $0x1  }
0xbe: {  	_ =	sfence.sel $0xFFFF  }
0xbf: {  	[dreg:$0x0] =	wrdreg $0xFFFFFFFF;
	(pc) =	sbr.abs _section_cstart, $3  }
0xc0: {  	[dreg:$0x1] =	wrdreg $0xFFFFFFFF  }
0xc1: {  	_ =	task.clear_ibuf [dreg:s6], $0x2FFFF;
	_ =	strace $0x9FFFFFFF  }
0xc2: {  	(tm) =	ssettm $0x7FFFFFFF  }
0xc3: {  	_ =	shalt  }
tec
execute0_lowered:
.L_overlay_start_1:
0x0: {  	(tag) =	ssettag $0x1  }
0x1: {  	s1 =	srdreg.scid;
	s4 =	rddreg [dreg:$0x0]  }
0x2: {  	s0 =	stileid.u32;
	s2 =	rddreg [dreg:$0x1];
	s3 =	simm.s32 $0x0  }
0x3: {  	s12 =	simm.s32 $0x300;
	s13 =	simm.s32 $0x100;
	s14 =	simm.s32 $0x180  }
0x4: {  	s15 =	simm.s32 $0x200;
	s16 =	simm.s32 $0x280;
	s19 =	simm.s32 $0x0  }
0x5: {  	s5 =	sand.u32 $0x1, s1;
	s6 =	smul.u32 $0x280, s0;
	s1 =	rddreg [dreg:$0x2]  }
0x6: {  	[smem:$0x7FF] =	sst s3;
	s8 =	sadd.s32 $0x2800, s4;
	s11 =	smul.u32 $0x4E0, s0  }
0x7: {  	s31 =	sshll.u32 s0, $0x6;
	s7 =	smul.u32 $0x2800, s5;
	_ =	strace $0x80000047  }
0x8: {  	s26 =	ssub.s32 $0x2, s5;
	s9 =	sshll.u32 s5, $0x4;
	s5 =	smul.u32 $0x4E00, s5  }
0x9: {  	s10 =	sshrl.u32 s26, $0x1;
	s17 =	sor.u32 s0, s9;
	s9 =	simm.s32 $0x380  }
0xa: {  	s7 =	sadd.s32 s6, s7;
	s28 =	ssub.s32 s26, s10;
	s29 =	sshll.u32 s17, $0x4  }
0xb: {  	s10 =	simm.s32 $0x1;
	p0 =	slt.u32 s17, $0x1C;
	s17 =	sor.u32 $0x1C01, s31  }
0xc: {  	s7 =	sshrl.u32 s7, $0x3;
	s30 =	sadd.s32 s29, s8;
	s8 =	sadd.s32 s5, s8  }
0xd: {  	s7 =	sadd.s32 s7, s4;
	s4 =	sadd.s32 s6, s2;
	s5 =	sadd.s32 $0x13680, s30  }
0xe: {  	s8 =	sadd.s32 s11, s8;
	s11 =	simm.s32 $0x80;
	s6 =	sadd.s32 $0x16200, s7  }
0xf: {  	v0 =	vimm.f32 $0.0e+00;
	v1 =	vimm.f32 $1.000000000e+00;
	s7 =	smax.u32 s28, $0x1;
	s8 =	sadd.s32 $0x9C40, s8;
	s18 =	sshrl.u32 s4, $0x3  }
.LBB2_1:
0x10: {  	[tilespmem:$0x380] =	vst v0  }
0x11: {  	[tilespmem:$0x390] =	vst v0  }
0x12: {  	[tilespmem:$0x3A0] =	vst v0  }
0x13: {  	[tilespmem:$0x3B0] =	vst v0  }
0x14: {  	[tilespmem:$0x3C0] =	vst v0  }
0x15: {  	[tilespmem:$0x3D0] =	vst v0  }
0x16: {  	[tilespmem:$0x3E0] =	vst v0  }
0x17: {  	[tilespmem:$0x3F0] =	vst v0  }
0x18: {  	[tilespmem:$0x400] =	vst v0  }
0x19: {  	[tilespmem:$0x410] =	vst v0  }
0x1a: {  	[tilespmem:$0x420] =	vst v0  }
0x1b: {  	[tilespmem:$0x430] =	vst v0  }
0x1c: {  	[tilespmem:$0x440] =	vst v0  }
0x1d: {  	[tilespmem:$0x450] =	vst v0  }
0x1e: {  	[tilespmem:$0x460] =	vst v0  }
0x1f: {  	[tilespmem:$0x470] =	vst v0  }
0x20: {  	[tilespmem:$0x480] =	vst v0  }
0x21: {  	[tilespmem:$0x490] =	vst v0  }
0x22: {  	[tilespmem:$0x4A0] =	vst v0  }
0x23: {  	[tilespmem:$0x4B0] =	vst v0  }
0x24: {  	[tilespmem:$0x4C0] =	vst v0  }
0x25: {  	[tilespmem:$0x4D0] =	vst v0  }
0x26: {  	[tilespmem:$0x4E0] =	vst v0  }
0x27: {  	[tilespmem:$0x4F0] =	vst v0  }
0x28: {  	[tilespmem:$0x500] =	vst v0  }
0x29: {  	[tilespmem:$0x510] =	vst v0  }
0x2a: {  	[tilespmem:$0x520] =	vst v0  }
0x2b: {  	[tilespmem:$0x530] =	vst v0  }
0x2c: {  	[tilespmem:$0x540] =	vst v0  }
0x2d: {  	[tilespmem:$0x550] =	vst v0  }
0x2e: {  	[tilespmem:$0x560] =	vst v0  }
0x2f: {  	[tilespmem:$0x570] =	vst v0  }
0x30: {  	[tilespmem:$0x580] =	vst v0  }
0x31: {  	[tilespmem:$0x590] =	vst v0  }
0x32: {  	[tilespmem:$0x5A0] =	vst v0  }
0x33: {  	[tilespmem:$0x5B0] =	vst v0  }
0x34: {  	[tilespmem:$0x5C0] =	vst v0  }
0x35: {  	[tilespmem:$0x5D0] =	vst v0  }
0x36: {  	[tilespmem:$0x5E0] =	vst v0  }
0x37: {  	[tilespmem:$0x5F0] =	vst v0  }
0x38: {  	[tilespmem:$0x300] =	vst v1  }
0x39: {  	[tilespmem:$0x310] =	vst v1  }
0x3a: {  	[tilespmem:$0x320] =	vst v1  }
0x3b: {  	[tilespmem:$0x330] =	vst v1  }
0x3c: {  	[tilespmem:$0x340] =	vst v1  }
0x3d: {  	[tilespmem:$0x350] =	vst v1  }
0x3e: {  	[tilespmem:$0x360] =	vst v1  }
0x3f: {  	[tilespmem:$0x370] =	vst v1  }
0x40: {  	[spmem:s4] =	stream.linear.scatter [tilespmem:s9], [sflag:$0x1], $0x280, $0x38;
	[tilespmem:$0x880] =	vst v63  }
0x41: {  	_ =	swait.ge [sflag:s10], $0x280  }
0x42: {  	[sflag:s10] =	ssyncset.done $0x0  }
0x43: {  	[sflag:s10] =	ssyncadd.s32 $0xFFFFFD80  }
0x44: {  	s20 =	sadd.s32 $0x0, s8;
	[bflag:$0x0] =	sbarrier.arrive $0xFFFF  }
0x45: {  	[tilespmem:s3], [sflag:$0x1] =	stream.linear.gather [hbm4b:s20+s3], $0x300, $0x38;
	[tilespmem:$0x880] =	vst v63  }
0x46: {  	_ =	swait.ge [sflag:s10], $0x300  }
0x47: {  	[sflag:s10] =	ssyncset.done $0x0  }
0x48: {  	[sflag:s10] =	ssyncadd.s32 $0xFFFFFD00  }
0x49: {  	[spmem:s2] =	stream.indirect.scatter.add.f32 [tilespmem:s12], [sflag:$0x1], $0x1, s3, s11, $0xb8;
	[tilespmem:$0x880] =	vst v63  }
0x4a: {  	_ =	swait.ge [sflag:s10], $0x80  }
0x4b: {  	[sflag:s10] =	ssyncset.done $0x0  }
0x4c: {  	[sflag:s10] =	ssyncadd.s32 $0xFFFFFF80  }
0x4d: {  	[spmem:s2] =	stream.indirect.scatter.add.f32 [tilespmem:s12], [sflag:$0x1], $0x1, s11, s11, $0xb8;
	[tilespmem:$0x880] =	vst v63  }
0x4e: {  	_ =	swait.ge [sflag:s10], $0x80  }
0x4f: {  	[sflag:s10] =	ssyncset.done $0x0  }
0x50: {  	[sflag:s10] =	ssyncadd.s32 $0xFFFFFF80  }
0x51: {  	[spmem:s2] =	stream.indirect.scatter.add.f32 [tilespmem:s12], [sflag:$0x1], $0x1, s13, s11, $0xb8;
	[tilespmem:$0x880] =	vst v63  }
0x52: {  	_ =	swait.ge [sflag:s10], $0x80  }
0x53: {  	[sflag:s10] =	ssyncset.done $0x0  }
0x54: {  	[sflag:s10] =	ssyncadd.s32 $0xFFFFFF80  }
0x55: {  	[spmem:s2] =	stream.indirect.scatter.add.f32 [tilespmem:s12], [sflag:$0x1], $0x1, s14, s11, $0xb8;
	[tilespmem:$0x880] =	vst v63  }
0x56: {  	_ =	swait.ge [sflag:s10], $0x80  }
0x57: {  	[sflag:s10] =	ssyncset.done $0x0  }
0x58: {  	[sflag:s10] =	ssyncadd.s32 $0xFFFFFF80  }
0x59: {  	[spmem:s2] =	stream.indirect.scatter.add.f32 [tilespmem:s12], [sflag:$0x1], $0x1, s15, s11, $0xb8;
	[tilespmem:$0x880] =	vst v63  }
0x5a: {  	_ =	swait.ge [sflag:s10], $0x80  }
0x5b: {  	[sflag:s10] =	ssyncset.done $0x0  }
0x5c: {  	[sflag:s10] =	ssyncadd.s32 $0xFFFFFF80  }
0x5d: {  	[spmem:s2] =	stream.indirect.scatter.add.f32 [tilespmem:s12], [sflag:$0x1], $0x1, s16, s11, $0xb8;
	[tilespmem:$0x880] =	vst v63  }
0x5e: {  	_ =	swait.ge [sflag:s10], $0x80  }
0x5f: {  	s21 =	simm.s32 $0xC0;
	s20 =	simm.s32 $0x60;
	[sflag:s10] =	ssyncset.done $0x0  }
.LBB2_2:
0x60: {  	s22 =	sadd.s32 s20, s8  }
0x61: {  	[sflag:s10] =	ssyncadd.s32 $0xFFFFFF80;
	s20 =	smov.u32 s21;
	s23 =	sadd.s32 $0x60, s21  }
0x62: {  	[tilespmem:s3], [sflag:$0x1] =	stream.linear.gather [hbm4b:s22+s3], $0x300, $0x38;
	[tilespmem:$0x880] =	vst v63  }
0x63: {  	p1 =	sne.s32 s21, $0x480;
	_ =	swait.ge [sflag:s10], $0x300  }
0x64: {  	[sflag:s10] =	ssyncset.done $0x0  }
0x65: {  	[sflag:s10] =	ssyncadd.s32 $0xFFFFFD00  }
0x66: {  	[spmem:s2] =	stream.indirect.scatter.add.f32 [tilespmem:s12], [sflag:$0x1], $0x1, s3, s11, $0xb8;
	[tilespmem:$0x880] =	vst v63  }
0x67: {  	_ =	swait.ge [sflag:s10], $0x80  }
0x68: {  	[sflag:s10] =	ssyncset.done $0x0  }
0x69: {  	[sflag:s10] =	ssyncadd.s32 $0xFFFFFF80  }
0x6a: {  	[spmem:s2] =	stream.indirect.scatter.add.f32 [tilespmem:s12], [sflag:$0x1], $0x1, s11, s11, $0xb8;
	[tilespmem:$0x880] =	vst v63  }
0x6b: {  	_ =	swait.ge [sflag:s10], $0x80  }
0x6c: {  	[sflag:s10] =	ssyncset.done $0x0  }
0x6d: {  	[sflag:s10] =	ssyncadd.s32 $0xFFFFFF80  }
0x6e: {  	[spmem:s2] =	stream.indirect.scatter.add.f32 [tilespmem:s12], [sflag:$0x1], $0x1, s13, s11, $0xb8;
	[tilespmem:$0x880] =	vst v63  }
0x6f: {  	_ =	swait.ge [sflag:s10], $0x80  }
0x70: {  	[sflag:s10] =	ssyncset.done $0x0  }
0x71: {  	[sflag:s10] =	ssyncadd.s32 $0xFFFFFF80  }
0x72: {  	[spmem:s2] =	stream.indirect.scatter.add.f32 [tilespmem:s12], [sflag:$0x1], $0x1, s14, s11, $0xb8;
	[tilespmem:$0x880] =	vst v63  }
0x73: {  	_ =	swait.ge [sflag:s10], $0x80  }
0x74: {  	[sflag:s10] =	ssyncset.done $0x0  }
0x75: {  	[sflag:s10] =	ssyncadd.s32 $0xFFFFFF80  }
0x76: {  	[spmem:s2] =	stream.indirect.scatter.add.f32 [tilespmem:s12], [sflag:$0x1], $0x1, s15, s11, $0xb8;
	[tilespmem:$0x880] =	vst v63  }
0x77: {  	_ =	swait.ge [sflag:s10], $0x80  }
.Ltmp0:
0x78: {  	[sflag:s10] =	ssyncset.done $0x0;
	(pc) =	sbr.rel @p1 .LBB2_2-.Ltmp0, $4  }
0x79: {  	[sflag:s10] =	ssyncadd.s32 $0xFFFFFF80  }
0x7a: {  	[spmem:s2] =	stream.indirect.scatter.add.f32 [tilespmem:s12], [sflag:$0x1], $0x1, s16, s11, $0xb8;
	[tilespmem:$0x880] =	vst v63  }
0x7b: {  	_ =	swait.ge [sflag:s10], $0x80  }
0x7c: {  	s21 =	smov.u32 s23;
	[sflag:s10] =	ssyncset.done $0x0  }
0x7d: {  	s20 =	sadd.s32 s20, s8;
	[sflag:s10] =	ssyncadd.s32 $0xFFFFFF80  }
0x7e: {  	[tilespmem:s3], [sflag:$0x1] =	stream.linear.gather [hbm4b:s20+s3], $0x300, $0x38;
	[tilespmem:$0x880] =	vst v63  }
0x7f: {  	_ =	swait.ge [sflag:s10], $0x300  }
0x80: {  	[sflag:s10] =	ssyncset.done $0x0  }
0x81: {  	[sflag:s10] =	ssyncadd.s32 $0xFFFFFD00  }
0x82: {  	[spmem:s2] =	stream.indirect.scatter.add.f32 [tilespmem:s12], [sflag:$0x1], $0x1, s3, s11, $0xb8;
	[tilespmem:$0x880] =	vst v63  }
0x83: {  	_ =	swait.ge [sflag:s10], $0x80  }
0x84: {  	[sflag:s10] =	ssyncset.done $0x0  }
0x85: {  	[sflag:s10] =	ssyncadd.s32 $0xFFFFFF80  }
0x86: {  	[spmem:s2] =	stream.indirect.scatter.add.f32 [tilespmem:s12], [sflag:$0x1], $0x1, s11, s11, $0xb8;
	[tilespmem:$0x880] =	vst v63  }
0x87: {  	_ =	swait.ge [sflag:s10], $0x80  }
0x88: {  	[sflag:s10] =	ssyncset.done $0x0  }
0x89: {  	[sflag:s10] =	ssyncadd.s32 $0xFFFFFF80  }
0x8a: {  	[spmem:s2] =	stream.indirect.scatter.add.f32 [tilespmem:s12], [sflag:$0x1], $0x1, s13, s11, $0xb8;
	[tilespmem:$0x880] =	vst v63  }
0x8b: {  	_ =	swait.ge [sflag:s10], $0x80  }
0x8c: {  	[sflag:s10] =	ssyncset.done $0x0  }
0x8d: {  	[sflag:s10] =	ssyncadd.s32 $0xFFFFFF80  }
0x8e: {  	[spmem:s2] =	stream.indirect.scatter.add.f32 [tilespmem:s12], [sflag:$0x1], $0x1, s14, s11, $0xb8;
	[tilespmem:$0x880] =	vst v63  }
0x8f: {  	_ =	swait.ge [sflag:s10], $0x80  }
0x90: {  	[sflag:s10] =	ssyncset.done $0x0  }
0x91: {  	[sflag:s10] =	ssyncadd.s32 $0xFFFFFF80  }
0x92: {  	[spmem:s2] =	stream.indirect.scatter.add.f32 [tilespmem:s12], [sflag:$0x1], $0x1, s15, s11, $0xb8;
	[tilespmem:$0x880] =	vst v63  }
0x93: {  	_ =	swait.ge [sflag:s10], $0x80  }
0x94: {  	[sflag:s10] =	ssyncset.done $0x0  }
0x95: {  	[sflag:s10] =	ssyncadd.s32 $0xFFFFFF80  }
0x96: {  	[spmem:s2] =	stream.indirect.scatter.add.f32 [tilespmem:s12], [sflag:$0x1], $0x1, s16, s11, $0xb8;
	[tilespmem:$0x880] =	vst v63  }
0x97: {  	_ =	swait.ge [sflag:s10], $0x80  }
0x98: {  	[sflag:s10] =	ssyncset.done $0x0  }
0x99: {  	s21 =	simm.s32 @!p0 $0x1;
	s20 =	simm.s32 @!p0 $0x0;
	[sflag:s10] =	ssyncadd.s32 $0xFFFFFF80  }
0x9a: {  	[tilespmem:s20], [sflag:$0x1] =	stream.linear.gather @!p0 [hbm4b:s5+s20], $0x80, $0x38;
	[tilespmem:$0x880] =	vst v63  }
0x9b: {  	_ =	swait.ge @!p0 [sflag:s21], $0x80  }
0x9c: {  	[sflag:s21] =	ssyncset.done @!p0 $0x0  }
0x9d: {  	s22 =	simm.s32 @!p0 $0x80;
	s23 =	simm.s32 @!p0 $0x300;
	[sflag:s21] =	ssyncadd.s32 @!p0 $0xFFFFFF80  }
0x9e: {  	[spmem:s2] =	stream.indirect.scatter.add.f32 @!p0 [tilespmem:s23], [sflag:$0x1], $0x1, s20, s22, $0xb8;
	[tilespmem:$0x880] =	vst v63  }
0x9f: {  	_ =	swait.ge @!p0 [sflag:s21], $0x80  }
0xa0: {  	s19 =	sadd.s32 $0x1, s19;
	[sflag:s21] =	ssyncset.done @!p0 $0x0  }
0xa1: {  	p1 =	sne.s32 s19, s7;
	[sflag:s21] =	ssyncadd.s32 @!p0 $0xFFFFFF80  }
.Ltmp1:
0xa2: {  	[bflag:$0x0] =	sbarrier.arrive $0xFFFF;
	(pc) =	sbr.rel @p1 .LBB2_1-.Ltmp1, $4  }
0xa3: {  	[hbm:s6], [sflag:s17] =	dma.local [spmem:s18], $0x50  }
0xa4: {  	_ =	swait.ge [sflag:s10], $0x50  }
0xa5: {  	[sflag:s10] =	ssyncset.done $0x0  }
0xa6: {  	[sflag:s10] =	ssyncadd.s32 $0xFFFFFFB0  }
0xa7: {  	_ =	sfence.sel $0x180000  }
0xa8: {  	[bflag:$0x0] =	sbarrier.arrive $0xFFFF  }
0xa9: {  	p0 =	sne.s32 s0, $0x0;
	_ =	strace $0x90000047  }
0xaa: {  	s0 =	sadd.s32 @!p0 $0x100000, s1;
	[bflag:$0x2] =	sbarrier.arrive $0xFFFF  }
0xab: {  	[sflag:s0] =	ssyncadd.tile.s32 @!p0 $0x1;
	_ =	shalt  }
.Lfunc_end2:
_tile_overlayer_lowered:
.L_overlay_start_2:
0xac: {  	(tag) =	ssettag $0x2  }
0xad: {  	s0 =	rddreg [dreg:$0x0];
	s2 =	stileid.u32  }
0xae: {  	s1 =	rddreg [dreg:$0x1];
	p0 =	sne.s32 s2, $0x0  }
0xaf: {  	s3 =	rddreg [dreg:$0x2];
	[bflag:$0x3] =	sbarrier.arrive $0xFFFF;
	s2 =	simm.s32 @!p0 $0x1C01  }
0xb0: {  	[timem:s3], [sflag:s2] =	dma.local @!p0 [hbm:s0], s1  }
0xb1: {  	s0 =	simm.s32 @!p0 $0x1  }
0xb2: {  	_ =	swait.ge @!p0 [sflag:s0], s1  }
0xb3: {  	s1 =	ssub.s32 @!p0 $0x0, s1;
	[sflag:s0] =	ssyncset.done @!p0 $0x0  }
0xb4: {  	[sflag:s0] =	ssyncadd.s32 @!p0 s1  }
0xb5: {  	[bflag:$0x3] =	sbarrier.arrive $0xFFFF  }
0xb6: {  	_ =	shalt  }

// kernel: kernel.13.cloned.1.call-start
scs
__scs_entry_jumppad:
0x0: {  	(pc) =	sbr.rel $0x88, $3  }
0x1: {  	(tag) =	ssettag $0x0;
	lr =	simm.s32 $0x1  }
0x2: {  	[smem:$0x3F98] =	sst lr;
	_ =	strace $0xD0000000  }
0x3: {  	_ = 	snop  }
0x4: {  	_ = 	snop  }
0x5: {  	_ = 	snop  }
0x6: {  	_ = 	snop  }
0x7: {  	_ = 	snop  }
__scs_overlays_trampoline_lowered:
0x8: {  	[smem:$0x3FA7] =	sst s0  }
0x9: {  	[smem:$0x3FA8] =	sst s1  }
0xa: {  	[smem:$0x3FA9] =	sst s2  }
0xb: {  	[smem:$0x3FAA] =	sst s3  }
0xc: {  	[smem:$0x3FAB] =	sst s4  }
0xd: {  	[smem:$0x3FAC] =	sst s5  }
0xe: {  	[smem:$0x3FAD] =	sst s6  }
0xf: {  	[smem:$0x3FAE] =	sst s7  }
0x10: {  	[smem:$0x3FAF] =	sst s8  }
0x11: {  	[smem:$0x3FB0] =	sst s9;
	s0 =	simm.s32 @!p0 $0x0  }
0x12: {  	s1 =	sld [smem:$0x3F96];
	s0 =	simm.s32 @p0 $0x1  }
0x13: {  	[smem:$0x3FB1] =	sst s0;
	s0 =	simm.s32 @!p1 $0x0  }
0x14: {  	s2 =	sld [smem:$0x3F95];
	s0 =	simm.s32 @p1 $0x1  }
0x15: {  	[smem:$0x3FB2] =	sst s0;
	s0 =	simm.s32 @!p2 $0x0  }
0x16: {  	s3 =	sld [smem:$0x3FDB];
	s0 =	simm.s32 @p2 $0x1  }
0x17: {  	s4 =	simm.s32 $0x1BF5;
	[smem:$0x3FB4] =	sst s0  }
0x18: {  	s0 =	sld [smem:$0x3F97];
	_ =	swait.ge [sflag:s4], $0x0  }
0x19: {  	s7 =	sld [smem:$0x3F98]  }
0x1a: {  	s8 =	sadd.s32 $0xFFFFE003, lr  }
0x1b: {  	s9 =	sadd.s32 $0xFFFFFEF7, lr;
	s5 =	simm.s32 $0xFFFFFFFF;
	p2 =	slt.u32 s8, $0xFFFFF086  }
0x1c: {  	p1 =	slt.u32 s9, $0xF7A;
	s5 =	simm.s32 @!p2 $0x0  }
0x1d: {  	s5 =	simm.s32 @p1 $0x1;
	p0 =	seq.s32 s7, s2  }
0x1e: {  	s7 =	smul.u32 @!p0 $0xF7A, s2;
	p2 =	seq.s32 @!p0 s5, $0x0  }
0x1f: {  	s9 =	smul.u32 $0xF7A, s1;
	s8 =	simm.s32 @!p0 $0x1BF5;
	p2 =	por !p2, p0  }
0x20: {  	[sflag:s8] =	ssyncset.s32 @!p0 $0xFFFFF086;
	s6 =	sadd.s32 @!p0 s3, s7;
	s7 =	simm.s32 @!p0 $0x108  }
0x21: {  	s3 =	sadd.s32 s3, s9;
	s6 =	sadd.s32 @!p0 $0x88, s6;
	s7 =	simm.s32 @p2 $0x1082  }
0x22: {  	[simem:s7], [sflag:s8] =	dma.local @!p0 [hbm:s6], $0xF7A  }
0x23: {  	s9 =	sor.u32 $0xD0000000, s2;
	s6 =	simm.s32 $0x108;
	_ =	swait.ge @!p0 [sflag:s8], $0x0  }
0x24: {  	s3 =	sadd.s32 $0x88, s3;
	s6 =	simm.s32 @!p1 $0x1082;
	[sflag:s4] =	ssyncset.s32 $0xFFFFF086  }
0x25: {  	[simem:s6], [sflag:s4] =	dma.local [hbm:s3], $0xF7A  }
0x26: {  	[smem:$0x3F98] =	sst s1;
	(tag) =	ssettag s2;
	_ =	strace s9  }
0x27: {  	s1 =	sld [smem:$0x3FA8]  }
0x28: {  	s2 =	sld [smem:$0x3FA9]  }
0x29: {  	s4 =	sld [smem:$0x3FAB]  }
0x2a: {  	p0 =	seq.s32 s5, $0x0;
	s5 =	sld [smem:$0x3FAC]  }
0x2b: {  	s6 =	sld [smem:$0x3FAD]  }
0x2c: {  	s7 =	sld [smem:$0x3FAE]  }
0x2d: {  	s3 =	simm.s32 $0x108;
	s8 =	sld [smem:$0x3FAF]  }
0x2e: {  	s3 =	simm.s32 @!p0 $0x1082;
	s9 =	sld [smem:$0x3FB0]  }
0x2f: {  	lr =	sadd.s32 s0, s3;
	s0 =	sld [smem:$0x3FA7]  }
0x30: {  	s3 =	sld [smem:$0x3FAA]  }
0x31: {  	[smem:$0x3FB3] =	sst s10  }
0x32: {  	s10 =	sld [smem:$0x3FB1];
	_ =	sdelay $0x3  }
0x33: {  	p0 =	seq.s32 s10, $0x1;
	s10 =	sld [smem:$0x3FB3];
	_ =	sdelay $0x3  }
0x34: {  	[smem:$0x3FB3] =	sst s10  }
0x35: {  	s10 =	sld [smem:$0x3FB2];
	_ =	sdelay $0x3  }
0x36: {  	p1 =	seq.s32 s10, $0x1;
	s10 =	sld [smem:$0x3FB3];
	_ =	sdelay $0x3  }
0x37: {  	[smem:$0x3FB3] =	sst s10  }
0x38: {  	s10 =	sld [smem:$0x3FB4]  }
0x39: {  	_ = 	snop;
	(pc) =	sbr.ind lr, $3  }
0x3a: {  	_ = 	snop  }
0x3b: {  	_ = 	snop  }
0x3c: {  	p2 =	seq.s32 s10, $0x1;
	s10 =	sld [smem:$0x3FB3]  }
0x3d: {  	_ =	shalt  }
0x3e: {  	_ =	shalt  }
0x3f: {  	_ =	shalt  }
0x40: {  	_ =	shalt  }
0x41: {  	_ =	shalt  }
0x42: {  	_ =	shalt  }
0x43: {  	_ =	shalt  }
0x44: {  	_ =	shalt  }
0x45: {  	_ =	shalt  }
0x46: {  	_ =	shalt  }
0x47: {  	_ =	shalt  }
0x48: {  	_ =	shalt  }
0x49: {  	_ =	shalt  }
0x4a: {  	_ =	shalt  }
0x4b: {  	_ =	shalt  }
0x4c: {  	_ =	shalt  }
0x4d: {  	_ =	shalt  }
0x4e: {  	_ =	shalt  }
0x4f: {  	_ =	shalt  }
0x50: {  	_ =	shalt  }
0x51: {  	_ =	shalt  }
0x52: {  	_ =	shalt  }
0x53: {  	_ =	shalt  }
0x54: {  	_ =	shalt  }
0x55: {  	_ =	shalt  }
0x56: {  	_ =	shalt  }
0x57: {  	_ =	shalt  }
0x58: {  	_ =	shalt  }
0x59: {  	_ =	shalt  }
0x5a: {  	_ =	shalt  }
0x5b: {  	_ =	shalt  }
0x5c: {  	_ =	shalt  }
0x5d: {  	_ =	shalt  }
0x5e: {  	_ =	shalt  }
0x5f: {  	_ =	shalt  }
0x60: {  	_ =	shalt  }
0x61: {  	_ =	shalt  }
0x62: {  	_ =	shalt  }
0x63: {  	_ =	shalt  }
0x64: {  	_ =	shalt  }
0x65: {  	_ =	shalt  }
0x66: {  	_ =	shalt  }
0x67: {  	_ =	shalt  }
0x68: {  	_ =	shalt  }
0x69: {  	_ =	shalt  }
0x6a: {  	_ =	shalt  }
0x6b: {  	_ =	shalt  }
0x6c: {  	_ =	shalt  }
0x6d: {  	_ =	shalt  }
0x6e: {  	_ =	shalt  }
0x6f: {  	_ =	shalt  }
0x70: {  	_ =	shalt  }
0x71: {  	_ =	shalt  }
0x72: {  	_ =	shalt  }
0x73: {  	_ =	shalt  }
0x74: {  	_ =	shalt  }
0x75: {  	_ =	shalt  }
0x76: {  	_ =	shalt  }
0x77: {  	_ =	shalt  }
0x78: {  	_ =	shalt  }
0x79: {  	_ =	shalt  }
0x7a: {  	_ =	shalt  }
0x7b: {  	_ =	shalt  }
0x7c: {  	_ =	shalt  }
0x7d: {  	_ =	shalt  }
0x7e: {  	_ =	shalt  }
0x7f: {  	_ =	shalt  }
0x80: {  	_ =	shalt  }
0x81: {  	_ =	shalt  }
0x82: {  	_ =	shalt  }
0x83: {  	_ =	shalt  }
0x84: {  	_ =	shalt  }
0x85: {  	_ =	shalt  }
0x86: {  	_ =	shalt  }
0x87: {  	_ =	shalt  }
.Lfunc_end0:
.L_simem_size_0:
called_computation.1_lowered:
.L_overlay_start_0:
0x88: {  	s2 =	sld [smem:$0x3FD9]  }
0x89: {  	s3 =	sld [smem:$0x3FFE];
	_ =	sdelay $0x1  }
0x8a: {  	s1 =	srdreg.scid  }
0x8b: {  	s0 =	sand.u32 $0x1, s1  }
0x8c: {  	s16 =	sshll.u32 s0, $0xA;
	s2 =	sadd.s32 s3, s2  }
0x8d: {  	s2 =	sadd.s32 s2, s16  }
0x8e: {  	[smem:$0x3FBF] =	sst s2  }
0x8f: {  	_ = 	snop  }
0x90: {  	(tm) =	ssettm $0x1  }
0x91: {  	s17 =	sld [smem:$0x3FFB];
	_ =	sdelay $0x3  }
0x92: {  	_ =	strace s17  }
0x93: {  	s2 =	sld [smem:$0x3FFC];
	_ =	sdelay $0x3  }
0x94: {  	_ =	strace s2  }
0x95: {  	s2 =	sld [smem:$0x3FFD];
	_ =	sdelay $0x3  }
0x96: {  	_ =	strace s2  }
0x97: {  	_ =	strace $0x8FFFFFFF  }
0x98: {  	s18 =	sld [smem:$0x3FDB];
	_ =	sdelay $0x1  }
0x99: {  	s19 =	simm.s32 $_scs_section_size  }
0x9a: {  	s4 =	simm.s32 $_size__tile_overlayer_lowered;
	s5 =	simm.s32 $_tile_overlayer_lowered  }
0x9b: {  	s22 =	simm.s32 $0x1BFF;
	s21 =	sshll.u32 s5, $0x1;
	s2 =	sadd.s32 s19, s18  }
0x9c: {  	s6 =	simm.s32 $0x0;
	s20 =	sshll.u32 s4, $0x1;
	s4 =	sadd.s32 s21, s2  }
0x9d: {  	[timem:s6], [sflag:s22] =	dma.local [hbm:s4], s20  }
0x9e: {  	_ =	swait.ge [sflag:s22], s20  }
0x9f: {  	s3 =	ssub.s32 $0x0, s20;
	[sflag:s22] =	ssyncset.done $0x0  }
0xa0: {  	[sflag:s22] =	ssyncadd.s32 s3;
	_ =	sdelay $0x1  }
0xa1: {  	s23 =	simm.s32 $0x1B8B  }
0xa2: {  	_ =	swait.ge [sflag:s23], $0x1  }
0xa3: {  	[sflag:s23] =	ssyncset.done $0x0  }
0xa4: {  	s25 =	simm.s32 $0x1B8E;
	s24 =	sld [smem:$0x3FFE];
	[sflag:s23] =	ssyncadd.s32 $0xFFFFFFFF  }
0xa5: {  	s26 =	simm.s32 $execute0_lowered;
	[smem:$0x3FD2] =	sst s25  }
0xa6: {  	s4 =	sshll.u32 s26, $0x1;
	_ =	strace $0x80000049;
	[dreg:$0x1] =	wrdreg $0xFFFFFFFF  }
0xa7: {  	s28 =	simm.s32 $_size_execute0_lowered;
	s2 =	sadd.s32 s2, s4;
	[dreg:$0x0] =	wrdreg $0x0  }
0xa8: {  	s4 =	sshll.u32 s28, $0x1;
	[dreg:$0x2] =	wrdreg s2  }
0xa9: {  	[dreg:$0x3] =	wrdreg s4  }
0xaa: {  	[dreg:$0x4] =	wrdreg $0xC0  }
0xab: {  	_ =	task [dreg:s6], $0x5FFFF  }
0xac: {  	[dreg:$0x1] =	wrdreg $0xFFFFFFFF  }
0xad: {  	[dreg:$0x0] =	wrdreg $0x60  }
0xae: {  	[dreg:$0x2] =	wrdreg s24  }
0xaf: {  	[dreg:$0x3] =	wrdreg $0x92C00  }
0xb0: {  	[dreg:$0x4] =	wrdreg $0x9  }
0xb1: {  	_ =	task.clear_ibuf [dreg:s6], $0x5FFFF;
	_ =	strace $0x90000049  }
0xb2: {  	s29 =	simm.s32 $0x9;
	_ =	strace $0x8000004B  }
0xb3: {  	_ =	swait.ge [sflag:s29], $0x1  }
0xb4: {  	[sflag:s29] =	ssyncadd.s32 $0xFFFFFFFF  }
0xb5: {  	_ =	strace $0x9000004B  }
0xb6: {  	_ =	sfence  }
0xb7: {  	s30 =	sld [smem:$0x0];
	_ =	sdelay $0x2  }
0xb8: {  	s31 =	sshll.u32 s1, $0xD;
	s1 =	sshrl.u32 s1, $0x2  }
0xb9: {  	s3 =	sand.u32 $0x4000, s31;
	s1 =	sadd.s32 s1, s30  }
0xba: {  	s0 =	sor.u32 s3, s0;
	s1 =	sshll.u32 s1, $0x11  }
0xbb: {  	s0 =	sor.u32 s1, s0  }
0xbc: {  	s0 =	sadd.s32 $0x8F2B, s0  }
0xbd: {  	[sflag:s0] =	ssyncadd.remote.s32 $0x1  }
0xbe: {  	_ =	sfence.sel $0xFFFF  }
0xbf: {  	[dreg:$0x0] =	wrdreg $0xFFFFFFFF;
	(pc) =	sbr.abs _section_cstart, $3  }
0xc0: {  	[dreg:$0x1] =	wrdreg $0xFFFFFFFF  }
0xc1: {  	_ =	task.clear_ibuf [dreg:s6], $0x2FFFF;
	_ =	strace $0x9FFFFFFF  }
0xc2: {  	(tm) =	ssettm $0x7FFFFFFF  }
0xc3: {  	_ =	shalt  }
tec
execute0_lowered:
.L_overlay_start_1:
0x0: {  	(tag) =	ssettag $0x1  }
0x1: {  	s0 =	rddreg [dreg:$0x0]  }
0x2: {  	s2 =	rddreg [dreg:$0x1]  }
0x3: {  	s1 =	srdreg.scid;
	s7 =	stileid.u32;
	s4 =	simm.s32 $0x0  }
0x4: {  	s13 =	simm.s32 $0x9;
	s15 =	simm.s32 $0x80;
	s16 =	simm.s32 $0x4F00  }
0x5: {  	s17 =	simm.s32 $0x5300;
	s18 =	simm.s32 $0x5700;
	s19 =	simm.s32 $0x5B00  }
0x6: {  	s20 =	simm.s32 $0x5F00;
	s28 =	simm.s32 $0x6;
	s29 =	simm.s32 $0x6700  }
0x7: {  	s30 =	simm.s32 $0x6B00;
	s31 =	simm.s32 $0x6F00;
	s12 =	simm.s32 $0x7700  }
0x8: {  	s14 =	simm.s32 $0x7B00;
	s1 =	sand.u32 $0x1, s1;
	s3 =	smul.u32 $0x2780, s7  }
0x9: {  	[smem:$0x7FF] =	sst s4;
	s4 =	sadd.s32 $0x16200, s0;
	s8 =	sadd.s32 $0x2800, s0  }
0xa: {  	s5 =	smul.u32 $0x27800, s1;
	s6 =	sshll.u32 s1, $0x4;
	s1 =	ssub.s32 $0x2, s1  }
0xb: {  	_ =	strace $0x8000004A;
	s7 =	sor.u32 s7, s6;
	s9 =	sshrl.u32 s1, $0x1  }
0xc: {  	s5 =	sadd.s32 s3, s5;
	s6 =	smul.u32 $0x2700, s7;
	s1 =	ssub.s32 s1, s9  }
0xd: {  	s3 =	sshrl.u32 s3, $0x1;
	s22 =	sshll.u32 s7, $0x4;
	p0 =	slt.u32 s7, $0x1C  }
0xe: {  	s7 =	simm.s32 $0x0;
	s5 =	sshrl.u32 s5, $0x4;
	s24 =	sadd.s32 s8, s22  }
0xf: {  	s26 =	smax.u32 s1, $0x1;
	s22 =	simm.s32 $0x1;
	s1 =	simm.s32 $0x7  }
0x10: {  	s0 =	sadd.s32 s5, s0;
	s21 =	sshrl.u32 s6, $0x3;
	s6 =	sadd.s32 s3, s2  }
0x11: {  	s25 =	sadd.s32 $0x9A40, s24;
	s3 =	sadd.s32 $0x13680, s24;
	[dreg:$0x8] =	wrdreg s26  }
0x12: {  	s24 =	simm.s32 $0x3;
	s26 =	simm.s32 $0x5;
	[dreg:$0x5] =	wrdreg s25  }
0x13: {  	s5 =	sadd.s32 s8, s21;
	[dreg:$0x6] =	wrdreg s3;
	s0 =	sadd.s32 $0x18A00, s0  }
0x14: {  	s21 =	simm.s32 $0x6300;
	s25 =	simm.s32 $0x4;
	[dreg:$0x3] =	wrdreg s5  }
0x15: {  	s3 =	simm.s32 $0x8;
	s23 =	sadd.s32 $0x9C40, s5;
	[dreg:$0x7] =	wrdreg s0  }
0x16: {  	v0 =	vimm.bf16 $0.0e+00;
	s0 =	simm.s32 $0x7300;
	[dreg:$0x4] =	wrdreg s23;
	s23 =	simm.s32 $0x2  }
.LBB2_1:
0x17: {  	s8 =	simm.s32 $0x40;
	s9 =	simm.s32 $0x0  }
.LBB2_2:
0x18: {  	p1 =	sne.s32 s8, $0x4EC0;
	[tilespmem:s9+$0x7F00] =	vst.msk $0xff, v0;
	s10 =	smov.u32 s8;
	s8 =	sadd.s32 $0x40, s8  }
.Ltmp0:
0x19: {  	[tilespmem:s9+$0x7F08] =	vst.msk $0xff, v0;
	(pc) =	sbr.rel @p1 .LBB2_2-.Ltmp0, $2  }
0x1a: {  	_ =	sdelay $0x2  }
0x1b: {  	s9 =	sshra.s32 s10, $0x2  }
0x1c: {  	[tilespmem:s9+$0x7F00] =	vst.msk $0xff, v0  }
0x1d: {  	[tilespmem:s9+$0x7F08] =	vst.msk $0xff, v0;
	s5 =	simm.s32 $0x7F00  }
0x1e: {  	[spmem:s6] =	stream.linear.scatter [tilespmem:s5], [sflag:$0x9], $0x13C0, $0x38;
	[tilespmem:$0xA680] =	vst v63  }
0x1f: {  	_ =	swait.ge [sflag:s13], $0x13C0  }
0x20: {  	[sflag:s13] =	ssyncset.done $0x0  }
0x21: {  	s9 =	simm.s32 $0x0;
	s8 =	rddreg [dreg:$0x3];
	[sflag:s13] =	ssyncadd.s32 $0xFFFFEC40  }
0x22: {  	[tilespmem:s9], [sflag:$0x9] =	stream.linear.gather [hbm4b:s8+s9], $0x2700, $0x38;
	[tilespmem:$0xA680] =	vst v63  }
0x23: {  	_ =	swait.ge [sflag:s13], $0x2700  }
0x24: {  	[sflag:s13] =	ssyncset.done $0x0  }
0x25: {  	s11 =	simm.s32 $0x2780;
	s10 =	rddreg [dreg:$0x4];
	[sflag:s13] =	ssyncadd.s32 $0xFFFFD900  }
0x26: {  	[tilespmem:s11], [sflag:$0x9] =	stream.linear.gather [hbm4b:s10+s9], $0x2700, $0x38;
	[tilespmem:$0xA680] =	vst v63  }
0x27: {  	_ =	swait.ge [sflag:s13], $0x2700  }
0x28: {  	s8 =	simm.s32 @!p0 $0x0;
	[sflag:s13] =	ssyncset.done $0x0  }
0x29: {  	s9 =	simm.s32 @!p0 $0x2700;
	s5 =	rddreg [dreg:$0x5];
	[sflag:s13] =	ssyncadd.s32 $0xFFFFD900  }
0x2a: {  	[tilespmem:s9], [sflag:$0x9] =	stream.linear.gather @!p0 [hbm4b:s5+s8], $0x80, $0x38;
	[tilespmem:$0xA680] =	vst v63  }
0x2b: {  	s9 =	simm.s32 @!p0 $0x9  }
0x2c: {  	_ =	swait.ge @!p0 [sflag:s9], $0x80  }
0x2d: {  	[sflag:s9] =	ssyncset.done @!p0 $0x0  }
0x2e: {  	s10 =	simm.s32 @!p0 $0x4E80;
	s5 =	rddreg [dreg:$0x6];
	[sflag:s9] =	ssyncadd.s32 @!p0 $0xFFFFFF80  }
0x2f: {  	[tilespmem:s10], [sflag:$0x9] =	stream.linear.gather @!p0 [hbm4b:s5+s8], $0x80, $0x38;
	[tilespmem:$0xA680] =	vst v63  }
0x30: {  	_ =	swait.ge @!p0 [sflag:s9], $0x80  }
0x31: {  	[sflag:s9] =	ssyncset.done @!p0 $0x0  }
0x32: {  	p1 =	por $0x1, $0x1;
	[sflag:s9] =	ssyncadd.s32 @!p0 $0xFFFFFF80  }
0x33: {  	s8 =	simm.s32 @!p1 $0x7;
	[bflag:$0x0] =	sbarrier.arrive $0xFFFF  }
0x34: {  	_ =	swait.ge @!p1 [sflag:s8], $0x400  }
0x35: {  	[sflag:s8] =	ssyncset.done @!p1 $0x0  }
0x36: {  	[sflag:s8] =	ssyncadd.s32 @!p1 $0xFFFFFC00  }
0x37: {  	_ =	swait.ge @!p1 [sflag:s8], $0x400  }
0x38: {  	[sflag:s8] =	ssyncset.done @!p1 $0x0  }
0x39: {  	[sflag:s8] =	ssyncadd.s32 @!p1 $0xFFFFFC00  }
0x3a: {  	_ =	swait.ge @!p1 [sflag:s8], $0x400  }
0x3b: {  	[sflag:s8] =	ssyncset.done @!p1 $0x0  }
0x3c: {  	[sflag:s8] =	ssyncadd.s32 @!p1 $0xFFFFFC00  }
0x3d: {  	_ =	swait.ge @!p1 [sflag:s8], $0x400  }
0x3e: {  	[sflag:s8] =	ssyncset.done @!p1 $0x0  }
0x3f: {  	[sflag:s8] =	ssyncadd.s32 @!p1 $0xFFFFFC00  }
0x40: {  	_ =	swait.ge @!p1 [sflag:s8], $0x400  }
0x41: {  	[sflag:s8] =	ssyncset.done @!p1 $0x0  }
0x42: {  	[sflag:s8] =	ssyncadd.s32 @!p1 $0xFFFFFC00  }
0x43: {  	_ =	swait.ge @!p1 [sflag:s8], $0x400  }
0x44: {  	[sflag:s8] =	ssyncset.done @!p1 $0x0  }
0x45: {  	s9 =	simm.s32 $0x0;
	[sflag:s8] =	ssyncadd.s32 @!p1 $0xFFFFFC00  }
0x46: {  	[tilespmem:s16], [sflag:$0x1] =	stream.indirect.gather [hbm4b:s4+s15], $0x8, s9, s15, $0xb8;
	[tilespmem:$0xA680] =	vst v63  }
0x47: {  	s10 =	simm.s32 $0x80  }
0x48: {  	[tilespmem:s17], [sflag:$0x2] =	stream.indirect.gather [hbm4b:s4+s15], $0x8, s10, s15, $0xb8;
	[tilespmem:$0xA680] =	vst v63  }
0x49: {  	s11 =	simm.s32 $0x100  }
0x4a: {  	[tilespmem:s18], [sflag:$0x3] =	stream.indirect.gather [hbm4b:s4+s15], $0x8, s11, s15, $0xb8;
	[tilespmem:$0xA680] =	vst v63  }
0x4b: {  	s5 =	simm.s32 $0x180  }
0x4c: {  	[tilespmem:s19], [sflag:$0x4] =	stream.indirect.gather [hbm4b:s4+s15], $0x8, s5, s15, $0xb8;
	[tilespmem:$0xA680] =	vst v63  }
0x4d: {  	s9 =	simm.s32 $0x200  }
0x4e: {  	[tilespmem:s20], [sflag:$0x5] =	stream.indirect.gather [hbm4b:s4+s15], $0x8, s9, s15, $0xb8;
	[tilespmem:$0xA680] =	vst v63  }
0x4f: {  	s10 =	simm.s32 $0x280  }
0x50: {  	[tilespmem:s21], [sflag:$0x6] =	stream.indirect.gather [hbm4b:s4+s15], $0x8, s10, s15, $0xb8;
	[tilespmem:$0xA680] =	vst v63  }
0x51: {  	_ =	swait.ge [sflag:s22], $0x400  }
0x52: {  	[sflag:s22] =	ssyncset.done $0x0  }
0x53: {  	s11 =	simm.s32 $0x2780;
	[sflag:s22] =	ssyncadd.s32 $0xFFFFFC00  }
0x54: {  	[spmem:s2] =	stream.indirect.scatter.add.bf16 [tilespmem:s16], [sflag:$0x7], $0x8, s11, s15, $0xb8;
	[tilespmem:$0xA680] =	vst v63  }
0x55: {  	_ =	swait.ge [sflag:s23], $0x400  }
0x56: {  	[sflag:s23] =	ssyncset.done $0x0  }
0x57: {  	s5 =	simm.s32 $0x2800;
	[sflag:s23] =	ssyncadd.s32 $0xFFFFFC00  }
0x58: {  	[spmem:s2] =	stream.indirect.scatter.add.bf16 [tilespmem:s17], [sflag:$0x7], $0x8, s5, s15, $0xb8;
	[tilespmem:$0xA680] =	vst v63  }
0x59: {  	_ =	swait.ge [sflag:s24], $0x400  }
0x5a: {  	[sflag:s24] =	ssyncset.done $0x0  }
0x5b: {  	s9 =	simm.s32 $0x2880;
	[sflag:s24] =	ssyncadd.s32 $0xFFFFFC00  }
0x5c: {  	[spmem:s2] =	stream.indirect.scatter.add.bf16 [tilespmem:s18], [sflag:$0x7], $0x8, s9, s15, $0xb8;
	[tilespmem:$0xA680] =	vst v63  }
0x5d: {  	_ =	swait.ge [sflag:s25], $0x400  }
0x5e: {  	[sflag:s25] =	ssyncset.done $0x0  }
0x5f: {  	s10 =	simm.s32 $0x2900;
	[sflag:s25] =	ssyncadd.s32 $0xFFFFFC00  }
0x60: {  	[spmem:s2] =	stream.indirect.scatter.add.bf16 [tilespmem:s19], [sflag:$0x7], $0x8, s10, s15, $0xb8;
	[tilespmem:$0xA680] =	vst v63  }
0x61: {  	_ =	swait.ge [sflag:s26], $0x400  }
0x62: {  	[sflag:s26] =	ssyncset.done $0x0  }
0x63: {  	s11 =	simm.s32 $0x2980;
	[sflag:s26] =	ssyncadd.s32 $0xFFFFFC00  }
0x64: {  	[spmem:s2] =	stream.indirect.scatter.add.bf16 [tilespmem:s20], [sflag:$0x7], $0x8, s11, s15, $0xb8;
	[tilespmem:$0xA680] =	vst v63  }
0x65: {  	_ =	swait.ge [sflag:s28], $0x400  }
0x66: {  	[sflag:s28] =	ssyncset.done $0x0  }
0x67: {  	s5 =	simm.s32 $0x2A00;
	s9 =	simm.s32 @!p1 $0x8;
	[sflag:s28] =	ssyncadd.s32 $0xFFFFFC00  }
0x68: {  	[spmem:s2] =	stream.indirect.scatter.add.bf16 [tilespmem:s21], [sflag:$0x7], $0x8, s5, s15, $0xb8;
	[tilespmem:$0xA680] =	vst v63  }
0x69: {  	_ =	swait.ge @!p1 [sflag:s9], $0x400  }
0x6a: {  	[sflag:s9] =	ssyncset.done @!p1 $0x0  }
0x6b: {  	[sflag:s9] =	ssyncadd.s32 @!p1 $0xFFFFFC00  }
0x6c: {  	_ =	swait.ge @!p1 [sflag:s9], $0x400  }
0x6d: {  	[sflag:s9] =	ssyncset.done @!p1 $0x0  }
0x6e: {  	[sflag:s9] =	ssyncadd.s32 @!p1 $0xFFFFFC00  }
0x6f: {  	_ =	swait.ge @!p1 [sflag:s9], $0x400  }
0x70: {  	[sflag:s9] =	ssyncset.done @!p1 $0x0  }
0x71: {  	[sflag:s9] =	ssyncadd.s32 @!p1 $0xFFFFFC00  }
0x72: {  	_ =	swait.ge @!p1 [sflag:s9], $0x400  }
0x73: {  	[sflag:s9] =	ssyncset.done @!p1 $0x0  }
0x74: {  	[sflag:s9] =	ssyncadd.s32 @!p1 $0xFFFFFC00  }
0x75: {  	_ =	swait.ge @!p1 [sflag:s9], $0x400  }
0x76: {  	[sflag:s9] =	ssyncset.done @!p1 $0x0  }
0x77: {  	[sflag:s9] =	ssyncadd.s32 @!p1 $0xFFFFFC00  }
0x78: {  	_ =	swait.ge @!p1 [sflag:s9], $0x400  }
0x79: {  	[sflag:s9] =	ssyncset.done @!p1 $0x0  }
0x7a: {  	[sflag:s9] =	ssyncadd.s32 @!p1 $0xFFFFFC00;
	s9 =	simm.s32 $0x300  }
0x7b: {  	[tilespmem:s29], [sflag:$0x1] =	stream.indirect.gather [hbm4b:s4+s15], $0x8, s9, s15, $0xb8;
	[tilespmem:$0xA680] =	vst v63  }
0x7c: {  	s10 =	simm.s32 $0x380  }
0x7d: {  	[tilespmem:s30], [sflag:$0x2] =	stream.indirect.gather [hbm4b:s4+s15], $0x8, s10, s15, $0xb8;
	[tilespmem:$0xA680] =	vst v63  }
0x7e: {  	s11 =	simm.s32 $0x400  }
0x7f: {  	[tilespmem:s31], [sflag:$0x3] =	stream.indirect.gather [hbm4b:s4+s15], $0x8, s11, s15, $0xb8;
	[tilespmem:$0xA680] =	vst v63  }
0x80: {  	s5 =	simm.s32 $0x480  }
0x81: {  	[tilespmem:s0], [sflag:$0x4] =	stream.indirect.gather [hbm4b:s4+s15], $0x8, s5, s15, $0xb8;
	[tilespmem:$0xA680] =	vst v63  }
0x82: {  	s9 =	simm.s32 $0x500  }
0x83: {  	[tilespmem:s12], [sflag:$0x5] =	stream.indirect.gather [hbm4b:s4+s15], $0x8, s9, s15, $0xb8;
	[tilespmem:$0xA680] =	vst v63  }
0x84: {  	s10 =	simm.s32 $0x580  }
0x85: {  	[tilespmem:s14], [sflag:$0x6] =	stream.indirect.gather [hbm4b:s4+s15], $0x8, s10, s15, $0xb8;
	[tilespmem:$0xA680] =	vst v63  }
0x86: {  	_ =	swait.ge [sflag:s22], $0x400  }
0x87: {  	[sflag:s22] =	ssyncset.done $0x0  }
0x88: {  	s11 =	simm.s32 $0x2A80;
	[sflag:s22] =	ssyncadd.s32 $0xFFFFFC00  }
0x89: {  	[spmem:s2] =	stream.indirect.scatter.add.bf16 [tilespmem:s29], [sflag:$0x8], $0x8, s11, s15, $0xb8;
	[tilespmem:$0xA680] =	vst v63  }
0x8a: {  	_ =	swait.ge [sflag:s23], $0x400  }
0x8b: {  	[sflag:s23] =	ssyncset.done $0x0  }
0x8c: {  	s5 =	simm.s32 $0x2B00;
	[sflag:s23] =	ssyncadd.s32 $0xFFFFFC00  }
0x8d: {  	[spmem:s2] =	stream.indirect.scatter.add.bf16 [tilespmem:s30], [sflag:$0x8], $0x8, s5, s15, $0xb8;
	[tilespmem:$0xA680] =	vst v63  }
0x8e: {  	_ =	swait.ge [sflag:s24], $0x400  }
0x8f: {  	[sflag:s24] =	ssyncset.done $0x0  }
0x90: {  	s9 =	simm.s32 $0x2B80;
	[sflag:s24] =	ssyncadd.s32 $0xFFFFFC00  }
0x91: {  	[spmem:s2] =	stream.indirect.scatter.add.bf16 [tilespmem:s31], [sflag:$0x8], $0x8, s9, s15, $0xb8;
	[tilespmem:$0xA680] =	vst v63  }
0x92: {  	_ =	swait.ge [sflag:s25], $0x400  }
0x93: {  	[sflag:s25] =	ssyncset.done $0x0  }
0x94: {  	s10 =	simm.s32 $0x2C00;
	[sflag:s25] =	ssyncadd.s32 $0xFFFFFC00  }
0x95: {  	[spmem:s2] =	stream.indirect.scatter.add.bf16 [tilespmem:s0], [sflag:$0x8], $0x8, s10, s15, $0xb8;
	[tilespmem:$0xA680] =	vst v63  }
0x96: {  	_ =	swait.ge [sflag:s26], $0x400  }
0x97: {  	[sflag:s26] =	ssyncset.done $0x0  }
0x98: {  	s11 =	simm.s32 $0x2C80;
	[sflag:s26] =	ssyncadd.s32 $0xFFFFFC00  }
0x99: {  	[spmem:s2] =	stream.indirect.scatter.add.bf16 [tilespmem:s12], [sflag:$0x8], $0x8, s11, s15, $0xb8;
	[tilespmem:$0xA680] =	vst v63  }
0x9a: {  	s8 =	simm.s32 $0x1800;
	p1 =	por $0x0, $0x0;
	_ =	swait.ge [sflag:s28], $0x400  }
0x9b: {  	s9 =	simm.s32 $0x3000;
	s10 =	simm.s32 $0x2D00;
	[sflag:s28] =	ssyncset.done $0x0  }
.LBB2_4:
0x9c: {  	s11 =	simm.s32 @!p1 $0x7  }
0x9d: {  	[sflag:s28] =	ssyncadd.s32 $0xFFFFFC00;
	s5 =	smov.u32 s9;
	s9 =	sadd.s32 $0x1800, s9  }
0x9e: {  	[spmem:s2] =	stream.indirect.scatter.add.bf16 [tilespmem:s14], [sflag:$0x8], $0x8, s10, s15, $0xb8;
	[tilespmem:$0xA680] =	vst v63  }
0x9f: {  	p2 =	sne.s32 s9, $0x9000;
	_ =	swait.ge @!p1 [sflag:s11], $0x400  }
0xa0: {  	[sflag:s11] =	ssyncset.done @!p1 $0x0  }
0xa1: {  	[sflag:s11] =	ssyncadd.s32 @!p1 $0xFFFFFC00  }
0xa2: {  	_ =	swait.ge @!p1 [sflag:s11], $0x400  }
0xa3: {  	[sflag:s11] =	ssyncset.done @!p1 $0x0  }
0xa4: {  	[sflag:s11] =	ssyncadd.s32 @!p1 $0xFFFFFC00  }
0xa5: {  	_ =	swait.ge @!p1 [sflag:s11], $0x400  }
0xa6: {  	[sflag:s11] =	ssyncset.done @!p1 $0x0  }
0xa7: {  	[sflag:s11] =	ssyncadd.s32 @!p1 $0xFFFFFC00  }
0xa8: {  	_ =	swait.ge @!p1 [sflag:s11], $0x400  }
0xa9: {  	[sflag:s11] =	ssyncset.done @!p1 $0x0  }
0xaa: {  	[sflag:s11] =	ssyncadd.s32 @!p1 $0xFFFFFC00  }
0xab: {  	_ =	swait.ge @!p1 [sflag:s11], $0x400  }
0xac: {  	[sflag:s11] =	ssyncset.done @!p1 $0x0  }
0xad: {  	[sflag:s11] =	ssyncadd.s32 @!p1 $0xFFFFFC00  }
0xae: {  	_ =	swait.ge @!p1 [sflag:s11], $0x400  }
0xaf: {  	[sflag:s11] =	ssyncset.done @!p1 $0x0  }
0xb0: {  	s10 =	sshra.s32 s8, $0x2;
	s8 =	smov.u32 s5;
	[sflag:s11] =	ssyncadd.s32 @!p1 $0xFFFFFC00  }
0xb1: {  	[tilespmem:s16], [sflag:$0x1] =	stream.indirect.gather [hbm4b:s4+s15], $0x8, s10, s15, $0xb8;
	[tilespmem:$0xA680] =	vst v63  }
0xb2: {  	s5 =	sadd.s32 $0x80, s10  }
0xb3: {  	[tilespmem:s17], [sflag:$0x2] =	stream.indirect.gather [hbm4b:s4+s15], $0x8, s5, s15, $0xb8;
	[tilespmem:$0xA680] =	vst v63  }
0xb4: {  	s5 =	sadd.s32 $0x100, s10  }
0xb5: {  	[tilespmem:s18], [sflag:$0x3] =	stream.indirect.gather [hbm4b:s4+s15], $0x8, s5, s15, $0xb8;
	[tilespmem:$0xA680] =	vst v63  }
0xb6: {  	s5 =	sadd.s32 $0x180, s10  }
0xb7: {  	[tilespmem:s19], [sflag:$0x4] =	stream.indirect.gather [hbm4b:s4+s15], $0x8, s5, s15, $0xb8;
	[tilespmem:$0xA680] =	vst v63  }
0xb8: {  	s5 =	sadd.s32 $0x200, s10  }
0xb9: {  	[tilespmem:s20], [sflag:$0x5] =	stream.indirect.gather [hbm4b:s4+s15], $0x8, s5, s15, $0xb8;
	[tilespmem:$0xA680] =	vst v63  }
0xba: {  	s5 =	sadd.s32 $0x280, s10  }
0xbb: {  	[tilespmem:s21], [sflag:$0x6] =	stream.indirect.gather [hbm4b:s4+s15], $0x8, s5, s15, $0xb8;
	[tilespmem:$0xA680] =	vst v63  }
0xbc: {  	_ =	swait.ge [sflag:s22], $0x400  }
0xbd: {  	[sflag:s22] =	ssyncset.done $0x0  }
0xbe: {  	s5 =	sadd.s32 $0x2780, s10;
	[sflag:s22] =	ssyncadd.s32 $0xFFFFFC00  }
0xbf: {  	[spmem:s2] =	stream.indirect.scatter.add.bf16 [tilespmem:s16], [sflag:$0x7], $0x8, s5, s15, $0xb8;
	[tilespmem:$0xA680] =	vst v63  }
0xc0: {  	_ =	swait.ge [sflag:s23], $0x400  }
0xc1: {  	[sflag:s23] =	ssyncset.done $0x0  }
0xc2: {  	s5 =	sadd.s32 $0x2800, s10;
	[sflag:s23] =	ssyncadd.s32 $0xFFFFFC00  }
0xc3: {  	[spmem:s2] =	stream.indirect.scatter.add.bf16 [tilespmem:s17], [sflag:$0x7], $0x8, s5, s15, $0xb8;
	[tilespmem:$0xA680] =	vst v63  }
0xc4: {  	_ =	swait.ge [sflag:s24], $0x400  }
0xc5: {  	[sflag:s24] =	ssyncset.done $0x0  }
0xc6: {  	s5 =	sadd.s32 $0x2880, s10;
	[sflag:s24] =	ssyncadd.s32 $0xFFFFFC00  }
0xc7: {  	[spmem:s2] =	stream.indirect.scatter.add.bf16 [tilespmem:s18], [sflag:$0x7], $0x8, s5, s15, $0xb8;
	[tilespmem:$0xA680] =	vst v63  }
0xc8: {  	_ =	swait.ge [sflag:s25], $0x400  }
0xc9: {  	[sflag:s25] =	ssyncset.done $0x0  }
0xca: {  	s5 =	sadd.s32 $0x2900, s10;
	[sflag:s25] =	ssyncadd.s32 $0xFFFFFC00  }
0xcb: {  	[spmem:s2] =	stream.indirect.scatter.add.bf16 [tilespmem:s19], [sflag:$0x7], $0x8, s5, s15, $0xb8;
	[tilespmem:$0xA680] =	vst v63  }
0xcc: {  	_ =	swait.ge [sflag:s26], $0x400  }
0xcd: {  	[sflag:s26] =	ssyncset.done $0x0  }
0xce: {  	s5 =	sadd.s32 $0x2980, s10;
	[sflag:s26] =	ssyncadd.s32 $0xFFFFFC00  }
0xcf: {  	[spmem:s2] =	stream.indirect.scatter.add.bf16 [tilespmem:s20], [sflag:$0x7], $0x8, s5, s15, $0xb8;
	[tilespmem:$0xA680] =	vst v63  }
0xd0: {  	_ =	swait.ge [sflag:s28], $0x400  }
0xd1: {  	[sflag:s28] =	ssyncset.done $0x0  }
0xd2: {  	s11 =	simm.s32 @!p1 $0x8;
	s5 =	sadd.s32 $0x2A00, s10;
	[sflag:s28] =	ssyncadd.s32 $0xFFFFFC00  }
0xd3: {  	[spmem:s2] =	stream.indirect.scatter.add.bf16 [tilespmem:s21], [sflag:$0x7], $0x8, s5, s15, $0xb8;
	[tilespmem:$0xA680] =	vst v63  }
0xd4: {  	_ =	swait.ge @!p1 [sflag:s11], $0x400  }
0xd5: {  	[sflag:s11] =	ssyncset.done @!p1 $0x0  }
0xd6: {  	[sflag:s11] =	ssyncadd.s32 @!p1 $0xFFFFFC00  }
0xd7: {  	_ =	swait.ge @!p1 [sflag:s11], $0x400  }
0xd8: {  	[sflag:s11] =	ssyncset.done @!p1 $0x0  }
0xd9: {  	[sflag:s11] =	ssyncadd.s32 @!p1 $0xFFFFFC00  }
0xda: {  	_ =	swait.ge @!p1 [sflag:s11], $0x400  }
0xdb: {  	[sflag:s11] =	ssyncset.done @!p1 $0x0  }
0xdc: {  	[sflag:s11] =	ssyncadd.s32 @!p1 $0xFFFFFC00  }
0xdd: {  	_ =	swait.ge @!p1 [sflag:s11], $0x400  }
0xde: {  	[sflag:s11] =	ssyncset.done @!p1 $0x0  }
0xdf: {  	[sflag:s11] =	ssyncadd.s32 @!p1 $0xFFFFFC00  }
0xe0: {  	_ =	swait.ge @!p1 [sflag:s11], $0x400  }
0xe1: {  	[sflag:s11] =	ssyncset.done @!p1 $0x0  }
0xe2: {  	[sflag:s11] =	ssyncadd.s32 @!p1 $0xFFFFFC00  }
0xe3: {  	_ =	swait.ge @!p1 [sflag:s11], $0x400  }
0xe4: {  	[sflag:s11] =	ssyncset.done @!p1 $0x0  }
0xe5: {  	s5 =	sadd.s32 $0x300, s10;
	[sflag:s11] =	ssyncadd.s32 @!p1 $0xFFFFFC00  }
0xe6: {  	[tilespmem:s29], [sflag:$0x1] =	stream.indirect.gather [hbm4b:s4+s15], $0x8, s5, s15, $0xb8;
	[tilespmem:$0xA680] =	vst v63  }
0xe7: {  	s5 =	sadd.s32 $0x380, s10  }
0xe8: {  	[tilespmem:s30], [sflag:$0x2] =	stream.indirect.gather [hbm4b:s4+s15], $0x8, s5, s15, $0xb8;
	[tilespmem:$0xA680] =	vst v63  }
0xe9: {  	s5 =	sadd.s32 $0x400, s10  }
0xea: {  	[tilespmem:s31], [sflag:$0x3] =	stream.indirect.gather [hbm4b:s4+s15], $0x8, s5, s15, $0xb8;
	[tilespmem:$0xA680] =	vst v63  }
0xeb: {  	s5 =	sadd.s32 $0x480, s10  }
0xec: {  	[tilespmem:s0], [sflag:$0x4] =	stream.indirect.gather [hbm4b:s4+s15], $0x8, s5, s15, $0xb8;
	[tilespmem:$0xA680] =	vst v63  }
0xed: {  	s5 =	sadd.s32 $0x500, s10  }
0xee: {  	[tilespmem:s12], [sflag:$0x5] =	stream.indirect.gather [hbm4b:s4+s15], $0x8, s5, s15, $0xb8;
	[tilespmem:$0xA680] =	vst v63  }
0xef: {  	s5 =	sadd.s32 $0x580, s10  }
0xf0: {  	[tilespmem:s14], [sflag:$0x6] =	stream.indirect.gather [hbm4b:s4+s15], $0x8, s5, s15, $0xb8;
	[tilespmem:$0xA680] =	vst v63  }
0xf1: {  	_ =	swait.ge [sflag:s22], $0x400  }
0xf2: {  	[sflag:s22] =	ssyncset.done $0x0  }
0xf3: {  	s5 =	sadd.s32 $0x2A80, s10;
	[sflag:s22] =	ssyncadd.s32 $0xFFFFFC00  }
0xf4: {  	[spmem:s2] =	stream.indirect.scatter.add.bf16 [tilespmem:s29], [sflag:$0x8], $0x8, s5, s15, $0xb8;
	[tilespmem:$0xA680] =	vst v63  }
0xf5: {  	_ =	swait.ge [sflag:s23], $0x400  }
0xf6: {  	[sflag:s23] =	ssyncset.done $0x0  }
0xf7: {  	s5 =	sadd.s32 $0x2B00, s10;
	[sflag:s23] =	ssyncadd.s32 $0xFFFFFC00  }
0xf8: {  	[spmem:s2] =	stream.indirect.scatter.add.bf16 [tilespmem:s30], [sflag:$0x8], $0x8, s5, s15, $0xb8;
	[tilespmem:$0xA680] =	vst v63  }
0xf9: {  	_ =	swait.ge [sflag:s24], $0x400  }
0xfa: {  	[sflag:s24] =	ssyncset.done $0x0  }
0xfb: {  	s5 =	sadd.s32 $0x2B80, s10;
	[sflag:s24] =	ssyncadd.s32 $0xFFFFFC00  }
0xfc: {  	[spmem:s2] =	stream.indirect.scatter.add.bf16 [tilespmem:s31], [sflag:$0x8], $0x8, s5, s15, $0xb8;
	[tilespmem:$0xA680] =	vst v63  }
0xfd: {  	_ =	swait.ge [sflag:s25], $0x400  }
0xfe: {  	[sflag:s25] =	ssyncset.done $0x0  }
0xff: {  	s5 =	sadd.s32 $0x2C00, s10;
	[sflag:s25] =	ssyncadd.s32 $0xFFFFFC00  }
0x100: {  	[spmem:s2] =	stream.indirect.scatter.add.bf16 [tilespmem:s0], [sflag:$0x8], $0x8, s5, s15, $0xb8;
	[tilespmem:$0xA680] =	vst v63  }
0x101: {  	_ =	swait.ge [sflag:s26], $0x400  }
.Ltmp1:
0x102: {  	[sflag:s26] =	ssyncset.done $0x0;
	(pc) =	sbr.rel @p2 .LBB2_4-.Ltmp1, $4  }
0x103: {  	s5 =	sadd.s32 $0x2C80, s10;
	[sflag:s26] =	ssyncadd.s32 $0xFFFFFC00  }
0x104: {  	[spmem:s2] =	stream.indirect.scatter.add.bf16 [tilespmem:s12], [sflag:$0x8], $0x8, s5, s15, $0xb8;
	[tilespmem:$0xA680] =	vst v63  }
0x105: {  	_ =	swait.ge [sflag:s28], $0x400  }
0x106: {  	p1 =	seq.s32 s8, $0x0;
	s10 =	sadd.s32 $0x2D00, s10;
	[sflag:s28] =	ssyncset.done $0x0  }
0x107: {  	s5 =	simm.s32 @!p1 $0x7;
	[sflag:s28] =	ssyncadd.s32 $0xFFFFFC00  }
0x108: {  	[spmem:s2] =	stream.indirect.scatter.add.bf16 [tilespmem:s14], [sflag:$0x8], $0x8, s10, s15, $0xb8;
	[tilespmem:$0xA680] =	vst v63  }
0x109: {  	_ =	swait.ge @!p1 [sflag:s5], $0x400  }
0x10a: {  	[sflag:s5] =	ssyncset.done @!p1 $0x0  }
0x10b: {  	[sflag:s5] =	ssyncadd.s32 @!p1 $0xFFFFFC00  }
0x10c: {  	_ =	swait.ge @!p1 [sflag:s5], $0x400  }
0x10d: {  	[sflag:s5] =	ssyncset.done @!p1 $0x0  }
0x10e: {  	[sflag:s5] =	ssyncadd.s32 @!p1 $0xFFFFFC00  }
0x10f: {  	_ =	swait.ge @!p1 [sflag:s5], $0x400  }
0x110: {  	[sflag:s5] =	ssyncset.done @!p1 $0x0  }
0x111: {  	[sflag:s5] =	ssyncadd.s32 @!p1 $0xFFFFFC00  }
0x112: {  	_ =	swait.ge @!p1 [sflag:s5], $0x400  }
0x113: {  	[sflag:s5] =	ssyncset.done @!p1 $0x0  }
0x114: {  	[sflag:s5] =	ssyncadd.s32 @!p1 $0xFFFFFC00  }
0x115: {  	_ =	swait.ge @!p1 [sflag:s5], $0x400  }
0x116: {  	[sflag:s5] =	ssyncset.done @!p1 $0x0  }
0x117: {  	[sflag:s5] =	ssyncadd.s32 @!p1 $0xFFFFFC00  }
0x118: {  	_ =	swait.ge @!p1 [sflag:s5], $0x400  }
0x119: {  	[sflag:s5] =	ssyncset.done @!p1 $0x0  }
0x11a: {  	s8 =	sshra.s32 s8, $0x2;
	[sflag:s5] =	ssyncadd.s32 @!p1 $0xFFFFFC00  }
0x11b: {  	[tilespmem:s16], [sflag:$0x1] =	stream.indirect.gather [hbm4b:s4+s15], $0x8, s8, s15, $0xb8;
	[tilespmem:$0xA680] =	vst v63  }
0x11c: {  	s10 =	sadd.s32 $0x80, s8  }
0x11d: {  	[tilespmem:s17], [sflag:$0x2] =	stream.indirect.gather [hbm4b:s4+s15], $0x8, s10, s15, $0xb8;
	[tilespmem:$0xA680] =	vst v63  }
0x11e: {  	s11 =	sadd.s32 $0x100, s8  }
0x11f: {  	[tilespmem:s18], [sflag:$0x3] =	stream.indirect.gather [hbm4b:s4+s15], $0x8, s11, s15, $0xb8;
	[tilespmem:$0xA680] =	vst v63  }
0x120: {  	s9 =	sadd.s32 $0x180, s8  }
0x121: {  	[tilespmem:s19], [sflag:$0x4] =	stream.indirect.gather [hbm4b:s4+s15], $0x8, s9, s15, $0xb8;
	[tilespmem:$0xA680] =	vst v63  }
0x122: {  	s10 =	sadd.s32 $0x200, s8  }
0x123: {  	[tilespmem:s20], [sflag:$0x5] =	stream.indirect.gather [hbm4b:s4+s15], $0x8, s10, s15, $0xb8;
	[tilespmem:$0xA680] =	vst v63  }
0x124: {  	s11 =	sadd.s32 $0x280, s8  }
0x125: {  	[tilespmem:s21], [sflag:$0x6] =	stream.indirect.gather [hbm4b:s4+s15], $0x8, s11, s15, $0xb8;
	[tilespmem:$0xA680] =	vst v63  }
0x126: {  	_ =	swait.ge [sflag:s22], $0x400  }
0x127: {  	[sflag:s22] =	ssyncset.done $0x0  }
0x128: {  	s9 =	sadd.s32 $0x2780, s8;
	[sflag:s22] =	ssyncadd.s32 $0xFFFFFC00  }
0x129: {  	[spmem:s2] =	stream.indirect.scatter.add.bf16 [tilespmem:s16], [sflag:$0x7], $0x8, s9, s15, $0xb8;
	[tilespmem:$0xA680] =	vst v63  }
0x12a: {  	_ =	swait.ge [sflag:s23], $0x400  }
0x12b: {  	[sflag:s23] =	ssyncset.done $0x0  }
0x12c: {  	s10 =	sadd.s32 $0x2800, s8;
	[sflag:s23] =	ssyncadd.s32 $0xFFFFFC00  }
0x12d: {  	[spmem:s2] =	stream.indirect.scatter.add.bf16 [tilespmem:s17], [sflag:$0x7], $0x8, s10, s15, $0xb8;
	[tilespmem:$0xA680] =	vst v63  }
0x12e: {  	_ =	swait.ge [sflag:s24], $0x400  }
0x12f: {  	[sflag:s24] =	ssyncset.done $0x0  }
0x130: {  	s11 =	sadd.s32 $0x2880, s8;
	[sflag:s24] =	ssyncadd.s32 $0xFFFFFC00  }
0x131: {  	[spmem:s2] =	stream.indirect.scatter.add.bf16 [tilespmem:s18], [sflag:$0x7], $0x8, s11, s15, $0xb8;
	[tilespmem:$0xA680] =	vst v63  }
0x132: {  	_ =	swait.ge [sflag:s25], $0x400  }
0x133: {  	[sflag:s25] =	ssyncset.done $0x0  }
0x134: {  	s9 =	sadd.s32 $0x2900, s8;
	[sflag:s25] =	ssyncadd.s32 $0xFFFFFC00  }
0x135: {  	[spmem:s2] =	stream.indirect.scatter.add.bf16 [tilespmem:s19], [sflag:$0x7], $0x8, s9, s15, $0xb8;
	[tilespmem:$0xA680] =	vst v63  }
0x136: {  	_ =	swait.ge [sflag:s26], $0x400  }
0x137: {  	[sflag:s26] =	ssyncset.done $0x0  }
0x138: {  	s10 =	sadd.s32 $0x2980, s8;
	[sflag:s26] =	ssyncadd.s32 $0xFFFFFC00  }
0x139: {  	[spmem:s2] =	stream.indirect.scatter.add.bf16 [tilespmem:s20], [sflag:$0x7], $0x8, s10, s15, $0xb8;
	[tilespmem:$0xA680] =	vst v63  }
0x13a: {  	_ =	swait.ge [sflag:s28], $0x400  }
0x13b: {  	[sflag:s28] =	ssyncset.done $0x0  }
0x13c: {  	s11 =	sadd.s32 $0x2A00, s8;
	s9 =	simm.s32 @!p1 $0x8;
	[sflag:s28] =	ssyncadd.s32 $0xFFFFFC00  }
0x13d: {  	[spmem:s2] =	stream.indirect.scatter.add.bf16 [tilespmem:s21], [sflag:$0x7], $0x8, s11, s15, $0xb8;
	[tilespmem:$0xA680] =	vst v63  }
0x13e: {  	_ =	swait.ge @!p1 [sflag:s9], $0x400  }
0x13f: {  	[sflag:s9] =	ssyncset.done @!p1 $0x0  }
0x140: {  	[sflag:s9] =	ssyncadd.s32 @!p1 $0xFFFFFC00  }
0x141: {  	_ =	swait.ge @!p1 [sflag:s9], $0x400  }
0x142: {  	[sflag:s9] =	ssyncset.done @!p1 $0x0  }
0x143: {  	[sflag:s9] =	ssyncadd.s32 @!p1 $0xFFFFFC00  }
0x144: {  	_ =	swait.ge @!p1 [sflag:s9], $0x400  }
0x145: {  	[sflag:s9] =	ssyncset.done @!p1 $0x0  }
0x146: {  	[sflag:s9] =	ssyncadd.s32 @!p1 $0xFFFFFC00  }
0x147: {  	_ =	swait.ge @!p1 [sflag:s9], $0x400  }
0x148: {  	[sflag:s9] =	ssyncset.done @!p1 $0x0  }
0x149: {  	[sflag:s9] =	ssyncadd.s32 @!p1 $0xFFFFFC00  }
0x14a: {  	_ =	swait.ge @!p1 [sflag:s9], $0x400  }
0x14b: {  	[sflag:s9] =	ssyncset.done @!p1 $0x0  }
0x14c: {  	[sflag:s9] =	ssyncadd.s32 @!p1 $0xFFFFFC00  }
0x14d: {  	_ =	swait.ge @!p1 [sflag:s9], $0x400  }
0x14e: {  	[sflag:s9] =	ssyncset.done @!p1 $0x0  }
0x14f: {  	[sflag:s9] =	ssyncadd.s32 @!p1 $0xFFFFFC00;
	s9 =	sadd.s32 $0x300, s8  }
0x150: {  	[tilespmem:s29], [sflag:$0x1] =	stream.indirect.gather [hbm4b:s4+s15], $0x8, s9, s15, $0xb8;
	[tilespmem:$0xA680] =	vst v63  }
0x151: {  	s10 =	sadd.s32 $0x380, s8  }
0x152: {  	[tilespmem:s30], [sflag:$0x2] =	stream.indirect.gather [hbm4b:s4+s15], $0x8, s10, s15, $0xb8;
	[tilespmem:$0xA680] =	vst v63  }
0x153: {  	s11 =	sadd.s32 $0x400, s8  }
0x154: {  	[tilespmem:s31], [sflag:$0x3] =	stream.indirect.gather [hbm4b:s4+s15], $0x8, s11, s15, $0xb8;
	[tilespmem:$0xA680] =	vst v63  }
0x155: {  	s9 =	sadd.s32 $0x480, s8  }
0x156: {  	[tilespmem:s0], [sflag:$0x4] =	stream.indirect.gather [hbm4b:s4+s15], $0x8, s9, s15, $0xb8;
	[tilespmem:$0xA680] =	vst v63  }
0x157: {  	s10 =	sadd.s32 $0x500, s8  }
0x158: {  	[tilespmem:s12], [sflag:$0x5] =	stream.indirect.gather [hbm4b:s4+s15], $0x8, s10, s15, $0xb8;
	[tilespmem:$0xA680] =	vst v63  }
0x159: {  	s11 =	sadd.s32 $0x580, s8  }
0x15a: {  	[tilespmem:s14], [sflag:$0x6] =	stream.indirect.gather [hbm4b:s4+s15], $0x8, s11, s15, $0xb8;
	[tilespmem:$0xA680] =	vst v63  }
0x15b: {  	_ =	swait.ge [sflag:s22], $0x400  }
0x15c: {  	[sflag:s22] =	ssyncset.done $0x0  }
0x15d: {  	s9 =	sadd.s32 $0x2A80, s8;
	[sflag:s22] =	ssyncadd.s32 $0xFFFFFC00  }
0x15e: {  	[spmem:s2] =	stream.indirect.scatter.add.bf16 [tilespmem:s29], [sflag:$0x8], $0x8, s9, s15, $0xb8;
	[tilespmem:$0xA680] =	vst v63  }
0x15f: {  	_ =	swait.ge [sflag:s23], $0x400  }
0x160: {  	[sflag:s23] =	ssyncset.done $0x0  }
0x161: {  	s10 =	sadd.s32 $0x2B00, s8;
	[sflag:s23] =	ssyncadd.s32 $0xFFFFFC00  }
0x162: {  	[spmem:s2] =	stream.indirect.scatter.add.bf16 [tilespmem:s30], [sflag:$0x8], $0x8, s10, s15, $0xb8;
	[tilespmem:$0xA680] =	vst v63  }
0x163: {  	_ =	swait.ge [sflag:s24], $0x400  }
0x164: {  	[sflag:s24] =	ssyncset.done $0x0  }
0x165: {  	s11 =	sadd.s32 $0x2B80, s8;
	[sflag:s24] =	ssyncadd.s32 $0xFFFFFC00  }
0x166: {  	[spmem:s2] =	stream.indirect.scatter.add.bf16 [tilespmem:s31], [sflag:$0x8], $0x8, s11, s15, $0xb8;
	[tilespmem:$0xA680] =	vst v63  }
0x167: {  	_ =	swait.ge [sflag:s25], $0x400  }
0x168: {  	[sflag:s25] =	ssyncset.done $0x0  }
0x169: {  	s9 =	sadd.s32 $0x2C00, s8;
	[sflag:s25] =	ssyncadd.s32 $0xFFFFFC00  }
0x16a: {  	[spmem:s2] =	stream.indirect.scatter.add.bf16 [tilespmem:s0], [sflag:$0x8], $0x8, s9, s15, $0xb8;
	[tilespmem:$0xA680] =	vst v63  }
0x16b: {  	_ =	swait.ge [sflag:s26], $0x400  }
0x16c: {  	[sflag:s26] =	ssyncset.done $0x0  }
0x16d: {  	s10 =	sadd.s32 $0x2C80, s8;
	[sflag:s26] =	ssyncadd.s32 $0xFFFFFC00  }
0x16e: {  	[spmem:s2] =	stream.indirect.scatter.add.bf16 [tilespmem:s12], [sflag:$0x8], $0x8, s10, s15, $0xb8;
	[tilespmem:$0xA680] =	vst v63  }
0x16f: {  	_ =	swait.ge [sflag:s28], $0x400  }
0x170: {  	[sflag:s28] =	ssyncset.done $0x0  }
0x171: {  	s11 =	sadd.s32 $0x2D00, s8;
	[sflag:s28] =	ssyncadd.s32 $0xFFFFFC00  }
0x172: {  	[spmem:s2] =	stream.indirect.scatter.add.bf16 [tilespmem:s14], [sflag:$0x8], $0x8, s11, s15, $0xb8;
	[tilespmem:$0xA680] =	vst v63  }
0x173: {  	_ =	swait.ge [sflag:s1], $0x400  }
0x174: {  	[sflag:s1] =	ssyncset.done $0x0  }
0x175: {  	[sflag:s1] =	ssyncadd.s32 $0xFFFFFC00  }
0x176: {  	_ =	swait.ge [sflag:s1], $0x400  }
0x177: {  	[sflag:s1] =	ssyncset.done $0x0  }
0x178: {  	[sflag:s1] =	ssyncadd.s32 $0xFFFFFC00  }
0x179: {  	_ =	swait.ge [sflag:s1], $0x400  }
0x17a: {  	[sflag:s1] =	ssyncset.done $0x0  }
0x17b: {  	[sflag:s1] =	ssyncadd.s32 $0xFFFFFC00  }
0x17c: {  	_ =	swait.ge [sflag:s1], $0x400  }
0x17d: {  	[sflag:s1] =	ssyncset.done $0x0  }
0x17e: {  	[sflag:s1] =	ssyncadd.s32 $0xFFFFFC00  }
0x17f: {  	_ =	swait.ge [sflag:s1], $0x400  }
0x180: {  	[sflag:s1] =	ssyncset.done $0x0  }
0x181: {  	[sflag:s1] =	ssyncadd.s32 $0xFFFFFC00  }
0x182: {  	_ =	swait.ge [sflag:s1], $0x400  }
0x183: {  	[sflag:s1] =	ssyncset.done $0x0  }
0x184: {  	s8 =	simm.s32 $0x2400;
	[sflag:s1] =	ssyncadd.s32 $0xFFFFFC00  }
0x185: {  	[tilespmem:s16], [sflag:$0x1] =	stream.indirect.gather [hbm4b:s4+s15], $0x8, s8, s15, $0xb8;
	[tilespmem:$0xA680] =	vst v63  }
0x186: {  	s9 =	simm.s32 $0x2480  }
0x187: {  	[tilespmem:s17], [sflag:$0x2] =	stream.indirect.gather [hbm4b:s4+s15], $0x8, s9, s15, $0xb8;
	[tilespmem:$0xA680] =	vst v63  }
0x188: {  	s10 =	simm.s32 $0x2500  }
0x189: {  	[tilespmem:s18], [sflag:$0x3] =	stream.indirect.gather [hbm4b:s4+s15], $0x8, s10, s15, $0xb8;
	[tilespmem:$0xA680] =	vst v63  }
0x18a: {  	s11 =	simm.s32 $0x2580  }
0x18b: {  	[tilespmem:s19], [sflag:$0x4] =	stream.indirect.gather [hbm4b:s4+s15], $0x8, s11, s15, $0xb8;
	[tilespmem:$0xA680] =	vst v63  }
0x18c: {  	s8 =	simm.s32 $0x2600  }
0x18d: {  	[tilespmem:s20], [sflag:$0x5] =	stream.indirect.gather [hbm4b:s4+s15], $0x8, s8, s15, $0xb8;
	[tilespmem:$0xA680] =	vst v63  }
0x18e: {  	s9 =	simm.s32 $0x2680  }
0x18f: {  	[tilespmem:s21], [sflag:$0x6] =	stream.indirect.gather [hbm4b:s4+s15], $0x8, s9, s15, $0xb8;
	[tilespmem:$0xA680] =	vst v63  }
0x190: {  	_ =	swait.ge [sflag:s22], $0x400  }
0x191: {  	[sflag:s22] =	ssyncset.done $0x0  }
0x192: {  	s10 =	simm.s32 $0x4B80;
	[sflag:s22] =	ssyncadd.s32 $0xFFFFFC00  }
0x193: {  	[spmem:s2] =	stream.indirect.scatter.add.bf16 [tilespmem:s16], [sflag:$0x7], $0x8, s10, s15, $0xb8;
	[tilespmem:$0xA680] =	vst v63  }
0x194: {  	_ =	swait.ge [sflag:s23], $0x400  }
0x195: {  	[sflag:s23] =	ssyncset.done $0x0  }
0x196: {  	s11 =	simm.s32 $0x4C00;
	[sflag:s23] =	ssyncadd.s32 $0xFFFFFC00  }
0x197: {  	[spmem:s2] =	stream.indirect.scatter.add.bf16 [tilespmem:s17], [sflag:$0x7], $0x8, s11, s15, $0xb8;
	[tilespmem:$0xA680] =	vst v63  }
0x198: {  	_ =	swait.ge [sflag:s24], $0x400  }
0x199: {  	[sflag:s24] =	ssyncset.done $0x0  }
0x19a: {  	s8 =	simm.s32 $0x4C80;
	[sflag:s24] =	ssyncadd.s32 $0xFFFFFC00  }
0x19b: {  	[spmem:s2] =	stream.indirect.scatter.add.bf16 [tilespmem:s18], [sflag:$0x7], $0x8, s8, s15, $0xb8;
	[tilespmem:$0xA680] =	vst v63  }
0x19c: {  	_ =	swait.ge [sflag:s25], $0x400  }
0x19d: {  	[sflag:s25] =	ssyncset.done $0x0  }
0x19e: {  	s9 =	simm.s32 $0x4D00;
	[sflag:s25] =	ssyncadd.s32 $0xFFFFFC00  }
0x19f: {  	[spmem:s2] =	stream.indirect.scatter.add.bf16 [tilespmem:s19], [sflag:$0x7], $0x8, s9, s15, $0xb8;
	[tilespmem:$0xA680] =	vst v63  }
0x1a0: {  	_ =	swait.ge [sflag:s26], $0x400  }
0x1a1: {  	[sflag:s26] =	ssyncset.done $0x0  }
0x1a2: {  	s10 =	simm.s32 $0x4D80;
	[sflag:s26] =	ssyncadd.s32 $0xFFFFFC00  }
0x1a3: {  	[spmem:s2] =	stream.indirect.scatter.add.bf16 [tilespmem:s20], [sflag:$0x7], $0x8, s10, s15, $0xb8;
	[tilespmem:$0xA680] =	vst v63  }
0x1a4: {  	_ =	swait.ge [sflag:s28], $0x400  }
0x1a5: {  	[sflag:s28] =	ssyncset.done $0x0  }
0x1a6: {  	s11 =	simm.s32 $0x4E00;
	[sflag:s28] =	ssyncadd.s32 $0xFFFFFC00  }
0x1a7: {  	[spmem:s2] =	stream.indirect.scatter.add.bf16 [tilespmem:s21], [sflag:$0x7], $0x8, s11, s15, $0xb8;
	[tilespmem:$0xA680] =	vst v63  }
0x1a8: {  	_ =	swait.ge [sflag:s1], $0x400  }
0x1a9: {  	[sflag:s1] =	ssyncset.done $0x0  }
0x1aa: {  	[sflag:s1] =	ssyncadd.s32 $0xFFFFFC00  }
0x1ab: {  	_ =	swait.ge [sflag:s1], $0x400  }
0x1ac: {  	[sflag:s1] =	ssyncset.done $0x0  }
0x1ad: {  	[sflag:s1] =	ssyncadd.s32 $0xFFFFFC00  }
0x1ae: {  	_ =	swait.ge [sflag:s1], $0x400  }
0x1af: {  	[sflag:s1] =	ssyncset.done $0x0  }
0x1b0: {  	[sflag:s1] =	ssyncadd.s32 $0xFFFFFC00  }
0x1b1: {  	_ =	swait.ge [sflag:s1], $0x400  }
0x1b2: {  	[sflag:s1] =	ssyncset.done $0x0  }
0x1b3: {  	[sflag:s1] =	ssyncadd.s32 $0xFFFFFC00  }
0x1b4: {  	_ =	swait.ge [sflag:s1], $0x400  }
0x1b5: {  	[sflag:s1] =	ssyncset.done $0x0  }
0x1b6: {  	[sflag:s1] =	ssyncadd.s32 $0xFFFFFC00  }
0x1b7: {  	_ =	swait.ge [sflag:s1], $0x400  }
0x1b8: {  	[sflag:s1] =	ssyncset.done $0x0  }
0x1b9: {  	[sflag:s1] =	ssyncadd.s32 $0xFFFFFC00  }
0x1ba: {  	_ =	swait.ge [sflag:s3], $0x400  }
0x1bb: {  	[sflag:s3] =	ssyncset.done $0x0  }
0x1bc: {  	[sflag:s3] =	ssyncadd.s32 $0xFFFFFC00  }
0x1bd: {  	_ =	swait.ge [sflag:s3], $0x400  }
0x1be: {  	[sflag:s3] =	ssyncset.done $0x0  }
0x1bf: {  	[sflag:s3] =	ssyncadd.s32 $0xFFFFFC00  }
0x1c0: {  	_ =	swait.ge [sflag:s3], $0x400  }
0x1c1: {  	[sflag:s3] =	ssyncset.done $0x0  }
0x1c2: {  	[sflag:s3] =	ssyncadd.s32 $0xFFFFFC00  }
0x1c3: {  	_ =	swait.ge [sflag:s3], $0x400  }
0x1c4: {  	[sflag:s3] =	ssyncset.done $0x0  }
0x1c5: {  	[sflag:s3] =	ssyncadd.s32 $0xFFFFFC00  }
0x1c6: {  	_ =	swait.ge [sflag:s3], $0x400  }
0x1c7: {  	[sflag:s3] =	ssyncset.done $0x0  }
0x1c8: {  	[sflag:s3] =	ssyncadd.s32 $0xFFFFFC00  }
0x1c9: {  	_ =	swait.ge [sflag:s3], $0x400  }
0x1ca: {  	s5 =	simm.s32 @!p0 $0x80;
	[sflag:s3] =	ssyncset.done $0x0  }
0x1cb: {  	s8 =	simm.s32 @!p0 $0x2700;
	s9 =	simm.s32 @!p0 $0x4F00;
	[sflag:s3] =	ssyncadd.s32 $0xFFFFFC00  }
0x1cc: {  	[tilespmem:s9], [sflag:$0x1] =	stream.indirect.gather @!p0 [hbm4b:s4+s5], $0x8, s8, s5, $0xb8;
	[tilespmem:$0xA680] =	vst v63  }
0x1cd: {  	s8 =	simm.s32 @!p0 $0x1  }
0x1ce: {  	_ =	swait.ge @!p0 [sflag:s8], $0x400  }
0x1cf: {  	[sflag:s8] =	ssyncset.done @!p0 $0x0  }
0x1d0: {  	[sflag:s8] =	ssyncadd.s32 @!p0 $0xFFFFFC00;
	s8 =	simm.s32 @!p0 $0x4E80  }
0x1d1: {  	[spmem:s2] =	stream.indirect.scatter.add.bf16 @!p0 [tilespmem:s9], [sflag:$0x9], $0x8, s8, s5, $0xb8;
	[tilespmem:$0xA680] =	vst v63  }
0x1d2: {  	s5 =	simm.s32 @!p0 $0x9  }
0x1d3: {  	_ =	swait.ge @!p0 [sflag:s5], $0x400  }
0x1d4: {  	[sflag:s5] =	ssyncset.done @!p0 $0x0  }
0x1d5: {  	s8 =	stileid.u32;
	[sflag:s5] =	ssyncadd.s32 @!p0 $0xFFFFFC00  }
0x1d6: {  	s5 =	sshll.u32 s8, $0x6;
	[bflag:$0x0] =	sbarrier.arrive $0xFFFF  }
0x1d7: {  	s9 =	sshrl.u32 s6, $0x3;
	s5 =	sor.u32 $0x1C09, s5;
	s10 =	rddreg [dreg:$0x7]  }
0x1d8: {  	[hbm:s10], [sflag:s5] =	dma.local [spmem:s9], $0x278  }
0x1d9: {  	_ =	swait.ge [sflag:s13], $0x278  }
0x1da: {  	s7 =	sadd.s32 $0x1, s7;
	s11 =	rddreg [dreg:$0x8]  }
0x1db: {  	p1 =	sne.s32 s7, s11  }
.Ltmp2:
0x1dc: {  	_ = 	snop;
	(pc) =	sbr.rel @p1 .LBB2_1-.Ltmp2, $3  }
0x1dd: {  	_ =	sdelay $0x1  }
0x1de: {  	[sflag:s13] =	ssyncset.done $0x0  }
0x1df: {  	[sflag:s13] =	ssyncadd.s32 $0xFFFFFD88  }
0x1e0: {  	_ =	sfence.sel $0x180000  }
0x1e1: {  	[bflag:$0x0] =	sbarrier.arrive $0xFFFF  }
0x1e2: {  	_ =	strace $0x9000004A  }
0x1e3: {  	s0 =	stileid.u32;
	[bflag:$0x2] =	sbarrier.arrive $0xFFFF  }
0x1e4: {  	p0 =	sne.s32 s0, $0x0;
	s0 =	rddreg [dreg:$0x2]  }
0x1e5: {  	s0 =	sadd.s32 @!p0 $0x100000, s0  }
0x1e6: {  	[sflag:s0] =	ssyncadd.tile.s32 @!p0 $0x1;
	_ =	shalt  }
.Lfunc_end2:
_tile_overlayer_lowered:
.L_overlay_start_2:
0x1e7: {  	(tag) =	ssettag $0x2  }
0x1e8: {  	s0 =	rddreg [dreg:$0x0];
	s2 =	stileid.u32  }
0x1e9: {  	s1 =	rddreg [dreg:$0x1];
	p0 =	sne.s32 s2, $0x0  }
0x1ea: {  	s3 =	rddreg [dreg:$0x2];
	[bflag:$0x3] =	sbarrier.arrive $0xFFFF;
	s2 =	simm.s32 @!p0 $0x1C09  }
0x1eb: {  	[timem:s3], [sflag:s2] =	dma.local @!p0 [hbm:s0], s1  }
0x1ec: {  	s0 =	simm.s32 @!p0 $0x9  }
0x1ed: {  	_ =	swait.ge @!p0 [sflag:s0], s1  }
0x1ee: {  	s1 =	ssub.s32 @!p0 $0x0, s1;
	[sflag:s0] =	ssyncset.done @!p0 $0x0  }
0x1ef: {  	[sflag:s0] =	ssyncadd.s32 @!p0 s1  }
0x1f0: {  	[bflag:$0x3] =	sbarrier.arrive $0xFFFF  }
0x1f1: {  	_ =	shalt  }

// kernel: kernel.16.cloned.1.call-start
scs
__scs_entry_jumppad:
0x0: {  	(pc) =	sbr.rel $0x88, $3  }
0x1: {  	(tag) =	ssettag $0x0;
	lr =	simm.s32 $0x1  }
0x2: {  	[smem:$0x3F98] =	sst lr;
	_ =	strace $0xD0000000  }
0x3: {  	_ = 	snop  }
0x4: {  	_ = 	snop  }
0x5: {  	_ = 	snop  }
0x6: {  	_ = 	snop  }
0x7: {  	_ = 	snop  }
__scs_overlays_trampoline_lowered:
0x8: {  	[smem:$0x3FA7] =	sst s0  }
0x9: {  	[smem:$0x3FA8] =	sst s1  }
0xa: {  	[smem:$0x3FA9] =	sst s2  }
0xb: {  	[smem:$0x3FAA] =	sst s3  }
0xc: {  	[smem:$0x3FAB] =	sst s4  }
0xd: {  	[smem:$0x3FAC] =	sst s5  }
0xe: {  	[smem:$0x3FAD] =	sst s6  }
0xf: {  	[smem:$0x3FAE] =	sst s7  }
0x10: {  	[smem:$0x3FAF] =	sst s8  }
0x11: {  	[smem:$0x3FB0] =	sst s9;
	s0 =	simm.s32 @!p0 $0x0  }
0x12: {  	s1 =	sld [smem:$0x3F96];
	s0 =	simm.s32 @p0 $0x1  }
0x13: {  	[smem:$0x3FB1] =	sst s0;
	s0 =	simm.s32 @!p1 $0x0  }
0x14: {  	s2 =	sld [smem:$0x3F95];
	s0 =	simm.s32 @p1 $0x1  }
0x15: {  	[smem:$0x3FB2] =	sst s0;
	s0 =	simm.s32 @!p2 $0x0  }
0x16: {  	s3 =	sld [smem:$0x3FDB];
	s0 =	simm.s32 @p2 $0x1  }
0x17: {  	s4 =	simm.s32 $0x1BF5;
	[smem:$0x3FB4] =	sst s0  }
0x18: {  	s0 =	sld [smem:$0x3F97];
	_ =	swait.ge [sflag:s4], $0x0  }
0x19: {  	s7 =	sld [smem:$0x3F98]  }
0x1a: {  	s8 =	sadd.s32 $0xFFFFE003, lr  }
0x1b: {  	s9 =	sadd.s32 $0xFFFFFEF7, lr;
	s5 =	simm.s32 $0xFFFFFFFF;
	p2 =	slt.u32 s8, $0xFFFFF086  }
0x1c: {  	p1 =	slt.u32 s9, $0xF7A;
	s5 =	simm.s32 @!p2 $0x0  }
0x1d: {  	s5 =	simm.s32 @p1 $0x1;
	p0 =	seq.s32 s7, s2  }
0x1e: {  	s7 =	smul.u32 @!p0 $0xF7A, s2;
	p2 =	seq.s32 @!p0 s5, $0x0  }
0x1f: {  	s9 =	smul.u32 $0xF7A, s1;
	s8 =	simm.s32 @!p0 $0x1BF5;
	p2 =	por !p2, p0  }
0x20: {  	[sflag:s8] =	ssyncset.s32 @!p0 $0xFFFFF086;
	s6 =	sadd.s32 @!p0 s3, s7;
	s7 =	simm.s32 @!p0 $0x108  }
0x21: {  	s3 =	sadd.s32 s3, s9;
	s6 =	sadd.s32 @!p0 $0x88, s6;
	s7 =	simm.s32 @p2 $0x1082  }
0x22: {  	[simem:s7], [sflag:s8] =	dma.local @!p0 [hbm:s6], $0xF7A  }
0x23: {  	s9 =	sor.u32 $0xD0000000, s2;
	s6 =	simm.s32 $0x108;
	_ =	swait.ge @!p0 [sflag:s8], $0x0  }
0x24: {  	s3 =	sadd.s32 $0x88, s3;
	s6 =	simm.s32 @!p1 $0x1082;
	[sflag:s4] =	ssyncset.s32 $0xFFFFF086  }
0x25: {  	[simem:s6], [sflag:s4] =	dma.local [hbm:s3], $0xF7A  }
0x26: {  	[smem:$0x3F98] =	sst s1;
	(tag) =	ssettag s2;
	_ =	strace s9  }
0x27: {  	s1 =	sld [smem:$0x3FA8]  }
0x28: {  	s2 =	sld [smem:$0x3FA9]  }
0x29: {  	s4 =	sld [smem:$0x3FAB]  }
0x2a: {  	p0 =	seq.s32 s5, $0x0;
	s5 =	sld [smem:$0x3FAC]  }
0x2b: {  	s6 =	sld [smem:$0x3FAD]  }
0x2c: {  	s7 =	sld [smem:$0x3FAE]  }
0x2d: {  	s3 =	simm.s32 $0x108;
	s8 =	sld [smem:$0x3FAF]  }
0x2e: {  	s3 =	simm.s32 @!p0 $0x1082;
	s9 =	sld [smem:$0x3FB0]  }
0x2f: {  	lr =	sadd.s32 s0, s3;
	s0 =	sld [smem:$0x3FA7]  }
0x30: {  	s3 =	sld [smem:$0x3FAA]  }
0x31: {  	[smem:$0x3FB3] =	sst s10  }
0x32: {  	s10 =	sld [smem:$0x3FB1];
	_ =	sdelay $0x3  }
0x33: {  	p0 =	seq.s32 s10, $0x1;
	s10 =	sld [smem:$0x3FB3];
	_ =	sdelay $0x3  }
0x34: {  	[smem:$0x3FB3] =	sst s10  }
0x35: {  	s10 =	sld [smem:$0x3FB2];
	_ =	sdelay $0x3  }
0x36: {  	p1 =	seq.s32 s10, $0x1;
	s10 =	sld [smem:$0x3FB3];
	_ =	sdelay $0x3  }
0x37: {  	[smem:$0x3FB3] =	sst s10  }
0x38: {  	s10 =	sld [smem:$0x3FB4]  }
0x39: {  	_ = 	snop;
	(pc) =	sbr.ind lr, $3  }
0x3a: {  	_ = 	snop  }
0x3b: {  	_ = 	snop  }
0x3c: {  	p2 =	seq.s32 s10, $0x1;
	s10 =	sld [smem:$0x3FB3]  }
0x3d: {  	_ =	shalt  }
0x3e: {  	_ =	shalt  }
0x3f: {  	_ =	shalt  }
0x40: {  	_ =	shalt  }
0x41: {  	_ =	shalt  }
0x42: {  	_ =	shalt  }
0x43: {  	_ =	shalt  }
0x44: {  	_ =	shalt  }
0x45: {  	_ =	shalt  }
0x46: {  	_ =	shalt  }
0x47: {  	_ =	shalt  }
0x48: {  	_ =	shalt  }
0x49: {  	_ =	shalt  }
0x4a: {  	_ =	shalt  }
0x4b: {  	_ =	shalt  }
0x4c: {  	_ =	shalt  }
0x4d: {  	_ =	shalt  }
0x4e: {  	_ =	shalt  }
0x4f: {  	_ =	shalt  }
0x50: {  	_ =	shalt  }
0x51: {  	_ =	shalt  }
0x52: {  	_ =	shalt  }
0x53: {  	_ =	shalt  }
0x54: {  	_ =	shalt  }
0x55: {  	_ =	shalt  }
0x56: {  	_ =	shalt  }
0x57: {  	_ =	shalt  }
0x58: {  	_ =	shalt  }
0x59: {  	_ =	shalt  }
0x5a: {  	_ =	shalt  }
0x5b: {  	_ =	shalt  }
0x5c: {  	_ =	shalt  }
0x5d: {  	_ =	shalt  }
0x5e: {  	_ =	shalt  }
0x5f: {  	_ =	shalt  }
0x60: {  	_ =	shalt  }
0x61: {  	_ =	shalt  }
0x62: {  	_ =	shalt  }
0x63: {  	_ =	shalt  }
0x64: {  	_ =	shalt  }
0x65: {  	_ =	shalt  }
0x66: {  	_ =	shalt  }
0x67: {  	_ =	shalt  }
0x68: {  	_ =	shalt  }
0x69: {  	_ =	shalt  }
0x6a: {  	_ =	shalt  }
0x6b: {  	_ =	shalt  }
0x6c: {  	_ =	shalt  }
0x6d: {  	_ =	shalt  }
0x6e: {  	_ =	shalt  }
0x6f: {  	_ =	shalt  }
0x70: {  	_ =	shalt  }
0x71: {  	_ =	shalt  }
0x72: {  	_ =	shalt  }
0x73: {  	_ =	shalt  }
0x74: {  	_ =	shalt  }
0x75: {  	_ =	shalt  }
0x76: {  	_ =	shalt  }
0x77: {  	_ =	shalt  }
0x78: {  	_ =	shalt  }
0x79: {  	_ =	shalt  }
0x7a: {  	_ =	shalt  }
0x7b: {  	_ =	shalt  }
0x7c: {  	_ =	shalt  }
0x7d: {  	_ =	shalt  }
0x7e: {  	_ =	shalt  }
0x7f: {  	_ =	shalt  }
0x80: {  	_ =	shalt  }
0x81: {  	_ =	shalt  }
0x82: {  	_ =	shalt  }
0x83: {  	_ =	shalt  }
0x84: {  	_ =	shalt  }
0x85: {  	_ =	shalt  }
0x86: {  	_ =	shalt  }
0x87: {  	_ =	shalt  }
.Lfunc_end0:
.L_simem_size_0:
called_computation.2_lowered:
.L_overlay_start_0:
0x88: {  	s2 =	sld [smem:$0x3FD9]  }
0x89: {  	s3 =	sld [smem:$0x3FFE];
	_ =	sdelay $0x1  }
0x8a: {  	s1 =	srdreg.scid  }
0x8b: {  	s0 =	sand.u32 $0x1, s1  }
0x8c: {  	s16 =	sshll.u32 s0, $0xA;
	s2 =	sadd.s32 s3, s2  }
0x8d: {  	s2 =	sadd.s32 s2, s16  }
0x8e: {  	[smem:$0x3FBF] =	sst s2  }
0x8f: {  	_ = 	snop  }
0x90: {  	(tm) =	ssettm $0x1  }
0x91: {  	s17 =	sld [smem:$0x3FFB];
	_ =	sdelay $0x3  }
0x92: {  	_ =	strace s17  }
0x93: {  	s2 =	sld [smem:$0x3FFC];
	_ =	sdelay $0x3  }
0x94: {  	_ =	strace s2  }
0x95: {  	s2 =	sld [smem:$0x3FFD];
	_ =	sdelay $0x3  }
0x96: {  	_ =	strace s2  }
0x97: {  	_ =	strace $0x8FFFFFFF  }
0x98: {  	s18 =	sld [smem:$0x3FDB];
	_ =	sdelay $0x1  }
0x99: {  	s19 =	simm.s32 $_scs_section_size  }
0x9a: {  	s4 =	simm.s32 $_size__tile_overlayer_lowered;
	s5 =	simm.s32 $_tile_overlayer_lowered  }
0x9b: {  	s22 =	simm.s32 $0x1BFF;
	s21 =	sshll.u32 s5, $0x1;
	s2 =	sadd.s32 s19, s18  }
0x9c: {  	s6 =	simm.s32 $0x0;
	s20 =	sshll.u32 s4, $0x1;
	s4 =	sadd.s32 s21, s2  }
0x9d: {  	[timem:s6], [sflag:s22] =	dma.local [hbm:s4], s20  }
0x9e: {  	_ =	swait.ge [sflag:s22], s20  }
0x9f: {  	s3 =	ssub.s32 $0x0, s20;
	[sflag:s22] =	ssyncset.done $0x0  }
0xa0: {  	[sflag:s22] =	ssyncadd.s32 s3;
	_ =	sdelay $0x1  }
0xa1: {  	s23 =	simm.s32 $0x1B8B  }
0xa2: {  	_ =	swait.ge [sflag:s23], $0x1  }
0xa3: {  	[sflag:s23] =	ssyncset.done $0x0  }
0xa4: {  	s25 =	simm.s32 $0x1B8E;
	s24 =	sld [smem:$0x3FFE];
	[sflag:s23] =	ssyncadd.s32 $0xFFFFFFFF  }
0xa5: {  	s26 =	simm.s32 $execute0_lowered;
	[smem:$0x3FD2] =	sst s25  }
0xa6: {  	s4 =	sshll.u32 s26, $0x1;
	_ =	strace $0x8000004C;
	[dreg:$0x1] =	wrdreg $0xFFFFFFFF  }
0xa7: {  	s28 =	simm.s32 $_size_execute0_lowered;
	s2 =	sadd.s32 s2, s4;
	[dreg:$0x0] =	wrdreg $0x0  }
0xa8: {  	s4 =	sshll.u32 s28, $0x1;
	[dreg:$0x2] =	wrdreg s2  }
0xa9: {  	[dreg:$0x3] =	wrdreg s4  }
0xaa: {  	[dreg:$0x4] =	wrdreg $0xC0  }
0xab: {  	_ =	task [dreg:s6], $0x5FFFF  }
0xac: {  	[dreg:$0x1] =	wrdreg $0xFFFFFFFF  }
0xad: {  	[dreg:$0x0] =	wrdreg $0x60  }
0xae: {  	[dreg:$0x2] =	wrdreg s24  }
0xaf: {  	[dreg:$0x3] =	wrdreg $0x92C00  }
0xb0: {  	[dreg:$0x4] =	wrdreg $0x9  }
0xb1: {  	_ =	task.clear_ibuf [dreg:s6], $0x5FFFF;
	_ =	strace $0x9000004C  }
0xb2: {  	s29 =	simm.s32 $0x9;
	_ =	strace $0x8000004E  }
0xb3: {  	_ =	swait.ge [sflag:s29], $0x1  }
0xb4: {  	[sflag:s29] =	ssyncadd.s32 $0xFFFFFFFF  }
0xb5: {  	_ =	strace $0x9000004E  }
0xb6: {  	_ =	sfence  }
0xb7: {  	s30 =	sld [smem:$0x0];
	_ =	sdelay $0x2  }
0xb8: {  	s31 =	sshll.u32 s1, $0xD;
	s1 =	sshrl.u32 s1, $0x2  }
0xb9: {  	s3 =	sand.u32 $0x4000, s31;
	s1 =	sadd.s32 s1, s30  }
0xba: {  	s0 =	sor.u32 s3, s0;
	s1 =	sshll.u32 s1, $0x11  }
0xbb: {  	s0 =	sor.u32 s1, s0  }
0xbc: {  	s0 =	sadd.s32 $0x8F2B, s0  }
0xbd: {  	[sflag:s0] =	ssyncadd.remote.s32 $0x1  }
0xbe: {  	_ =	sfence.sel $0xFFFF  }
0xbf: {  	[dreg:$0x0] =	wrdreg $0xFFFFFFFF;
	(pc) =	sbr.abs _section_cstart, $3  }
0xc0: {  	[dreg:$0x1] =	wrdreg $0xFFFFFFFF  }
0xc1: {  	_ =	task.clear_ibuf [dreg:s6], $0x2FFFF;
	_ =	strace $0x9FFFFFFF  }
0xc2: {  	(tm) =	ssettm $0x7FFFFFFF  }
0xc3: {  	_ =	shalt  }
tec
execute0_lowered:
.L_overlay_start_1:
0x0: {  	(tag) =	ssettag $0x1  }
0x1: {  	s0 =	rddreg [dreg:$0x0]  }
0x2: {  	s2 =	rddreg [dreg:$0x1]  }
0x3: {  	s1 =	srdreg.scid;
	s7 =	stileid.u32;
	s4 =	simm.s32 $0x0  }
0x4: {  	s13 =	simm.s32 $0x9;
	s15 =	simm.s32 $0x80;
	s16 =	simm.s32 $0x4F00  }
0x5: {  	s17 =	simm.s32 $0x5300;
	s18 =	simm.s32 $0x5700;
	s19 =	simm.s32 $0x5B00  }
0x6: {  	s20 =	simm.s32 $0x5F00;
	s28 =	simm.s32 $0x6;
	s29 =	simm.s32 $0x6700  }
0x7: {  	s30 =	simm.s32 $0x6B00;
	s31 =	simm.s32 $0x6F00;
	s12 =	simm.s32 $0x7700  }
0x8: {  	s14 =	simm.s32 $0x7B00;
	s1 =	sand.u32 $0x1, s1;
	s3 =	smul.u32 $0x2780, s7  }
0x9: {  	[smem:$0x7FF] =	sst s4;
	s4 =	sadd.s32 $0x16200, s0;
	s8 =	sadd.s32 $0x2800, s0  }
0xa: {  	s5 =	smul.u32 $0x27800, s1;
	s6 =	sshll.u32 s1, $0x4;
	s1 =	ssub.s32 $0x2, s1  }
0xb: {  	_ =	strace $0x8000004D;
	s7 =	sor.u32 s7, s6;
	s9 =	sshrl.u32 s1, $0x1  }
0xc: {  	s5 =	sadd.s32 s3, s5;
	s6 =	smul.u32 $0x2700, s7;
	s1 =	ssub.s32 s1, s9  }
0xd: {  	s3 =	sshrl.u32 s3, $0x1;
	s22 =	sshll.u32 s7, $0x4;
	p0 =	slt.u32 s7, $0x1C  }
0xe: {  	s7 =	simm.s32 $0x0;
	s5 =	sshrl.u32 s5, $0x4;
	s24 =	sadd.s32 s8, s22  }
0xf: {  	s26 =	smax.u32 s1, $0x1;
	s22 =	simm.s32 $0x1;
	s1 =	simm.s32 $0x7  }
0x10: {  	s0 =	sadd.s32 s5, s0;
	s21 =	sshrl.u32 s6, $0x3;
	s6 =	sadd.s32 s3, s2  }
0x11: {  	s25 =	sadd.s32 $0x9A40, s24;
	s3 =	sadd.s32 $0x13680, s24;
	[dreg:$0x8] =	wrdreg s26  }
0x12: {  	s24 =	simm.s32 $0x3;
	s26 =	simm.s32 $0x5;
	[dreg:$0x5] =	wrdreg s25  }
0x13: {  	s5 =	sadd.s32 s8, s21;
	[dreg:$0x6] =	wrdreg s3;
	s0 =	sadd.s32 $0x18A00, s0  }
0x14: {  	s21 =	simm.s32 $0x6300;
	s25 =	simm.s32 $0x4;
	[dreg:$0x3] =	wrdreg s5  }
0x15: {  	s3 =	simm.s32 $0x8;
	s23 =	sadd.s32 $0x9C40, s5;
	[dreg:$0x7] =	wrdreg s0  }
0x16: {  	v0 =	vimm.bf16 $0.0e+00;
	s0 =	simm.s32 $0x7300;
	[dreg:$0x4] =	wrdreg s23;
	s23 =	simm.s32 $0x2  }
.LBB2_1:
0x17: {  	s8 =	simm.s32 $0x40;
	s9 =	simm.s32 $0x0  }
.LBB2_2:
0x18: {  	p1 =	sne.s32 s8, $0x4EC0;
	[tilespmem:s9+$0x7F00] =	vst.msk $0xff, v0;
	s10 =	smov.u32 s8;
	s8 =	sadd.s32 $0x40, s8  }
.Ltmp0:
0x19: {  	[tilespmem:s9+$0x7F08] =	vst.msk $0xff, v0;
	(pc) =	sbr.rel @p1 .LBB2_2-.Ltmp0, $2  }
0x1a: {  	_ =	sdelay $0x2  }
0x1b: {  	s9 =	sshra.s32 s10, $0x2  }
0x1c: {  	[tilespmem:s9+$0x7F00] =	vst.msk $0xff, v0  }
0x1d: {  	[tilespmem:s9+$0x7F08] =	vst.msk $0xff, v0;
	s5 =	simm.s32 $0x7F00  }
0x1e: {  	[spmem:s6] =	stream.linear.scatter [tilespmem:s5], [sflag:$0x9], $0x13C0, $0x38;
	[tilespmem:$0xA680] =	vst v63  }
0x1f: {  	_ =	swait.ge [sflag:s13], $0x13C0  }
0x20: {  	[sflag:s13] =	ssyncset.done $0x0  }
0x21: {  	s9 =	simm.s32 $0x0;
	s8 =	rddreg [dreg:$0x3];
	[sflag:s13] =	ssyncadd.s32 $0xFFFFEC40  }
0x22: {  	[tilespmem:s9], [sflag:$0x9] =	stream.linear.gather [hbm4b:s8+s9], $0x2700, $0x38;
	[tilespmem:$0xA680] =	vst v63  }
0x23: {  	_ =	swait.ge [sflag:s13], $0x2700  }
0x24: {  	[sflag:s13] =	ssyncset.done $0x0  }
0x25: {  	s11 =	simm.s32 $0x2780;
	s10 =	rddreg [dreg:$0x4];
	[sflag:s13] =	ssyncadd.s32 $0xFFFFD900  }
0x26: {  	[tilespmem:s11], [sflag:$0x9] =	stream.linear.gather [hbm4b:s10+s9], $0x2700, $0x38;
	[tilespmem:$0xA680] =	vst v63  }
0x27: {  	_ =	swait.ge [sflag:s13], $0x2700  }
0x28: {  	s8 =	simm.s32 @!p0 $0x0;
	[sflag:s13] =	ssyncset.done $0x0  }
0x29: {  	s9 =	simm.s32 @!p0 $0x2700;
	s5 =	rddreg [dreg:$0x5];
	[sflag:s13] =	ssyncadd.s32 $0xFFFFD900  }
0x2a: {  	[tilespmem:s9], [sflag:$0x9] =	stream.linear.gather @!p0 [hbm4b:s5+s8], $0x80, $0x38;
	[tilespmem:$0xA680] =	vst v63  }
0x2b: {  	s9 =	simm.s32 @!p0 $0x9  }
0x2c: {  	_ =	swait.ge @!p0 [sflag:s9], $0x80  }
0x2d: {  	[sflag:s9] =	ssyncset.done @!p0 $0x0  }
0x2e: {  	s10 =	simm.s32 @!p0 $0x4E80;
	s5 =	rddreg [dreg:$0x6];
	[sflag:s9] =	ssyncadd.s32 @!p0 $0xFFFFFF80  }
0x2f: {  	[tilespmem:s10], [sflag:$0x9] =	stream.linear.gather @!p0 [hbm4b:s5+s8], $0x80, $0x38;
	[tilespmem:$0xA680] =	vst v63  }
0x30: {  	_ =	swait.ge @!p0 [sflag:s9], $0x80  }
0x31: {  	[sflag:s9] =	ssyncset.done @!p0 $0x0  }
0x32: {  	p1 =	por $0x1, $0x1;
	[sflag:s9] =	ssyncadd.s32 @!p0 $0xFFFFFF80  }
0x33: {  	s8 =	simm.s32 @!p1 $0x7;
	[bflag:$0x0] =	sbarrier.arrive $0xFFFF  }
0x34: {  	_ =	swait.ge @!p1 [sflag:s8], $0x400  }
0x35: {  	[sflag:s8] =	ssyncset.done @!p1 $0x0  }
0x36: {  	[sflag:s8] =	ssyncadd.s32 @!p1 $0xFFFFFC00  }
0x37: {  	_ =	swait.ge @!p1 [sflag:s8], $0x400  }
0x38: {  	[sflag:s8] =	ssyncset.done @!p1 $0x0  }
0x39: {  	[sflag:s8] =	ssyncadd.s32 @!p1 $0xFFFFFC00  }
0x3a: {  	_ =	swait.ge @!p1 [sflag:s8], $0x400  }
0x3b: {  	[sflag:s8] =	ssyncset.done @!p1 $0x0  }
0x3c: {  	[sflag:s8] =	ssyncadd.s32 @!p1 $0xFFFFFC00  }
0x3d: {  	_ =	swait.ge @!p1 [sflag:s8], $0x400  }
0x3e: {  	[sflag:s8] =	ssyncset.done @!p1 $0x0  }
0x3f: {  	[sflag:s8] =	ssyncadd.s32 @!p1 $0xFFFFFC00  }
0x40: {  	_ =	swait.ge @!p1 [sflag:s8], $0x400  }
0x41: {  	[sflag:s8] =	ssyncset.done @!p1 $0x0  }
0x42: {  	[sflag:s8] =	ssyncadd.s32 @!p1 $0xFFFFFC00  }
0x43: {  	_ =	swait.ge @!p1 [sflag:s8], $0x400  }
0x44: {  	[sflag:s8] =	ssyncset.done @!p1 $0x0  }
0x45: {  	s9 =	simm.s32 $0x0;
	[sflag:s8] =	ssyncadd.s32 @!p1 $0xFFFFFC00  }
0x46: {  	[tilespmem:s16], [sflag:$0x1] =	stream.indirect.gather [hbm4b:s4+s15], $0x8, s9, s15, $0xb8;
	[tilespmem:$0xA680] =	vst v63  }
0x47: {  	s10 =	simm.s32 $0x80  }
0x48: {  	[tilespmem:s17], [sflag:$0x2] =	stream.indirect.gather [hbm4b:s4+s15], $0x8, s10, s15, $0xb8;
	[tilespmem:$0xA680] =	vst v63  }
0x49: {  	s11 =	simm.s32 $0x100  }
0x4a: {  	[tilespmem:s18], [sflag:$0x3] =	stream.indirect.gather [hbm4b:s4+s15], $0x8, s11, s15, $0xb8;
	[tilespmem:$0xA680] =	vst v63  }
0x4b: {  	s5 =	simm.s32 $0x180  }
0x4c: {  	[tilespmem:s19], [sflag:$0x4] =	stream.indirect.gather [hbm4b:s4+s15], $0x8, s5, s15, $0xb8;
	[tilespmem:$0xA680] =	vst v63  }
0x4d: {  	s9 =	simm.s32 $0x200  }
0x4e: {  	[tilespmem:s20], [sflag:$0x5] =	stream.indirect.gather [hbm4b:s4+s15], $0x8, s9, s15, $0xb8;
	[tilespmem:$0xA680] =	vst v63  }
0x4f: {  	s10 =	simm.s32 $0x280  }
0x50: {  	[tilespmem:s21], [sflag:$0x6] =	stream.indirect.gather [hbm4b:s4+s15], $0x8, s10, s15, $0xb8;
	[tilespmem:$0xA680] =	vst v63  }
0x51: {  	_ =	swait.ge [sflag:s22], $0x400  }
0x52: {  	[sflag:s22] =	ssyncset.done $0x0  }
0x53: {  	s11 =	simm.s32 $0x2780;
	[sflag:s22] =	ssyncadd.s32 $0xFFFFFC00  }
0x54: {  	[spmem:s2] =	stream.indirect.scatter.add.bf16 [tilespmem:s16], [sflag:$0x7], $0x8, s11, s15, $0xb8;
	[tilespmem:$0xA680] =	vst v63  }
0x55: {  	_ =	swait.ge [sflag:s23], $0x400  }
0x56: {  	[sflag:s23] =	ssyncset.done $0x0  }
0x57: {  	s5 =	simm.s32 $0x2800;
	[sflag:s23] =	ssyncadd.s32 $0xFFFFFC00  }
0x58: {  	[spmem:s2] =	stream.indirect.scatter.add.bf16 [tilespmem:s17], [sflag:$0x7], $0x8, s5, s15, $0xb8;
	[tilespmem:$0xA680] =	vst v63  }
0x59: {  	_ =	swait.ge [sflag:s24], $0x400  }
0x5a: {  	[sflag:s24] =	ssyncset.done $0x0  }
0x5b: {  	s9 =	simm.s32 $0x2880;
	[sflag:s24] =	ssyncadd.s32 $0xFFFFFC00  }
0x5c: {  	[spmem:s2] =	stream.indirect.scatter.add.bf16 [tilespmem:s18], [sflag:$0x7], $0x8, s9, s15, $0xb8;
	[tilespmem:$0xA680] =	vst v63  }
0x5d: {  	_ =	swait.ge [sflag:s25], $0x400  }
0x5e: {  	[sflag:s25] =	ssyncset.done $0x0  }
0x5f: {  	s10 =	simm.s32 $0x2900;
	[sflag:s25] =	ssyncadd.s32 $0xFFFFFC00  }
0x60: {  	[spmem:s2] =	stream.indirect.scatter.add.bf16 [tilespmem:s19], [sflag:$0x7], $0x8, s10, s15, $0xb8;
	[tilespmem:$0xA680] =	vst v63  }
0x61: {  	_ =	swait.ge [sflag:s26], $0x400  }
0x62: {  	[sflag:s26] =	ssyncset.done $0x0  }
0x63: {  	s11 =	simm.s32 $0x2980;
	[sflag:s26] =	ssyncadd.s32 $0xFFFFFC00  }
0x64: {  	[spmem:s2] =	stream.indirect.scatter.add.bf16 [tilespmem:s20], [sflag:$0x7], $0x8, s11, s15, $0xb8;
	[tilespmem:$0xA680] =	vst v63  }
0x65: {  	_ =	swait.ge [sflag:s28], $0x400  }
0x66: {  	[sflag:s28] =	ssyncset.done $0x0  }
0x67: {  	s5 =	simm.s32 $0x2A00;
	s9 =	simm.s32 @!p1 $0x8;
	[sflag:s28] =	ssyncadd.s32 $0xFFFFFC00  }
0x68: {  	[spmem:s2] =	stream.indirect.scatter.add.bf16 [tilespmem:s21], [sflag:$0x7], $0x8, s5, s15, $0xb8;
	[tilespmem:$0xA680] =	vst v63  }
0x69: {  	_ =	swait.ge @!p1 [sflag:s9], $0x400  }
0x6a: {  	[sflag:s9] =	ssyncset.done @!p1 $0x0  }
0x6b: {  	[sflag:s9] =	ssyncadd.s32 @!p1 $0xFFFFFC00  }
0x6c: {  	_ =	swait.ge @!p1 [sflag:s9], $0x400  }
0x6d: {  	[sflag:s9] =	ssyncset.done @!p1 $0x0  }
0x6e: {  	[sflag:s9] =	ssyncadd.s32 @!p1 $0xFFFFFC00  }
0x6f: {  	_ =	swait.ge @!p1 [sflag:s9], $0x400  }
0x70: {  	[sflag:s9] =	ssyncset.done @!p1 $0x0  }
0x71: {  	[sflag:s9] =	ssyncadd.s32 @!p1 $0xFFFFFC00  }
0x72: {  	_ =	swait.ge @!p1 [sflag:s9], $0x400  }
0x73: {  	[sflag:s9] =	ssyncset.done @!p1 $0x0  }
0x74: {  	[sflag:s9] =	ssyncadd.s32 @!p1 $0xFFFFFC00  }
0x75: {  	_ =	swait.ge @!p1 [sflag:s9], $0x400  }
0x76: {  	[sflag:s9] =	ssyncset.done @!p1 $0x0  }
0x77: {  	[sflag:s9] =	ssyncadd.s32 @!p1 $0xFFFFFC00  }
0x78: {  	_ =	swait.ge @!p1 [sflag:s9], $0x400  }
0x79: {  	[sflag:s9] =	ssyncset.done @!p1 $0x0  }
0x7a: {  	[sflag:s9] =	ssyncadd.s32 @!p1 $0xFFFFFC00;
	s9 =	simm.s32 $0x300  }
0x7b: {  	[tilespmem:s29], [sflag:$0x1] =	stream.indirect.gather [hbm4b:s4+s15], $0x8, s9, s15, $0xb8;
	[tilespmem:$0xA680] =	vst v63  }
0x7c: {  	s10 =	simm.s32 $0x380  }
0x7d: {  	[tilespmem:s30], [sflag:$0x2] =	stream.indirect.gather [hbm4b:s4+s15], $0x8, s10, s15, $0xb8;
	[tilespmem:$0xA680] =	vst v63  }
0x7e: {  	s11 =	simm.s32 $0x400  }
0x7f: {  	[tilespmem:s31], [sflag:$0x3] =	stream.indirect.gather [hbm4b:s4+s15], $0x8, s11, s15, $0xb8;
	[tilespmem:$0xA680] =	vst v63  }
0x80: {  	s5 =	simm.s32 $0x480  }
0x81: {  	[tilespmem:s0], [sflag:$0x4] =	stream.indirect.gather [hbm4b:s4+s15], $0x8, s5, s15, $0xb8;
	[tilespmem:$0xA680] =	vst v63  }
0x82: {  	s9 =	simm.s32 $0x500  }
0x83: {  	[tilespmem:s12], [sflag:$0x5] =	stream.indirect.gather [hbm4b:s4+s15], $0x8, s9, s15, $0xb8;
	[tilespmem:$0xA680] =	vst v63  }
0x84: {  	s10 =	simm.s32 $0x580  }
0x85: {  	[tilespmem:s14], [sflag:$0x6] =	stream.indirect.gather [hbm4b:s4+s15], $0x8, s10, s15, $0xb8;
	[tilespmem:$0xA680] =	vst v63  }
0x86: {  	_ =	swait.ge [sflag:s22], $0x400  }
0x87: {  	[sflag:s22] =	ssyncset.done $0x0  }
0x88: {  	s11 =	simm.s32 $0x2A80;
	[sflag:s22] =	ssyncadd.s32 $0xFFFFFC00  }
0x89: {  	[spmem:s2] =	stream.indirect.scatter.add.bf16 [tilespmem:s29], [sflag:$0x8], $0x8, s11, s15, $0xb8;
	[tilespmem:$0xA680] =	vst v63  }
0x8a: {  	_ =	swait.ge [sflag:s23], $0x400  }
0x8b: {  	[sflag:s23] =	ssyncset.done $0x0  }
0x8c: {  	s5 =	simm.s32 $0x2B00;
	[sflag:s23] =	ssyncadd.s32 $0xFFFFFC00  }
0x8d: {  	[spmem:s2] =	stream.indirect.scatter.add.bf16 [tilespmem:s30], [sflag:$0x8], $0x8, s5, s15, $0xb8;
	[tilespmem:$0xA680] =	vst v63  }
0x8e: {  	_ =	swait.ge [sflag:s24], $0x400  }
0x8f: {  	[sflag:s24] =	ssyncset.done $0x0  }
0x90: {  	s9 =	simm.s32 $0x2B80;
	[sflag:s24] =	ssyncadd.s32 $0xFFFFFC00  }
0x91: {  	[spmem:s2] =	stream.indirect.scatter.add.bf16 [tilespmem:s31], [sflag:$0x8], $0x8, s9, s15, $0xb8;
	[tilespmem:$0xA680] =	vst v63  }
0x92: {  	_ =	swait.ge [sflag:s25], $0x400  }
0x93: {  	[sflag:s25] =	ssyncset.done $0x0  }
0x94: {  	s10 =	simm.s32 $0x2C00;
	[sflag:s25] =	ssyncadd.s32 $0xFFFFFC00  }
0x95: {  	[spmem:s2] =	stream.indirect.scatter.add.bf16 [tilespmem:s0], [sflag:$0x8], $0x8, s10, s15, $0xb8;
	[tilespmem:$0xA680] =	vst v63  }
0x96: {  	_ =	swait.ge [sflag:s26], $0x400  }
0x97: {  	[sflag:s26] =	ssyncset.done $0x0  }
0x98: {  	s11 =	simm.s32 $0x2C80;
	[sflag:s26] =	ssyncadd.s32 $0xFFFFFC00  }
0x99: {  	[spmem:s2] =	stream.indirect.scatter.add.bf16 [tilespmem:s12], [sflag:$0x8], $0x8, s11, s15, $0xb8;
	[tilespmem:$0xA680] =	vst v63  }
0x9a: {  	s8 =	simm.s32 $0x1800;
	p1 =	por $0x0, $0x0;
	_ =	swait.ge [sflag:s28], $0x400  }
0x9b: {  	s9 =	simm.s32 $0x3000;
	s10 =	simm.s32 $0x2D00;
	[sflag:s28] =	ssyncset.done $0x0  }
.LBB2_4:
0x9c: {  	s11 =	simm.s32 @!p1 $0x7  }
0x9d: {  	[sflag:s28] =	ssyncadd.s32 $0xFFFFFC00;
	s5 =	smov.u32 s9;
	s9 =	sadd.s32 $0x1800, s9  }
0x9e: {  	[spmem:s2] =	stream.indirect.scatter.add.bf16 [tilespmem:s14], [sflag:$0x8], $0x8, s10, s15, $0xb8;
	[tilespmem:$0xA680] =	vst v63  }
0x9f: {  	p2 =	sne.s32 s9, $0x9000;
	_ =	swait.ge @!p1 [sflag:s11], $0x400  }
0xa0: {  	[sflag:s11] =	ssyncset.done @!p1 $0x0  }
0xa1: {  	[sflag:s11] =	ssyncadd.s32 @!p1 $0xFFFFFC00  }
0xa2: {  	_ =	swait.ge @!p1 [sflag:s11], $0x400  }
0xa3: {  	[sflag:s11] =	ssyncset.done @!p1 $0x0  }
0xa4: {  	[sflag:s11] =	ssyncadd.s32 @!p1 $0xFFFFFC00  }
0xa5: {  	_ =	swait.ge @!p1 [sflag:s11], $0x400  }
0xa6: {  	[sflag:s11] =	ssyncset.done @!p1 $0x0  }
0xa7: {  	[sflag:s11] =	ssyncadd.s32 @!p1 $0xFFFFFC00  }
0xa8: {  	_ =	swait.ge @!p1 [sflag:s11], $0x400  }
0xa9: {  	[sflag:s11] =	ssyncset.done @!p1 $0x0  }
0xaa: {  	[sflag:s11] =	ssyncadd.s32 @!p1 $0xFFFFFC00  }
0xab: {  	_ =	swait.ge @!p1 [sflag:s11], $0x400  }
0xac: {  	[sflag:s11] =	ssyncset.done @!p1 $0x0  }
0xad: {  	[sflag:s11] =	ssyncadd.s32 @!p1 $0xFFFFFC00  }
0xae: {  	_ =	swait.ge @!p1 [sflag:s11], $0x400  }
0xaf: {  	[sflag:s11] =	ssyncset.done @!p1 $0x0  }
0xb0: {  	s10 =	sshra.s32 s8, $0x2;
	s8 =	smov.u32 s5;
	[sflag:s11] =	ssyncadd.s32 @!p1 $0xFFFFFC00  }
0xb1: {  	[tilespmem:s16], [sflag:$0x1] =	stream.indirect.gather [hbm4b:s4+s15], $0x8, s10, s15, $0xb8;
	[tilespmem:$0xA680] =	vst v63  }
0xb2: {  	s5 =	sadd.s32 $0x80, s10  }
0xb3: {  	[tilespmem:s17], [sflag:$0x2] =	stream.indirect.gather [hbm4b:s4+s15], $0x8, s5, s15, $0xb8;
	[tilespmem:$0xA680] =	vst v63  }
0xb4: {  	s5 =	sadd.s32 $0x100, s10  }
0xb5: {  	[tilespmem:s18], [sflag:$0x3] =	stream.indirect.gather [hbm4b:s4+s15], $0x8, s5, s15, $0xb8;
	[tilespmem:$0xA680] =	vst v63  }
0xb6: {  	s5 =	sadd.s32 $0x180, s10  }
0xb7: {  	[tilespmem:s19], [sflag:$0x4] =	stream.indirect.gather [hbm4b:s4+s15], $0x8, s5, s15, $0xb8;
	[tilespmem:$0xA680] =	vst v63  }
0xb8: {  	s5 =	sadd.s32 $0x200, s10  }
0xb9: {  	[tilespmem:s20], [sflag:$0x5] =	stream.indirect.gather [hbm4b:s4+s15], $0x8, s5, s15, $0xb8;
	[tilespmem:$0xA680] =	vst v63  }
0xba: {  	s5 =	sadd.s32 $0x280, s10  }
0xbb: {  	[tilespmem:s21], [sflag:$0x6] =	stream.indirect.gather [hbm4b:s4+s15], $0x8, s5, s15, $0xb8;
	[tilespmem:$0xA680] =	vst v63  }
0xbc: {  	_ =	swait.ge [sflag:s22], $0x400  }
0xbd: {  	[sflag:s22] =	ssyncset.done $0x0  }
0xbe: {  	s5 =	sadd.s32 $0x2780, s10;
	[sflag:s22] =	ssyncadd.s32 $0xFFFFFC00  }
0xbf: {  	[spmem:s2] =	stream.indirect.scatter.add.bf16 [tilespmem:s16], [sflag:$0x7], $0x8, s5, s15, $0xb8;
	[tilespmem:$0xA680] =	vst v63  }
0xc0: {  	_ =	swait.ge [sflag:s23], $0x400  }
0xc1: {  	[sflag:s23] =	ssyncset.done $0x0  }
0xc2: {  	s5 =	sadd.s32 $0x2800, s10;
	[sflag:s23] =	ssyncadd.s32 $0xFFFFFC00  }
0xc3: {  	[spmem:s2] =	stream.indirect.scatter.add.bf16 [tilespmem:s17], [sflag:$0x7], $0x8, s5, s15, $0xb8;
	[tilespmem:$0xA680] =	vst v63  }
0xc4: {  	_ =	swait.ge [sflag:s24], $0x400  }
0xc5: {  	[sflag:s24] =	ssyncset.done $0x0  }
0xc6: {  	s5 =	sadd.s32 $0x2880, s10;
	[sflag:s24] =	ssyncadd.s32 $0xFFFFFC00  }
0xc7: {  	[spmem:s2] =	stream.indirect.scatter.add.bf16 [tilespmem:s18], [sflag:$0x7], $0x8, s5, s15, $0xb8;
	[tilespmem:$0xA680] =	vst v63  }
0xc8: {  	_ =	swait.ge [sflag:s25], $0x400  }
0xc9: {  	[sflag:s25] =	ssyncset.done $0x0  }
0xca: {  	s5 =	sadd.s32 $0x2900, s10;
	[sflag:s25] =	ssyncadd.s32 $0xFFFFFC00  }
0xcb: {  	[spmem:s2] =	stream.indirect.scatter.add.bf16 [tilespmem:s19], [sflag:$0x7], $0x8, s5, s15, $0xb8;
	[tilespmem:$0xA680] =	vst v63  }
0xcc: {  	_ =	swait.ge [sflag:s26], $0x400  }
0xcd: {  	[sflag:s26] =	ssyncset.done $0x0  }
0xce: {  	s5 =	sadd.s32 $0x2980, s10;
	[sflag:s26] =	ssyncadd.s32 $0xFFFFFC00  }
0xcf: {  	[spmem:s2] =	stream.indirect.scatter.add.bf16 [tilespmem:s20], [sflag:$0x7], $0x8, s5, s15, $0xb8;
	[tilespmem:$0xA680] =	vst v63  }
0xd0: {  	_ =	swait.ge [sflag:s28], $0x400  }
0xd1: {  	[sflag:s28] =	ssyncset.done $0x0  }
0xd2: {  	s11 =	simm.s32 @!p1 $0x8;
	s5 =	sadd.s32 $0x2A00, s10;
	[sflag:s28] =	ssyncadd.s32 $0xFFFFFC00  }
0xd3: {  	[spmem:s2] =	stream.indirect.scatter.add.bf16 [tilespmem:s21], [sflag:$0x7], $0x8, s5, s15, $0xb8;
	[tilespmem:$0xA680] =	vst v63  }
0xd4: {  	_ =	swait.ge @!p1 [sflag:s11], $0x400  }
0xd5: {  	[sflag:s11] =	ssyncset.done @!p1 $0x0  }
0xd6: {  	[sflag:s11] =	ssyncadd.s32 @!p1 $0xFFFFFC00  }
0xd7: {  	_ =	swait.ge @!p1 [sflag:s11], $0x400  }
0xd8: {  	[sflag:s11] =	ssyncset.done @!p1 $0x0  }
0xd9: {  	[sflag:s11] =	ssyncadd.s32 @!p1 $0xFFFFFC00  }
0xda: {  	_ =	swait.ge @!p1 [sflag:s11], $0x400  }
0xdb: {  	[sflag:s11] =	ssyncset.done @!p1 $0x0  }
0xdc: {  	[sflag:s11] =	ssyncadd.s32 @!p1 $0xFFFFFC00  }
0xdd: {  	_ =	swait.ge @!p1 [sflag:s11], $0x400  }
0xde: {  	[sflag:s11] =	ssyncset.done @!p1 $0x0  }
0xdf: {  	[sflag:s11] =	ssyncadd.s32 @!p1 $0xFFFFFC00  }
0xe0: {  	_ =	swait.ge @!p1 [sflag:s11], $0x400  }
0xe1: {  	[sflag:s11] =	ssyncset.done @!p1 $0x0  }
0xe2: {  	[sflag:s11] =	ssyncadd.s32 @!p1 $0xFFFFFC00  }
0xe3: {  	_ =	swait.ge @!p1 [sflag:s11], $0x400  }
0xe4: {  	[sflag:s11] =	ssyncset.done @!p1 $0x0  }
0xe5: {  	s5 =	sadd.s32 $0x300, s10;
	[sflag:s11] =	ssyncadd.s32 @!p1 $0xFFFFFC00  }
0xe6: {  	[tilespmem:s29], [sflag:$0x1] =	stream.indirect.gather [hbm4b:s4+s15], $0x8, s5, s15, $0xb8;
	[tilespmem:$0xA680] =	vst v63  }
0xe7: {  	s5 =	sadd.s32 $0x380, s10  }
0xe8: {  	[tilespmem:s30], [sflag:$0x2] =	stream.indirect.gather [hbm4b:s4+s15], $0x8, s5, s15, $0xb8;
	[tilespmem:$0xA680] =	vst v63  }
0xe9: {  	s5 =	sadd.s32 $0x400, s10  }
0xea: {  	[tilespmem:s31], [sflag:$0x3] =	stream.indirect.gather [hbm4b:s4+s15], $0x8, s5, s15, $0xb8;
	[tilespmem:$0xA680] =	vst v63  }
0xeb: {  	s5 =	sadd.s32 $0x480, s10  }
0xec: {  	[tilespmem:s0], [sflag:$0x4] =	stream.indirect.gather [hbm4b:s4+s15], $0x8, s5, s15, $0xb8;
	[tilespmem:$0xA680] =	vst v63  }
0xed: {  	s5 =	sadd.s32 $0x500, s10  }
0xee: {  	[tilespmem:s12], [sflag:$0x5] =	stream.indirect.gather [hbm4b:s4+s15], $0x8, s5, s15, $0xb8;
	[tilespmem:$0xA680] =	vst v63  }
0xef: {  	s5 =	sadd.s32 $0x580, s10  }
0xf0: {  	[tilespmem:s14], [sflag:$0x6] =	stream.indirect.gather [hbm4b:s4+s15], $0x8, s5, s15, $0xb8;
	[tilespmem:$0xA680] =	vst v63  }
0xf1: {  	_ =	swait.ge [sflag:s22], $0x400  }
0xf2: {  	[sflag:s22] =	ssyncset.done $0x0  }
0xf3: {  	s5 =	sadd.s32 $0x2A80, s10;
	[sflag:s22] =	ssyncadd.s32 $0xFFFFFC00  }
0xf4: {  	[spmem:s2] =	stream.indirect.scatter.add.bf16 [tilespmem:s29], [sflag:$0x8], $0x8, s5, s15, $0xb8;
	[tilespmem:$0xA680] =	vst v63  }
0xf5: {  	_ =	swait.ge [sflag:s23], $0x400  }
0xf6: {  	[sflag:s23] =	ssyncset.done $0x0  }
0xf7: {  	s5 =	sadd.s32 $0x2B00, s10;
	[sflag:s23] =	ssyncadd.s32 $0xFFFFFC00  }
0xf8: {  	[spmem:s2] =	stream.indirect.scatter.add.bf16 [tilespmem:s30], [sflag:$0x8], $0x8, s5, s15, $0xb8;
	[tilespmem:$0xA680] =	vst v63  }
0xf9: {  	_ =	swait.ge [sflag:s24], $0x400  }
0xfa: {  	[sflag:s24] =	ssyncset.done $0x0  }
0xfb: {  	s5 =	sadd.s32 $0x2B80, s10;
	[sflag:s24] =	ssyncadd.s32 $0xFFFFFC00  }
0xfc: {  	[spmem:s2] =	stream.indirect.scatter.add.bf16 [tilespmem:s31], [sflag:$0x8], $0x8, s5, s15, $0xb8;
	[tilespmem:$0xA680] =	vst v63  }
0xfd: {  	_ =	swait.ge [sflag:s25], $0x400  }
0xfe: {  	[sflag:s25] =	ssyncset.done $0x0  }
0xff: {  	s5 =	sadd.s32 $0x2C00, s10;
	[sflag:s25] =	ssyncadd.s32 $0xFFFFFC00  }
0x100: {  	[spmem:s2] =	stream.indirect.scatter.add.bf16 [tilespmem:s0], [sflag:$0x8], $0x8, s5, s15, $0xb8;
	[tilespmem:$0xA680] =	vst v63  }
0x101: {  	_ =	swait.ge [sflag:s26], $0x400  }
.Ltmp1:
0x102: {  	[sflag:s26] =	ssyncset.done $0x0;
	(pc) =	sbr.rel @p2 .LBB2_4-.Ltmp1, $4  }
0x103: {  	s5 =	sadd.s32 $0x2C80, s10;
	[sflag:s26] =	ssyncadd.s32 $0xFFFFFC00  }
0x104: {  	[spmem:s2] =	stream.indirect.scatter.add.bf16 [tilespmem:s12], [sflag:$0x8], $0x8, s5, s15, $0xb8;
	[tilespmem:$0xA680] =	vst v63  }
0x105: {  	_ =	swait.ge [sflag:s28], $0x400  }
0x106: {  	p1 =	seq.s32 s8, $0x0;
	s10 =	sadd.s32 $0x2D00, s10;
	[sflag:s28] =	ssyncset.done $0x0  }
0x107: {  	s5 =	simm.s32 @!p1 $0x7;
	[sflag:s28] =	ssyncadd.s32 $0xFFFFFC00  }
0x108: {  	[spmem:s2] =	stream.indirect.scatter.add.bf16 [tilespmem:s14], [sflag:$0x8], $0x8, s10, s15, $0xb8;
	[tilespmem:$0xA680] =	vst v63  }
0x109: {  	_ =	swait.ge @!p1 [sflag:s5], $0x400  }
0x10a: {  	[sflag:s5] =	ssyncset.done @!p1 $0x0  }
0x10b: {  	[sflag:s5] =	ssyncadd.s32 @!p1 $0xFFFFFC00  }
0x10c: {  	_ =	swait.ge @!p1 [sflag:s5], $0x400  }
0x10d: {  	[sflag:s5] =	ssyncset.done @!p1 $0x0  }
0x10e: {  	[sflag:s5] =	ssyncadd.s32 @!p1 $0xFFFFFC00  }
0x10f: {  	_ =	swait.ge @!p1 [sflag:s5], $0x400  }
0x110: {  	[sflag:s5] =	ssyncset.done @!p1 $0x0  }
0x111: {  	[sflag:s5] =	ssyncadd.s32 @!p1 $0xFFFFFC00  }
0x112: {  	_ =	swait.ge @!p1 [sflag:s5], $0x400  }
0x113: {  	[sflag:s5] =	ssyncset.done @!p1 $0x0  }
0x114: {  	[sflag:s5] =	ssyncadd.s32 @!p1 $0xFFFFFC00  }
0x115: {  	_ =	swait.ge @!p1 [sflag:s5], $0x400  }
0x116: {  	[sflag:s5] =	ssyncset.done @!p1 $0x0  }
0x117: {  	[sflag:s5] =	ssyncadd.s32 @!p1 $0xFFFFFC00  }
0x118: {  	_ =	swait.ge @!p1 [sflag:s5], $0x400  }
0x119: {  	[sflag:s5] =	ssyncset.done @!p1 $0x0  }
0x11a: {  	s8 =	sshra.s32 s8, $0x2;
	[sflag:s5] =	ssyncadd.s32 @!p1 $0xFFFFFC00  }
0x11b: {  	[tilespmem:s16], [sflag:$0x1] =	stream.indirect.gather [hbm4b:s4+s15], $0x8, s8, s15, $0xb8;
	[tilespmem:$0xA680] =	vst v63  }
0x11c: {  	s10 =	sadd.s32 $0x80, s8  }
0x11d: {  	[tilespmem:s17], [sflag:$0x2] =	stream.indirect.gather [hbm4b:s4+s15], $0x8, s10, s15, $0xb8;
	[tilespmem:$0xA680] =	vst v63  }
0x11e: {  	s11 =	sadd.s32 $0x100, s8  }
0x11f: {  	[tilespmem:s18], [sflag:$0x3] =	stream.indirect.gather [hbm4b:s4+s15], $0x8, s11, s15, $0xb8;
	[tilespmem:$0xA680] =	vst v63  }
0x120: {  	s9 =	sadd.s32 $0x180, s8  }
0x121: {  	[tilespmem:s19], [sflag:$0x4] =	stream.indirect.gather [hbm4b:s4+s15], $0x8, s9, s15, $0xb8;
	[tilespmem:$0xA680] =	vst v63  }
0x122: {  	s10 =	sadd.s32 $0x200, s8  }
0x123: {  	[tilespmem:s20], [sflag:$0x5] =	stream.indirect.gather [hbm4b:s4+s15], $0x8, s10, s15, $0xb8;
	[tilespmem:$0xA680] =	vst v63  }
0x124: {  	s11 =	sadd.s32 $0x280, s8  }
0x125: {  	[tilespmem:s21], [sflag:$0x6] =	stream.indirect.gather [hbm4b:s4+s15], $0x8, s11, s15, $0xb8;
	[tilespmem:$0xA680] =	vst v63  }
0x126: {  	_ =	swait.ge [sflag:s22], $0x400  }
0x127: {  	[sflag:s22] =	ssyncset.done $0x0  }
0x128: {  	s9 =	sadd.s32 $0x2780, s8;
	[sflag:s22] =	ssyncadd.s32 $0xFFFFFC00  }
0x129: {  	[spmem:s2] =	stream.indirect.scatter.add.bf16 [tilespmem:s16], [sflag:$0x7], $0x8, s9, s15, $0xb8;
	[tilespmem:$0xA680] =	vst v63  }
0x12a: {  	_ =	swait.ge [sflag:s23], $0x400  }
0x12b: {  	[sflag:s23] =	ssyncset.done $0x0  }
0x12c: {  	s10 =	sadd.s32 $0x2800, s8;
	[sflag:s23] =	ssyncadd.s32 $0xFFFFFC00  }
0x12d: {  	[spmem:s2] =	stream.indirect.scatter.add.bf16 [tilespmem:s17], [sflag:$0x7], $0x8, s10, s15, $0xb8;
	[tilespmem:$0xA680] =	vst v63  }
0x12e: {  	_ =	swait.ge [sflag:s24], $0x400  }
0x12f: {  	[sflag:s24] =	ssyncset.done $0x0  }
0x130: {  	s11 =	sadd.s32 $0x2880, s8;
	[sflag:s24] =	ssyncadd.s32 $0xFFFFFC00  }
0x131: {  	[spmem:s2] =	stream.indirect.scatter.add.bf16 [tilespmem:s18], [sflag:$0x7], $0x8, s11, s15, $0xb8;
	[tilespmem:$0xA680] =	vst v63  }
0x132: {  	_ =	swait.ge [sflag:s25], $0x400  }
0x133: {  	[sflag:s25] =	ssyncset.done $0x0  }
0x134: {  	s9 =	sadd.s32 $0x2900, s8;
	[sflag:s25] =	ssyncadd.s32 $0xFFFFFC00  }
0x135: {  	[spmem:s2] =	stream.indirect.scatter.add.bf16 [tilespmem:s19], [sflag:$0x7], $0x8, s9, s15, $0xb8;
	[tilespmem:$0xA680] =	vst v63  }
0x136: {  	_ =	swait.ge [sflag:s26], $0x400  }
0x137: {  	[sflag:s26] =	ssyncset.done $0x0  }
0x138: {  	s10 =	sadd.s32 $0x2980, s8;
	[sflag:s26] =	ssyncadd.s32 $0xFFFFFC00  }
0x139: {  	[spmem:s2] =	stream.indirect.scatter.add.bf16 [tilespmem:s20], [sflag:$0x7], $0x8, s10, s15, $0xb8;
	[tilespmem:$0xA680] =	vst v63  }
0x13a: {  	_ =	swait.ge [sflag:s28], $0x400  }
0x13b: {  	[sflag:s28] =	ssyncset.done $0x0  }
0x13c: {  	s11 =	sadd.s32 $0x2A00, s8;
	s9 =	simm.s32 @!p1 $0x8;
	[sflag:s28] =	ssyncadd.s32 $0xFFFFFC00  }
0x13d: {  	[spmem:s2] =	stream.indirect.scatter.add.bf16 [tilespmem:s21], [sflag:$0x7], $0x8, s11, s15, $0xb8;
	[tilespmem:$0xA680] =	vst v63  }
0x13e: {  	_ =	swait.ge @!p1 [sflag:s9], $0x400  }
0x13f: {  	[sflag:s9] =	ssyncset.done @!p1 $0x0  }
0x140: {  	[sflag:s9] =	ssyncadd.s32 @!p1 $0xFFFFFC00  }
0x141: {  	_ =	swait.ge @!p1 [sflag:s9], $0x400  }
0x142: {  	[sflag:s9] =	ssyncset.done @!p1 $0x0  }
0x143: {  	[sflag:s9] =	ssyncadd.s32 @!p1 $0xFFFFFC00  }
0x144: {  	_ =	swait.ge @!p1 [sflag:s9], $0x400  }
0x145: {  	[sflag:s9] =	ssyncset.done @!p1 $0x0  }
0x146: {  	[sflag:s9] =	ssyncadd.s32 @!p1 $0xFFFFFC00  }
0x147: {  	_ =	swait.ge @!p1 [sflag:s9], $0x400  }
0x148: {  	[sflag:s9] =	ssyncset.done @!p1 $0x0  }
0x149: {  	[sflag:s9] =	ssyncadd.s32 @!p1 $0xFFFFFC00  }
0x14a: {  	_ =	swait.ge @!p1 [sflag:s9], $0x400  }
0x14b: {  	[sflag:s9] =	ssyncset.done @!p1 $0x0  }
0x14c: {  	[sflag:s9] =	ssyncadd.s32 @!p1 $0xFFFFFC00  }
0x14d: {  	_ =	swait.ge @!p1 [sflag:s9], $0x400  }
0x14e: {  	[sflag:s9] =	ssyncset.done @!p1 $0x0  }
0x14f: {  	[sflag:s9] =	ssyncadd.s32 @!p1 $0xFFFFFC00;
	s9 =	sadd.s32 $0x300, s8  }
0x150: {  	[tilespmem:s29], [sflag:$0x1] =	stream.indirect.gather [hbm4b:s4+s15], $0x8, s9, s15, $0xb8;
	[tilespmem:$0xA680] =	vst v63  }
0x151: {  	s10 =	sadd.s32 $0x380, s8  }
0x152: {  	[tilespmem:s30], [sflag:$0x2] =	stream.indirect.gather [hbm4b:s4+s15], $0x8, s10, s15, $0xb8;
	[tilespmem:$0xA680] =	vst v63  }
0x153: {  	s11 =	sadd.s32 $0x400, s8  }
0x154: {  	[tilespmem:s31], [sflag:$0x3] =	stream.indirect.gather [hbm4b:s4+s15], $0x8, s11, s15, $0xb8;
	[tilespmem:$0xA680] =	vst v63  }
0x155: {  	s9 =	sadd.s32 $0x480, s8  }
0x156: {  	[tilespmem:s0], [sflag:$0x4] =	stream.indirect.gather [hbm4b:s4+s15], $0x8, s9, s15, $0xb8;
	[tilespmem:$0xA680] =	vst v63  }
0x157: {  	s10 =	sadd.s32 $0x500, s8  }
0x158: {  	[tilespmem:s12], [sflag:$0x5] =	stream.indirect.gather [hbm4b:s4+s15], $0x8, s10, s15, $0xb8;
	[tilespmem:$0xA680] =	vst v63  }
0x159: {  	s11 =	sadd.s32 $0x580, s8  }
0x15a: {  	[tilespmem:s14], [sflag:$0x6] =	stream.indirect.gather [hbm4b:s4+s15], $0x8, s11, s15, $0xb8;
	[tilespmem:$0xA680] =	vst v63  }
0x15b: {  	_ =	swait.ge [sflag:s22], $0x400  }
0x15c: {  	[sflag:s22] =	ssyncset.done $0x0  }
0x15d: {  	s9 =	sadd.s32 $0x2A80, s8;
	[sflag:s22] =	ssyncadd.s32 $0xFFFFFC00  }
0x15e: {  	[spmem:s2] =	stream.indirect.scatter.add.bf16 [tilespmem:s29], [sflag:$0x8], $0x8, s9, s15, $0xb8;
	[tilespmem:$0xA680] =	vst v63  }
0x15f: {  	_ =	swait.ge [sflag:s23], $0x400  }
0x160: {  	[sflag:s23] =	ssyncset.done $0x0  }
0x161: {  	s10 =	sadd.s32 $0x2B00, s8;
	[sflag:s23] =	ssyncadd.s32 $0xFFFFFC00  }
0x162: {  	[spmem:s2] =	stream.indirect.scatter.add.bf16 [tilespmem:s30], [sflag:$0x8], $0x8, s10, s15, $0xb8;
	[tilespmem:$0xA680] =	vst v63  }
0x163: {  	_ =	swait.ge [sflag:s24], $0x400  }
0x164: {  	[sflag:s24] =	ssyncset.done $0x0  }
0x165: {  	s11 =	sadd.s32 $0x2B80, s8;
	[sflag:s24] =	ssyncadd.s32 $0xFFFFFC00  }
0x166: {  	[spmem:s2] =	stream.indirect.scatter.add.bf16 [tilespmem:s31], [sflag:$0x8], $0x8, s11, s15, $0xb8;
	[tilespmem:$0xA680] =	vst v63  }
0x167: {  	_ =	swait.ge [sflag:s25], $0x400  }
0x168: {  	[sflag:s25] =	ssyncset.done $0x0  }
0x169: {  	s9 =	sadd.s32 $0x2C00, s8;
	[sflag:s25] =	ssyncadd.s32 $0xFFFFFC00  }
0x16a: {  	[spmem:s2] =	stream.indirect.scatter.add.bf16 [tilespmem:s0], [sflag:$0x8], $0x8, s9, s15, $0xb8;
	[tilespmem:$0xA680] =	vst v63  }
0x16b: {  	_ =	swait.ge [sflag:s26], $0x400  }
0x16c: {  	[sflag:s26] =	ssyncset.done $0x0  }
0x16d: {  	s10 =	sadd.s32 $0x2C80, s8;
	[sflag:s26] =	ssyncadd.s32 $0xFFFFFC00  }
0x16e: {  	[spmem:s2] =	stream.indirect.scatter.add.bf16 [tilespmem:s12], [sflag:$0x8], $0x8, s10, s15, $0xb8;
	[tilespmem:$0xA680] =	vst v63  }
0x16f: {  	_ =	swait.ge [sflag:s28], $0x400  }
0x170: {  	[sflag:s28] =	ssyncset.done $0x0  }
0x171: {  	s11 =	sadd.s32 $0x2D00, s8;
	[sflag:s28] =	ssyncadd.s32 $0xFFFFFC00  }
0x172: {  	[spmem:s2] =	stream.indirect.scatter.add.bf16 [tilespmem:s14], [sflag:$0x8], $0x8, s11, s15, $0xb8;
	[tilespmem:$0xA680] =	vst v63  }
0x173: {  	_ =	swait.ge [sflag:s1], $0x400  }
0x174: {  	[sflag:s1] =	ssyncset.done $0x0  }
0x175: {  	[sflag:s1] =	ssyncadd.s32 $0xFFFFFC00  }
0x176: {  	_ =	swait.ge [sflag:s1], $0x400  }
0x177: {  	[sflag:s1] =	ssyncset.done $0x0  }
0x178: {  	[sflag:s1] =	ssyncadd.s32 $0xFFFFFC00  }
0x179: {  	_ =	swait.ge [sflag:s1], $0x400  }
0x17a: {  	[sflag:s1] =	ssyncset.done $0x0  }
0x17b: {  	[sflag:s1] =	ssyncadd.s32 $0xFFFFFC00  }
0x17c: {  	_ =	swait.ge [sflag:s1], $0x400  }
0x17d: {  	[sflag:s1] =	ssyncset.done $0x0  }
0x17e: {  	[sflag:s1] =	ssyncadd.s32 $0xFFFFFC00  }
0x17f: {  	_ =	swait.ge [sflag:s1], $0x400  }
0x180: {  	[sflag:s1] =	ssyncset.done $0x0  }
0x181: {  	[sflag:s1] =	ssyncadd.s32 $0xFFFFFC00  }
0x182: {  	_ =	swait.ge [sflag:s1], $0x400  }
0x183: {  	[sflag:s1] =	ssyncset.done $0x0  }
0x184: {  	s8 =	simm.s32 $0x2400;
	[sflag:s1] =	ssyncadd.s32 $0xFFFFFC00  }
0x185: {  	[tilespmem:s16], [sflag:$0x1] =	stream.indirect.gather [hbm4b:s4+s15], $0x8, s8, s15, $0xb8;
	[tilespmem:$0xA680] =	vst v63  }
0x186: {  	s9 =	simm.s32 $0x2480  }
0x187: {  	[tilespmem:s17], [sflag:$0x2] =	stream.indirect.gather [hbm4b:s4+s15], $0x8, s9, s15, $0xb8;
	[tilespmem:$0xA680] =	vst v63  }
0x188: {  	s10 =	simm.s32 $0x2500  }
0x189: {  	[tilespmem:s18], [sflag:$0x3] =	stream.indirect.gather [hbm4b:s4+s15], $0x8, s10, s15, $0xb8;
	[tilespmem:$0xA680] =	vst v63  }
0x18a: {  	s11 =	simm.s32 $0x2580  }
0x18b: {  	[tilespmem:s19], [sflag:$0x4] =	stream.indirect.gather [hbm4b:s4+s15], $0x8, s11, s15, $0xb8;
	[tilespmem:$0xA680] =	vst v63  }
0x18c: {  	s8 =	simm.s32 $0x2600  }
0x18d: {  	[tilespmem:s20], [sflag:$0x5] =	stream.indirect.gather [hbm4b:s4+s15], $0x8, s8, s15, $0xb8;
	[tilespmem:$0xA680] =	vst v63  }
0x18e: {  	s9 =	simm.s32 $0x2680  }
0x18f: {  	[tilespmem:s21], [sflag:$0x6] =	stream.indirect.gather [hbm4b:s4+s15], $0x8, s9, s15, $0xb8;
	[tilespmem:$0xA680] =	vst v63  }
0x190: {  	_ =	swait.ge [sflag:s22], $0x400  }
0x191: {  	[sflag:s22] =	ssyncset.done $0x0  }
0x192: {  	s10 =	simm.s32 $0x4B80;
	[sflag:s22] =	ssyncadd.s32 $0xFFFFFC00  }
0x193: {  	[spmem:s2] =	stream.indirect.scatter.add.bf16 [tilespmem:s16], [sflag:$0x7], $0x8, s10, s15, $0xb8;
	[tilespmem:$0xA680] =	vst v63  }
0x194: {  	_ =	swait.ge [sflag:s23], $0x400  }
0x195: {  	[sflag:s23] =	ssyncset.done $0x0  }
0x196: {  	s11 =	simm.s32 $0x4C00;
	[sflag:s23] =	ssyncadd.s32 $0xFFFFFC00  }
0x197: {  	[spmem:s2] =	stream.indirect.scatter.add.bf16 [tilespmem:s17], [sflag:$0x7], $0x8, s11, s15, $0xb8;
	[tilespmem:$0xA680] =	vst v63  }
0x198: {  	_ =	swait.ge [sflag:s24], $0x400  }
0x199: {  	[sflag:s24] =	ssyncset.done $0x0  }
0x19a: {  	s8 =	simm.s32 $0x4C80;
	[sflag:s24] =	ssyncadd.s32 $0xFFFFFC00  }
0x19b: {  	[spmem:s2] =	stream.indirect.scatter.add.bf16 [tilespmem:s18], [sflag:$0x7], $0x8, s8, s15, $0xb8;
	[tilespmem:$0xA680] =	vst v63  }
0x19c: {  	_ =	swait.ge [sflag:s25], $0x400  }
0x19d: {  	[sflag:s25] =	ssyncset.done $0x0  }
0x19e: {  	s9 =	simm.s32 $0x4D00;
	[sflag:s25] =	ssyncadd.s32 $0xFFFFFC00  }
0x19f: {  	[spmem:s2] =	stream.indirect.scatter.add.bf16 [tilespmem:s19], [sflag:$0x7], $0x8, s9, s15, $0xb8;
	[tilespmem:$0xA680] =	vst v63  }
0x1a0: {  	_ =	swait.ge [sflag:s26], $0x400  }
0x1a1: {  	[sflag:s26] =	ssyncset.done $0x0  }
0x1a2: {  	s10 =	simm.s32 $0x4D80;
	[sflag:s26] =	ssyncadd.s32 $0xFFFFFC00  }
0x1a3: {  	[spmem:s2] =	stream.indirect.scatter.add.bf16 [tilespmem:s20], [sflag:$0x7], $0x8, s10, s15, $0xb8;
	[tilespmem:$0xA680] =	vst v63  }
0x1a4: {  	_ =	swait.ge [sflag:s28], $0x400  }
0x1a5: {  	[sflag:s28] =	ssyncset.done $0x0  }
0x1a6: {  	s11 =	simm.s32 $0x4E00;
	[sflag:s28] =	ssyncadd.s32 $0xFFFFFC00  }
0x1a7: {  	[spmem:s2] =	stream.indirect.scatter.add.bf16 [tilespmem:s21], [sflag:$0x7], $0x8, s11, s15, $0xb8;
	[tilespmem:$0xA680] =	vst v63  }
0x1a8: {  	_ =	swait.ge [sflag:s1], $0x400  }
0x1a9: {  	[sflag:s1] =	ssyncset.done $0x0  }
0x1aa: {  	[sflag:s1] =	ssyncadd.s32 $0xFFFFFC00  }
0x1ab: {  	_ =	swait.ge [sflag:s1], $0x400  }
0x1ac: {  	[sflag:s1] =	ssyncset.done $0x0  }
0x1ad: {  	[sflag:s1] =	ssyncadd.s32 $0xFFFFFC00  }
0x1ae: {  	_ =	swait.ge [sflag:s1], $0x400  }
0x1af: {  	[sflag:s1] =	ssyncset.done $0x0  }
0x1b0: {  	[sflag:s1] =	ssyncadd.s32 $0xFFFFFC00  }
0x1b1: {  	_ =	swait.ge [sflag:s1], $0x400  }
0x1b2: {  	[sflag:s1] =	ssyncset.done $0x0  }
0x1b3: {  	[sflag:s1] =	ssyncadd.s32 $0xFFFFFC00  }
0x1b4: {  	_ =	swait.ge [sflag:s1], $0x400  }
0x1b5: {  	[sflag:s1] =	ssyncset.done $0x0  }
0x1b6: {  	[sflag:s1] =	ssyncadd.s32 $0xFFFFFC00  }
0x1b7: {  	_ =	swait.ge [sflag:s1], $0x400  }
0x1b8: {  	[sflag:s1] =	ssyncset.done $0x0  }
0x1b9: {  	[sflag:s1] =	ssyncadd.s32 $0xFFFFFC00  }
0x1ba: {  	_ =	swait.ge [sflag:s3], $0x400  }
0x1bb: {  	[sflag:s3] =	ssyncset.done $0x0  }
0x1bc: {  	[sflag:s3] =	ssyncadd.s32 $0xFFFFFC00  }
0x1bd: {  	_ =	swait.ge [sflag:s3], $0x400  }
0x1be: {  	[sflag:s3] =	ssyncset.done $0x0  }
0x1bf: {  	[sflag:s3] =	ssyncadd.s32 $0xFFFFFC00  }
0x1c0: {  	_ =	swait.ge [sflag:s3], $0x400  }
0x1c1: {  	[sflag:s3] =	ssyncset.done $0x0  }
0x1c2: {  	[sflag:s3] =	ssyncadd.s32 $0xFFFFFC00  }
0x1c3: {  	_ =	swait.ge [sflag:s3], $0x400  }
0x1c4: {  	[sflag:s3] =	ssyncset.done $0x0  }
0x1c5: {  	[sflag:s3] =	ssyncadd.s32 $0xFFFFFC00  }
0x1c6: {  	_ =	swait.ge [sflag:s3], $0x400  }
0x1c7: {  	[sflag:s3] =	ssyncset.done $0x0  }
0x1c8: {  	[sflag:s3] =	ssyncadd.s32 $0xFFFFFC00  }
0x1c9: {  	_ =	swait.ge [sflag:s3], $0x400  }
0x1ca: {  	s5 =	simm.s32 @!p0 $0x80;
	[sflag:s3] =	ssyncset.done $0x0  }
0x1cb: {  	s8 =	simm.s32 @!p0 $0x2700;
	s9 =	simm.s32 @!p0 $0x4F00;
	[sflag:s3] =	ssyncadd.s32 $0xFFFFFC00  }
0x1cc: {  	[tilespmem:s9], [sflag:$0x1] =	stream.indirect.gather @!p0 [hbm4b:s4+s5], $0x8, s8, s5, $0xb8;
	[tilespmem:$0xA680] =	vst v63  }
0x1cd: {  	s8 =	simm.s32 @!p0 $0x1  }
0x1ce: {  	_ =	swait.ge @!p0 [sflag:s8], $0x400  }
0x1cf: {  	[sflag:s8] =	ssyncset.done @!p0 $0x0  }
0x1d0: {  	[sflag:s8] =	ssyncadd.s32 @!p0 $0xFFFFFC00;
	s8 =	simm.s32 @!p0 $0x4E80  }
0x1d1: {  	[spmem:s2] =	stream.indirect.scatter.add.bf16 @!p0 [tilespmem:s9], [sflag:$0x9], $0x8, s8, s5, $0xb8;
	[tilespmem:$0xA680] =	vst v63  }
0x1d2: {  	s5 =	simm.s32 @!p0 $0x9  }
0x1d3: {  	_ =	swait.ge @!p0 [sflag:s5], $0x400  }
0x1d4: {  	[sflag:s5] =	ssyncset.done @!p0 $0x0  }
0x1d5: {  	s8 =	stileid.u32;
	[sflag:s5] =	ssyncadd.s32 @!p0 $0xFFFFFC00  }
0x1d6: {  	s5 =	sshll.u32 s8, $0x6;
	[bflag:$0x0] =	sbarrier.arrive $0xFFFF  }
0x1d7: {  	s9 =	sshrl.u32 s6, $0x3;
	s5 =	sor.u32 $0x1C09, s5;
	s10 =	rddreg [dreg:$0x7]  }
0x1d8: {  	[hbm:s10], [sflag:s5] =	dma.local [spmem:s9], $0x278  }
0x1d9: {  	_ =	swait.ge [sflag:s13], $0x278  }
0x1da: {  	s7 =	sadd.s32 $0x1, s7;
	s11 =	rddreg [dreg:$0x8]  }
0x1db: {  	p1 =	sne.s32 s7, s11  }
.Ltmp2:
0x1dc: {  	_ = 	snop;
	(pc) =	sbr.rel @p1 .LBB2_1-.Ltmp2, $3  }
0x1dd: {  	_ =	sdelay $0x1  }
0x1de: {  	[sflag:s13] =	ssyncset.done $0x0  }
0x1df: {  	[sflag:s13] =	ssyncadd.s32 $0xFFFFFD88  }
0x1e0: {  	_ =	sfence.sel $0x180000  }
0x1e1: {  	[bflag:$0x0] =	sbarrier.arrive $0xFFFF  }
0x1e2: {  	_ =	strace $0x9000004D  }
0x1e3: {  	s0 =	stileid.u32;
	[bflag:$0x2] =	sbarrier.arrive $0xFFFF  }
0x1e4: {  	p0 =	sne.s32 s0, $0x0;
	s0 =	rddreg [dreg:$0x2]  }
0x1e5: {  	s0 =	sadd.s32 @!p0 $0x100000, s0  }
0x1e6: {  	[sflag:s0] =	ssyncadd.tile.s32 @!p0 $0x1;
	_ =	shalt  }
.Lfunc_end2:
_tile_overlayer_lowered:
.L_overlay_start_2:
0x1e7: {  	(tag) =	ssettag $0x2  }
0x1e8: {  	s0 =	rddreg [dreg:$0x0];
	s2 =	stileid.u32  }
0x1e9: {  	s1 =	rddreg [dreg:$0x1];
	p0 =	sne.s32 s2, $0x0  }
0x1ea: {  	s3 =	rddreg [dreg:$0x2];
	[bflag:$0x3] =	sbarrier.arrive $0xFFFF;
	s2 =	simm.s32 @!p0 $0x1C09  }
0x1eb: {  	[timem:s3], [sflag:s2] =	dma.local @!p0 [hbm:s0], s1  }
0x1ec: {  	s0 =	simm.s32 @!p0 $0x9  }
0x1ed: {  	_ =	swait.ge @!p0 [sflag:s0], s1  }
0x1ee: {  	s1 =	ssub.s32 @!p0 $0x0, s1;
	[sflag:s0] =	ssyncset.done @!p0 $0x0  }
0x1ef: {  	[sflag:s0] =	ssyncadd.s32 @!p0 s1  }
0x1f0: {  	[bflag:$0x3] =	sbarrier.arrive $0xFFFF  }
0x1f1: {  	_ =	shalt  }

</sc_bundles>
